<compile_context>
chip_gen: v7x
topology: tpu7x:2x2x1
jax: 0.10.2.dev20260603
libtpu: 0.0.44.dev20260713+nightly
codegen_flags: <defaults>
</compile_context>

<pallas_src>
import functools

import jax
import jax.numpy as jnp
from jax import lax
from jax.experimental import pallas as pl
from jax.experimental.pallas import tpu as pltpu
from jax.experimental.pallas import tpu_sc as plsc

NC = 2
NS = 16
NW = NC * NS

_CK = 40
_K = 2
_NB = 2
_ZR = 208

_DCK = 40


def _sc_mesh():
    return plsc.VectorSubcoreMesh(core_axis_name="c", subcore_axis_name="s")


def _make_deg_kernel(ew, NP):
    nch = ew // _DCK
    pt = NP // NS

    @functools.partial(
        pl.kernel,
        mesh=_sc_mesh(),
        out_type=jax.ShapeDtypeStruct((NC, NP), jnp.float32),
        scratch_types=[
            pltpu.VMEM((pt,), jnp.float32),
            pltpu.VMEM((_DCK,), jnp.float32),
            pltpu.VMEM((nch, _DCK), jnp.int32),
            pltpu.VMEM_SHARED((NP,), jnp.float32),
            pltpu.SemaphoreType.DMA((4,)),
        ],
    )
    def deg_kernel(dstr_hbm, degp_hbm, zbuf, ones_v, didx, dacc, dsem):
        c = lax.axis_index("c")
        s = lax.axis_index("s")
        wid = c * NS + s

        pltpu.sync_copy(dstr_hbm.at[wid], didx)

        def _zero(i, _):
            zbuf[pl.ds(i * 16, 16)] = jnp.zeros((16,), jnp.float32)
            return 0
        lax.fori_loop(0, pt // 16, _zero, 0)
        for j in range(_DCK // 16):
            ones_v[pl.ds(j * 16, 16)] = jnp.ones((16,), jnp.float32)
        ones_v[pl.ds(_DCK - 16, 16)] = jnp.ones((16,), jnp.float32)
        pltpu.sync_copy(zbuf, dacc.at[pl.ds(s * pt, pt)])
        plsc.subcore_barrier()

        def _sc_add(ch, b):
            return pltpu.make_async_copy(
                ones_v, dacc.at[didx.at[ch]], dsem.at[b])

        def _body(g, _):
            c0 = g * 4
            for b in range(4):
                _sc_add(c0 + b, b).start(add=True)
            for b in range(4):
                _sc_add(c0 + b, b).wait()
            return 0
        lax.fori_loop(0, nch // 4, _body, 0)

        plsc.subcore_barrier()
        pltpu.sync_copy(dacc.at[pl.ds(s * pt, pt)],
                        degp_hbm.at[c, pl.ds(s * pt, pt)])

    return deg_kernel


def _make_agg_kernel(N, ew, D):
    nch = ew // _CK
    NA = N + 8
    rpt = (N // NS) // 8 * 8
    tail = N - rpt * NS
    nz = rpt // _ZR

    @functools.partial(
        pl.kernel,
        mesh=_sc_mesh(),
        out_type=jax.ShapeDtypeStruct((NC, N, D), jnp.float32),
        scratch_types=[
            pltpu.VMEM((_NB * _K, 2, _CK), jnp.int32),
            pltpu.VMEM((_NB * _K, _CK, D), jnp.float32),
            pltpu.VMEM_SHARED((NA, D), jnp.float32),
            pltpu.SemaphoreType.DMA((_NB * _K,)),
            pltpu.SemaphoreType.DMA((_NB * _K,)),
            pltpu.SemaphoreType.DMA((_NB * _K,)),
        ],
    )
    def agg_kernel(g_hbm, sd_hbm, zeros_hbm, part_hbm,
                   idxr, rows, acc, isem, gsem, ssem):
        c = lax.axis_index("c")
        s = lax.axis_index("s")
        wid = c * NS + s

        for k in range(nz):
            pltpu.sync_copy(zeros_hbm, acc.at[pl.ds(s * rpt + k * _ZR, _ZR)])
        if tail:
            @pl.when(s == NS - 1)
            def _zero_tail():
                pltpu.sync_copy(zeros_hbm.at[pl.ds(0, tail)],
                                acc.at[pl.ds(NS * rpt, tail)])
        plsc.subcore_barrier()

        def _idx(ch, b):
            return pltpu.make_async_copy(
                sd_hbm.at[wid, ch], idxr.at[b], isem.at[b])

        def _gather(b):
            return pltpu.make_async_copy(
                g_hbm.at[idxr.at[b, 0]], rows.at[b], gsem.at[b])

        def _scatter(b):
            return pltpu.make_async_copy(
                rows.at[b], acc.at[idxr.at[b, 1]], ssem.at[b])

        def _fire_idx(g, B):
            for b in range(_K):
                _idx(g * _K + b, B + b).start()

        def _fire_gather(g, B):
            for b in range(_K):
                _idx(g * _K + b, B + b).wait()
                _gather(B + b).start()

        def _fire_scatter(B):
            for b in range(_K):
                _gather(B + b).wait()
                _scatter(B + b).start(add=True)

        def _drain_scatter(B):
            for b in range(_K):
                _scatter(B + b).wait()

        ngrp = nch // _K

        _fire_idx(0, 0)
        _fire_gather(0, 0)
        _fire_idx(1, _K)
        _fire_scatter(0)

        def _step(g, B, Bo):
            _fire_gather(g, B)
            _drain_scatter(Bo)
            _fire_idx(g + 1, Bo)
            _fire_scatter(B)

        def _body(p, _):
            _step(2 * p + 1, _K, 0)
            _step(2 * p + 2, 0, _K)
            return 0
        lax.fori_loop(0, (ngrp - 2) // 2, _body, 0)

        _fire_gather(ngrp - 1, _K)
        _drain_scatter(0)
        _fire_scatter(_K)
        _drain_scatter(_K)

        plsc.subcore_barrier()
        pltpu.sync_copy(acc.at[pl.ds(s * rpt, rpt)],
                        part_hbm.at[c, pl.ds(s * rpt, rpt)])
        if tail:
            @pl.when(s == NS - 1)
            def _copy_tail():
                pltpu.sync_copy(acc.at[pl.ds(NS * rpt, tail)],
                                part_hbm.at[c, pl.ds(NS * rpt, tail)])

    return agg_kernel


def _scale_mm_body(x_ref, w_ref, d0_ref, d1_ref, out_ref, dis_ref):
    d = d0_ref[...] + d1_ref[...] + 1.0
    dis = lax.rsqrt(d)
    dis_ref[...] = dis
    h = jnp.dot(x_ref[...], w_ref[...], preferred_element_type=jnp.float32)
    out_ref[...] = h * dis


def _mid_body(p_ref, g_ref, dis_ref, b_ref, w_ref, out_ref):
    t = (p_ref[0] + p_ref[1] + g_ref[...]) * dis_ref[...] + b_ref[...]
    o = jnp.maximum(t, 0.0)
    out_ref[...] = jnp.dot(
        o, w_ref[...], preferred_element_type=jnp.float32) * dis_ref[...]


def _final_body(p_ref, g_ref, dis_ref, b_ref, out_ref):
    out_ref[...] = ((p_ref[0] + p_ref[1] + g_ref[...]) * dis_ref[...]
                    + b_ref[...])


def kernel(x, edge_index, W1, b1, W2, b2):
    N, D = x.shape
    E = edge_index.shape[1]
    NP = 10240

    gran = NW * 320
    E_pad = -(-E // gran) * gran
    pad = E_pad - E
    ew = E_pad // NW
    nch = ew // _CK

    src_p = jnp.concatenate(
        [edge_index[0], (jnp.arange(pad, dtype=jnp.int32) % N)])
    dst_p = jnp.concatenate(
        [edge_index[1], N + (jnp.arange(pad, dtype=jnp.int32) % 8)])
    sd = jnp.stack([src_p.reshape(NW, nch, _CK),
                    dst_p.reshape(NW, nch, _CK)], axis=2)
    dst_r = dst_p.reshape(NW, ew // _DCK, _DCK)

    degp = _make_deg_kernel(ew, NP)(dst_r)

    BM = 2000
    grid = (N // BM,)
    row_spec = pl.BlockSpec((BM, D), lambda i: (i, 0))
    dis_spec = pl.BlockSpec((BM, 1), lambda i: (i, 0))
    w_spec = pl.BlockSpec((D, D), lambda i: (0, 0))
    b_spec = pl.BlockSpec((1, D), lambda i: (0, 0))
    p_spec = pl.BlockSpec((NC, BM, D), lambda i: (0, i, 0))
    out_sds = jax.ShapeDtypeStruct((N, D), jnp.float32)

    agg = _make_agg_kernel(N, ew, D)
    zeros_z = jnp.zeros((_ZR, D), jnp.float32)

    g1, dis = pl.pallas_call(
        _scale_mm_body, grid=grid,
        in_specs=[row_spec, w_spec, dis_spec, dis_spec],
        out_specs=[row_spec, dis_spec],
        out_shape=[out_sds, jax.ShapeDtypeStruct((N, 1), jnp.float32)],
    )(x, W1, degp[0].reshape(NP, 1), degp[1].reshape(NP, 1))

    p1 = agg(g1, sd, zeros_z)

    g2 = pl.pallas_call(
        _mid_body, grid=grid,
        in_specs=[p_spec, row_spec, dis_spec, b_spec, w_spec],
        out_specs=row_spec, out_shape=out_sds,
    )(p1, g1, dis, b1.reshape(1, D), W2)

    p2 = agg(g2, sd, zeros_z)

    out = pl.pallas_call(
        _final_body, grid=grid,
        in_specs=[p_spec, row_spec, dis_spec, b_spec],
        out_specs=row_spec, out_shape=out_sds,
    )(p2, g2, dis, b2.reshape(1, D))

    return out

# --- scband reference (transcript-rebuilt; emitter-appended) ---
"""Pipeline reference for scband-gnnmodel-68298569941218 (READ-ONLY COPY).

The authoritative reference and input builder live on the scoring server;
editing this copy changes nothing except your own understanding.
"""

import jax, jax.numpy as jnp
import numpy as np

N = 10000
E = 320000
D_IN = 128
D_H = 128
D_OUT = 128


def setup_inputs(seed: int = 0) -> dict:
    key = jax.random.key(seed)
    k1, k2, k3, k4, k5, k6 = jax.random.split(key, 6)
    x = jax.random.normal(k1, (N, D_IN), dtype=jnp.float32)
    edge_index = jax.random.randint(k2, (2, E), 0, N, dtype=jnp.int32)
    # GCNConv parameters: linear weight (no bias in lin) + separate bias, glorot-ish init
    W1 = jax.random.normal(k3, (D_IN, D_H), dtype=jnp.float32) * (1.0 / np.sqrt(D_IN))
    b1 = jnp.zeros((D_H,), dtype=jnp.float32)
    W2 = jax.random.normal(k4, (D_H, D_OUT), dtype=jnp.float32) * (1.0 / np.sqrt(D_H))
    b2 = jnp.zeros((D_OUT,), dtype=jnp.float32)
    return {"x": x, "edge_index": edge_index, "W1": W1, "b1": b1, "W2": W2, "b2": b2}


def _gcn_conv(x, edge_index, W, b):
    # Faithful PyG GCNConv: add self-loops, symmetric normalization D^-1/2 A_hat D^-1/2,
    # linear transform first, then gather-scale-scatter_add, then bias.
    n = x.shape[0]
    loop = jnp.arange(n, dtype=edge_index.dtype)
    src = jnp.concatenate([edge_index[0], loop])
    dst = jnp.concatenate([edge_index[1], loop])
    ones = jnp.ones(src.shape[0], dtype=x.dtype)
    deg = jax.ops.segment_sum(ones, dst, num_segments=n)
    deg_inv_sqrt = jnp.where(deg > 0, jax.lax.rsqrt(jnp.maximum(deg, 1e-12)), 0.0)
    norm = deg_inv_sqrt[src] * deg_inv_sqrt[dst]
    h = x @ W
    msg = jnp.take(h, src, axis=0) * norm[:, None]
    out = jax.ops.segment_sum(msg, dst, num_segments=n)
    return out + b


def reference(x, edge_index, W1, b1, W2, b2):
    h = _gcn_conv(x, edge_index, W1, b1)
    h = jax.nn.relu(h)
    # Dropout is identity in eval mode
    out = _gcn_conv(h, edge_index, W2, b2)
    return out

if __name__ == "__main__":
    import jax
    _d = setup_inputs()
    print(jax.jit(kernel)(*tuple(_d.values())))

</pallas_src>

<mosaic_0001>
#map = affine_map<(d0, d1) -> (0, 0)>
#map1 = affine_map<(d0, d1) -> (0, 0, 0, 0)>
#map2 = affine_map<(d0, d1) -> (0, 0, 0)>
module attributes {stable_mosaic.version = 14 : i64} {
  func.func @agg_kernel(%arg0: i32, %arg1: i32, %arg2: memref<10000x128xf32, #tpu.memory_space<hbm>>, %arg3: memref<32x256x2x40xi32, #tpu.memory_space<hbm>>, %arg4: memref<208x128xf32, #tpu.memory_space<hbm>>, %arg5: memref<2x10000x128xf32, #tpu.memory_space<hbm>>, %arg6: memref<4x2x40xi32, #tpu.memory_space<vmem>>, %arg7: memref<4x40x128xf32, #tpu.memory_space<vmem>>, %arg8: memref<10008x128xf32, #tpu.memory_space<vmem_shared>>, %arg9: memref<4x!tpu.dma_semaphore, #tpu.memory_space<semaphore_mem>>, %arg10: memref<4x!tpu.dma_semaphore, #tpu.memory_space<semaphore_mem>>, %arg11: memref<4x!tpu.dma_semaphore, #tpu.memory_space<semaphore_mem>>) attributes {dimension_semantics = [#tpu.dimension_semantics<core_parallel>, #tpu.dimension_semantics<subcore_parallel>], iteration_bounds = array<i64: 2, 16>, scalar_prefetch = 0 : i64, scratch_operands = 6 : i64, tpu.core_type = #tpu.core_type<sc_vector_subcore>, window_params = [{transform_indices = #map}, {transform_indices = #map1}, {transform_indices = #map}, {transform_indices = #map2}]} {
    %mul3A = arith.constant 16 : i32
    %mul3A_0 = arith.muli %arg0, %mul3A : i32
    %add3A = arith.addi %mul3A_0, %arg1 : i32
    %mul3A_1 = arith.constant 624 : i32
    %mul3A_2 = arith.muli %arg1, %mul3A_1 : i32
    %add3A_3 = arith.constant 0 : i32
    %add3A_4 = arith.addi %mul3A_2, %add3A_3 : i32
    "tpu.region"() ({
      %run_scoped3A = tpu.sem_alloc : memref<!tpu.dma_semaphore, #tpu.memory_space<semaphore_mem>>
      %dma_start3A_453 = arith.constant 0 : i32
      %dma_start3A_454 = tpu.memref_slice %arg8[%add3A_4, %dma_start3A_453] : memref<10008x128xf32, #tpu.memory_space<vmem_shared>> -> memref<208x128xf32, #tpu.memory_space<vmem_shared>>
      tpu.enqueue_dma source(%arg4 : memref<208x128xf32, #tpu.memory_space<hbm>>) target(%dma_start3A_454 : memref<208x128xf32, #tpu.memory_space<vmem_shared>>) target_semaphore(%run_scoped3A : memref<!tpu.dma_semaphore, #tpu.memory_space<semaphore_mem>>)
      %dma_wait3A_455 = arith.constant 0 : i32
      %dma_wait3A_456 = tpu.memref_slice %arg8[%add3A_4, %dma_wait3A_455] : memref<10008x128xf32, #tpu.memory_space<vmem_shared>> -> memref<208x128xf32, #tpu.memory_space<vmem_shared>>
      tpu.wait_dma2 semaphore(%run_scoped3A : memref<!tpu.dma_semaphore, #tpu.memory_space<semaphore_mem>>) src(%arg4 : memref<208x128xf32, #tpu.memory_space<hbm>>) dst(%dma_wait3A_456 : memref<208x128xf32, #tpu.memory_space<vmem_shared>>)
      tpu.yield
    }) : () -> ()
    %mul3A_5 = arith.constant 624 : i32
    %mul3A_6 = arith.muli %arg1, %mul3A_5 : i32
    %add3A_7 = arith.constant 208 : i32
    %add3A_8 = arith.addi %mul3A_6, %add3A_7 : i32
    "tpu.region"() ({
      %run_scoped3A = tpu.sem_alloc : memref<!tpu.dma_semaphore, #tpu.memory_space<semaphore_mem>>
      %dma_start3A_453 = arith.constant 0 : i32
      %dma_start3A_454 = tpu.memref_slice %arg8[%add3A_8, %dma_start3A_453] : memref<10008x128xf32, #tpu.memory_space<vmem_shared>> -> memref<208x128xf32, #tpu.memory_space<vmem_shared>>
      tpu.enqueue_dma source(%arg4 : memref<208x128xf32, #tpu.memory_space<hbm>>) target(%dma_start3A_454 : memref<208x128xf32, #tpu.memory_space<vmem_shared>>) target_semaphore(%run_scoped3A : memref<!tpu.dma_semaphore, #tpu.memory_space<semaphore_mem>>)
      %dma_wait3A_455 = arith.constant 0 : i32
      %dma_wait3A_456 = tpu.memref_slice %arg8[%add3A_8, %dma_wait3A_455] : memref<10008x128xf32, #tpu.memory_space<vmem_shared>> -> memref<208x128xf32, #tpu.memory_space<vmem_shared>>
      tpu.wait_dma2 semaphore(%run_scoped3A : memref<!tpu.dma_semaphore, #tpu.memory_space<semaphore_mem>>) src(%arg4 : memref<208x128xf32, #tpu.memory_space<hbm>>) dst(%dma_wait3A_456 : memref<208x128xf32, #tpu.memory_space<vmem_shared>>)
      tpu.yield
    }) : () -> ()
    %mul3A_9 = arith.constant 624 : i32
    %mul3A_10 = arith.muli %arg1, %mul3A_9 : i32
    %add3A_11 = arith.constant 416 : i32
    %add3A_12 = arith.addi %mul3A_10, %add3A_11 : i32
    "tpu.region"() ({
      %run_scoped3A = tpu.sem_alloc : memref<!tpu.dma_semaphore, #tpu.memory_space<semaphore_mem>>
      %dma_start3A_453 = arith.constant 0 : i32
      %dma_start3A_454 = tpu.memref_slice %arg8[%add3A_12, %dma_start3A_453] : memref<10008x128xf32, #tpu.memory_space<vmem_shared>> -> memref<208x128xf32, #tpu.memory_space<vmem_shared>>
      tpu.enqueue_dma source(%arg4 : memref<208x128xf32, #tpu.memory_space<hbm>>) target(%dma_start3A_454 : memref<208x128xf32, #tpu.memory_space<vmem_shared>>) target_semaphore(%run_scoped3A : memref<!tpu.dma_semaphore, #tpu.memory_space<semaphore_mem>>)
      %dma_wait3A_455 = arith.constant 0 : i32
      %dma_wait3A_456 = tpu.memref_slice %arg8[%add3A_12, %dma_wait3A_455] : memref<10008x128xf32, #tpu.memory_space<vmem_shared>> -> memref<208x128xf32, #tpu.memory_space<vmem_shared>>
      tpu.wait_dma2 semaphore(%run_scoped3A : memref<!tpu.dma_semaphore, #tpu.memory_space<semaphore_mem>>) src(%arg4 : memref<208x128xf32, #tpu.memory_space<hbm>>) dst(%dma_wait3A_456 : memref<208x128xf32, #tpu.memory_space<vmem_shared>>)
      tpu.yield
    }) : () -> ()
    %eq3A = arith.constant 15 : i32
    %eq3A_13 = arith.cmpi eq, %arg1, %eq3A : i32
    %convert_element_type3A = arith.extui %eq3A_13 : i1 to i32
    %cond3A = arith.constant 0 : i32
    %cond3A_14 = arith.cmpi ne, %convert_element_type3A, %cond3A : i32
    scf.if %cond3A_14 {
      "tpu.region"() ({
        %run_scoped3A = tpu.sem_alloc : memref<!tpu.dma_semaphore, #tpu.memory_space<semaphore_mem>>
        %dma_start3A_453 = arith.constant 9984 : i32
        %dma_start3A_454 = arith.constant 0 : i32
        %dma_start3A_455 = tpu.memref_slice %arg8[%dma_start3A_453, %dma_start3A_454] : memref<10008x128xf32, #tpu.memory_space<vmem_shared>> -> memref<16x128xf32, #tpu.memory_space<vmem_shared>>
        %dma_start3A_456 = arith.constant 0 : i32
        %dma_start3A_457 = arith.constant 0 : i32
        %dma_start3A_458 = tpu.memref_slice %arg4[%dma_start3A_456, %dma_start3A_457] : memref<208x128xf32, #tpu.memory_space<hbm>> -> memref<16x128xf32, #tpu.memory_space<hbm>>
        tpu.enqueue_dma source(%dma_start3A_458 : memref<16x128xf32, #tpu.memory_space<hbm>>) target(%dma_start3A_455 : memref<16x128xf32, #tpu.memory_space<vmem_shared>>) target_semaphore(%run_scoped3A : memref<!tpu.dma_semaphore, #tpu.memory_space<semaphore_mem>>)
        %dma_wait3A_459 = arith.constant 9984 : i32
        %dma_wait3A_460 = arith.constant 0 : i32
        %dma_wait3A_461 = tpu.memref_slice %arg8[%dma_wait3A_459, %dma_wait3A_460] : memref<10008x128xf32, #tpu.memory_space<vmem_shared>> -> memref<16x128xf32, #tpu.memory_space<vmem_shared>>
        %dma_wait3A_462 = arith.constant 0 : i32
        %dma_wait3A_463 = arith.constant 0 : i32
        %dma_wait3A_464 = tpu.memref_slice %arg4[%dma_wait3A_462, %dma_wait3A_463] : memref<208x128xf32, #tpu.memory_space<hbm>> -> memref<16x128xf32, #tpu.memory_space<hbm>>
        tpu.wait_dma2 semaphore(%run_scoped3A : memref<!tpu.dma_semaphore, #tpu.memory_space<semaphore_mem>>) src(%dma_wait3A_464 : memref<16x128xf32, #tpu.memory_space<hbm>>) dst(%dma_wait3A_461 : memref<16x128xf32, #tpu.memory_space<vmem_shared>>)
        tpu.yield
      }) : () -> ()
    } else {
    }
    %barrier3A = arith.constant 0 : index
    tpu.barrier barrier_id(%barrier3A)
    %dma_start3A = arith.constant 0 : i32
    %dma_start3A_15 = arith.constant 0 : i32
    %dma_start3A_16 = arith.constant 0 : i32
    %dma_start3A_17 = arith.constant 0 : i32
    %dma_start3A_18 = arith.constant 0 : i32
    %dma_start3A_19 = tpu.memref_slice %arg6[%dma_start3A_15, %dma_start3A_17, %dma_start3A_18] : memref<4x2x40xi32, #tpu.memory_space<vmem>> -> memref<1x2x40xi32, #tpu.memory_space<vmem>>
    %dma_start3A_20 = tpu.memref_squeeze %dma_start3A_19 : memref<1x2x40xi32, #tpu.memory_space<vmem>> -> memref<2x40xi32, #tpu.memory_space<vmem>>
    %dma_start3A_21 = arith.constant 0 : i32
    %dma_start3A_22 = arith.constant 0 : i32
    %dma_start3A_23 = tpu.memref_slice %arg3[%add3A, %dma_start3A, %dma_start3A_21, %dma_start3A_22] : memref<32x256x2x40xi32, #tpu.memory_space<hbm>> -> memref<1x1x2x40xi32, #tpu.memory_space<hbm>>
    %dma_start3A_24 = tpu.memref_squeeze %dma_start3A_23 : memref<1x1x2x40xi32, #tpu.memory_space<hbm>> -> memref<2x40xi32, #tpu.memory_space<hbm>>
    %dma_start3A_25 = tpu.memref_slice %arg9[%dma_start3A_16] : memref<4x!tpu.dma_semaphore, #tpu.memory_space<semaphore_mem>> -> memref<1x!tpu.dma_semaphore, #tpu.memory_space<semaphore_mem>>
    %dma_start3A_26 = tpu.memref_squeeze %dma_start3A_25 : memref<1x!tpu.dma_semaphore, #tpu.memory_space<semaphore_mem>> -> memref<!tpu.dma_semaphore, #tpu.memory_space<semaphore_mem>>
    %dma_start3A_27 = arith.constant 0 : i32
    %dma_start3A_28 = arith.constant 0 : i32
    %dma_start3A_29 = tpu.memref_slice %arg6[%dma_start3A_15, %dma_start3A_27, %dma_start3A_28] : memref<4x2x40xi32, #tpu.memory_space<vmem>> -> memref<1x2x40xi32, #tpu.memory_space<vmem>>
    %dma_start3A_30 = tpu.memref_squeeze %dma_start3A_29 : memref<1x2x40xi32, #tpu.memory_space<vmem>> -> memref<2x40xi32, #tpu.memory_space<vmem>>
    %dma_start3A_31 = arith.constant 0 : i32
    %dma_start3A_32 = arith.constant 0 : i32
    %dma_start3A_33 = tpu.memref_slice %arg3[%add3A, %dma_start3A, %dma_start3A_31, %dma_start3A_32] : memref<32x256x2x40xi32, #tpu.memory_space<hbm>> -> memref<1x1x2x40xi32, #tpu.memory_space<hbm>>
    %dma_start3A_34 = tpu.memref_squeeze %dma_start3A_33 : memref<1x1x2x40xi32, #tpu.memory_space<hbm>> -> memref<2x40xi32, #tpu.memory_space<hbm>>
    tpu.enqueue_dma source(%dma_start3A_34 : memref<2x40xi32, #tpu.memory_space<hbm>>) target(%dma_start3A_30 : memref<2x40xi32, #tpu.memory_space<vmem>>) target_semaphore(%dma_start3A_26 : memref<!tpu.dma_semaphore, #tpu.memory_space<semaphore_mem>>)
    %dma_start3A_35 = arith.constant 1 : i32
    %dma_start3A_36 = arith.constant 1 : i32
    %dma_start3A_37 = arith.constant 1 : i32
    %dma_start3A_38 = arith.constant 0 : i32
    %dma_start3A_39 = arith.constant 0 : i32
    %dma_start3A_40 = tpu.memref_slice %arg6[%dma_start3A_36, %dma_start3A_38, %dma_start3A_39] : memref<4x2x40xi32, #tpu.memory_space<vmem>> -> memref<1x2x40xi32, #tpu.memory_space<vmem>>
    %dma_start3A_41 = tpu.memref_squeeze %dma_start3A_40 : memref<1x2x40xi32, #tpu.memory_space<vmem>> -> memref<2x40xi32, #tpu.memory_space<vmem>>
    %dma_start3A_42 = arith.constant 0 : i32
    %dma_start3A_43 = arith.constant 0 : i32
    %dma_start3A_44 = tpu.memref_slice %arg3[%add3A, %dma_start3A_35, %dma_start3A_42, %dma_start3A_43] : memref<32x256x2x40xi32, #tpu.memory_space<hbm>> -> memref<1x1x2x40xi32, #tpu.memory_space<hbm>>
    %dma_start3A_45 = tpu.memref_squeeze %dma_start3A_44 : memref<1x1x2x40xi32, #tpu.memory_space<hbm>> -> memref<2x40xi32, #tpu.memory_space<hbm>>
    %dma_start3A_46 = tpu.memref_slice %arg9[%dma_start3A_37] : memref<4x!tpu.dma_semaphore, #tpu.memory_space<semaphore_mem>> -> memref<1x!tpu.dma_semaphore, #tpu.memory_space<semaphore_mem>>
    %dma_start3A_47 = tpu.memref_squeeze %dma_start3A_46 : memref<1x!tpu.dma_semaphore, #tpu.memory_space<semaphore_mem>> -> memref<!tpu.dma_semaphore, #tpu.memory_space<semaphore_mem>>
    %dma_start3A_48 = arith.constant 0 : i32
    %dma_start3A_49 = arith.constant 0 : i32
    %dma_start3A_50 = tpu.memref_slice %arg6[%dma_start3A_36, %dma_start3A_48, %dma_start3A_49] : memref<4x2x40xi32, #tpu.memory_space<vmem>> -> memref<1x2x40xi32, #tpu.memory_space<vmem>>
    %dma_start3A_51 = tpu.memref_squeeze %dma_start3A_50 : memref<1x2x40xi32, #tpu.memory_space<vmem>> -> memref<2x40xi32, #tpu.memory_space<vmem>>
    %dma_start3A_52 = arith.constant 0 : i32
    %dma_start3A_53 = arith.constant 0 : i32
    %dma_start3A_54 = tpu.memref_slice %arg3[%add3A, %dma_start3A_35, %dma_start3A_52, %dma_start3A_53] : memref<32x256x2x40xi32, #tpu.memory_space<hbm>> -> memref<1x1x2x40xi32, #tpu.memory_space<hbm>>
    %dma_start3A_55 = tpu.memref_squeeze %dma_start3A_54 : memref<1x1x2x40xi32, #tpu.memory_space<hbm>> -> memref<2x40xi32, #tpu.memory_space<hbm>>
    tpu.enqueue_dma source(%dma_start3A_55 : memref<2x40xi32, #tpu.memory_space<hbm>>) target(%dma_start3A_51 : memref<2x40xi32, #tpu.memory_space<vmem>>) target_semaphore(%dma_start3A_47 : memref<!tpu.dma_semaphore, #tpu.memory_space<semaphore_mem>>)
    %dma_wait3A = arith.constant 0 : i32
    %dma_wait3A_56 = arith.constant 0 : i32
    %dma_wait3A_57 = arith.constant 0 : i32
    %dma_wait3A_58 = arith.constant 0 : i32
    %dma_wait3A_59 = arith.constant 0 : i32
    %dma_wait3A_60 = tpu.memref_slice %arg6[%dma_wait3A_56, %dma_wait3A_58, %dma_wait3A_59] : memref<4x2x40xi32, #tpu.memory_space<vmem>> -> memref<1x2x40xi32, #tpu.memory_space<vmem>>
    %dma_wait3A_61 = tpu.memref_squeeze %dma_wait3A_60 : memref<1x2x40xi32, #tpu.memory_space<vmem>> -> memref<2x40xi32, #tpu.memory_space<vmem>>
    %dma_wait3A_62 = arith.constant 0 : i32
    %dma_wait3A_63 = arith.constant 0 : i32
    %dma_wait3A_64 = tpu.memref_slice %arg3[%add3A, %dma_wait3A, %dma_wait3A_62, %dma_wait3A_63] : memref<32x256x2x40xi32, #tpu.memory_space<hbm>> -> memref<1x1x2x40xi32, #tpu.memory_space<hbm>>
    %dma_wait3A_65 = tpu.memref_squeeze %dma_wait3A_64 : memref<1x1x2x40xi32, #tpu.memory_space<hbm>> -> memref<2x40xi32, #tpu.memory_space<hbm>>
    %dma_wait3A_66 = tpu.memref_slice %arg9[%dma_wait3A_57] : memref<4x!tpu.dma_semaphore, #tpu.memory_space<semaphore_mem>> -> memref<1x!tpu.dma_semaphore, #tpu.memory_space<semaphore_mem>>
    %dma_wait3A_67 = tpu.memref_squeeze %dma_wait3A_66 : memref<1x!tpu.dma_semaphore, #tpu.memory_space<semaphore_mem>> -> memref<!tpu.dma_semaphore, #tpu.memory_space<semaphore_mem>>
    %dma_wait3A_68 = arith.constant 0 : i32
    %dma_wait3A_69 = arith.constant 0 : i32
    %dma_wait3A_70 = tpu.memref_slice %arg6[%dma_wait3A_56, %dma_wait3A_68, %dma_wait3A_69] : memref<4x2x40xi32, #tpu.memory_space<vmem>> -> memref<1x2x40xi32, #tpu.memory_space<vmem>>
    %dma_wait3A_71 = tpu.memref_squeeze %dma_wait3A_70 : memref<1x2x40xi32, #tpu.memory_space<vmem>> -> memref<2x40xi32, #tpu.memory_space<vmem>>
    %dma_wait3A_72 = arith.constant 0 : i32
    %dma_wait3A_73 = arith.constant 0 : i32
    %dma_wait3A_74 = tpu.memref_slice %arg3[%add3A, %dma_wait3A, %dma_wait3A_72, %dma_wait3A_73] : memref<32x256x2x40xi32, #tpu.memory_space<hbm>> -> memref<1x1x2x40xi32, #tpu.memory_space<hbm>>
    %dma_wait3A_75 = tpu.memref_squeeze %dma_wait3A_74 : memref<1x1x2x40xi32, #tpu.memory_space<hbm>> -> memref<2x40xi32, #tpu.memory_space<hbm>>
    tpu.wait_dma2 semaphore(%dma_wait3A_67 : memref<!tpu.dma_semaphore, #tpu.memory_space<semaphore_mem>>) src(%dma_wait3A_75 : memref<2x40xi32, #tpu.memory_space<hbm>>) dst(%dma_wait3A_71 : memref<2x40xi32, #tpu.memory_space<vmem>>)
    %dma_start3A_76 = arith.constant 0 : i32
    %dma_start3A_77 = arith.constant 0 : i32
    %dma_start3A_78 = arith.constant 0 : i32
    %dma_start3A_79 = arith.constant 0 : i32
    %dma_start3A_80 = arith.constant 0 : i32
    %dma_start3A_81 = arith.constant 0 : i32
    %dma_start3A_82 = tpu.memref_slice %arg7[%dma_start3A_78, %dma_start3A_80, %dma_start3A_81] : memref<4x40x128xf32, #tpu.memory_space<vmem>> -> memref<1x40x128xf32, #tpu.memory_space<vmem>>
    %dma_start3A_83 = tpu.memref_squeeze %dma_start3A_82 : memref<1x40x128xf32, #tpu.memory_space<vmem>> -> memref<40x128xf32, #tpu.memory_space<vmem>>
    %dma_start3A_84 = arith.constant 0 : i32
    %dma_start3A_85 = tpu.memref_slice %arg6[%dma_start3A_76, %dma_start3A_77, %dma_start3A_84] : memref<4x2x40xi32, #tpu.memory_space<vmem>> -> memref<1x1x40xi32, #tpu.memory_space<vmem>>
    %dma_start3A_86 = tpu.memref_squeeze %dma_start3A_85 : memref<1x1x40xi32, #tpu.memory_space<vmem>> -> memref<40xi32, #tpu.memory_space<vmem>>
    %dma_start3A_87 = arith.constant 0 : i32
    %dma_start3A_88 = arith.constant 0 : i32
    %dma_start3A_89 = tpu.memref_slice %arg2[%dma_start3A_87, %dma_start3A_88] : memref<10000x128xf32, #tpu.memory_space<hbm>> -> memref<10000x128xf32, #tpu.memory_space<hbm>>
    %dma_start3A_90 = tpu.memref_slice %arg10[%dma_start3A_79] : memref<4x!tpu.dma_semaphore, #tpu.memory_space<semaphore_mem>> -> memref<1x!tpu.dma_semaphore, #tpu.memory_space<semaphore_mem>>
    %dma_start3A_91 = tpu.memref_squeeze %dma_start3A_90 : memref<1x!tpu.dma_semaphore, #tpu.memory_space<semaphore_mem>> -> memref<!tpu.dma_semaphore, #tpu.memory_space<semaphore_mem>>
    tpu.enqueue_indirect_dma source(%dma_start3A_89 : memref<10000x128xf32, #tpu.memory_space<hbm>>) target(%dma_start3A_83 : memref<40x128xf32, #tpu.memory_space<vmem>>) offsets(%dma_start3A_86 : memref<40xi32, #tpu.memory_space<vmem>>) semaphore(%dma_start3A_91 : memref<!tpu.dma_semaphore, #tpu.memory_space<semaphore_mem>>)
    %dma_wait3A_92 = arith.constant 1 : i32
    %dma_wait3A_93 = arith.constant 1 : i32
    %dma_wait3A_94 = arith.constant 1 : i32
    %dma_wait3A_95 = arith.constant 0 : i32
    %dma_wait3A_96 = arith.constant 0 : i32
    %dma_wait3A_97 = tpu.memref_slice %arg6[%dma_wait3A_93, %dma_wait3A_95, %dma_wait3A_96] : memref<4x2x40xi32, #tpu.memory_space<vmem>> -> memref<1x2x40xi32, #tpu.memory_space<vmem>>
    %dma_wait3A_98 = tpu.memref_squeeze %dma_wait3A_97 : memref<1x2x40xi32, #tpu.memory_space<vmem>> -> memref<2x40xi32, #tpu.memory_space<vmem>>
    %dma_wait3A_99 = arith.constant 0 : i32
    %dma_wait3A_100 = arith.constant 0 : i32
    %dma_wait3A_101 = tpu.memref_slice %arg3[%add3A, %dma_wait3A_92, %dma_wait3A_99, %dma_wait3A_100] : memref<32x256x2x40xi32, #tpu.memory_space<hbm>> -> memref<1x1x2x40xi32, #tpu.memory_space<hbm>>
    %dma_wait3A_102 = tpu.memref_squeeze %dma_wait3A_101 : memref<1x1x2x40xi32, #tpu.memory_space<hbm>> -> memref<2x40xi32, #tpu.memory_space<hbm>>
    %dma_wait3A_103 = tpu.memref_slice %arg9[%dma_wait3A_94] : memref<4x!tpu.dma_semaphore, #tpu.memory_space<semaphore_mem>> -> memref<1x!tpu.dma_semaphore, #tpu.memory_space<semaphore_mem>>
    %dma_wait3A_104 = tpu.memref_squeeze %dma_wait3A_103 : memref<1x!tpu.dma_semaphore, #tpu.memory_space<semaphore_mem>> -> memref<!tpu.dma_semaphore, #tpu.memory_space<semaphore_mem>>
    %dma_wait3A_105 = arith.constant 0 : i32
    %dma_wait3A_106 = arith.constant 0 : i32
    %dma_wait3A_107 = tpu.memref_slice %arg6[%dma_wait3A_93, %dma_wait3A_105, %dma_wait3A_106] : memref<4x2x40xi32, #tpu.memory_space<vmem>> -> memref<1x2x40xi32, #tpu.memory_space<vmem>>
    %dma_wait3A_108 = tpu.memref_squeeze %dma_wait3A_107 : memref<1x2x40xi32, #tpu.memory_space<vmem>> -> memref<2x40xi32, #tpu.memory_space<vmem>>
    %dma_wait3A_109 = arith.constant 0 : i32
    %dma_wait3A_110 = arith.constant 0 : i32
    %dma_wait3A_111 = tpu.memref_slice %arg3[%add3A, %dma_wait3A_92, %dma_wait3A_109, %dma_wait3A_110] : memref<32x256x2x40xi32, #tpu.memory_space<hbm>> -> memref<1x1x2x40xi32, #tpu.memory_space<hbm>>
    %dma_wait3A_112 = tpu.memref_squeeze %dma_wait3A_111 : memref<1x1x2x40xi32, #tpu.memory_space<hbm>> -> memref<2x40xi32, #tpu.memory_space<hbm>>
    tpu.wait_dma2 semaphore(%dma_wait3A_104 : memref<!tpu.dma_semaphore, #tpu.memory_space<semaphore_mem>>) src(%dma_wait3A_112 : memref<2x40xi32, #tpu.memory_space<hbm>>) dst(%dma_wait3A_108 : memref<2x40xi32, #tpu.memory_space<vmem>>)
    %dma_start3A_113 = arith.constant 1 : i32
    %dma_start3A_114 = arith.constant 0 : i32
    %dma_start3A_115 = arith.constant 1 : i32
    %dma_start3A_116 = arith.constant 1 : i32
    %dma_start3A_117 = arith.constant 0 : i32
    %dma_start3A_118 = arith.constant 0 : i32
    %dma_start3A_119 = tpu.memref_slice %arg7[%dma_start3A_115, %dma_start3A_117, %dma_start3A_118] : memref<4x40x128xf32, #tpu.memory_space<vmem>> -> memref<1x40x128xf32, #tpu.memory_space<vmem>>
    %dma_start3A_120 = tpu.memref_squeeze %dma_start3A_119 : memref<1x40x128xf32, #tpu.memory_space<vmem>> -> memref<40x128xf32, #tpu.memory_space<vmem>>
    %dma_start3A_121 = arith.constant 0 : i32
    %dma_start3A_122 = tpu.memref_slice %arg6[%dma_start3A_113, %dma_start3A_114, %dma_start3A_121] : memref<4x2x40xi32, #tpu.memory_space<vmem>> -> memref<1x1x40xi32, #tpu.memory_space<vmem>>
    %dma_start3A_123 = tpu.memref_squeeze %dma_start3A_122 : memref<1x1x40xi32, #tpu.memory_space<vmem>> -> memref<40xi32, #tpu.memory_space<vmem>>
    %dma_start3A_124 = arith.constant 0 : i32
    %dma_start3A_125 = arith.constant 0 : i32
    %dma_start3A_126 = tpu.memref_slice %arg2[%dma_start3A_124, %dma_start3A_125] : memref<10000x128xf32, #tpu.memory_space<hbm>> -> memref<10000x128xf32, #tpu.memory_space<hbm>>
    %dma_start3A_127 = tpu.memref_slice %arg10[%dma_start3A_116] : memref<4x!tpu.dma_semaphore, #tpu.memory_space<semaphore_mem>> -> memref<1x!tpu.dma_semaphore, #tpu.memory_space<semaphore_mem>>
    %dma_start3A_128 = tpu.memref_squeeze %dma_start3A_127 : memref<1x!tpu.dma_semaphore, #tpu.memory_space<semaphore_mem>> -> memref<!tpu.dma_semaphore, #tpu.memory_space<semaphore_mem>>
    tpu.enqueue_indirect_dma source(%dma_start3A_126 : memref<10000x128xf32, #tpu.memory_space<hbm>>) target(%dma_start3A_120 : memref<40x128xf32, #tpu.memory_space<vmem>>) offsets(%dma_start3A_123 : memref<40xi32, #tpu.memory_space<vmem>>) semaphore(%dma_start3A_128 : memref<!tpu.dma_semaphore, #tpu.memory_space<semaphore_mem>>)
    %dma_start3A_129 = arith.constant 2 : i32
    %dma_start3A_130 = arith.constant 2 : i32
    %dma_start3A_131 = arith.constant 2 : i32
    %dma_start3A_132 = arith.constant 0 : i32
    %dma_start3A_133 = arith.constant 0 : i32
    %dma_start3A_134 = tpu.memref_slice %arg6[%dma_start3A_130, %dma_start3A_132, %dma_start3A_133] : memref<4x2x40xi32, #tpu.memory_space<vmem>> -> memref<1x2x40xi32, #tpu.memory_space<vmem>>
    %dma_start3A_135 = tpu.memref_squeeze %dma_start3A_134 : memref<1x2x40xi32, #tpu.memory_space<vmem>> -> memref<2x40xi32, #tpu.memory_space<vmem>>
    %dma_start3A_136 = arith.constant 0 : i32
    %dma_start3A_137 = arith.constant 0 : i32
    %dma_start3A_138 = tpu.memref_slice %arg3[%add3A, %dma_start3A_129, %dma_start3A_136, %dma_start3A_137] : memref<32x256x2x40xi32, #tpu.memory_space<hbm>> -> memref<1x1x2x40xi32, #tpu.memory_space<hbm>>
    %dma_start3A_139 = tpu.memref_squeeze %dma_start3A_138 : memref<1x1x2x40xi32, #tpu.memory_space<hbm>> -> memref<2x40xi32, #tpu.memory_space<hbm>>
    %dma_start3A_140 = tpu.memref_slice %arg9[%dma_start3A_131] : memref<4x!tpu.dma_semaphore, #tpu.memory_space<semaphore_mem>> -> memref<1x!tpu.dma_semaphore, #tpu.memory_space<semaphore_mem>>
    %dma_start3A_141 = tpu.memref_squeeze %dma_start3A_140 : memref<1x!tpu.dma_semaphore, #tpu.memory_space<semaphore_mem>> -> memref<!tpu.dma_semaphore, #tpu.memory_space<semaphore_mem>>
    %dma_start3A_142 = arith.constant 0 : i32
    %dma_start3A_143 = arith.constant 0 : i32
    %dma_start3A_144 = tpu.memref_slice %arg6[%dma_start3A_130, %dma_start3A_142, %dma_start3A_143] : memref<4x2x40xi32, #tpu.memory_space<vmem>> -> memref<1x2x40xi32, #tpu.memory_space<vmem>>
    %dma_start3A_145 = tpu.memref_squeeze %dma_start3A_144 : memref<1x2x40xi32, #tpu.memory_space<vmem>> -> memref<2x40xi32, #tpu.memory_space<vmem>>
    %dma_start3A_146 = arith.constant 0 : i32
    %dma_start3A_147 = arith.constant 0 : i32
    %dma_start3A_148 = tpu.memref_slice %arg3[%add3A, %dma_start3A_129, %dma_start3A_146, %dma_start3A_147] : memref<32x256x2x40xi32, #tpu.memory_space<hbm>> -> memref<1x1x2x40xi32, #tpu.memory_space<hbm>>
    %dma_start3A_149 = tpu.memref_squeeze %dma_start3A_148 : memref<1x1x2x40xi32, #tpu.memory_space<hbm>> -> memref<2x40xi32, #tpu.memory_space<hbm>>
    tpu.enqueue_dma source(%dma_start3A_149 : memref<2x40xi32, #tpu.memory_space<hbm>>) target(%dma_start3A_145 : memref<2x40xi32, #tpu.memory_space<vmem>>) target_semaphore(%dma_start3A_141 : memref<!tpu.dma_semaphore, #tpu.memory_space<semaphore_mem>>)
    %dma_start3A_150 = arith.constant 3 : i32
    %dma_start3A_151 = arith.constant 3 : i32
    %dma_start3A_152 = arith.constant 3 : i32
    %dma_start3A_153 = arith.constant 0 : i32
    %dma_start3A_154 = arith.constant 0 : i32
    %dma_start3A_155 = tpu.memref_slice %arg6[%dma_start3A_151, %dma_start3A_153, %dma_start3A_154] : memref<4x2x40xi32, #tpu.memory_space<vmem>> -> memref<1x2x40xi32, #tpu.memory_space<vmem>>
    %dma_start3A_156 = tpu.memref_squeeze %dma_start3A_155 : memref<1x2x40xi32, #tpu.memory_space<vmem>> -> memref<2x40xi32, #tpu.memory_space<vmem>>
    %dma_start3A_157 = arith.constant 0 : i32
    %dma_start3A_158 = arith.constant 0 : i32
    %dma_start3A_159 = tpu.memref_slice %arg3[%add3A, %dma_start3A_150, %dma_start3A_157, %dma_start3A_158] : memref<32x256x2x40xi32, #tpu.memory_space<hbm>> -> memref<1x1x2x40xi32, #tpu.memory_space<hbm>>
    %dma_start3A_160 = tpu.memref_squeeze %dma_start3A_159 : memref<1x1x2x40xi32, #tpu.memory_space<hbm>> -> memref<2x40xi32, #tpu.memory_space<hbm>>
    %dma_start3A_161 = tpu.memref_slice %arg9[%dma_start3A_152] : memref<4x!tpu.dma_semaphore, #tpu.memory_space<semaphore_mem>> -> memref<1x!tpu.dma_semaphore, #tpu.memory_space<semaphore_mem>>
    %dma_start3A_162 = tpu.memref_squeeze %dma_start3A_161 : memref<1x!tpu.dma_semaphore, #tpu.memory_space<semaphore_mem>> -> memref<!tpu.dma_semaphore, #tpu.memory_space<semaphore_mem>>
    %dma_start3A_163 = arith.constant 0 : i32
    %dma_start3A_164 = arith.constant 0 : i32
    %dma_start3A_165 = tpu.memref_slice %arg6[%dma_start3A_151, %dma_start3A_163, %dma_start3A_164] : memref<4x2x40xi32, #tpu.memory_space<vmem>> -> memref<1x2x40xi32, #tpu.memory_space<vmem>>
    %dma_start3A_166 = tpu.memref_squeeze %dma_start3A_165 : memref<1x2x40xi32, #tpu.memory_space<vmem>> -> memref<2x40xi32, #tpu.memory_space<vmem>>
    %dma_start3A_167 = arith.constant 0 : i32
    %dma_start3A_168 = arith.constant 0 : i32
    %dma_start3A_169 = tpu.memref_slice %arg3[%add3A, %dma_start3A_150, %dma_start3A_167, %dma_start3A_168] : memref<32x256x2x40xi32, #tpu.memory_space<hbm>> -> memref<1x1x2x40xi32, #tpu.memory_space<hbm>>
    %dma_start3A_170 = tpu.memref_squeeze %dma_start3A_169 : memref<1x1x2x40xi32, #tpu.memory_space<hbm>> -> memref<2x40xi32, #tpu.memory_space<hbm>>
    tpu.enqueue_dma source(%dma_start3A_170 : memref<2x40xi32, #tpu.memory_space<hbm>>) target(%dma_start3A_166 : memref<2x40xi32, #tpu.memory_space<vmem>>) target_semaphore(%dma_start3A_162 : memref<!tpu.dma_semaphore, #tpu.memory_space<semaphore_mem>>)
    %dma_wait3A_171 = arith.constant 0 : i32
    %dma_wait3A_172 = arith.constant 0 : i32
    %dma_wait3A_173 = arith.constant 0 : i32
    %dma_wait3A_174 = arith.constant 0 : i32
    %dma_wait3A_175 = arith.constant 0 : i32
    %dma_wait3A_176 = arith.constant 0 : i32
    %dma_wait3A_177 = tpu.memref_slice %arg7[%dma_wait3A_173, %dma_wait3A_175, %dma_wait3A_176] : memref<4x40x128xf32, #tpu.memory_space<vmem>> -> memref<1x40x128xf32, #tpu.memory_space<vmem>>
    %dma_wait3A_178 = tpu.memref_squeeze %dma_wait3A_177 : memref<1x40x128xf32, #tpu.memory_space<vmem>> -> memref<40x128xf32, #tpu.memory_space<vmem>>
    %dma_wait3A_179 = arith.constant 0 : i32
    %dma_wait3A_180 = tpu.memref_slice %arg6[%dma_wait3A_171, %dma_wait3A_172, %dma_wait3A_179] : memref<4x2x40xi32, #tpu.memory_space<vmem>> -> memref<1x1x40xi32, #tpu.memory_space<vmem>>
    %dma_wait3A_181 = tpu.memref_squeeze %dma_wait3A_180 : memref<1x1x40xi32, #tpu.memory_space<vmem>> -> memref<40xi32, #tpu.memory_space<vmem>>
    %dma_wait3A_182 = arith.constant 0 : i32
    %dma_wait3A_183 = arith.constant 0 : i32
    %dma_wait3A_184 = tpu.memref_slice %arg2[%dma_wait3A_182, %dma_wait3A_183] : memref<10000x128xf32, #tpu.memory_space<hbm>> -> memref<10000x128xf32, #tpu.memory_space<hbm>>
    %dma_wait3A_185 = tpu.memref_slice %arg10[%dma_wait3A_174] : memref<4x!tpu.dma_semaphore, #tpu.memory_space<semaphore_mem>> -> memref<1x!tpu.dma_semaphore, #tpu.memory_space<semaphore_mem>>
    %dma_wait3A_186 = tpu.memref_squeeze %dma_wait3A_185 : memref<1x!tpu.dma_semaphore, #tpu.memory_space<semaphore_mem>> -> memref<!tpu.dma_semaphore, #tpu.memory_space<semaphore_mem>>
    tpu.wait_indirect_dma semaphore(%dma_wait3A_186 : memref<!tpu.dma_semaphore, #tpu.memory_space<semaphore_mem>>) src(%dma_wait3A_184 : memref<10000x128xf32, #tpu.memory_space<hbm>>) dst(%dma_wait3A_178 : memref<40x128xf32, #tpu.memory_space<vmem>>)
    %dma_start3A_187 = arith.constant 0 : i32
    %dma_start3A_188 = arith.constant 0 : i32
    %dma_start3A_189 = arith.constant 1 : i32
    %dma_start3A_190 = arith.constant 0 : i32
    %dma_start3A_191 = arith.constant 0 : i32
    %dma_start3A_192 = arith.constant 0 : i32
    %dma_start3A_193 = tpu.memref_slice %arg7[%dma_start3A_187, %dma_start3A_191, %dma_start3A_192] : memref<4x40x128xf32, #tpu.memory_space<vmem>> -> memref<1x40x128xf32, #tpu.memory_space<vmem>>
    %dma_start3A_194 = tpu.memref_squeeze %dma_start3A_193 : memref<1x40x128xf32, #tpu.memory_space<vmem>> -> memref<40x128xf32, #tpu.memory_space<vmem>>
    %dma_start3A_195 = arith.constant 0 : i32
    %dma_start3A_196 = tpu.memref_slice %arg6[%dma_start3A_188, %dma_start3A_189, %dma_start3A_195] : memref<4x2x40xi32, #tpu.memory_space<vmem>> -> memref<1x1x40xi32, #tpu.memory_space<vmem>>
    %dma_start3A_197 = tpu.memref_squeeze %dma_start3A_196 : memref<1x1x40xi32, #tpu.memory_space<vmem>> -> memref<40xi32, #tpu.memory_space<vmem>>
    %dma_start3A_198 = arith.constant 0 : i32
    %dma_start3A_199 = arith.constant 0 : i32
    %dma_start3A_200 = tpu.memref_slice %arg8[%dma_start3A_198, %dma_start3A_199] : memref<10008x128xf32, #tpu.memory_space<vmem_shared>> -> memref<10008x128xf32, #tpu.memory_space<vmem_shared>>
    %dma_start3A_201 = tpu.memref_slice %arg11[%dma_start3A_190] : memref<4x!tpu.dma_semaphore, #tpu.memory_space<semaphore_mem>> -> memref<1x!tpu.dma_semaphore, #tpu.memory_space<semaphore_mem>>
    %dma_start3A_202 = tpu.memref_squeeze %dma_start3A_201 : memref<1x!tpu.dma_semaphore, #tpu.memory_space<semaphore_mem>> -> memref<!tpu.dma_semaphore, #tpu.memory_space<semaphore_mem>>
    tpu.enqueue_indirect_dma source(%dma_start3A_194 : memref<40x128xf32, #tpu.memory_space<vmem>>) target(%dma_start3A_200 : memref<10008x128xf32, #tpu.memory_space<vmem_shared>>) offsets(%dma_start3A_197 : memref<40xi32, #tpu.memory_space<vmem>>) semaphore(%dma_start3A_202 : memref<!tpu.dma_semaphore, #tpu.memory_space<semaphore_mem>>) {add = true}
    %dma_wait3A_203 = arith.constant 1 : i32
    %dma_wait3A_204 = arith.constant 0 : i32
    %dma_wait3A_205 = arith.constant 1 : i32
    %dma_wait3A_206 = arith.constant 1 : i32
    %dma_wait3A_207 = arith.constant 0 : i32
    %dma_wait3A_208 = arith.constant 0 : i32
    %dma_wait3A_209 = tpu.memref_slice %arg7[%dma_wait3A_205, %dma_wait3A_207, %dma_wait3A_208] : memref<4x40x128xf32, #tpu.memory_space<vmem>> -> memref<1x40x128xf32, #tpu.memory_space<vmem>>
    %dma_wait3A_210 = tpu.memref_squeeze %dma_wait3A_209 : memref<1x40x128xf32, #tpu.memory_space<vmem>> -> memref<40x128xf32, #tpu.memory_space<vmem>>
    %dma_wait3A_211 = arith.constant 0 : i32
    %dma_wait3A_212 = tpu.memref_slice %arg6[%dma_wait3A_203, %dma_wait3A_204, %dma_wait3A_211] : memref<4x2x40xi32, #tpu.memory_space<vmem>> -> memref<1x1x40xi32, #tpu.memory_space<vmem>>
    %dma_wait3A_213 = tpu.memref_squeeze %dma_wait3A_212 : memref<1x1x40xi32, #tpu.memory_space<vmem>> -> memref<40xi32, #tpu.memory_space<vmem>>
    %dma_wait3A_214 = arith.constant 0 : i32
    %dma_wait3A_215 = arith.constant 0 : i32
    %dma_wait3A_216 = tpu.memref_slice %arg2[%dma_wait3A_214, %dma_wait3A_215] : memref<10000x128xf32, #tpu.memory_space<hbm>> -> memref<10000x128xf32, #tpu.memory_space<hbm>>
    %dma_wait3A_217 = tpu.memref_slice %arg10[%dma_wait3A_206] : memref<4x!tpu.dma_semaphore, #tpu.memory_space<semaphore_mem>> -> memref<1x!tpu.dma_semaphore, #tpu.memory_space<semaphore_mem>>
    %dma_wait3A_218 = tpu.memref_squeeze %dma_wait3A_217 : memref<1x!tpu.dma_semaphore, #tpu.memory_space<semaphore_mem>> -> memref<!tpu.dma_semaphore, #tpu.memory_space<semaphore_mem>>
    tpu.wait_indirect_dma semaphore(%dma_wait3A_218 : memref<!tpu.dma_semaphore, #tpu.memory_space<semaphore_mem>>) src(%dma_wait3A_216 : memref<10000x128xf32, #tpu.memory_space<hbm>>) dst(%dma_wait3A_210 : memref<40x128xf32, #tpu.memory_space<vmem>>)
    %dma_start3A_219 = arith.constant 1 : i32
    %dma_start3A_220 = arith.constant 1 : i32
    %dma_start3A_221 = arith.constant 1 : i32
    %dma_start3A_222 = arith.constant 1 : i32
    %dma_start3A_223 = arith.constant 0 : i32
    %dma_start3A_224 = arith.constant 0 : i32
    %dma_start3A_225 = tpu.memref_slice %arg7[%dma_start3A_219, %dma_start3A_223, %dma_start3A_224] : memref<4x40x128xf32, #tpu.memory_space<vmem>> -> memref<1x40x128xf32, #tpu.memory_space<vmem>>
    %dma_start3A_226 = tpu.memref_squeeze %dma_start3A_225 : memref<1x40x128xf32, #tpu.memory_space<vmem>> -> memref<40x128xf32, #tpu.memory_space<vmem>>
    %dma_start3A_227 = arith.constant 0 : i32
    %dma_start3A_228 = tpu.memref_slice %arg6[%dma_start3A_220, %dma_start3A_221, %dma_start3A_227] : memref<4x2x40xi32, #tpu.memory_space<vmem>> -> memref<1x1x40xi32, #tpu.memory_space<vmem>>
    %dma_start3A_229 = tpu.memref_squeeze %dma_start3A_228 : memref<1x1x40xi32, #tpu.memory_space<vmem>> -> memref<40xi32, #tpu.memory_space<vmem>>
    %dma_start3A_230 = arith.constant 0 : i32
    %dma_start3A_231 = arith.constant 0 : i32
    %dma_start3A_232 = tpu.memref_slice %arg8[%dma_start3A_230, %dma_start3A_231] : memref<10008x128xf32, #tpu.memory_space<vmem_shared>> -> memref<10008x128xf32, #tpu.memory_space<vmem_shared>>
    %dma_start3A_233 = tpu.memref_slice %arg11[%dma_start3A_222] : memref<4x!tpu.dma_semaphore, #tpu.memory_space<semaphore_mem>> -> memref<1x!tpu.dma_semaphore, #tpu.memory_space<semaphore_mem>>
    %dma_start3A_234 = tpu.memref_squeeze %dma_start3A_233 : memref<1x!tpu.dma_semaphore, #tpu.memory_space<semaphore_mem>> -> memref<!tpu.dma_semaphore, #tpu.memory_space<semaphore_mem>>
    tpu.enqueue_indirect_dma source(%dma_start3A_226 : memref<40x128xf32, #tpu.memory_space<vmem>>) target(%dma_start3A_232 : memref<10008x128xf32, #tpu.memory_space<vmem_shared>>) offsets(%dma_start3A_229 : memref<40xi32, #tpu.memory_space<vmem>>) semaphore(%dma_start3A_234 : memref<!tpu.dma_semaphore, #tpu.memory_space<semaphore_mem>>) {add = true}
    %scan3A = arith.constant 0 : i32
    %scan3A_235 = arith.constant 0 : i32
    %scan3A_236 = arith.constant 63 : i32
    %scan3A_237 = arith.addi %scan3A_235, %scan3A_236 : i32
    %scan3A_238 = arith.constant 1 : i32
    %scan3A_239 = scf.for %scan3A_453 = %scan3A_235 to %scan3A_237 step %scan3A_238 iter_args(%scan3A_454 = %scan3A) -> (i32)  : i32 {
      %mul3A_455 = arith.constant 2 : i32
      %mul3A_456 = arith.muli %mul3A_455, %scan3A_453 : i32
      %add3A_457 = arith.constant 1 : i32
      %add3A_458 = arith.addi %mul3A_456, %add3A_457 : i32
      %mul3A_459 = arith.constant 2 : i32
      %mul3A_460 = arith.muli %add3A_458, %mul3A_459 : i32
      %add3A_461 = arith.constant 0 : i32
      %add3A_462 = arith.addi %mul3A_460, %add3A_461 : i32
      %dma_wait3A_463 = arith.constant 2 : i32
      %dma_wait3A_464 = arith.constant 2 : i32
      %dma_wait3A_465 = arith.constant 0 : i32
      %dma_wait3A_466 = arith.constant 0 : i32
      %dma_wait3A_467 = tpu.memref_slice %arg6[%dma_wait3A_463, %dma_wait3A_465, %dma_wait3A_466] : memref<4x2x40xi32, #tpu.memory_space<vmem>> -> memref<1x2x40xi32, #tpu.memory_space<vmem>>
      %dma_wait3A_468 = tpu.memref_squeeze %dma_wait3A_467 : memref<1x2x40xi32, #tpu.memory_space<vmem>> -> memref<2x40xi32, #tpu.memory_space<vmem>>
      %dma_wait3A_469 = arith.constant 0 : i32
      %dma_wait3A_470 = arith.constant 0 : i32
      %dma_wait3A_471 = tpu.memref_slice %arg3[%add3A, %add3A_462, %dma_wait3A_469, %dma_wait3A_470] : memref<32x256x2x40xi32, #tpu.memory_space<hbm>> -> memref<1x1x2x40xi32, #tpu.memory_space<hbm>>
      %dma_wait3A_472 = tpu.memref_squeeze %dma_wait3A_471 : memref<1x1x2x40xi32, #tpu.memory_space<hbm>> -> memref<2x40xi32, #tpu.memory_space<hbm>>
      %dma_wait3A_473 = tpu.memref_slice %arg9[%dma_wait3A_464] : memref<4x!tpu.dma_semaphore, #tpu.memory_space<semaphore_mem>> -> memref<1x!tpu.dma_semaphore, #tpu.memory_space<semaphore_mem>>
      %dma_wait3A_474 = tpu.memref_squeeze %dma_wait3A_473 : memref<1x!tpu.dma_semaphore, #tpu.memory_space<semaphore_mem>> -> memref<!tpu.dma_semaphore, #tpu.memory_space<semaphore_mem>>
      %dma_wait3A_475 = arith.constant 0 : i32
      %dma_wait3A_476 = arith.constant 0 : i32
      %dma_wait3A_477 = tpu.memref_slice %arg6[%dma_wait3A_463, %dma_wait3A_475, %dma_wait3A_476] : memref<4x2x40xi32, #tpu.memory_space<vmem>> -> memref<1x2x40xi32, #tpu.memory_space<vmem>>
      %dma_wait3A_478 = tpu.memref_squeeze %dma_wait3A_477 : memref<1x2x40xi32, #tpu.memory_space<vmem>> -> memref<2x40xi32, #tpu.memory_space<vmem>>
      %dma_wait3A_479 = arith.constant 0 : i32
      %dma_wait3A_480 = arith.constant 0 : i32
      %dma_wait3A_481 = tpu.memref_slice %arg3[%add3A, %add3A_462, %dma_wait3A_479, %dma_wait3A_480] : memref<32x256x2x40xi32, #tpu.memory_space<hbm>> -> memref<1x1x2x40xi32, #tpu.memory_space<hbm>>
      %dma_wait3A_482 = tpu.memref_squeeze %dma_wait3A_481 : memref<1x1x2x40xi32, #tpu.memory_space<hbm>> -> memref<2x40xi32, #tpu.memory_space<hbm>>
      tpu.wait_dma2 semaphore(%dma_wait3A_474 : memref<!tpu.dma_semaphore, #tpu.memory_space<semaphore_mem>>) src(%dma_wait3A_482 : memref<2x40xi32, #tpu.memory_space<hbm>>) dst(%dma_wait3A_478 : memref<2x40xi32, #tpu.memory_space<vmem>>)
      %dma_start3A_483 = arith.constant 2 : i32
      %dma_start3A_484 = arith.constant 0 : i32
      %dma_start3A_485 = arith.constant 2 : i32
      %dma_start3A_486 = arith.constant 2 : i32
      %dma_start3A_487 = arith.constant 0 : i32
      %dma_start3A_488 = arith.constant 0 : i32
      %dma_start3A_489 = tpu.memref_slice %arg7[%dma_start3A_485, %dma_start3A_487, %dma_start3A_488] : memref<4x40x128xf32, #tpu.memory_space<vmem>> -> memref<1x40x128xf32, #tpu.memory_space<vmem>>
      %dma_start3A_490 = tpu.memref_squeeze %dma_start3A_489 : memref<1x40x128xf32, #tpu.memory_space<vmem>> -> memref<40x128xf32, #tpu.memory_space<vmem>>
      %dma_start3A_491 = arith.constant 0 : i32
      %dma_start3A_492 = tpu.memref_slice %arg6[%dma_start3A_483, %dma_start3A_484, %dma_start3A_491] : memref<4x2x40xi32, #tpu.memory_space<vmem>> -> memref<1x1x40xi32, #tpu.memory_space<vmem>>
      %dma_start3A_493 = tpu.memref_squeeze %dma_start3A_492 : memref<1x1x40xi32, #tpu.memory_space<vmem>> -> memref<40xi32, #tpu.memory_space<vmem>>
      %dma_start3A_494 = arith.constant 0 : i32
      %dma_start3A_495 = arith.constant 0 : i32
      %dma_start3A_496 = tpu.memref_slice %arg2[%dma_start3A_494, %dma_start3A_495] : memref<10000x128xf32, #tpu.memory_space<hbm>> -> memref<10000x128xf32, #tpu.memory_space<hbm>>
      %dma_start3A_497 = tpu.memref_slice %arg10[%dma_start3A_486] : memref<4x!tpu.dma_semaphore, #tpu.memory_space<semaphore_mem>> -> memref<1x!tpu.dma_semaphore, #tpu.memory_space<semaphore_mem>>
      %dma_start3A_498 = tpu.memref_squeeze %dma_start3A_497 : memref<1x!tpu.dma_semaphore, #tpu.memory_space<semaphore_mem>> -> memref<!tpu.dma_semaphore, #tpu.memory_space<semaphore_mem>>
      tpu.enqueue_indirect_dma source(%dma_start3A_496 : memref<10000x128xf32, #tpu.memory_space<hbm>>) target(%dma_start3A_490 : memref<40x128xf32, #tpu.memory_space<vmem>>) offsets(%dma_start3A_493 : memref<40xi32, #tpu.memory_space<vmem>>) semaphore(%dma_start3A_498 : memref<!tpu.dma_semaphore, #tpu.memory_space<semaphore_mem>>)
      %mul3A_499 = arith.constant 2 : i32
      %mul3A_500 = arith.muli %add3A_458, %mul3A_499 : i32
      %add3A_501 = arith.constant 1 : i32
      %add3A_502 = arith.addi %mul3A_500, %add3A_501 : i32
      %dma_wait3A_503 = arith.constant 3 : i32
      %dma_wait3A_504 = arith.constant 3 : i32
      %dma_wait3A_505 = arith.constant 0 : i32
      %dma_wait3A_506 = arith.constant 0 : i32
      %dma_wait3A_507 = tpu.memref_slice %arg6[%dma_wait3A_503, %dma_wait3A_505, %dma_wait3A_506] : memref<4x2x40xi32, #tpu.memory_space<vmem>> -> memref<1x2x40xi32, #tpu.memory_space<vmem>>
      %dma_wait3A_508 = tpu.memref_squeeze %dma_wait3A_507 : memref<1x2x40xi32, #tpu.memory_space<vmem>> -> memref<2x40xi32, #tpu.memory_space<vmem>>
      %dma_wait3A_509 = arith.constant 0 : i32
      %dma_wait3A_510 = arith.constant 0 : i32
      %dma_wait3A_511 = tpu.memref_slice %arg3[%add3A, %add3A_502, %dma_wait3A_509, %dma_wait3A_510] : memref<32x256x2x40xi32, #tpu.memory_space<hbm>> -> memref<1x1x2x40xi32, #tpu.memory_space<hbm>>
      %dma_wait3A_512 = tpu.memref_squeeze %dma_wait3A_511 : memref<1x1x2x40xi32, #tpu.memory_space<hbm>> -> memref<2x40xi32, #tpu.memory_space<hbm>>
      %dma_wait3A_513 = tpu.memref_slice %arg9[%dma_wait3A_504] : memref<4x!tpu.dma_semaphore, #tpu.memory_space<semaphore_mem>> -> memref<1x!tpu.dma_semaphore, #tpu.memory_space<semaphore_mem>>
      %dma_wait3A_514 = tpu.memref_squeeze %dma_wait3A_513 : memref<1x!tpu.dma_semaphore, #tpu.memory_space<semaphore_mem>> -> memref<!tpu.dma_semaphore, #tpu.memory_space<semaphore_mem>>
      %dma_wait3A_515 = arith.constant 0 : i32
      %dma_wait3A_516 = arith.constant 0 : i32
      %dma_wait3A_517 = tpu.memref_slice %arg6[%dma_wait3A_503, %dma_wait3A_515, %dma_wait3A_516] : memref<4x2x40xi32, #tpu.memory_space<vmem>> -> memref<1x2x40xi32, #tpu.memory_space<vmem>>
      %dma_wait3A_518 = tpu.memref_squeeze %dma_wait3A_517 : memref<1x2x40xi32, #tpu.memory_space<vmem>> -> memref<2x40xi32, #tpu.memory_space<vmem>>
      %dma_wait3A_519 = arith.constant 0 : i32
      %dma_wait3A_520 = arith.constant 0 : i32
      %dma_wait3A_521 = tpu.memref_slice %arg3[%add3A, %add3A_502, %dma_wait3A_519, %dma_wait3A_520] : memref<32x256x2x40xi32, #tpu.memory_space<hbm>> -> memref<1x1x2x40xi32, #tpu.memory_space<hbm>>
      %dma_wait3A_522 = tpu.memref_squeeze %dma_wait3A_521 : memref<1x1x2x40xi32, #tpu.memory_space<hbm>> -> memref<2x40xi32, #tpu.memory_space<hbm>>
      tpu.wait_dma2 semaphore(%dma_wait3A_514 : memref<!tpu.dma_semaphore, #tpu.memory_space<semaphore_mem>>) src(%dma_wait3A_522 : memref<2x40xi32, #tpu.memory_space<hbm>>) dst(%dma_wait3A_518 : memref<2x40xi32, #tpu.memory_space<vmem>>)
      %dma_start3A_523 = arith.constant 3 : i32
      %dma_start3A_524 = arith.constant 0 : i32
      %dma_start3A_525 = arith.constant 3 : i32
      %dma_start3A_526 = arith.constant 3 : i32
      %dma_start3A_527 = arith.constant 0 : i32
      %dma_start3A_528 = arith.constant 0 : i32
      %dma_start3A_529 = tpu.memref_slice %arg7[%dma_start3A_525, %dma_start3A_527, %dma_start3A_528] : memref<4x40x128xf32, #tpu.memory_space<vmem>> -> memref<1x40x128xf32, #tpu.memory_space<vmem>>
      %dma_start3A_530 = tpu.memref_squeeze %dma_start3A_529 : memref<1x40x128xf32, #tpu.memory_space<vmem>> -> memref<40x128xf32, #tpu.memory_space<vmem>>
      %dma_start3A_531 = arith.constant 0 : i32
      %dma_start3A_532 = tpu.memref_slice %arg6[%dma_start3A_523, %dma_start3A_524, %dma_start3A_531] : memref<4x2x40xi32, #tpu.memory_space<vmem>> -> memref<1x1x40xi32, #tpu.memory_space<vmem>>
      %dma_start3A_533 = tpu.memref_squeeze %dma_start3A_532 : memref<1x1x40xi32, #tpu.memory_space<vmem>> -> memref<40xi32, #tpu.memory_space<vmem>>
      %dma_start3A_534 = arith.constant 0 : i32
      %dma_start3A_535 = arith.constant 0 : i32
      %dma_start3A_536 = tpu.memref_slice %arg2[%dma_start3A_534, %dma_start3A_535] : memref<10000x128xf32, #tpu.memory_space<hbm>> -> memref<10000x128xf32, #tpu.memory_space<hbm>>
      %dma_start3A_537 = tpu.memref_slice %arg10[%dma_start3A_526] : memref<4x!tpu.dma_semaphore, #tpu.memory_space<semaphore_mem>> -> memref<1x!tpu.dma_semaphore, #tpu.memory_space<semaphore_mem>>
      %dma_start3A_538 = tpu.memref_squeeze %dma_start3A_537 : memref<1x!tpu.dma_semaphore, #tpu.memory_space<semaphore_mem>> -> memref<!tpu.dma_semaphore, #tpu.memory_space<semaphore_mem>>
      tpu.enqueue_indirect_dma source(%dma_start3A_536 : memref<10000x128xf32, #tpu.memory_space<hbm>>) target(%dma_start3A_530 : memref<40x128xf32, #tpu.memory_space<vmem>>) offsets(%dma_start3A_533 : memref<40xi32, #tpu.memory_space<vmem>>) semaphore(%dma_start3A_538 : memref<!tpu.dma_semaphore, #tpu.memory_space<semaphore_mem>>)
      %dma_wait3A_539 = arith.constant 0 : i32
      %dma_wait3A_540 = arith.constant 0 : i32
      %dma_wait3A_541 = arith.constant 1 : i32
      %dma_wait3A_542 = arith.constant 0 : i32
      %dma_wait3A_543 = arith.constant 0 : i32
      %dma_wait3A_544 = arith.constant 0 : i32
      %dma_wait3A_545 = tpu.memref_slice %arg7[%dma_wait3A_539, %dma_wait3A_543, %dma_wait3A_544] : memref<4x40x128xf32, #tpu.memory_space<vmem>> -> memref<1x40x128xf32, #tpu.memory_space<vmem>>
      %dma_wait3A_546 = tpu.memref_squeeze %dma_wait3A_545 : memref<1x40x128xf32, #tpu.memory_space<vmem>> -> memref<40x128xf32, #tpu.memory_space<vmem>>
      %dma_wait3A_547 = arith.constant 0 : i32
      %dma_wait3A_548 = tpu.memref_slice %arg6[%dma_wait3A_540, %dma_wait3A_541, %dma_wait3A_547] : memref<4x2x40xi32, #tpu.memory_space<vmem>> -> memref<1x1x40xi32, #tpu.memory_space<vmem>>
      %dma_wait3A_549 = tpu.memref_squeeze %dma_wait3A_548 : memref<1x1x40xi32, #tpu.memory_space<vmem>> -> memref<40xi32, #tpu.memory_space<vmem>>
      %dma_wait3A_550 = arith.constant 0 : i32
      %dma_wait3A_551 = arith.constant 0 : i32
      %dma_wait3A_552 = tpu.memref_slice %arg8[%dma_wait3A_550, %dma_wait3A_551] : memref<10008x128xf32, #tpu.memory_space<vmem_shared>> -> memref<10008x128xf32, #tpu.memory_space<vmem_shared>>
      %dma_wait3A_553 = tpu.memref_slice %arg11[%dma_wait3A_542] : memref<4x!tpu.dma_semaphore, #tpu.memory_space<semaphore_mem>> -> memref<1x!tpu.dma_semaphore, #tpu.memory_space<semaphore_mem>>
      %dma_wait3A_554 = tpu.memref_squeeze %dma_wait3A_553 : memref<1x!tpu.dma_semaphore, #tpu.memory_space<semaphore_mem>> -> memref<!tpu.dma_semaphore, #tpu.memory_space<semaphore_mem>>
      tpu.wait_indirect_dma semaphore(%dma_wait3A_554 : memref<!tpu.dma_semaphore, #tpu.memory_space<semaphore_mem>>) src(%dma_wait3A_546 : memref<40x128xf32, #tpu.memory_space<vmem>>) dst(%dma_wait3A_552 : memref<10008x128xf32, #tpu.memory_space<vmem_shared>>)
      %dma_wait3A_555 = arith.constant 1 : i32
      %dma_wait3A_556 = arith.constant 1 : i32
      %dma_wait3A_557 = arith.constant 1 : i32
      %dma_wait3A_558 = arith.constant 1 : i32
      %dma_wait3A_559 = arith.constant 0 : i32
      %dma_wait3A_560 = arith.constant 0 : i32
      %dma_wait3A_561 = tpu.memref_slice %arg7[%dma_wait3A_555, %dma_wait3A_559, %dma_wait3A_560] : memref<4x40x128xf32, #tpu.memory_space<vmem>> -> memref<1x40x128xf32, #tpu.memory_space<vmem>>
      %dma_wait3A_562 = tpu.memref_squeeze %dma_wait3A_561 : memref<1x40x128xf32, #tpu.memory_space<vmem>> -> memref<40x128xf32, #tpu.memory_space<vmem>>
      %dma_wait3A_563 = arith.constant 0 : i32
      %dma_wait3A_564 = tpu.memref_slice %arg6[%dma_wait3A_556, %dma_wait3A_557, %dma_wait3A_563] : memref<4x2x40xi32, #tpu.memory_space<vmem>> -> memref<1x1x40xi32, #tpu.memory_space<vmem>>
      %dma_wait3A_565 = tpu.memref_squeeze %dma_wait3A_564 : memref<1x1x40xi32, #tpu.memory_space<vmem>> -> memref<40xi32, #tpu.memory_space<vmem>>
      %dma_wait3A_566 = arith.constant 0 : i32
      %dma_wait3A_567 = arith.constant 0 : i32
      %dma_wait3A_568 = tpu.memref_slice %arg8[%dma_wait3A_566, %dma_wait3A_567] : memref<10008x128xf32, #tpu.memory_space<vmem_shared>> -> memref<10008x128xf32, #tpu.memory_space<vmem_shared>>
      %dma_wait3A_569 = tpu.memref_slice %arg11[%dma_wait3A_558] : memref<4x!tpu.dma_semaphore, #tpu.memory_space<semaphore_mem>> -> memref<1x!tpu.dma_semaphore, #tpu.memory_space<semaphore_mem>>
      %dma_wait3A_570 = tpu.memref_squeeze %dma_wait3A_569 : memref<1x!tpu.dma_semaphore, #tpu.memory_space<semaphore_mem>> -> memref<!tpu.dma_semaphore, #tpu.memory_space<semaphore_mem>>
      tpu.wait_indirect_dma semaphore(%dma_wait3A_570 : memref<!tpu.dma_semaphore, #tpu.memory_space<semaphore_mem>>) src(%dma_wait3A_562 : memref<40x128xf32, #tpu.memory_space<vmem>>) dst(%dma_wait3A_568 : memref<10008x128xf32, #tpu.memory_space<vmem_shared>>)
      %add3A_571 = arith.constant 1 : i32
      %add3A_572 = arith.addi %add3A_458, %add3A_571 : i32
      %mul3A_573 = arith.constant 2 : i32
      %mul3A_574 = arith.muli %add3A_572, %mul3A_573 : i32
      %add3A_575 = arith.constant 0 : i32
      %add3A_576 = arith.addi %mul3A_574, %add3A_575 : i32
      %dma_start3A_577 = arith.constant 0 : i32
      %dma_start3A_578 = arith.constant 0 : i32
      %dma_start3A_579 = arith.constant 0 : i32
      %dma_start3A_580 = arith.constant 0 : i32
      %dma_start3A_581 = tpu.memref_slice %arg6[%dma_start3A_577, %dma_start3A_579, %dma_start3A_580] : memref<4x2x40xi32, #tpu.memory_space<vmem>> -> memref<1x2x40xi32, #tpu.memory_space<vmem>>
      %dma_start3A_582 = tpu.memref_squeeze %dma_start3A_581 : memref<1x2x40xi32, #tpu.memory_space<vmem>> -> memref<2x40xi32, #tpu.memory_space<vmem>>
      %dma_start3A_583 = arith.constant 0 : i32
      %dma_start3A_584 = arith.constant 0 : i32
      %dma_start3A_585 = tpu.memref_slice %arg3[%add3A, %add3A_576, %dma_start3A_583, %dma_start3A_584] : memref<32x256x2x40xi32, #tpu.memory_space<hbm>> -> memref<1x1x2x40xi32, #tpu.memory_space<hbm>>
      %dma_start3A_586 = tpu.memref_squeeze %dma_start3A_585 : memref<1x1x2x40xi32, #tpu.memory_space<hbm>> -> memref<2x40xi32, #tpu.memory_space<hbm>>
      %dma_start3A_587 = tpu.memref_slice %arg9[%dma_start3A_578] : memref<4x!tpu.dma_semaphore, #tpu.memory_space<semaphore_mem>> -> memref<1x!tpu.dma_semaphore, #tpu.memory_space<semaphore_mem>>
      %dma_start3A_588 = tpu.memref_squeeze %dma_start3A_587 : memref<1x!tpu.dma_semaphore, #tpu.memory_space<semaphore_mem>> -> memref<!tpu.dma_semaphore, #tpu.memory_space<semaphore_mem>>
      %dma_start3A_589 = arith.constant 0 : i32
      %dma_start3A_590 = arith.constant 0 : i32
      %dma_start3A_591 = tpu.memref_slice %arg6[%dma_start3A_577, %dma_start3A_589, %dma_start3A_590] : memref<4x2x40xi32, #tpu.memory_space<vmem>> -> memref<1x2x40xi32, #tpu.memory_space<vmem>>
      %dma_start3A_592 = tpu.memref_squeeze %dma_start3A_591 : memref<1x2x40xi32, #tpu.memory_space<vmem>> -> memref<2x40xi32, #tpu.memory_space<vmem>>
      %dma_start3A_593 = arith.constant 0 : i32
      %dma_start3A_594 = arith.constant 0 : i32
      %dma_start3A_595 = tpu.memref_slice %arg3[%add3A, %add3A_576, %dma_start3A_593, %dma_start3A_594] : memref<32x256x2x40xi32, #tpu.memory_space<hbm>> -> memref<1x1x2x40xi32, #tpu.memory_space<hbm>>
      %dma_start3A_596 = tpu.memref_squeeze %dma_start3A_595 : memref<1x1x2x40xi32, #tpu.memory_space<hbm>> -> memref<2x40xi32, #tpu.memory_space<hbm>>
      tpu.enqueue_dma source(%dma_start3A_596 : memref<2x40xi32, #tpu.memory_space<hbm>>) target(%dma_start3A_592 : memref<2x40xi32, #tpu.memory_space<vmem>>) target_semaphore(%dma_start3A_588 : memref<!tpu.dma_semaphore, #tpu.memory_space<semaphore_mem>>)
      %mul3A_597 = arith.constant 2 : i32
      %mul3A_598 = arith.muli %add3A_572, %mul3A_597 : i32
      %add3A_599 = arith.constant 1 : i32
      %add3A_600 = arith.addi %mul3A_598, %add3A_599 : i32
      %dma_start3A_601 = arith.constant 1 : i32
      %dma_start3A_602 = arith.constant 1 : i32
      %dma_start3A_603 = arith.constant 0 : i32
      %dma_start3A_604 = arith.constant 0 : i32
      %dma_start3A_605 = tpu.memref_slice %arg6[%dma_start3A_601, %dma_start3A_603, %dma_start3A_604] : memref<4x2x40xi32, #tpu.memory_space<vmem>> -> memref<1x2x40xi32, #tpu.memory_space<vmem>>
      %dma_start3A_606 = tpu.memref_squeeze %dma_start3A_605 : memref<1x2x40xi32, #tpu.memory_space<vmem>> -> memref<2x40xi32, #tpu.memory_space<vmem>>
      %dma_start3A_607 = arith.constant 0 : i32
      %dma_start3A_608 = arith.constant 0 : i32
      %dma_start3A_609 = tpu.memref_slice %arg3[%add3A, %add3A_600, %dma_start3A_607, %dma_start3A_608] : memref<32x256x2x40xi32, #tpu.memory_space<hbm>> -> memref<1x1x2x40xi32, #tpu.memory_space<hbm>>
      %dma_start3A_610 = tpu.memref_squeeze %dma_start3A_609 : memref<1x1x2x40xi32, #tpu.memory_space<hbm>> -> memref<2x40xi32, #tpu.memory_space<hbm>>
      %dma_start3A_611 = tpu.memref_slice %arg9[%dma_start3A_602] : memref<4x!tpu.dma_semaphore, #tpu.memory_space<semaphore_mem>> -> memref<1x!tpu.dma_semaphore, #tpu.memory_space<semaphore_mem>>
      %dma_start3A_612 = tpu.memref_squeeze %dma_start3A_611 : memref<1x!tpu.dma_semaphore, #tpu.memory_space<semaphore_mem>> -> memref<!tpu.dma_semaphore, #tpu.memory_space<semaphore_mem>>
      %dma_start3A_613 = arith.constant 0 : i32
      %dma_start3A_614 = arith.constant 0 : i32
      %dma_start3A_615 = tpu.memref_slice %arg6[%dma_start3A_601, %dma_start3A_613, %dma_start3A_614] : memref<4x2x40xi32, #tpu.memory_space<vmem>> -> memref<1x2x40xi32, #tpu.memory_space<vmem>>
      %dma_start3A_616 = tpu.memref_squeeze %dma_start3A_615 : memref<1x2x40xi32, #tpu.memory_space<vmem>> -> memref<2x40xi32, #tpu.memory_space<vmem>>
      %dma_start3A_617 = arith.constant 0 : i32
      %dma_start3A_618 = arith.constant 0 : i32
      %dma_start3A_619 = tpu.memref_slice %arg3[%add3A, %add3A_600, %dma_start3A_617, %dma_start3A_618] : memref<32x256x2x40xi32, #tpu.memory_space<hbm>> -> memref<1x1x2x40xi32, #tpu.memory_space<hbm>>
      %dma_start3A_620 = tpu.memref_squeeze %dma_start3A_619 : memref<1x1x2x40xi32, #tpu.memory_space<hbm>> -> memref<2x40xi32, #tpu.memory_space<hbm>>
      tpu.enqueue_dma source(%dma_start3A_620 : memref<2x40xi32, #tpu.memory_space<hbm>>) target(%dma_start3A_616 : memref<2x40xi32, #tpu.memory_space<vmem>>) target_semaphore(%dma_start3A_612 : memref<!tpu.dma_semaphore, #tpu.memory_space<semaphore_mem>>)
      %dma_wait3A_621 = arith.constant 2 : i32
      %dma_wait3A_622 = arith.constant 0 : i32
      %dma_wait3A_623 = arith.constant 2 : i32
      %dma_wait3A_624 = arith.constant 2 : i32
      %dma_wait3A_625 = arith.constant 0 : i32
      %dma_wait3A_626 = arith.constant 0 : i32
      %dma_wait3A_627 = tpu.memref_slice %arg7[%dma_wait3A_623, %dma_wait3A_625, %dma_wait3A_626] : memref<4x40x128xf32, #tpu.memory_space<vmem>> -> memref<1x40x128xf32, #tpu.memory_space<vmem>>
      %dma_wait3A_628 = tpu.memref_squeeze %dma_wait3A_627 : memref<1x40x128xf32, #tpu.memory_space<vmem>> -> memref<40x128xf32, #tpu.memory_space<vmem>>
      %dma_wait3A_629 = arith.constant 0 : i32
      %dma_wait3A_630 = tpu.memref_slice %arg6[%dma_wait3A_621, %dma_wait3A_622, %dma_wait3A_629] : memref<4x2x40xi32, #tpu.memory_space<vmem>> -> memref<1x1x40xi32, #tpu.memory_space<vmem>>
      %dma_wait3A_631 = tpu.memref_squeeze %dma_wait3A_630 : memref<1x1x40xi32, #tpu.memory_space<vmem>> -> memref<40xi32, #tpu.memory_space<vmem>>
      %dma_wait3A_632 = arith.constant 0 : i32
      %dma_wait3A_633 = arith.constant 0 : i32
      %dma_wait3A_634 = tpu.memref_slice %arg2[%dma_wait3A_632, %dma_wait3A_633] : memref<10000x128xf32, #tpu.memory_space<hbm>> -> memref<10000x128xf32, #tpu.memory_space<hbm>>
      %dma_wait3A_635 = tpu.memref_slice %arg10[%dma_wait3A_624] : memref<4x!tpu.dma_semaphore, #tpu.memory_space<semaphore_mem>> -> memref<1x!tpu.dma_semaphore, #tpu.memory_space<semaphore_mem>>
      %dma_wait3A_636 = tpu.memref_squeeze %dma_wait3A_635 : memref<1x!tpu.dma_semaphore, #tpu.memory_space<semaphore_mem>> -> memref<!tpu.dma_semaphore, #tpu.memory_space<semaphore_mem>>
      tpu.wait_indirect_dma semaphore(%dma_wait3A_636 : memref<!tpu.dma_semaphore, #tpu.memory_space<semaphore_mem>>) src(%dma_wait3A_634 : memref<10000x128xf32, #tpu.memory_space<hbm>>) dst(%dma_wait3A_628 : memref<40x128xf32, #tpu.memory_space<vmem>>)
      %dma_start3A_637 = arith.constant 2 : i32
      %dma_start3A_638 = arith.constant 2 : i32
      %dma_start3A_639 = arith.constant 1 : i32
      %dma_start3A_640 = arith.constant 2 : i32
      %dma_start3A_641 = arith.constant 0 : i32
      %dma_start3A_642 = arith.constant 0 : i32
      %dma_start3A_643 = tpu.memref_slice %arg7[%dma_start3A_637, %dma_start3A_641, %dma_start3A_642] : memref<4x40x128xf32, #tpu.memory_space<vmem>> -> memref<1x40x128xf32, #tpu.memory_space<vmem>>
      %dma_start3A_644 = tpu.memref_squeeze %dma_start3A_643 : memref<1x40x128xf32, #tpu.memory_space<vmem>> -> memref<40x128xf32, #tpu.memory_space<vmem>>
      %dma_start3A_645 = arith.constant 0 : i32
      %dma_start3A_646 = tpu.memref_slice %arg6[%dma_start3A_638, %dma_start3A_639, %dma_start3A_645] : memref<4x2x40xi32, #tpu.memory_space<vmem>> -> memref<1x1x40xi32, #tpu.memory_space<vmem>>
      %dma_start3A_647 = tpu.memref_squeeze %dma_start3A_646 : memref<1x1x40xi32, #tpu.memory_space<vmem>> -> memref<40xi32, #tpu.memory_space<vmem>>
      %dma_start3A_648 = arith.constant 0 : i32
      %dma_start3A_649 = arith.constant 0 : i32
      %dma_start3A_650 = tpu.memref_slice %arg8[%dma_start3A_648, %dma_start3A_649] : memref<10008x128xf32, #tpu.memory_space<vmem_shared>> -> memref<10008x128xf32, #tpu.memory_space<vmem_shared>>
      %dma_start3A_651 = tpu.memref_slice %arg11[%dma_start3A_640] : memref<4x!tpu.dma_semaphore, #tpu.memory_space<semaphore_mem>> -> memref<1x!tpu.dma_semaphore, #tpu.memory_space<semaphore_mem>>
      %dma_start3A_652 = tpu.memref_squeeze %dma_start3A_651 : memref<1x!tpu.dma_semaphore, #tpu.memory_space<semaphore_mem>> -> memref<!tpu.dma_semaphore, #tpu.memory_space<semaphore_mem>>
      tpu.enqueue_indirect_dma source(%dma_start3A_644 : memref<40x128xf32, #tpu.memory_space<vmem>>) target(%dma_start3A_650 : memref<10008x128xf32, #tpu.memory_space<vmem_shared>>) offsets(%dma_start3A_647 : memref<40xi32, #tpu.memory_space<vmem>>) semaphore(%dma_start3A_652 : memref<!tpu.dma_semaphore, #tpu.memory_space<semaphore_mem>>) {add = true}
      %dma_wait3A_653 = arith.constant 3 : i32
      %dma_wait3A_654 = arith.constant 0 : i32
      %dma_wait3A_655 = arith.constant 3 : i32
      %dma_wait3A_656 = arith.constant 3 : i32
      %dma_wait3A_657 = arith.constant 0 : i32
      %dma_wait3A_658 = arith.constant 0 : i32
      %dma_wait3A_659 = tpu.memref_slice %arg7[%dma_wait3A_655, %dma_wait3A_657, %dma_wait3A_658] : memref<4x40x128xf32, #tpu.memory_space<vmem>> -> memref<1x40x128xf32, #tpu.memory_space<vmem>>
      %dma_wait3A_660 = tpu.memref_squeeze %dma_wait3A_659 : memref<1x40x128xf32, #tpu.memory_space<vmem>> -> memref<40x128xf32, #tpu.memory_space<vmem>>
      %dma_wait3A_661 = arith.constant 0 : i32
      %dma_wait3A_662 = tpu.memref_slice %arg6[%dma_wait3A_653, %dma_wait3A_654, %dma_wait3A_661] : memref<4x2x40xi32, #tpu.memory_space<vmem>> -> memref<1x1x40xi32, #tpu.memory_space<vmem>>
      %dma_wait3A_663 = tpu.memref_squeeze %dma_wait3A_662 : memref<1x1x40xi32, #tpu.memory_space<vmem>> -> memref<40xi32, #tpu.memory_space<vmem>>
      %dma_wait3A_664 = arith.constant 0 : i32
      %dma_wait3A_665 = arith.constant 0 : i32
      %dma_wait3A_666 = tpu.memref_slice %arg2[%dma_wait3A_664, %dma_wait3A_665] : memref<10000x128xf32, #tpu.memory_space<hbm>> -> memref<10000x128xf32, #tpu.memory_space<hbm>>
      %dma_wait3A_667 = tpu.memref_slice %arg10[%dma_wait3A_656] : memref<4x!tpu.dma_semaphore, #tpu.memory_space<semaphore_mem>> -> memref<1x!tpu.dma_semaphore, #tpu.memory_space<semaphore_mem>>
      %dma_wait3A_668 = tpu.memref_squeeze %dma_wait3A_667 : memref<1x!tpu.dma_semaphore, #tpu.memory_space<semaphore_mem>> -> memref<!tpu.dma_semaphore, #tpu.memory_space<semaphore_mem>>
      tpu.wait_indirect_dma semaphore(%dma_wait3A_668 : memref<!tpu.dma_semaphore, #tpu.memory_space<semaphore_mem>>) src(%dma_wait3A_666 : memref<10000x128xf32, #tpu.memory_space<hbm>>) dst(%dma_wait3A_660 : memref<40x128xf32, #tpu.memory_space<vmem>>)
      %dma_start3A_669 = arith.constant 3 : i32
      %dma_start3A_670 = arith.constant 3 : i32
      %dma_start3A_671 = arith.constant 1 : i32
      %dma_start3A_672 = arith.constant 3 : i32
      %dma_start3A_673 = arith.constant 0 : i32
      %dma_start3A_674 = arith.constant 0 : i32
      %dma_start3A_675 = tpu.memref_slice %arg7[%dma_start3A_669, %dma_start3A_673, %dma_start3A_674] : memref<4x40x128xf32, #tpu.memory_space<vmem>> -> memref<1x40x128xf32, #tpu.memory_space<vmem>>
      %dma_start3A_676 = tpu.memref_squeeze %dma_start3A_675 : memref<1x40x128xf32, #tpu.memory_space<vmem>> -> memref<40x128xf32, #tpu.memory_space<vmem>>
      %dma_start3A_677 = arith.constant 0 : i32
      %dma_start3A_678 = tpu.memref_slice %arg6[%dma_start3A_670, %dma_start3A_671, %dma_start3A_677] : memref<4x2x40xi32, #tpu.memory_space<vmem>> -> memref<1x1x40xi32, #tpu.memory_space<vmem>>
      %dma_start3A_679 = tpu.memref_squeeze %dma_start3A_678 : memref<1x1x40xi32, #tpu.memory_space<vmem>> -> memref<40xi32, #tpu.memory_space<vmem>>
      %dma_start3A_680 = arith.constant 0 : i32
      %dma_start3A_681 = arith.constant 0 : i32
      %dma_start3A_682 = tpu.memref_slice %arg8[%dma_start3A_680, %dma_start3A_681] : memref<10008x128xf32, #tpu.memory_space<vmem_shared>> -> memref<10008x128xf32, #tpu.memory_space<vmem_shared>>
      %dma_start3A_683 = tpu.memref_slice %arg11[%dma_start3A_672] : memref<4x!tpu.dma_semaphore, #tpu.memory_space<semaphore_mem>> -> memref<1x!tpu.dma_semaphore, #tpu.memory_space<semaphore_mem>>
      %dma_start3A_684 = tpu.memref_squeeze %dma_start3A_683 : memref<1x!tpu.dma_semaphore, #tpu.memory_space<semaphore_mem>> -> memref<!tpu.dma_semaphore, #tpu.memory_space<semaphore_mem>>
      tpu.enqueue_indirect_dma source(%dma_start3A_676 : memref<40x128xf32, #tpu.memory_space<vmem>>) target(%dma_start3A_682 : memref<10008x128xf32, #tpu.memory_space<vmem_shared>>) offsets(%dma_start3A_679 : memref<40xi32, #tpu.memory_space<vmem>>) semaphore(%dma_start3A_684 : memref<!tpu.dma_semaphore, #tpu.memory_space<semaphore_mem>>) {add = true}
      %mul3A_685 = arith.constant 2 : i32
      %mul3A_686 = arith.muli %mul3A_685, %scan3A_453 : i32
      %add3A_687 = arith.constant 2 : i32
      %add3A_688 = arith.addi %mul3A_686, %add3A_687 : i32
      %mul3A_689 = arith.constant 2 : i32
      %mul3A_690 = arith.muli %add3A_688, %mul3A_689 : i32
      %add3A_691 = arith.constant 0 : i32
      %add3A_692 = arith.addi %mul3A_690, %add3A_691 : i32
      %dma_wait3A_693 = arith.constant 0 : i32
      %dma_wait3A_694 = arith.constant 0 : i32
      %dma_wait3A_695 = arith.constant 0 : i32
      %dma_wait3A_696 = arith.constant 0 : i32
      %dma_wait3A_697 = tpu.memref_slice %arg6[%dma_wait3A_693, %dma_wait3A_695, %dma_wait3A_696] : memref<4x2x40xi32, #tpu.memory_space<vmem>> -> memref<1x2x40xi32, #tpu.memory_space<vmem>>
      %dma_wait3A_698 = tpu.memref_squeeze %dma_wait3A_697 : memref<1x2x40xi32, #tpu.memory_space<vmem>> -> memref<2x40xi32, #tpu.memory_space<vmem>>
      %dma_wait3A_699 = arith.constant 0 : i32
      %dma_wait3A_700 = arith.constant 0 : i32
      %dma_wait3A_701 = tpu.memref_slice %arg3[%add3A, %add3A_692, %dma_wait3A_699, %dma_wait3A_700] : memref<32x256x2x40xi32, #tpu.memory_space<hbm>> -> memref<1x1x2x40xi32, #tpu.memory_space<hbm>>
      %dma_wait3A_702 = tpu.memref_squeeze %dma_wait3A_701 : memref<1x1x2x40xi32, #tpu.memory_space<hbm>> -> memref<2x40xi32, #tpu.memory_space<hbm>>
      %dma_wait3A_703 = tpu.memref_slice %arg9[%dma_wait3A_694] : memref<4x!tpu.dma_semaphore, #tpu.memory_space<semaphore_mem>> -> memref<1x!tpu.dma_semaphore, #tpu.memory_space<semaphore_mem>>
      %dma_wait3A_704 = tpu.memref_squeeze %dma_wait3A_703 : memref<1x!tpu.dma_semaphore, #tpu.memory_space<semaphore_mem>> -> memref<!tpu.dma_semaphore, #tpu.memory_space<semaphore_mem>>
      %dma_wait3A_705 = arith.constant 0 : i32
      %dma_wait3A_706 = arith.constant 0 : i32
      %dma_wait3A_707 = tpu.memref_slice %arg6[%dma_wait3A_693, %dma_wait3A_705, %dma_wait3A_706] : memref<4x2x40xi32, #tpu.memory_space<vmem>> -> memref<1x2x40xi32, #tpu.memory_space<vmem>>
      %dma_wait3A_708 = tpu.memref_squeeze %dma_wait3A_707 : memref<1x2x40xi32, #tpu.memory_space<vmem>> -> memref<2x40xi32, #tpu.memory_space<vmem>>
      %dma_wait3A_709 = arith.constant 0 : i32
      %dma_wait3A_710 = arith.constant 0 : i32
      %dma_wait3A_711 = tpu.memref_slice %arg3[%add3A, %add3A_692, %dma_wait3A_709, %dma_wait3A_710] : memref<32x256x2x40xi32, #tpu.memory_space<hbm>> -> memref<1x1x2x40xi32, #tpu.memory_space<hbm>>
      %dma_wait3A_712 = tpu.memref_squeeze %dma_wait3A_711 : memref<1x1x2x40xi32, #tpu.memory_space<hbm>> -> memref<2x40xi32, #tpu.memory_space<hbm>>
      tpu.wait_dma2 semaphore(%dma_wait3A_704 : memref<!tpu.dma_semaphore, #tpu.memory_space<semaphore_mem>>) src(%dma_wait3A_712 : memref<2x40xi32, #tpu.memory_space<hbm>>) dst(%dma_wait3A_708 : memref<2x40xi32, #tpu.memory_space<vmem>>)
      %dma_start3A_713 = arith.constant 0 : i32
      %dma_start3A_714 = arith.constant 0 : i32
      %dma_start3A_715 = arith.constant 0 : i32
      %dma_start3A_716 = arith.constant 0 : i32
      %dma_start3A_717 = arith.constant 0 : i32
      %dma_start3A_718 = arith.constant 0 : i32
      %dma_start3A_719 = tpu.memref_slice %arg7[%dma_start3A_715, %dma_start3A_717, %dma_start3A_718] : memref<4x40x128xf32, #tpu.memory_space<vmem>> -> memref<1x40x128xf32, #tpu.memory_space<vmem>>
      %dma_start3A_720 = tpu.memref_squeeze %dma_start3A_719 : memref<1x40x128xf32, #tpu.memory_space<vmem>> -> memref<40x128xf32, #tpu.memory_space<vmem>>
      %dma_start3A_721 = arith.constant 0 : i32
      %dma_start3A_722 = tpu.memref_slice %arg6[%dma_start3A_713, %dma_start3A_714, %dma_start3A_721] : memref<4x2x40xi32, #tpu.memory_space<vmem>> -> memref<1x1x40xi32, #tpu.memory_space<vmem>>
      %dma_start3A_723 = tpu.memref_squeeze %dma_start3A_722 : memref<1x1x40xi32, #tpu.memory_space<vmem>> -> memref<40xi32, #tpu.memory_space<vmem>>
      %dma_start3A_724 = arith.constant 0 : i32
      %dma_start3A_725 = arith.constant 0 : i32
      %dma_start3A_726 = tpu.memref_slice %arg2[%dma_start3A_724, %dma_start3A_725] : memref<10000x128xf32, #tpu.memory_space<hbm>> -> memref<10000x128xf32, #tpu.memory_space<hbm>>
      %dma_start3A_727 = tpu.memref_slice %arg10[%dma_start3A_716] : memref<4x!tpu.dma_semaphore, #tpu.memory_space<semaphore_mem>> -> memref<1x!tpu.dma_semaphore, #tpu.memory_space<semaphore_mem>>
      %dma_start3A_728 = tpu.memref_squeeze %dma_start3A_727 : memref<1x!tpu.dma_semaphore, #tpu.memory_space<semaphore_mem>> -> memref<!tpu.dma_semaphore, #tpu.memory_space<semaphore_mem>>
      tpu.enqueue_indirect_dma source(%dma_start3A_726 : memref<10000x128xf32, #tpu.memory_space<hbm>>) target(%dma_start3A_720 : memref<40x128xf32, #tpu.memory_space<vmem>>) offsets(%dma_start3A_723 : memref<40xi32, #tpu.memory_space<vmem>>) semaphore(%dma_start3A_728 : memref<!tpu.dma_semaphore, #tpu.memory_space<semaphore_mem>>)
      %mul3A_729 = arith.constant 2 : i32
      %mul3A_730 = arith.muli %add3A_688, %mul3A_729 : i32
      %add3A_731 = arith.constant 1 : i32
      %add3A_732 = arith.addi %mul3A_730, %add3A_731 : i32
      %dma_wait3A_733 = arith.constant 1 : i32
      %dma_wait3A_734 = arith.constant 1 : i32
      %dma_wait3A_735 = arith.constant 0 : i32
      %dma_wait3A_736 = arith.constant 0 : i32
      %dma_wait3A_737 = tpu.memref_slice %arg6[%dma_wait3A_733, %dma_wait3A_735, %dma_wait3A_736] : memref<4x2x40xi32, #tpu.memory_space<vmem>> -> memref<1x2x40xi32, #tpu.memory_space<vmem>>
      %dma_wait3A_738 = tpu.memref_squeeze %dma_wait3A_737 : memref<1x2x40xi32, #tpu.memory_space<vmem>> -> memref<2x40xi32, #tpu.memory_space<vmem>>
      %dma_wait3A_739 = arith.constant 0 : i32
      %dma_wait3A_740 = arith.constant 0 : i32
      %dma_wait3A_741 = tpu.memref_slice %arg3[%add3A, %add3A_732, %dma_wait3A_739, %dma_wait3A_740] : memref<32x256x2x40xi32, #tpu.memory_space<hbm>> -> memref<1x1x2x40xi32, #tpu.memory_space<hbm>>
      %dma_wait3A_742 = tpu.memref_squeeze %dma_wait3A_741 : memref<1x1x2x40xi32, #tpu.memory_space<hbm>> -> memref<2x40xi32, #tpu.memory_space<hbm>>
      %dma_wait3A_743 = tpu.memref_slice %arg9[%dma_wait3A_734] : memref<4x!tpu.dma_semaphore, #tpu.memory_space<semaphore_mem>> -> memref<1x!tpu.dma_semaphore, #tpu.memory_space<semaphore_mem>>
      %dma_wait3A_744 = tpu.memref_squeeze %dma_wait3A_743 : memref<1x!tpu.dma_semaphore, #tpu.memory_space<semaphore_mem>> -> memref<!tpu.dma_semaphore, #tpu.memory_space<semaphore_mem>>
      %dma_wait3A_745 = arith.constant 0 : i32
      %dma_wait3A_746 = arith.constant 0 : i32
      %dma_wait3A_747 = tpu.memref_slice %arg6[%dma_wait3A_733, %dma_wait3A_745, %dma_wait3A_746] : memref<4x2x40xi32, #tpu.memory_space<vmem>> -> memref<1x2x40xi32, #tpu.memory_space<vmem>>
      %dma_wait3A_748 = tpu.memref_squeeze %dma_wait3A_747 : memref<1x2x40xi32, #tpu.memory_space<vmem>> -> memref<2x40xi32, #tpu.memory_space<vmem>>
      %dma_wait3A_749 = arith.constant 0 : i32
      %dma_wait3A_750 = arith.constant 0 : i32
      %dma_wait3A_751 = tpu.memref_slice %arg3[%add3A, %add3A_732, %dma_wait3A_749, %dma_wait3A_750] : memref<32x256x2x40xi32, #tpu.memory_space<hbm>> -> memref<1x1x2x40xi32, #tpu.memory_space<hbm>>
      %dma_wait3A_752 = tpu.memref_squeeze %dma_wait3A_751 : memref<1x1x2x40xi32, #tpu.memory_space<hbm>> -> memref<2x40xi32, #tpu.memory_space<hbm>>
      tpu.wait_dma2 semaphore(%dma_wait3A_744 : memref<!tpu.dma_semaphore, #tpu.memory_space<semaphore_mem>>) src(%dma_wait3A_752 : memref<2x40xi32, #tpu.memory_space<hbm>>) dst(%dma_wait3A_748 : memref<2x40xi32, #tpu.memory_space<vmem>>)
      %dma_start3A_753 = arith.constant 1 : i32
      %dma_start3A_754 = arith.constant 0 : i32
      %dma_start3A_755 = arith.constant 1 : i32
      %dma_start3A_756 = arith.constant 1 : i32
      %dma_start3A_757 = arith.constant 0 : i32
      %dma_start3A_758 = arith.constant 0 : i32
      %dma_start3A_759 = tpu.memref_slice %arg7[%dma_start3A_755, %dma_start3A_757, %dma_start3A_758] : memref<4x40x128xf32, #tpu.memory_space<vmem>> -> memref<1x40x128xf32, #tpu.memory_space<vmem>>
      %dma_start3A_760 = tpu.memref_squeeze %dma_start3A_759 : memref<1x40x128xf32, #tpu.memory_space<vmem>> -> memref<40x128xf32, #tpu.memory_space<vmem>>
      %dma_start3A_761 = arith.constant 0 : i32
      %dma_start3A_762 = tpu.memref_slice %arg6[%dma_start3A_753, %dma_start3A_754, %dma_start3A_761] : memref<4x2x40xi32, #tpu.memory_space<vmem>> -> memref<1x1x40xi32, #tpu.memory_space<vmem>>
      %dma_start3A_763 = tpu.memref_squeeze %dma_start3A_762 : memref<1x1x40xi32, #tpu.memory_space<vmem>> -> memref<40xi32, #tpu.memory_space<vmem>>
      %dma_start3A_764 = arith.constant 0 : i32
      %dma_start3A_765 = arith.constant 0 : i32
      %dma_start3A_766 = tpu.memref_slice %arg2[%dma_start3A_764, %dma_start3A_765] : memref<10000x128xf32, #tpu.memory_space<hbm>> -> memref<10000x128xf32, #tpu.memory_space<hbm>>
      %dma_start3A_767 = tpu.memref_slice %arg10[%dma_start3A_756] : memref<4x!tpu.dma_semaphore, #tpu.memory_space<semaphore_mem>> -> memref<1x!tpu.dma_semaphore, #tpu.memory_space<semaphore_mem>>
      %dma_start3A_768 = tpu.memref_squeeze %dma_start3A_767 : memref<1x!tpu.dma_semaphore, #tpu.memory_space<semaphore_mem>> -> memref<!tpu.dma_semaphore, #tpu.memory_space<semaphore_mem>>
      tpu.enqueue_indirect_dma source(%dma_start3A_766 : memref<10000x128xf32, #tpu.memory_space<hbm>>) target(%dma_start3A_760 : memref<40x128xf32, #tpu.memory_space<vmem>>) offsets(%dma_start3A_763 : memref<40xi32, #tpu.memory_space<vmem>>) semaphore(%dma_start3A_768 : memref<!tpu.dma_semaphore, #tpu.memory_space<semaphore_mem>>)
      %dma_wait3A_769 = arith.constant 2 : i32
      %dma_wait3A_770 = arith.constant 2 : i32
      %dma_wait3A_771 = arith.constant 1 : i32
      %dma_wait3A_772 = arith.constant 2 : i32
      %dma_wait3A_773 = arith.constant 0 : i32
      %dma_wait3A_774 = arith.constant 0 : i32
      %dma_wait3A_775 = tpu.memref_slice %arg7[%dma_wait3A_769, %dma_wait3A_773, %dma_wait3A_774] : memref<4x40x128xf32, #tpu.memory_space<vmem>> -> memref<1x40x128xf32, #tpu.memory_space<vmem>>
      %dma_wait3A_776 = tpu.memref_squeeze %dma_wait3A_775 : memref<1x40x128xf32, #tpu.memory_space<vmem>> -> memref<40x128xf32, #tpu.memory_space<vmem>>
      %dma_wait3A_777 = arith.constant 0 : i32
      %dma_wait3A_778 = tpu.memref_slice %arg6[%dma_wait3A_770, %dma_wait3A_771, %dma_wait3A_777] : memref<4x2x40xi32, #tpu.memory_space<vmem>> -> memref<1x1x40xi32, #tpu.memory_space<vmem>>
      %dma_wait3A_779 = tpu.memref_squeeze %dma_wait3A_778 : memref<1x1x40xi32, #tpu.memory_space<vmem>> -> memref<40xi32, #tpu.memory_space<vmem>>
      %dma_wait3A_780 = arith.constant 0 : i32
      %dma_wait3A_781 = arith.constant 0 : i32
      %dma_wait3A_782 = tpu.memref_slice %arg8[%dma_wait3A_780, %dma_wait3A_781] : memref<10008x128xf32, #tpu.memory_space<vmem_shared>> -> memref<10008x128xf32, #tpu.memory_space<vmem_shared>>
      %dma_wait3A_783 = tpu.memref_slice %arg11[%dma_wait3A_772] : memref<4x!tpu.dma_semaphore, #tpu.memory_space<semaphore_mem>> -> memref<1x!tpu.dma_semaphore, #tpu.memory_space<semaphore_mem>>
      %dma_wait3A_784 = tpu.memref_squeeze %dma_wait3A_783 : memref<1x!tpu.dma_semaphore, #tpu.memory_space<semaphore_mem>> -> memref<!tpu.dma_semaphore, #tpu.memory_space<semaphore_mem>>
      tpu.wait_indirect_dma semaphore(%dma_wait3A_784 : memref<!tpu.dma_semaphore, #tpu.memory_space<semaphore_mem>>) src(%dma_wait3A_776 : memref<40x128xf32, #tpu.memory_space<vmem>>) dst(%dma_wait3A_782 : memref<10008x128xf32, #tpu.memory_space<vmem_shared>>)
      %dma_wait3A_785 = arith.constant 3 : i32
      %dma_wait3A_786 = arith.constant 3 : i32
      %dma_wait3A_787 = arith.constant 1 : i32
      %dma_wait3A_788 = arith.constant 3 : i32
      %dma_wait3A_789 = arith.constant 0 : i32
      %dma_wait3A_790 = arith.constant 0 : i32
      %dma_wait3A_791 = tpu.memref_slice %arg7[%dma_wait3A_785, %dma_wait3A_789, %dma_wait3A_790] : memref<4x40x128xf32, #tpu.memory_space<vmem>> -> memref<1x40x128xf32, #tpu.memory_space<vmem>>
      %dma_wait3A_792 = tpu.memref_squeeze %dma_wait3A_791 : memref<1x40x128xf32, #tpu.memory_space<vmem>> -> memref<40x128xf32, #tpu.memory_space<vmem>>
      %dma_wait3A_793 = arith.constant 0 : i32
      %dma_wait3A_794 = tpu.memref_slice %arg6[%dma_wait3A_786, %dma_wait3A_787, %dma_wait3A_793] : memref<4x2x40xi32, #tpu.memory_space<vmem>> -> memref<1x1x40xi32, #tpu.memory_space<vmem>>
      %dma_wait3A_795 = tpu.memref_squeeze %dma_wait3A_794 : memref<1x1x40xi32, #tpu.memory_space<vmem>> -> memref<40xi32, #tpu.memory_space<vmem>>
      %dma_wait3A_796 = arith.constant 0 : i32
      %dma_wait3A_797 = arith.constant 0 : i32
      %dma_wait3A_798 = tpu.memref_slice %arg8[%dma_wait3A_796, %dma_wait3A_797] : memref<10008x128xf32, #tpu.memory_space<vmem_shared>> -> memref<10008x128xf32, #tpu.memory_space<vmem_shared>>
      %dma_wait3A_799 = tpu.memref_slice %arg11[%dma_wait3A_788] : memref<4x!tpu.dma_semaphore, #tpu.memory_space<semaphore_mem>> -> memref<1x!tpu.dma_semaphore, #tpu.memory_space<semaphore_mem>>
      %dma_wait3A_800 = tpu.memref_squeeze %dma_wait3A_799 : memref<1x!tpu.dma_semaphore, #tpu.memory_space<semaphore_mem>> -> memref<!tpu.dma_semaphore, #tpu.memory_space<semaphore_mem>>
      tpu.wait_indirect_dma semaphore(%dma_wait3A_800 : memref<!tpu.dma_semaphore, #tpu.memory_space<semaphore_mem>>) src(%dma_wait3A_792 : memref<40x128xf32, #tpu.memory_space<vmem>>) dst(%dma_wait3A_798 : memref<10008x128xf32, #tpu.memory_space<vmem_shared>>)
      %add3A_801 = arith.constant 1 : i32
      %add3A_802 = arith.addi %add3A_688, %add3A_801 : i32
      %mul3A_803 = arith.constant 2 : i32
      %mul3A_804 = arith.muli %add3A_802, %mul3A_803 : i32
      %add3A_805 = arith.constant 0 : i32
      %add3A_806 = arith.addi %mul3A_804, %add3A_805 : i32
      %dma_start3A_807 = arith.constant 2 : i32
      %dma_start3A_808 = arith.constant 2 : i32
      %dma_start3A_809 = arith.constant 0 : i32
      %dma_start3A_810 = arith.constant 0 : i32
      %dma_start3A_811 = tpu.memref_slice %arg6[%dma_start3A_807, %dma_start3A_809, %dma_start3A_810] : memref<4x2x40xi32, #tpu.memory_space<vmem>> -> memref<1x2x40xi32, #tpu.memory_space<vmem>>
      %dma_start3A_812 = tpu.memref_squeeze %dma_start3A_811 : memref<1x2x40xi32, #tpu.memory_space<vmem>> -> memref<2x40xi32, #tpu.memory_space<vmem>>
      %dma_start3A_813 = arith.constant 0 : i32
      %dma_start3A_814 = arith.constant 0 : i32
      %dma_start3A_815 = tpu.memref_slice %arg3[%add3A, %add3A_806, %dma_start3A_813, %dma_start3A_814] : memref<32x256x2x40xi32, #tpu.memory_space<hbm>> -> memref<1x1x2x40xi32, #tpu.memory_space<hbm>>
      %dma_start3A_816 = tpu.memref_squeeze %dma_start3A_815 : memref<1x1x2x40xi32, #tpu.memory_space<hbm>> -> memref<2x40xi32, #tpu.memory_space<hbm>>
      %dma_start3A_817 = tpu.memref_slice %arg9[%dma_start3A_808] : memref<4x!tpu.dma_semaphore, #tpu.memory_space<semaphore_mem>> -> memref<1x!tpu.dma_semaphore, #tpu.memory_space<semaphore_mem>>
      %dma_start3A_818 = tpu.memref_squeeze %dma_start3A_817 : memref<1x!tpu.dma_semaphore, #tpu.memory_space<semaphore_mem>> -> memref<!tpu.dma_semaphore, #tpu.memory_space<semaphore_mem>>
      %dma_start3A_819 = arith.constant 0 : i32
      %dma_start3A_820 = arith.constant 0 : i32
      %dma_start3A_821 = tpu.memref_slice %arg6[%dma_start3A_807, %dma_start3A_819, %dma_start3A_820] : memref<4x2x40xi32, #tpu.memory_space<vmem>> -> memref<1x2x40xi32, #tpu.memory_space<vmem>>
      %dma_start3A_822 = tpu.memref_squeeze %dma_start3A_821 : memref<1x2x40xi32, #tpu.memory_space<vmem>> -> memref<2x40xi32, #tpu.memory_space<vmem>>
      %dma_start3A_823 = arith.constant 0 : i32
      %dma_start3A_824 = arith.constant 0 : i32
      %dma_start3A_825 = tpu.memref_slice %arg3[%add3A, %add3A_806, %dma_start3A_823, %dma_start3A_824] : memref<32x256x2x40xi32, #tpu.memory_space<hbm>> -> memref<1x1x2x40xi32, #tpu.memory_space<hbm>>
      %dma_start3A_826 = tpu.memref_squeeze %dma_start3A_825 : memref<1x1x2x40xi32, #tpu.memory_space<hbm>> -> memref<2x40xi32, #tpu.memory_space<hbm>>
      tpu.enqueue_dma source(%dma_start3A_826 : memref<2x40xi32, #tpu.memory_space<hbm>>) target(%dma_start3A_822 : memref<2x40xi32, #tpu.memory_space<vmem>>) target_semaphore(%dma_start3A_818 : memref<!tpu.dma_semaphore, #tpu.memory_space<semaphore_mem>>)
      %mul3A_827 = arith.constant 2 : i32
      %mul3A_828 = arith.muli %add3A_802, %mul3A_827 : i32
      %add3A_829 = arith.constant 1 : i32
      %add3A_830 = arith.addi %mul3A_828, %add3A_829 : i32
      %dma_start3A_831 = arith.constant 3 : i32
      %dma_start3A_832 = arith.constant 3 : i32
      %dma_start3A_833 = arith.constant 0 : i32
      %dma_start3A_834 = arith.constant 0 : i32
      %dma_start3A_835 = tpu.memref_slice %arg6[%dma_start3A_831, %dma_start3A_833, %dma_start3A_834] : memref<4x2x40xi32, #tpu.memory_space<vmem>> -> memref<1x2x40xi32, #tpu.memory_space<vmem>>
      %dma_start3A_836 = tpu.memref_squeeze %dma_start3A_835 : memref<1x2x40xi32, #tpu.memory_space<vmem>> -> memref<2x40xi32, #tpu.memory_space<vmem>>
      %dma_start3A_837 = arith.constant 0 : i32
      %dma_start3A_838 = arith.constant 0 : i32
      %dma_start3A_839 = tpu.memref_slice %arg3[%add3A, %add3A_830, %dma_start3A_837, %dma_start3A_838] : memref<32x256x2x40xi32, #tpu.memory_space<hbm>> -> memref<1x1x2x40xi32, #tpu.memory_space<hbm>>
      %dma_start3A_840 = tpu.memref_squeeze %dma_start3A_839 : memref<1x1x2x40xi32, #tpu.memory_space<hbm>> -> memref<2x40xi32, #tpu.memory_space<hbm>>
      %dma_start3A_841 = tpu.memref_slice %arg9[%dma_start3A_832] : memref<4x!tpu.dma_semaphore, #tpu.memory_space<semaphore_mem>> -> memref<1x!tpu.dma_semaphore, #tpu.memory_space<semaphore_mem>>
      %dma_start3A_842 = tpu.memref_squeeze %dma_start3A_841 : memref<1x!tpu.dma_semaphore, #tpu.memory_space<semaphore_mem>> -> memref<!tpu.dma_semaphore, #tpu.memory_space<semaphore_mem>>
      %dma_start3A_843 = arith.constant 0 : i32
      %dma_start3A_844 = arith.constant 0 : i32
      %dma_start3A_845 = tpu.memref_slice %arg6[%dma_start3A_831, %dma_start3A_843, %dma_start3A_844] : memref<4x2x40xi32, #tpu.memory_space<vmem>> -> memref<1x2x40xi32, #tpu.memory_space<vmem>>
      %dma_start3A_846 = tpu.memref_squeeze %dma_start3A_845 : memref<1x2x40xi32, #tpu.memory_space<vmem>> -> memref<2x40xi32, #tpu.memory_space<vmem>>
      %dma_start3A_847 = arith.constant 0 : i32
      %dma_start3A_848 = arith.constant 0 : i32
      %dma_start3A_849 = tpu.memref_slice %arg3[%add3A, %add3A_830, %dma_start3A_847, %dma_start3A_848] : memref<32x256x2x40xi32, #tpu.memory_space<hbm>> -> memref<1x1x2x40xi32, #tpu.memory_space<hbm>>
      %dma_start3A_850 = tpu.memref_squeeze %dma_start3A_849 : memref<1x1x2x40xi32, #tpu.memory_space<hbm>> -> memref<2x40xi32, #tpu.memory_space<hbm>>
      tpu.enqueue_dma source(%dma_start3A_850 : memref<2x40xi32, #tpu.memory_space<hbm>>) target(%dma_start3A_846 : memref<2x40xi32, #tpu.memory_space<vmem>>) target_semaphore(%dma_start3A_842 : memref<!tpu.dma_semaphore, #tpu.memory_space<semaphore_mem>>)
      %dma_wait3A_851 = arith.constant 0 : i32
      %dma_wait3A_852 = arith.constant 0 : i32
      %dma_wait3A_853 = arith.constant 0 : i32
      %dma_wait3A_854 = arith.constant 0 : i32
      %dma_wait3A_855 = arith.constant 0 : i32
      %dma_wait3A_856 = arith.constant 0 : i32
      %dma_wait3A_857 = tpu.memref_slice %arg7[%dma_wait3A_853, %dma_wait3A_855, %dma_wait3A_856] : memref<4x40x128xf32, #tpu.memory_space<vmem>> -> memref<1x40x128xf32, #tpu.memory_space<vmem>>
      %dma_wait3A_858 = tpu.memref_squeeze %dma_wait3A_857 : memref<1x40x128xf32, #tpu.memory_space<vmem>> -> memref<40x128xf32, #tpu.memory_space<vmem>>
      %dma_wait3A_859 = arith.constant 0 : i32
      %dma_wait3A_860 = tpu.memref_slice %arg6[%dma_wait3A_851, %dma_wait3A_852, %dma_wait3A_859] : memref<4x2x40xi32, #tpu.memory_space<vmem>> -> memref<1x1x40xi32, #tpu.memory_space<vmem>>
      %dma_wait3A_861 = tpu.memref_squeeze %dma_wait3A_860 : memref<1x1x40xi32, #tpu.memory_space<vmem>> -> memref<40xi32, #tpu.memory_space<vmem>>
      %dma_wait3A_862 = arith.constant 0 : i32
      %dma_wait3A_863 = arith.constant 0 : i32
      %dma_wait3A_864 = tpu.memref_slice %arg2[%dma_wait3A_862, %dma_wait3A_863] : memref<10000x128xf32, #tpu.memory_space<hbm>> -> memref<10000x128xf32, #tpu.memory_space<hbm>>
      %dma_wait3A_865 = tpu.memref_slice %arg10[%dma_wait3A_854] : memref<4x!tpu.dma_semaphore, #tpu.memory_space<semaphore_mem>> -> memref<1x!tpu.dma_semaphore, #tpu.memory_space<semaphore_mem>>
      %dma_wait3A_866 = tpu.memref_squeeze %dma_wait3A_865 : memref<1x!tpu.dma_semaphore, #tpu.memory_space<semaphore_mem>> -> memref<!tpu.dma_semaphore, #tpu.memory_space<semaphore_mem>>
      tpu.wait_indirect_dma semaphore(%dma_wait3A_866 : memref<!tpu.dma_semaphore, #tpu.memory_space<semaphore_mem>>) src(%dma_wait3A_864 : memref<10000x128xf32, #tpu.memory_space<hbm>>) dst(%dma_wait3A_858 : memref<40x128xf32, #tpu.memory_space<vmem>>)
      %dma_start3A_867 = arith.constant 0 : i32
      %dma_start3A_868 = arith.constant 0 : i32
      %dma_start3A_869 = arith.constant 1 : i32
      %dma_start3A_870 = arith.constant 0 : i32
      %dma_start3A_871 = arith.constant 0 : i32
      %dma_start3A_872 = arith.constant 0 : i32
      %dma_start3A_873 = tpu.memref_slice %arg7[%dma_start3A_867, %dma_start3A_871, %dma_start3A_872] : memref<4x40x128xf32, #tpu.memory_space<vmem>> -> memref<1x40x128xf32, #tpu.memory_space<vmem>>
      %dma_start3A_874 = tpu.memref_squeeze %dma_start3A_873 : memref<1x40x128xf32, #tpu.memory_space<vmem>> -> memref<40x128xf32, #tpu.memory_space<vmem>>
      %dma_start3A_875 = arith.constant 0 : i32
      %dma_start3A_876 = tpu.memref_slice %arg6[%dma_start3A_868, %dma_start3A_869, %dma_start3A_875] : memref<4x2x40xi32, #tpu.memory_space<vmem>> -> memref<1x1x40xi32, #tpu.memory_space<vmem>>
      %dma_start3A_877 = tpu.memref_squeeze %dma_start3A_876 : memref<1x1x40xi32, #tpu.memory_space<vmem>> -> memref<40xi32, #tpu.memory_space<vmem>>
      %dma_start3A_878 = arith.constant 0 : i32
      %dma_start3A_879 = arith.constant 0 : i32
      %dma_start3A_880 = tpu.memref_slice %arg8[%dma_start3A_878, %dma_start3A_879] : memref<10008x128xf32, #tpu.memory_space<vmem_shared>> -> memref<10008x128xf32, #tpu.memory_space<vmem_shared>>
      %dma_start3A_881 = tpu.memref_slice %arg11[%dma_start3A_870] : memref<4x!tpu.dma_semaphore, #tpu.memory_space<semaphore_mem>> -> memref<1x!tpu.dma_semaphore, #tpu.memory_space<semaphore_mem>>
      %dma_start3A_882 = tpu.memref_squeeze %dma_start3A_881 : memref<1x!tpu.dma_semaphore, #tpu.memory_space<semaphore_mem>> -> memref<!tpu.dma_semaphore, #tpu.memory_space<semaphore_mem>>
      tpu.enqueue_indirect_dma source(%dma_start3A_874 : memref<40x128xf32, #tpu.memory_space<vmem>>) target(%dma_start3A_880 : memref<10008x128xf32, #tpu.memory_space<vmem_shared>>) offsets(%dma_start3A_877 : memref<40xi32, #tpu.memory_space<vmem>>) semaphore(%dma_start3A_882 : memref<!tpu.dma_semaphore, #tpu.memory_space<semaphore_mem>>) {add = true}
      %dma_wait3A_883 = arith.constant 1 : i32
      %dma_wait3A_884 = arith.constant 0 : i32
      %dma_wait3A_885 = arith.constant 1 : i32
      %dma_wait3A_886 = arith.constant 1 : i32
      %dma_wait3A_887 = arith.constant 0 : i32
      %dma_wait3A_888 = arith.constant 0 : i32
      %dma_wait3A_889 = tpu.memref_slice %arg7[%dma_wait3A_885, %dma_wait3A_887, %dma_wait3A_888] : memref<4x40x128xf32, #tpu.memory_space<vmem>> -> memref<1x40x128xf32, #tpu.memory_space<vmem>>
      %dma_wait3A_890 = tpu.memref_squeeze %dma_wait3A_889 : memref<1x40x128xf32, #tpu.memory_space<vmem>> -> memref<40x128xf32, #tpu.memory_space<vmem>>
      %dma_wait3A_891 = arith.constant 0 : i32
      %dma_wait3A_892 = tpu.memref_slice %arg6[%dma_wait3A_883, %dma_wait3A_884, %dma_wait3A_891] : memref<4x2x40xi32, #tpu.memory_space<vmem>> -> memref<1x1x40xi32, #tpu.memory_space<vmem>>
      %dma_wait3A_893 = tpu.memref_squeeze %dma_wait3A_892 : memref<1x1x40xi32, #tpu.memory_space<vmem>> -> memref<40xi32, #tpu.memory_space<vmem>>
      %dma_wait3A_894 = arith.constant 0 : i32
      %dma_wait3A_895 = arith.constant 0 : i32
      %dma_wait3A_896 = tpu.memref_slice %arg2[%dma_wait3A_894, %dma_wait3A_895] : memref<10000x128xf32, #tpu.memory_space<hbm>> -> memref<10000x128xf32, #tpu.memory_space<hbm>>
      %dma_wait3A_897 = tpu.memref_slice %arg10[%dma_wait3A_886] : memref<4x!tpu.dma_semaphore, #tpu.memory_space<semaphore_mem>> -> memref<1x!tpu.dma_semaphore, #tpu.memory_space<semaphore_mem>>
      %dma_wait3A_898 = tpu.memref_squeeze %dma_wait3A_897 : memref<1x!tpu.dma_semaphore, #tpu.memory_space<semaphore_mem>> -> memref<!tpu.dma_semaphore, #tpu.memory_space<semaphore_mem>>
      tpu.wait_indirect_dma semaphore(%dma_wait3A_898 : memref<!tpu.dma_semaphore, #tpu.memory_space<semaphore_mem>>) src(%dma_wait3A_896 : memref<10000x128xf32, #tpu.memory_space<hbm>>) dst(%dma_wait3A_890 : memref<40x128xf32, #tpu.memory_space<vmem>>)
      %dma_start3A_899 = arith.constant 1 : i32
      %dma_start3A_900 = arith.constant 1 : i32
      %dma_start3A_901 = arith.constant 1 : i32
      %dma_start3A_902 = arith.constant 1 : i32
      %dma_start3A_903 = arith.constant 0 : i32
      %dma_start3A_904 = arith.constant 0 : i32
      %dma_start3A_905 = tpu.memref_slice %arg7[%dma_start3A_899, %dma_start3A_903, %dma_start3A_904] : memref<4x40x128xf32, #tpu.memory_space<vmem>> -> memref<1x40x128xf32, #tpu.memory_space<vmem>>
      %dma_start3A_906 = tpu.memref_squeeze %dma_start3A_905 : memref<1x40x128xf32, #tpu.memory_space<vmem>> -> memref<40x128xf32, #tpu.memory_space<vmem>>
      %dma_start3A_907 = arith.constant 0 : i32
      %dma_start3A_908 = tpu.memref_slice %arg6[%dma_start3A_900, %dma_start3A_901, %dma_start3A_907] : memref<4x2x40xi32, #tpu.memory_space<vmem>> -> memref<1x1x40xi32, #tpu.memory_space<vmem>>
      %dma_start3A_909 = tpu.memref_squeeze %dma_start3A_908 : memref<1x1x40xi32, #tpu.memory_space<vmem>> -> memref<40xi32, #tpu.memory_space<vmem>>
      %dma_start3A_910 = arith.constant 0 : i32
      %dma_start3A_911 = arith.constant 0 : i32
      %dma_start3A_912 = tpu.memref_slice %arg8[%dma_start3A_910, %dma_start3A_911] : memref<10008x128xf32, #tpu.memory_space<vmem_shared>> -> memref<10008x128xf32, #tpu.memory_space<vmem_shared>>
      %dma_start3A_913 = tpu.memref_slice %arg11[%dma_start3A_902] : memref<4x!tpu.dma_semaphore, #tpu.memory_space<semaphore_mem>> -> memref<1x!tpu.dma_semaphore, #tpu.memory_space<semaphore_mem>>
      %dma_start3A_914 = tpu.memref_squeeze %dma_start3A_913 : memref<1x!tpu.dma_semaphore, #tpu.memory_space<semaphore_mem>> -> memref<!tpu.dma_semaphore, #tpu.memory_space<semaphore_mem>>
      tpu.enqueue_indirect_dma source(%dma_start3A_906 : memref<40x128xf32, #tpu.memory_space<vmem>>) target(%dma_start3A_912 : memref<10008x128xf32, #tpu.memory_space<vmem_shared>>) offsets(%dma_start3A_909 : memref<40xi32, #tpu.memory_space<vmem>>) semaphore(%dma_start3A_914 : memref<!tpu.dma_semaphore, #tpu.memory_space<semaphore_mem>>) {add = true}
      %scan3A_915 = arith.constant 0 : i32
      scf.yield %scan3A_915 : i32
    }
    %scan3A_240 = arith.constant 63 : i32
    %dma_wait3A_241 = arith.constant 254 : i32
    %dma_wait3A_242 = arith.constant 2 : i32
    %dma_wait3A_243 = arith.constant 2 : i32
    %dma_wait3A_244 = arith.constant 0 : i32
    %dma_wait3A_245 = arith.constant 0 : i32
    %dma_wait3A_246 = tpu.memref_slice %arg6[%dma_wait3A_242, %dma_wait3A_244, %dma_wait3A_245] : memref<4x2x40xi32, #tpu.memory_space<vmem>> -> memref<1x2x40xi32, #tpu.memory_space<vmem>>
    %dma_wait3A_247 = tpu.memref_squeeze %dma_wait3A_246 : memref<1x2x40xi32, #tpu.memory_space<vmem>> -> memref<2x40xi32, #tpu.memory_space<vmem>>
    %dma_wait3A_248 = arith.constant 0 : i32
    %dma_wait3A_249 = arith.constant 0 : i32
    %dma_wait3A_250 = tpu.memref_slice %arg3[%add3A, %dma_wait3A_241, %dma_wait3A_248, %dma_wait3A_249] : memref<32x256x2x40xi32, #tpu.memory_space<hbm>> -> memref<1x1x2x40xi32, #tpu.memory_space<hbm>>
    %dma_wait3A_251 = tpu.memref_squeeze %dma_wait3A_250 : memref<1x1x2x40xi32, #tpu.memory_space<hbm>> -> memref<2x40xi32, #tpu.memory_space<hbm>>
    %dma_wait3A_252 = tpu.memref_slice %arg9[%dma_wait3A_243] : memref<4x!tpu.dma_semaphore, #tpu.memory_space<semaphore_mem>> -> memref<1x!tpu.dma_semaphore, #tpu.memory_space<semaphore_mem>>
    %dma_wait3A_253 = tpu.memref_squeeze %dma_wait3A_252 : memref<1x!tpu.dma_semaphore, #tpu.memory_space<semaphore_mem>> -> memref<!tpu.dma_semaphore, #tpu.memory_space<semaphore_mem>>
    %dma_wait3A_254 = arith.constant 0 : i32
    %dma_wait3A_255 = arith.constant 0 : i32
    %dma_wait3A_256 = tpu.memref_slice %arg6[%dma_wait3A_242, %dma_wait3A_254, %dma_wait3A_255] : memref<4x2x40xi32, #tpu.memory_space<vmem>> -> memref<1x2x40xi32, #tpu.memory_space<vmem>>
    %dma_wait3A_257 = tpu.memref_squeeze %dma_wait3A_256 : memref<1x2x40xi32, #tpu.memory_space<vmem>> -> memref<2x40xi32, #tpu.memory_space<vmem>>
    %dma_wait3A_258 = arith.constant 0 : i32
    %dma_wait3A_259 = arith.constant 0 : i32
    %dma_wait3A_260 = tpu.memref_slice %arg3[%add3A, %dma_wait3A_241, %dma_wait3A_258, %dma_wait3A_259] : memref<32x256x2x40xi32, #tpu.memory_space<hbm>> -> memref<1x1x2x40xi32, #tpu.memory_space<hbm>>
    %dma_wait3A_261 = tpu.memref_squeeze %dma_wait3A_260 : memref<1x1x2x40xi32, #tpu.memory_space<hbm>> -> memref<2x40xi32, #tpu.memory_space<hbm>>
    tpu.wait_dma2 semaphore(%dma_wait3A_253 : memref<!tpu.dma_semaphore, #tpu.memory_space<semaphore_mem>>) src(%dma_wait3A_261 : memref<2x40xi32, #tpu.memory_space<hbm>>) dst(%dma_wait3A_257 : memref<2x40xi32, #tpu.memory_space<vmem>>)
    %dma_start3A_262 = arith.constant 2 : i32
    %dma_start3A_263 = arith.constant 0 : i32
    %dma_start3A_264 = arith.constant 2 : i32
    %dma_start3A_265 = arith.constant 2 : i32
    %dma_start3A_266 = arith.constant 0 : i32
    %dma_start3A_267 = arith.constant 0 : i32
    %dma_start3A_268 = tpu.memref_slice %arg7[%dma_start3A_264, %dma_start3A_266, %dma_start3A_267] : memref<4x40x128xf32, #tpu.memory_space<vmem>> -> memref<1x40x128xf32, #tpu.memory_space<vmem>>
    %dma_start3A_269 = tpu.memref_squeeze %dma_start3A_268 : memref<1x40x128xf32, #tpu.memory_space<vmem>> -> memref<40x128xf32, #tpu.memory_space<vmem>>
    %dma_start3A_270 = arith.constant 0 : i32
    %dma_start3A_271 = tpu.memref_slice %arg6[%dma_start3A_262, %dma_start3A_263, %dma_start3A_270] : memref<4x2x40xi32, #tpu.memory_space<vmem>> -> memref<1x1x40xi32, #tpu.memory_space<vmem>>
    %dma_start3A_272 = tpu.memref_squeeze %dma_start3A_271 : memref<1x1x40xi32, #tpu.memory_space<vmem>> -> memref<40xi32, #tpu.memory_space<vmem>>
    %dma_start3A_273 = arith.constant 0 : i32
    %dma_start3A_274 = arith.constant 0 : i32
    %dma_start3A_275 = tpu.memref_slice %arg2[%dma_start3A_273, %dma_start3A_274] : memref<10000x128xf32, #tpu.memory_space<hbm>> -> memref<10000x128xf32, #tpu.memory_space<hbm>>
    %dma_start3A_276 = tpu.memref_slice %arg10[%dma_start3A_265] : memref<4x!tpu.dma_semaphore, #tpu.memory_space<semaphore_mem>> -> memref<1x!tpu.dma_semaphore, #tpu.memory_space<semaphore_mem>>
    %dma_start3A_277 = tpu.memref_squeeze %dma_start3A_276 : memref<1x!tpu.dma_semaphore, #tpu.memory_space<semaphore_mem>> -> memref<!tpu.dma_semaphore, #tpu.memory_space<semaphore_mem>>
    tpu.enqueue_indirect_dma source(%dma_start3A_275 : memref<10000x128xf32, #tpu.memory_space<hbm>>) target(%dma_start3A_269 : memref<40x128xf32, #tpu.memory_space<vmem>>) offsets(%dma_start3A_272 : memref<40xi32, #tpu.memory_space<vmem>>) semaphore(%dma_start3A_277 : memref<!tpu.dma_semaphore, #tpu.memory_space<semaphore_mem>>)
    %dma_wait3A_278 = arith.constant 255 : i32
    %dma_wait3A_279 = arith.constant 3 : i32
    %dma_wait3A_280 = arith.constant 3 : i32
    %dma_wait3A_281 = arith.constant 0 : i32
    %dma_wait3A_282 = arith.constant 0 : i32
    %dma_wait3A_283 = tpu.memref_slice %arg6[%dma_wait3A_279, %dma_wait3A_281, %dma_wait3A_282] : memref<4x2x40xi32, #tpu.memory_space<vmem>> -> memref<1x2x40xi32, #tpu.memory_space<vmem>>
    %dma_wait3A_284 = tpu.memref_squeeze %dma_wait3A_283 : memref<1x2x40xi32, #tpu.memory_space<vmem>> -> memref<2x40xi32, #tpu.memory_space<vmem>>
    %dma_wait3A_285 = arith.constant 0 : i32
    %dma_wait3A_286 = arith.constant 0 : i32
    %dma_wait3A_287 = tpu.memref_slice %arg3[%add3A, %dma_wait3A_278, %dma_wait3A_285, %dma_wait3A_286] : memref<32x256x2x40xi32, #tpu.memory_space<hbm>> -> memref<1x1x2x40xi32, #tpu.memory_space<hbm>>
    %dma_wait3A_288 = tpu.memref_squeeze %dma_wait3A_287 : memref<1x1x2x40xi32, #tpu.memory_space<hbm>> -> memref<2x40xi32, #tpu.memory_space<hbm>>
    %dma_wait3A_289 = tpu.memref_slice %arg9[%dma_wait3A_280] : memref<4x!tpu.dma_semaphore, #tpu.memory_space<semaphore_mem>> -> memref<1x!tpu.dma_semaphore, #tpu.memory_space<semaphore_mem>>
    %dma_wait3A_290 = tpu.memref_squeeze %dma_wait3A_289 : memref<1x!tpu.dma_semaphore, #tpu.memory_space<semaphore_mem>> -> memref<!tpu.dma_semaphore, #tpu.memory_space<semaphore_mem>>
    %dma_wait3A_291 = arith.constant 0 : i32
    %dma_wait3A_292 = arith.constant 0 : i32
    %dma_wait3A_293 = tpu.memref_slice %arg6[%dma_wait3A_279, %dma_wait3A_291, %dma_wait3A_292] : memref<4x2x40xi32, #tpu.memory_space<vmem>> -> memref<1x2x40xi32, #tpu.memory_space<vmem>>
    %dma_wait3A_294 = tpu.memref_squeeze %dma_wait3A_293 : memref<1x2x40xi32, #tpu.memory_space<vmem>> -> memref<2x40xi32, #tpu.memory_space<vmem>>
    %dma_wait3A_295 = arith.constant 0 : i32
    %dma_wait3A_296 = arith.constant 0 : i32
    %dma_wait3A_297 = tpu.memref_slice %arg3[%add3A, %dma_wait3A_278, %dma_wait3A_295, %dma_wait3A_296] : memref<32x256x2x40xi32, #tpu.memory_space<hbm>> -> memref<1x1x2x40xi32, #tpu.memory_space<hbm>>
    %dma_wait3A_298 = tpu.memref_squeeze %dma_wait3A_297 : memref<1x1x2x40xi32, #tpu.memory_space<hbm>> -> memref<2x40xi32, #tpu.memory_space<hbm>>
    tpu.wait_dma2 semaphore(%dma_wait3A_290 : memref<!tpu.dma_semaphore, #tpu.memory_space<semaphore_mem>>) src(%dma_wait3A_298 : memref<2x40xi32, #tpu.memory_space<hbm>>) dst(%dma_wait3A_294 : memref<2x40xi32, #tpu.memory_space<vmem>>)
    %dma_start3A_299 = arith.constant 3 : i32
    %dma_start3A_300 = arith.constant 0 : i32
    %dma_start3A_301 = arith.constant 3 : i32
    %dma_start3A_302 = arith.constant 3 : i32
    %dma_start3A_303 = arith.constant 0 : i32
    %dma_start3A_304 = arith.constant 0 : i32
    %dma_start3A_305 = tpu.memref_slice %arg7[%dma_start3A_301, %dma_start3A_303, %dma_start3A_304] : memref<4x40x128xf32, #tpu.memory_space<vmem>> -> memref<1x40x128xf32, #tpu.memory_space<vmem>>
    %dma_start3A_306 = tpu.memref_squeeze %dma_start3A_305 : memref<1x40x128xf32, #tpu.memory_space<vmem>> -> memref<40x128xf32, #tpu.memory_space<vmem>>
    %dma_start3A_307 = arith.constant 0 : i32
    %dma_start3A_308 = tpu.memref_slice %arg6[%dma_start3A_299, %dma_start3A_300, %dma_start3A_307] : memref<4x2x40xi32, #tpu.memory_space<vmem>> -> memref<1x1x40xi32, #tpu.memory_space<vmem>>
    %dma_start3A_309 = tpu.memref_squeeze %dma_start3A_308 : memref<1x1x40xi32, #tpu.memory_space<vmem>> -> memref<40xi32, #tpu.memory_space<vmem>>
    %dma_start3A_310 = arith.constant 0 : i32
    %dma_start3A_311 = arith.constant 0 : i32
    %dma_start3A_312 = tpu.memref_slice %arg2[%dma_start3A_310, %dma_start3A_311] : memref<10000x128xf32, #tpu.memory_space<hbm>> -> memref<10000x128xf32, #tpu.memory_space<hbm>>
    %dma_start3A_313 = tpu.memref_slice %arg10[%dma_start3A_302] : memref<4x!tpu.dma_semaphore, #tpu.memory_space<semaphore_mem>> -> memref<1x!tpu.dma_semaphore, #tpu.memory_space<semaphore_mem>>
    %dma_start3A_314 = tpu.memref_squeeze %dma_start3A_313 : memref<1x!tpu.dma_semaphore, #tpu.memory_space<semaphore_mem>> -> memref<!tpu.dma_semaphore, #tpu.memory_space<semaphore_mem>>
    tpu.enqueue_indirect_dma source(%dma_start3A_312 : memref<10000x128xf32, #tpu.memory_space<hbm>>) target(%dma_start3A_306 : memref<40x128xf32, #tpu.memory_space<vmem>>) offsets(%dma_start3A_309 : memref<40xi32, #tpu.memory_space<vmem>>) semaphore(%dma_start3A_314 : memref<!tpu.dma_semaphore, #tpu.memory_space<semaphore_mem>>)
    %dma_wait3A_315 = arith.constant 0 : i32
    %dma_wait3A_316 = arith.constant 0 : i32
    %dma_wait3A_317 = arith.constant 1 : i32
    %dma_wait3A_318 = arith.constant 0 : i32
    %dma_wait3A_319 = arith.constant 0 : i32
    %dma_wait3A_320 = arith.constant 0 : i32
    %dma_wait3A_321 = tpu.memref_slice %arg7[%dma_wait3A_315, %dma_wait3A_319, %dma_wait3A_320] : memref<4x40x128xf32, #tpu.memory_space<vmem>> -> memref<1x40x128xf32, #tpu.memory_space<vmem>>
    %dma_wait3A_322 = tpu.memref_squeeze %dma_wait3A_321 : memref<1x40x128xf32, #tpu.memory_space<vmem>> -> memref<40x128xf32, #tpu.memory_space<vmem>>
    %dma_wait3A_323 = arith.constant 0 : i32
    %dma_wait3A_324 = tpu.memref_slice %arg6[%dma_wait3A_316, %dma_wait3A_317, %dma_wait3A_323] : memref<4x2x40xi32, #tpu.memory_space<vmem>> -> memref<1x1x40xi32, #tpu.memory_space<vmem>>
    %dma_wait3A_325 = tpu.memref_squeeze %dma_wait3A_324 : memref<1x1x40xi32, #tpu.memory_space<vmem>> -> memref<40xi32, #tpu.memory_space<vmem>>
    %dma_wait3A_326 = arith.constant 0 : i32
    %dma_wait3A_327 = arith.constant 0 : i32
    %dma_wait3A_328 = tpu.memref_slice %arg8[%dma_wait3A_326, %dma_wait3A_327] : memref<10008x128xf32, #tpu.memory_space<vmem_shared>> -> memref<10008x128xf32, #tpu.memory_space<vmem_shared>>
    %dma_wait3A_329 = tpu.memref_slice %arg11[%dma_wait3A_318] : memref<4x!tpu.dma_semaphore, #tpu.memory_space<semaphore_mem>> -> memref<1x!tpu.dma_semaphore, #tpu.memory_space<semaphore_mem>>
    %dma_wait3A_330 = tpu.memref_squeeze %dma_wait3A_329 : memref<1x!tpu.dma_semaphore, #tpu.memory_space<semaphore_mem>> -> memref<!tpu.dma_semaphore, #tpu.memory_space<semaphore_mem>>
    tpu.wait_indirect_dma semaphore(%dma_wait3A_330 : memref<!tpu.dma_semaphore, #tpu.memory_space<semaphore_mem>>) src(%dma_wait3A_322 : memref<40x128xf32, #tpu.memory_space<vmem>>) dst(%dma_wait3A_328 : memref<10008x128xf32, #tpu.memory_space<vmem_shared>>)
    %dma_wait3A_331 = arith.constant 1 : i32
    %dma_wait3A_332 = arith.constant 1 : i32
    %dma_wait3A_333 = arith.constant 1 : i32
    %dma_wait3A_334 = arith.constant 1 : i32
    %dma_wait3A_335 = arith.constant 0 : i32
    %dma_wait3A_336 = arith.constant 0 : i32
    %dma_wait3A_337 = tpu.memref_slice %arg7[%dma_wait3A_331, %dma_wait3A_335, %dma_wait3A_336] : memref<4x40x128xf32, #tpu.memory_space<vmem>> -> memref<1x40x128xf32, #tpu.memory_space<vmem>>
    %dma_wait3A_338 = tpu.memref_squeeze %dma_wait3A_337 : memref<1x40x128xf32, #tpu.memory_space<vmem>> -> memref<40x128xf32, #tpu.memory_space<vmem>>
    %dma_wait3A_339 = arith.constant 0 : i32
    %dma_wait3A_340 = tpu.memref_slice %arg6[%dma_wait3A_332, %dma_wait3A_333, %dma_wait3A_339] : memref<4x2x40xi32, #tpu.memory_space<vmem>> -> memref<1x1x40xi32, #tpu.memory_space<vmem>>
    %dma_wait3A_341 = tpu.memref_squeeze %dma_wait3A_340 : memref<1x1x40xi32, #tpu.memory_space<vmem>> -> memref<40xi32, #tpu.memory_space<vmem>>
    %dma_wait3A_342 = arith.constant 0 : i32
    %dma_wait3A_343 = arith.constant 0 : i32
    %dma_wait3A_344 = tpu.memref_slice %arg8[%dma_wait3A_342, %dma_wait3A_343] : memref<10008x128xf32, #tpu.memory_space<vmem_shared>> -> memref<10008x128xf32, #tpu.memory_space<vmem_shared>>
    %dma_wait3A_345 = tpu.memref_slice %arg11[%dma_wait3A_334] : memref<4x!tpu.dma_semaphore, #tpu.memory_space<semaphore_mem>> -> memref<1x!tpu.dma_semaphore, #tpu.memory_space<semaphore_mem>>
    %dma_wait3A_346 = tpu.memref_squeeze %dma_wait3A_345 : memref<1x!tpu.dma_semaphore, #tpu.memory_space<semaphore_mem>> -> memref<!tpu.dma_semaphore, #tpu.memory_space<semaphore_mem>>
    tpu.wait_indirect_dma semaphore(%dma_wait3A_346 : memref<!tpu.dma_semaphore, #tpu.memory_space<semaphore_mem>>) src(%dma_wait3A_338 : memref<40x128xf32, #tpu.memory_space<vmem>>) dst(%dma_wait3A_344 : memref<10008x128xf32, #tpu.memory_space<vmem_shared>>)
    %dma_wait3A_347 = arith.constant 2 : i32
    %dma_wait3A_348 = arith.constant 0 : i32
    %dma_wait3A_349 = arith.constant 2 : i32
    %dma_wait3A_350 = arith.constant 2 : i32
    %dma_wait3A_351 = arith.constant 0 : i32
    %dma_wait3A_352 = arith.constant 0 : i32
    %dma_wait3A_353 = tpu.memref_slice %arg7[%dma_wait3A_349, %dma_wait3A_351, %dma_wait3A_352] : memref<4x40x128xf32, #tpu.memory_space<vmem>> -> memref<1x40x128xf32, #tpu.memory_space<vmem>>
    %dma_wait3A_354 = tpu.memref_squeeze %dma_wait3A_353 : memref<1x40x128xf32, #tpu.memory_space<vmem>> -> memref<40x128xf32, #tpu.memory_space<vmem>>
    %dma_wait3A_355 = arith.constant 0 : i32
    %dma_wait3A_356 = tpu.memref_slice %arg6[%dma_wait3A_347, %dma_wait3A_348, %dma_wait3A_355] : memref<4x2x40xi32, #tpu.memory_space<vmem>> -> memref<1x1x40xi32, #tpu.memory_space<vmem>>
    %dma_wait3A_357 = tpu.memref_squeeze %dma_wait3A_356 : memref<1x1x40xi32, #tpu.memory_space<vmem>> -> memref<40xi32, #tpu.memory_space<vmem>>
    %dma_wait3A_358 = arith.constant 0 : i32
    %dma_wait3A_359 = arith.constant 0 : i32
    %dma_wait3A_360 = tpu.memref_slice %arg2[%dma_wait3A_358, %dma_wait3A_359] : memref<10000x128xf32, #tpu.memory_space<hbm>> -> memref<10000x128xf32, #tpu.memory_space<hbm>>
    %dma_wait3A_361 = tpu.memref_slice %arg10[%dma_wait3A_350] : memref<4x!tpu.dma_semaphore, #tpu.memory_space<semaphore_mem>> -> memref<1x!tpu.dma_semaphore, #tpu.memory_space<semaphore_mem>>
    %dma_wait3A_362 = tpu.memref_squeeze %dma_wait3A_361 : memref<1x!tpu.dma_semaphore, #tpu.memory_space<semaphore_mem>> -> memref<!tpu.dma_semaphore, #tpu.memory_space<semaphore_mem>>
    tpu.wait_indirect_dma semaphore(%dma_wait3A_362 : memref<!tpu.dma_semaphore, #tpu.memory_space<semaphore_mem>>) src(%dma_wait3A_360 : memref<10000x128xf32, #tpu.memory_space<hbm>>) dst(%dma_wait3A_354 : memref<40x128xf32, #tpu.memory_space<vmem>>)
    %dma_start3A_363 = arith.constant 2 : i32
    %dma_start3A_364 = arith.constant 2 : i32
    %dma_start3A_365 = arith.constant 1 : i32
    %dma_start3A_366 = arith.constant 2 : i32
    %dma_start3A_367 = arith.constant 0 : i32
    %dma_start3A_368 = arith.constant 0 : i32
    %dma_start3A_369 = tpu.memref_slice %arg7[%dma_start3A_363, %dma_start3A_367, %dma_start3A_368] : memref<4x40x128xf32, #tpu.memory_space<vmem>> -> memref<1x40x128xf32, #tpu.memory_space<vmem>>
    %dma_start3A_370 = tpu.memref_squeeze %dma_start3A_369 : memref<1x40x128xf32, #tpu.memory_space<vmem>> -> memref<40x128xf32, #tpu.memory_space<vmem>>
    %dma_start3A_371 = arith.constant 0 : i32
    %dma_start3A_372 = tpu.memref_slice %arg6[%dma_start3A_364, %dma_start3A_365, %dma_start3A_371] : memref<4x2x40xi32, #tpu.memory_space<vmem>> -> memref<1x1x40xi32, #tpu.memory_space<vmem>>
    %dma_start3A_373 = tpu.memref_squeeze %dma_start3A_372 : memref<1x1x40xi32, #tpu.memory_space<vmem>> -> memref<40xi32, #tpu.memory_space<vmem>>
    %dma_start3A_374 = arith.constant 0 : i32
    %dma_start3A_375 = arith.constant 0 : i32
    %dma_start3A_376 = tpu.memref_slice %arg8[%dma_start3A_374, %dma_start3A_375] : memref<10008x128xf32, #tpu.memory_space<vmem_shared>> -> memref<10008x128xf32, #tpu.memory_space<vmem_shared>>
    %dma_start3A_377 = tpu.memref_slice %arg11[%dma_start3A_366] : memref<4x!tpu.dma_semaphore, #tpu.memory_space<semaphore_mem>> -> memref<1x!tpu.dma_semaphore, #tpu.memory_space<semaphore_mem>>
    %dma_start3A_378 = tpu.memref_squeeze %dma_start3A_377 : memref<1x!tpu.dma_semaphore, #tpu.memory_space<semaphore_mem>> -> memref<!tpu.dma_semaphore, #tpu.memory_space<semaphore_mem>>
    tpu.enqueue_indirect_dma source(%dma_start3A_370 : memref<40x128xf32, #tpu.memory_space<vmem>>) target(%dma_start3A_376 : memref<10008x128xf32, #tpu.memory_space<vmem_shared>>) offsets(%dma_start3A_373 : memref<40xi32, #tpu.memory_space<vmem>>) semaphore(%dma_start3A_378 : memref<!tpu.dma_semaphore, #tpu.memory_space<semaphore_mem>>) {add = true}
    %dma_wait3A_379 = arith.constant 3 : i32
    %dma_wait3A_380 = arith.constant 0 : i32
    %dma_wait3A_381 = arith.constant 3 : i32
    %dma_wait3A_382 = arith.constant 3 : i32
    %dma_wait3A_383 = arith.constant 0 : i32
    %dma_wait3A_384 = arith.constant 0 : i32
    %dma_wait3A_385 = tpu.memref_slice %arg7[%dma_wait3A_381, %dma_wait3A_383, %dma_wait3A_384] : memref<4x40x128xf32, #tpu.memory_space<vmem>> -> memref<1x40x128xf32, #tpu.memory_space<vmem>>
    %dma_wait3A_386 = tpu.memref_squeeze %dma_wait3A_385 : memref<1x40x128xf32, #tpu.memory_space<vmem>> -> memref<40x128xf32, #tpu.memory_space<vmem>>
    %dma_wait3A_387 = arith.constant 0 : i32
    %dma_wait3A_388 = tpu.memref_slice %arg6[%dma_wait3A_379, %dma_wait3A_380, %dma_wait3A_387] : memref<4x2x40xi32, #tpu.memory_space<vmem>> -> memref<1x1x40xi32, #tpu.memory_space<vmem>>
    %dma_wait3A_389 = tpu.memref_squeeze %dma_wait3A_388 : memref<1x1x40xi32, #tpu.memory_space<vmem>> -> memref<40xi32, #tpu.memory_space<vmem>>
    %dma_wait3A_390 = arith.constant 0 : i32
    %dma_wait3A_391 = arith.constant 0 : i32
    %dma_wait3A_392 = tpu.memref_slice %arg2[%dma_wait3A_390, %dma_wait3A_391] : memref<10000x128xf32, #tpu.memory_space<hbm>> -> memref<10000x128xf32, #tpu.memory_space<hbm>>
    %dma_wait3A_393 = tpu.memref_slice %arg10[%dma_wait3A_382] : memref<4x!tpu.dma_semaphore, #tpu.memory_space<semaphore_mem>> -> memref<1x!tpu.dma_semaphore, #tpu.memory_space<semaphore_mem>>
    %dma_wait3A_394 = tpu.memref_squeeze %dma_wait3A_393 : memref<1x!tpu.dma_semaphore, #tpu.memory_space<semaphore_mem>> -> memref<!tpu.dma_semaphore, #tpu.memory_space<semaphore_mem>>
    tpu.wait_indirect_dma semaphore(%dma_wait3A_394 : memref<!tpu.dma_semaphore, #tpu.memory_space<semaphore_mem>>) src(%dma_wait3A_392 : memref<10000x128xf32, #tpu.memory_space<hbm>>) dst(%dma_wait3A_386 : memref<40x128xf32, #tpu.memory_space<vmem>>)
    %dma_start3A_395 = arith.constant 3 : i32
    %dma_start3A_396 = arith.constant 3 : i32
    %dma_start3A_397 = arith.constant 1 : i32
    %dma_start3A_398 = arith.constant 3 : i32
    %dma_start3A_399 = arith.constant 0 : i32
    %dma_start3A_400 = arith.constant 0 : i32
    %dma_start3A_401 = tpu.memref_slice %arg7[%dma_start3A_395, %dma_start3A_399, %dma_start3A_400] : memref<4x40x128xf32, #tpu.memory_space<vmem>> -> memref<1x40x128xf32, #tpu.memory_space<vmem>>
    %dma_start3A_402 = tpu.memref_squeeze %dma_start3A_401 : memref<1x40x128xf32, #tpu.memory_space<vmem>> -> memref<40x128xf32, #tpu.memory_space<vmem>>
    %dma_start3A_403 = arith.constant 0 : i32
    %dma_start3A_404 = tpu.memref_slice %arg6[%dma_start3A_396, %dma_start3A_397, %dma_start3A_403] : memref<4x2x40xi32, #tpu.memory_space<vmem>> -> memref<1x1x40xi32, #tpu.memory_space<vmem>>
    %dma_start3A_405 = tpu.memref_squeeze %dma_start3A_404 : memref<1x1x40xi32, #tpu.memory_space<vmem>> -> memref<40xi32, #tpu.memory_space<vmem>>
    %dma_start3A_406 = arith.constant 0 : i32
    %dma_start3A_407 = arith.constant 0 : i32
    %dma_start3A_408 = tpu.memref_slice %arg8[%dma_start3A_406, %dma_start3A_407] : memref<10008x128xf32, #tpu.memory_space<vmem_shared>> -> memref<10008x128xf32, #tpu.memory_space<vmem_shared>>
    %dma_start3A_409 = tpu.memref_slice %arg11[%dma_start3A_398] : memref<4x!tpu.dma_semaphore, #tpu.memory_space<semaphore_mem>> -> memref<1x!tpu.dma_semaphore, #tpu.memory_space<semaphore_mem>>
    %dma_start3A_410 = tpu.memref_squeeze %dma_start3A_409 : memref<1x!tpu.dma_semaphore, #tpu.memory_space<semaphore_mem>> -> memref<!tpu.dma_semaphore, #tpu.memory_space<semaphore_mem>>
    tpu.enqueue_indirect_dma source(%dma_start3A_402 : memref<40x128xf32, #tpu.memory_space<vmem>>) target(%dma_start3A_408 : memref<10008x128xf32, #tpu.memory_space<vmem_shared>>) offsets(%dma_start3A_405 : memref<40xi32, #tpu.memory_space<vmem>>) semaphore(%dma_start3A_410 : memref<!tpu.dma_semaphore, #tpu.memory_space<semaphore_mem>>) {add = true}
    %dma_wait3A_411 = arith.constant 2 : i32
    %dma_wait3A_412 = arith.constant 2 : i32
    %dma_wait3A_413 = arith.constant 1 : i32
    %dma_wait3A_414 = arith.constant 2 : i32
    %dma_wait3A_415 = arith.constant 0 : i32
    %dma_wait3A_416 = arith.constant 0 : i32
    %dma_wait3A_417 = tpu.memref_slice %arg7[%dma_wait3A_411, %dma_wait3A_415, %dma_wait3A_416] : memref<4x40x128xf32, #tpu.memory_space<vmem>> -> memref<1x40x128xf32, #tpu.memory_space<vmem>>
    %dma_wait3A_418 = tpu.memref_squeeze %dma_wait3A_417 : memref<1x40x128xf32, #tpu.memory_space<vmem>> -> memref<40x128xf32, #tpu.memory_space<vmem>>
    %dma_wait3A_419 = arith.constant 0 : i32
    %dma_wait3A_420 = tpu.memref_slice %arg6[%dma_wait3A_412, %dma_wait3A_413, %dma_wait3A_419] : memref<4x2x40xi32, #tpu.memory_space<vmem>> -> memref<1x1x40xi32, #tpu.memory_space<vmem>>
    %dma_wait3A_421 = tpu.memref_squeeze %dma_wait3A_420 : memref<1x1x40xi32, #tpu.memory_space<vmem>> -> memref<40xi32, #tpu.memory_space<vmem>>
    %dma_wait3A_422 = arith.constant 0 : i32
    %dma_wait3A_423 = arith.constant 0 : i32
    %dma_wait3A_424 = tpu.memref_slice %arg8[%dma_wait3A_422, %dma_wait3A_423] : memref<10008x128xf32, #tpu.memory_space<vmem_shared>> -> memref<10008x128xf32, #tpu.memory_space<vmem_shared>>
    %dma_wait3A_425 = tpu.memref_slice %arg11[%dma_wait3A_414] : memref<4x!tpu.dma_semaphore, #tpu.memory_space<semaphore_mem>> -> memref<1x!tpu.dma_semaphore, #tpu.memory_space<semaphore_mem>>
    %dma_wait3A_426 = tpu.memref_squeeze %dma_wait3A_425 : memref<1x!tpu.dma_semaphore, #tpu.memory_space<semaphore_mem>> -> memref<!tpu.dma_semaphore, #tpu.memory_space<semaphore_mem>>
    tpu.wait_indirect_dma semaphore(%dma_wait3A_426 : memref<!tpu.dma_semaphore, #tpu.memory_space<semaphore_mem>>) src(%dma_wait3A_418 : memref<40x128xf32, #tpu.memory_space<vmem>>) dst(%dma_wait3A_424 : memref<10008x128xf32, #tpu.memory_space<vmem_shared>>)
    %dma_wait3A_427 = arith.constant 3 : i32
    %dma_wait3A_428 = arith.constant 3 : i32
    %dma_wait3A_429 = arith.constant 1 : i32
    %dma_wait3A_430 = arith.constant 3 : i32
    %dma_wait3A_431 = arith.constant 0 : i32
    %dma_wait3A_432 = arith.constant 0 : i32
    %dma_wait3A_433 = tpu.memref_slice %arg7[%dma_wait3A_427, %dma_wait3A_431, %dma_wait3A_432] : memref<4x40x128xf32, #tpu.memory_space<vmem>> -> memref<1x40x128xf32, #tpu.memory_space<vmem>>
    %dma_wait3A_434 = tpu.memref_squeeze %dma_wait3A_433 : memref<1x40x128xf32, #tpu.memory_space<vmem>> -> memref<40x128xf32, #tpu.memory_space<vmem>>
    %dma_wait3A_435 = arith.constant 0 : i32
    %dma_wait3A_436 = tpu.memref_slice %arg6[%dma_wait3A_428, %dma_wait3A_429, %dma_wait3A_435] : memref<4x2x40xi32, #tpu.memory_space<vmem>> -> memref<1x1x40xi32, #tpu.memory_space<vmem>>
    %dma_wait3A_437 = tpu.memref_squeeze %dma_wait3A_436 : memref<1x1x40xi32, #tpu.memory_space<vmem>> -> memref<40xi32, #tpu.memory_space<vmem>>
    %dma_wait3A_438 = arith.constant 0 : i32
    %dma_wait3A_439 = arith.constant 0 : i32
    %dma_wait3A_440 = tpu.memref_slice %arg8[%dma_wait3A_438, %dma_wait3A_439] : memref<10008x128xf32, #tpu.memory_space<vmem_shared>> -> memref<10008x128xf32, #tpu.memory_space<vmem_shared>>
    %dma_wait3A_441 = tpu.memref_slice %arg11[%dma_wait3A_430] : memref<4x!tpu.dma_semaphore, #tpu.memory_space<semaphore_mem>> -> memref<1x!tpu.dma_semaphore, #tpu.memory_space<semaphore_mem>>
    %dma_wait3A_442 = tpu.memref_squeeze %dma_wait3A_441 : memref<1x!tpu.dma_semaphore, #tpu.memory_space<semaphore_mem>> -> memref<!tpu.dma_semaphore, #tpu.memory_space<semaphore_mem>>
    tpu.wait_indirect_dma semaphore(%dma_wait3A_442 : memref<!tpu.dma_semaphore, #tpu.memory_space<semaphore_mem>>) src(%dma_wait3A_434 : memref<40x128xf32, #tpu.memory_space<vmem>>) dst(%dma_wait3A_440 : memref<10008x128xf32, #tpu.memory_space<vmem_shared>>)
    %barrier3A_443 = arith.constant 0 : index
    tpu.barrier barrier_id(%barrier3A_443)
    %mul3A_444 = arith.constant 624 : i32
    %mul3A_445 = arith.muli %arg1, %mul3A_444 : i32
    %mul3A_446 = arith.constant 624 : i32
    %mul3A_447 = arith.muli %arg1, %mul3A_446 : i32
    "tpu.region"() ({
      %run_scoped3A = tpu.sem_alloc : memref<!tpu.dma_semaphore, #tpu.memory_space<semaphore_mem>>
      %dma_start3A_453 = arith.constant 0 : i32
      %dma_start3A_454 = tpu.memref_slice %arg5[%arg0, %mul3A_447, %dma_start3A_453] : memref<2x10000x128xf32, #tpu.memory_space<hbm>> -> memref<1x624x128xf32, #tpu.memory_space<hbm>>
      %dma_start3A_455 = tpu.memref_squeeze %dma_start3A_454 : memref<1x624x128xf32, #tpu.memory_space<hbm>> -> memref<624x128xf32, #tpu.memory_space<hbm>>
      %dma_start3A_456 = arith.constant 0 : i32
      %dma_start3A_457 = tpu.memref_slice %arg8[%mul3A_445, %dma_start3A_456] : memref<10008x128xf32, #tpu.memory_space<vmem_shared>> -> memref<624x128xf32, #tpu.memory_space<vmem_shared>>
      tpu.enqueue_dma source(%dma_start3A_457 : memref<624x128xf32, #tpu.memory_space<vmem_shared>>) target(%dma_start3A_455 : memref<624x128xf32, #tpu.memory_space<hbm>>) target_semaphore(%run_scoped3A : memref<!tpu.dma_semaphore, #tpu.memory_space<semaphore_mem>>)
      %dma_wait3A_458 = arith.constant 0 : i32
      %dma_wait3A_459 = tpu.memref_slice %arg5[%arg0, %mul3A_447, %dma_wait3A_458] : memref<2x10000x128xf32, #tpu.memory_space<hbm>> -> memref<1x624x128xf32, #tpu.memory_space<hbm>>
      %dma_wait3A_460 = tpu.memref_squeeze %dma_wait3A_459 : memref<1x624x128xf32, #tpu.memory_space<hbm>> -> memref<624x128xf32, #tpu.memory_space<hbm>>
      %dma_wait3A_461 = arith.constant 0 : i32
      %dma_wait3A_462 = tpu.memref_slice %arg8[%mul3A_445, %dma_wait3A_461] : memref<10008x128xf32, #tpu.memory_space<vmem_shared>> -> memref<624x128xf32, #tpu.memory_space<vmem_shared>>
      tpu.wait_dma2 semaphore(%run_scoped3A : memref<!tpu.dma_semaphore, #tpu.memory_space<semaphore_mem>>) src(%dma_wait3A_462 : memref<624x128xf32, #tpu.memory_space<vmem_shared>>) dst(%dma_wait3A_460 : memref<624x128xf32, #tpu.memory_space<hbm>>)
      tpu.yield
    }) : () -> ()
    %eq3A_448 = arith.constant 15 : i32
    %eq3A_449 = arith.cmpi eq, %arg1, %eq3A_448 : i32
    %convert_element_type3A_450 = arith.extui %eq3A_449 : i1 to i32
    %cond3A_451 = arith.constant 0 : i32
    %cond3A_452 = arith.cmpi ne, %convert_element_type3A_450, %cond3A_451 : i32
    scf.if %cond3A_452 {
      "tpu.region"() ({
        %run_scoped3A = tpu.sem_alloc : memref<!tpu.dma_semaphore, #tpu.memory_space<semaphore_mem>>
        %dma_start3A_453 = arith.constant 9984 : i32
        %dma_start3A_454 = arith.constant 0 : i32
        %dma_start3A_455 = tpu.memref_slice %arg5[%arg0, %dma_start3A_453, %dma_start3A_454] : memref<2x10000x128xf32, #tpu.memory_space<hbm>> -> memref<1x16x128xf32, #tpu.memory_space<hbm>>
        %dma_start3A_456 = tpu.memref_squeeze %dma_start3A_455 : memref<1x16x128xf32, #tpu.memory_space<hbm>> -> memref<16x128xf32, #tpu.memory_space<hbm>>
        %dma_start3A_457 = arith.constant 9984 : i32
        %dma_start3A_458 = arith.constant 0 : i32
        %dma_start3A_459 = tpu.memref_slice %arg8[%dma_start3A_457, %dma_start3A_458] : memref<10008x128xf32, #tpu.memory_space<vmem_shared>> -> memref<16x128xf32, #tpu.memory_space<vmem_shared>>
        tpu.enqueue_dma source(%dma_start3A_459 : memref<16x128xf32, #tpu.memory_space<vmem_shared>>) target(%dma_start3A_456 : memref<16x128xf32, #tpu.memory_space<hbm>>) target_semaphore(%run_scoped3A : memref<!tpu.dma_semaphore, #tpu.memory_space<semaphore_mem>>)
        %dma_wait3A_460 = arith.constant 9984 : i32
        %dma_wait3A_461 = arith.constant 0 : i32
        %dma_wait3A_462 = tpu.memref_slice %arg5[%arg0, %dma_wait3A_460, %dma_wait3A_461] : memref<2x10000x128xf32, #tpu.memory_space<hbm>> -> memref<1x16x128xf32, #tpu.memory_space<hbm>>
        %dma_wait3A_463 = tpu.memref_squeeze %dma_wait3A_462 : memref<1x16x128xf32, #tpu.memory_space<hbm>> -> memref<16x128xf32, #tpu.memory_space<hbm>>
        %dma_wait3A_464 = arith.constant 9984 : i32
        %dma_wait3A_465 = arith.constant 0 : i32
        %dma_wait3A_466 = tpu.memref_slice %arg8[%dma_wait3A_464, %dma_wait3A_465] : memref<10008x128xf32, #tpu.memory_space<vmem_shared>> -> memref<16x128xf32, #tpu.memory_space<vmem_shared>>
        tpu.wait_dma2 semaphore(%run_scoped3A : memref<!tpu.dma_semaphore, #tpu.memory_space<semaphore_mem>>) src(%dma_wait3A_466 : memref<16x128xf32, #tpu.memory_space<vmem_shared>>) dst(%dma_wait3A_463 : memref<16x128xf32, #tpu.memory_space<hbm>>)
        tpu.yield
      }) : () -> ()
    } else {
    }
    return
  }
}

#map = affine_map<(d0, d1) -> (0, 0, 0)>
#map1 = affine_map<(d0, d1) -> (0, 0)>
module attributes {stable_mosaic.version = 14 : i64} {
  func.func @deg_kernel(%arg0: i32, %arg1: i32, %arg2: memref<32x256x40xi32, #tpu.memory_space<hbm>>, %arg3: memref<2x10240xf32, #tpu.memory_space<hbm>>, %arg4: memref<640xf32, #tpu.memory_space<vmem>>, %arg5: memref<40xf32, #tpu.memory_space<vmem>>, %arg6: memref<256x40xi32, #tpu.memory_space<vmem>>, %arg7: memref<10240xf32, #tpu.memory_space<vmem_shared>>, %arg8: memref<4x!tpu.dma_semaphore, #tpu.memory_space<semaphore_mem>>) attributes {dimension_semantics = [#tpu.dimension_semantics<core_parallel>, #tpu.dimension_semantics<subcore_parallel>], iteration_bounds = array<i64: 2, 16>, scalar_prefetch = 0 : i64, scratch_operands = 5 : i64, tpu.core_type = #tpu.core_type<sc_vector_subcore>, window_params = [{transform_indices = #map}, {transform_indices = #map1}]} {
    %mul3A = arith.constant 16 : i32
    %mul3A_0 = arith.muli %arg0, %mul3A : i32
    %add3A = arith.addi %mul3A_0, %arg1 : i32
    "tpu.region"() ({
      %run_scoped3A = tpu.sem_alloc : memref<!tpu.dma_semaphore, #tpu.memory_space<semaphore_mem>>
      %dma_start3A = arith.constant 0 : i32
      %dma_start3A_37 = arith.constant 0 : i32
      %dma_start3A_38 = tpu.memref_slice %arg2[%add3A, %dma_start3A, %dma_start3A_37] : memref<32x256x40xi32, #tpu.memory_space<hbm>> -> memref<1x256x40xi32, #tpu.memory_space<hbm>>
      %dma_start3A_39 = tpu.memref_squeeze %dma_start3A_38 : memref<1x256x40xi32, #tpu.memory_space<hbm>> -> memref<256x40xi32, #tpu.memory_space<hbm>>
      %dma_start3A_40 = arith.constant 0 : i32
      %dma_start3A_41 = arith.constant 0 : i32
      %dma_start3A_42 = tpu.memref_slice %arg2[%add3A, %dma_start3A_40, %dma_start3A_41] : memref<32x256x40xi32, #tpu.memory_space<hbm>> -> memref<1x256x40xi32, #tpu.memory_space<hbm>>
      %dma_start3A_43 = tpu.memref_squeeze %dma_start3A_42 : memref<1x256x40xi32, #tpu.memory_space<hbm>> -> memref<256x40xi32, #tpu.memory_space<hbm>>
      tpu.enqueue_dma source(%dma_start3A_43 : memref<256x40xi32, #tpu.memory_space<hbm>>) target(%arg6 : memref<256x40xi32, #tpu.memory_space<vmem>>) target_semaphore(%run_scoped3A : memref<!tpu.dma_semaphore, #tpu.memory_space<semaphore_mem>>)
      %dma_wait3A = arith.constant 0 : i32
      %dma_wait3A_44 = arith.constant 0 : i32
      %dma_wait3A_45 = tpu.memref_slice %arg2[%add3A, %dma_wait3A, %dma_wait3A_44] : memref<32x256x40xi32, #tpu.memory_space<hbm>> -> memref<1x256x40xi32, #tpu.memory_space<hbm>>
      %dma_wait3A_46 = tpu.memref_squeeze %dma_wait3A_45 : memref<1x256x40xi32, #tpu.memory_space<hbm>> -> memref<256x40xi32, #tpu.memory_space<hbm>>
      %dma_wait3A_47 = arith.constant 0 : i32
      %dma_wait3A_48 = arith.constant 0 : i32
      %dma_wait3A_49 = tpu.memref_slice %arg2[%add3A, %dma_wait3A_47, %dma_wait3A_48] : memref<32x256x40xi32, #tpu.memory_space<hbm>> -> memref<1x256x40xi32, #tpu.memory_space<hbm>>
      %dma_wait3A_50 = tpu.memref_squeeze %dma_wait3A_49 : memref<1x256x40xi32, #tpu.memory_space<hbm>> -> memref<256x40xi32, #tpu.memory_space<hbm>>
      tpu.wait_dma2 semaphore(%run_scoped3A : memref<!tpu.dma_semaphore, #tpu.memory_space<semaphore_mem>>) src(%dma_wait3A_50 : memref<256x40xi32, #tpu.memory_space<hbm>>) dst(%arg6 : memref<256x40xi32, #tpu.memory_space<vmem>>)
      tpu.yield
    }) : () -> ()
    %scan3A = arith.constant 0 : i32
    %scan3A_1 = arith.constant 0 : i32
    %scan3A_2 = arith.constant 40 : i32
    %scan3A_3 = arith.addi %scan3A_1, %scan3A_2 : i32
    %scan3A_4 = arith.constant 1 : i32
    %scan3A_5 = scf.for %scan3A_37 = %scan3A_1 to %scan3A_3 step %scan3A_4 iter_args(%scan3A_38 = %scan3A) -> (i32)  : i32 {
      %broadcast_in_dim3A_39 = arith.constant 0.000000e+00 : f32
      %broadcast_in_dim3A_40 = vector.broadcast %broadcast_in_dim3A_39 : f32 to vector<16xf32>
      %mul3A_41 = arith.constant 16 : i32
      %mul3A_42 = arith.muli %scan3A_37, %mul3A_41 : i32
      %swap3A_43 = arith.index_cast %mul3A_42 : i32 to index
      %swap3A_44 = tpu.vector_load %arg4[%swap3A_43] {strides = array<i32>} : memref<640xf32, #tpu.memory_space<vmem>>, vector<16xf32>,
      %swap3A_45 = vector.shape_cast %swap3A_44 : vector<16xf32> to vector<16xf32>
      %swap3A_46 = vector.shape_cast %broadcast_in_dim3A_40 : vector<16xf32> to vector<16xf32>
      tpu.vector_store %arg4[%swap3A_43], %swap3A_46 {strides = array<i32>} : memref<640xf32, #tpu.memory_space<vmem>>, vector<16xf32>,
      %scan3A_47 = arith.constant 0 : i32
      scf.yield %scan3A_47 : i32
    }
    %scan3A_6 = arith.constant 40 : i32
    %broadcast_in_dim3A = arith.constant 1.000000e+00 : f32
    %broadcast_in_dim3A_7 = vector.broadcast %broadcast_in_dim3A : f32 to vector<16xf32>
    %swap3A = arith.constant 0 : index
    %swap3A_8 = tpu.vector_load %arg5[%swap3A] {strides = array<i32>} : memref<40xf32, #tpu.memory_space<vmem>>, vector<16xf32>,
    %swap3A_9 = vector.shape_cast %swap3A_8 : vector<16xf32> to vector<16xf32>
    %swap3A_10 = vector.shape_cast %broadcast_in_dim3A_7 : vector<16xf32> to vector<16xf32>
    tpu.vector_store %arg5[%swap3A], %swap3A_10 {strides = array<i32>} : memref<40xf32, #tpu.memory_space<vmem>>, vector<16xf32>,
    %broadcast_in_dim3A_11 = arith.constant 1.000000e+00 : f32
    %broadcast_in_dim3A_12 = vector.broadcast %broadcast_in_dim3A_11 : f32 to vector<16xf32>
    %swap3A_13 = arith.constant 16 : index
    %swap3A_14 = tpu.vector_load %arg5[%swap3A_13] {strides = array<i32>} : memref<40xf32, #tpu.memory_space<vmem>>, vector<16xf32>,
    %swap3A_15 = vector.shape_cast %swap3A_14 : vector<16xf32> to vector<16xf32>
    %swap3A_16 = vector.shape_cast %broadcast_in_dim3A_12 : vector<16xf32> to vector<16xf32>
    tpu.vector_store %arg5[%swap3A_13], %swap3A_16 {strides = array<i32>} : memref<40xf32, #tpu.memory_space<vmem>>, vector<16xf32>,
    %broadcast_in_dim3A_17 = arith.constant 1.000000e+00 : f32
    %broadcast_in_dim3A_18 = vector.broadcast %broadcast_in_dim3A_17 : f32 to vector<16xf32>
    %swap3A_19 = arith.constant 24 : index
    %swap3A_20 = tpu.vector_load %arg5[%swap3A_19] {strides = array<i32>} : memref<40xf32, #tpu.memory_space<vmem>>, vector<16xf32>,
    %swap3A_21 = vector.shape_cast %swap3A_20 : vector<16xf32> to vector<16xf32>
    %swap3A_22 = vector.shape_cast %broadcast_in_dim3A_18 : vector<16xf32> to vector<16xf32>
    tpu.vector_store %arg5[%swap3A_19], %swap3A_22 {strides = array<i32>} : memref<40xf32, #tpu.memory_space<vmem>>, vector<16xf32>,
    %mul3A_23 = arith.constant 640 : i32
    %mul3A_24 = arith.muli %arg1, %mul3A_23 : i32
    "tpu.region"() ({
      %run_scoped3A = tpu.sem_alloc : memref<!tpu.dma_semaphore, #tpu.memory_space<semaphore_mem>>
      %dma_start3A = tpu.memref_slice %arg7[%mul3A_24] : memref<10240xf32, #tpu.memory_space<vmem_shared>> -> memref<640xf32, #tpu.memory_space<vmem_shared>>
      %dma_start3A_37 = tpu.memref_slice %arg7[%mul3A_24] : memref<10240xf32, #tpu.memory_space<vmem_shared>> -> memref<640xf32, #tpu.memory_space<vmem_shared>>
      tpu.enqueue_dma source(%arg4 : memref<640xf32, #tpu.memory_space<vmem>>) target(%dma_start3A_37 : memref<640xf32, #tpu.memory_space<vmem_shared>>) target_semaphore(%run_scoped3A : memref<!tpu.dma_semaphore, #tpu.memory_space<semaphore_mem>>)
      %dma_wait3A = tpu.memref_slice %arg7[%mul3A_24] : memref<10240xf32, #tpu.memory_space<vmem_shared>> -> memref<640xf32, #tpu.memory_space<vmem_shared>>
      %dma_wait3A_38 = tpu.memref_slice %arg7[%mul3A_24] : memref<10240xf32, #tpu.memory_space<vmem_shared>> -> memref<640xf32, #tpu.memory_space<vmem_shared>>
      tpu.wait_dma2 semaphore(%run_scoped3A : memref<!tpu.dma_semaphore, #tpu.memory_space<semaphore_mem>>) src(%arg4 : memref<640xf32, #tpu.memory_space<vmem>>) dst(%dma_wait3A_38 : memref<640xf32, #tpu.memory_space<vmem_shared>>)
      tpu.yield
    }) : () -> ()
    %barrier3A = arith.constant 0 : index
    tpu.barrier barrier_id(%barrier3A)
    %scan3A_25 = arith.constant 0 : i32
    %scan3A_26 = arith.constant 0 : i32
    %scan3A_27 = arith.constant 64 : i32
    %scan3A_28 = arith.addi %scan3A_26, %scan3A_27 : i32
    %scan3A_29 = arith.constant 1 : i32
    %scan3A_30 = scf.for %scan3A_37 = %scan3A_26 to %scan3A_28 step %scan3A_29 iter_args(%scan3A_38 = %scan3A_25) -> (i32)  : i32 {
      %mul3A_39 = arith.constant 4 : i32
      %mul3A_40 = arith.muli %scan3A_37, %mul3A_39 : i32
      %add3A_41 = arith.constant 0 : i32
      %add3A_42 = arith.addi %mul3A_40, %add3A_41 : i32
      %dma_start3A = arith.constant 0 : i32
      %dma_start3A_43 = arith.constant 0 : i32
      %dma_start3A_44 = tpu.memref_slice %arg6[%add3A_42, %dma_start3A_43] : memref<256x40xi32, #tpu.memory_space<vmem>> -> memref<1x40xi32, #tpu.memory_space<vmem>>
      %dma_start3A_45 = tpu.memref_squeeze %dma_start3A_44 : memref<1x40xi32, #tpu.memory_space<vmem>> -> memref<40xi32, #tpu.memory_space<vmem>>
      %dma_start3A_46 = arith.constant 0 : i32
      %dma_start3A_47 = tpu.memref_slice %arg7[%dma_start3A_46] : memref<10240xf32, #tpu.memory_space<vmem_shared>> -> memref<10240xf32, #tpu.memory_space<vmem_shared>>
      %dma_start3A_48 = tpu.memref_slice %arg8[%dma_start3A] : memref<4x!tpu.dma_semaphore, #tpu.memory_space<semaphore_mem>> -> memref<1x!tpu.dma_semaphore, #tpu.memory_space<semaphore_mem>>
      %dma_start3A_49 = tpu.memref_squeeze %dma_start3A_48 : memref<1x!tpu.dma_semaphore, #tpu.memory_space<semaphore_mem>> -> memref<!tpu.dma_semaphore, #tpu.memory_space<semaphore_mem>>
      tpu.enqueue_indirect_dma source(%arg5 : memref<40xf32, #tpu.memory_space<vmem>>) target(%dma_start3A_47 : memref<10240xf32, #tpu.memory_space<vmem_shared>>) offsets(%dma_start3A_45 : memref<40xi32, #tpu.memory_space<vmem>>) semaphore(%dma_start3A_49 : memref<!tpu.dma_semaphore, #tpu.memory_space<semaphore_mem>>) {add = true}
      %add3A_50 = arith.constant 1 : i32
      %add3A_51 = arith.addi %mul3A_40, %add3A_50 : i32
      %dma_start3A_52 = arith.constant 1 : i32
      %dma_start3A_53 = arith.constant 0 : i32
      %dma_start3A_54 = tpu.memref_slice %arg6[%add3A_51, %dma_start3A_53] : memref<256x40xi32, #tpu.memory_space<vmem>> -> memref<1x40xi32, #tpu.memory_space<vmem>>
      %dma_start3A_55 = tpu.memref_squeeze %dma_start3A_54 : memref<1x40xi32, #tpu.memory_space<vmem>> -> memref<40xi32, #tpu.memory_space<vmem>>
      %dma_start3A_56 = arith.constant 0 : i32
      %dma_start3A_57 = tpu.memref_slice %arg7[%dma_start3A_56] : memref<10240xf32, #tpu.memory_space<vmem_shared>> -> memref<10240xf32, #tpu.memory_space<vmem_shared>>
      %dma_start3A_58 = tpu.memref_slice %arg8[%dma_start3A_52] : memref<4x!tpu.dma_semaphore, #tpu.memory_space<semaphore_mem>> -> memref<1x!tpu.dma_semaphore, #tpu.memory_space<semaphore_mem>>
      %dma_start3A_59 = tpu.memref_squeeze %dma_start3A_58 : memref<1x!tpu.dma_semaphore, #tpu.memory_space<semaphore_mem>> -> memref<!tpu.dma_semaphore, #tpu.memory_space<semaphore_mem>>
      tpu.enqueue_indirect_dma source(%arg5 : memref<40xf32, #tpu.memory_space<vmem>>) target(%dma_start3A_57 : memref<10240xf32, #tpu.memory_space<vmem_shared>>) offsets(%dma_start3A_55 : memref<40xi32, #tpu.memory_space<vmem>>) semaphore(%dma_start3A_59 : memref<!tpu.dma_semaphore, #tpu.memory_space<semaphore_mem>>) {add = true}
      %add3A_60 = arith.constant 2 : i32
      %add3A_61 = arith.addi %mul3A_40, %add3A_60 : i32
      %dma_start3A_62 = arith.constant 2 : i32
      %dma_start3A_63 = arith.constant 0 : i32
      %dma_start3A_64 = tpu.memref_slice %arg6[%add3A_61, %dma_start3A_63] : memref<256x40xi32, #tpu.memory_space<vmem>> -> memref<1x40xi32, #tpu.memory_space<vmem>>
      %dma_start3A_65 = tpu.memref_squeeze %dma_start3A_64 : memref<1x40xi32, #tpu.memory_space<vmem>> -> memref<40xi32, #tpu.memory_space<vmem>>
      %dma_start3A_66 = arith.constant 0 : i32
      %dma_start3A_67 = tpu.memref_slice %arg7[%dma_start3A_66] : memref<10240xf32, #tpu.memory_space<vmem_shared>> -> memref<10240xf32, #tpu.memory_space<vmem_shared>>
      %dma_start3A_68 = tpu.memref_slice %arg8[%dma_start3A_62] : memref<4x!tpu.dma_semaphore, #tpu.memory_space<semaphore_mem>> -> memref<1x!tpu.dma_semaphore, #tpu.memory_space<semaphore_mem>>
      %dma_start3A_69 = tpu.memref_squeeze %dma_start3A_68 : memref<1x!tpu.dma_semaphore, #tpu.memory_space<semaphore_mem>> -> memref<!tpu.dma_semaphore, #tpu.memory_space<semaphore_mem>>
      tpu.enqueue_indirect_dma source(%arg5 : memref<40xf32, #tpu.memory_space<vmem>>) target(%dma_start3A_67 : memref<10240xf32, #tpu.memory_space<vmem_shared>>) offsets(%dma_start3A_65 : memref<40xi32, #tpu.memory_space<vmem>>) semaphore(%dma_start3A_69 : memref<!tpu.dma_semaphore, #tpu.memory_space<semaphore_mem>>) {add = true}
      %add3A_70 = arith.constant 3 : i32
      %add3A_71 = arith.addi %mul3A_40, %add3A_70 : i32
      %dma_start3A_72 = arith.constant 3 : i32
      %dma_start3A_73 = arith.constant 0 : i32
      %dma_start3A_74 = tpu.memref_slice %arg6[%add3A_71, %dma_start3A_73] : memref<256x40xi32, #tpu.memory_space<vmem>> -> memref<1x40xi32, #tpu.memory_space<vmem>>
      %dma_start3A_75 = tpu.memref_squeeze %dma_start3A_74 : memref<1x40xi32, #tpu.memory_space<vmem>> -> memref<40xi32, #tpu.memory_space<vmem>>
      %dma_start3A_76 = arith.constant 0 : i32
      %dma_start3A_77 = tpu.memref_slice %arg7[%dma_start3A_76] : memref<10240xf32, #tpu.memory_space<vmem_shared>> -> memref<10240xf32, #tpu.memory_space<vmem_shared>>
      %dma_start3A_78 = tpu.memref_slice %arg8[%dma_start3A_72] : memref<4x!tpu.dma_semaphore, #tpu.memory_space<semaphore_mem>> -> memref<1x!tpu.dma_semaphore, #tpu.memory_space<semaphore_mem>>
      %dma_start3A_79 = tpu.memref_squeeze %dma_start3A_78 : memref<1x!tpu.dma_semaphore, #tpu.memory_space<semaphore_mem>> -> memref<!tpu.dma_semaphore, #tpu.memory_space<semaphore_mem>>
      tpu.enqueue_indirect_dma source(%arg5 : memref<40xf32, #tpu.memory_space<vmem>>) target(%dma_start3A_77 : memref<10240xf32, #tpu.memory_space<vmem_shared>>) offsets(%dma_start3A_75 : memref<40xi32, #tpu.memory_space<vmem>>) semaphore(%dma_start3A_79 : memref<!tpu.dma_semaphore, #tpu.memory_space<semaphore_mem>>) {add = true}
      %add3A_80 = arith.constant 0 : i32
      %add3A_81 = arith.addi %mul3A_40, %add3A_80 : i32
      %dma_wait3A = arith.constant 0 : i32
      %dma_wait3A_82 = arith.constant 0 : i32
      %dma_wait3A_83 = tpu.memref_slice %arg6[%add3A_81, %dma_wait3A_82] : memref<256x40xi32, #tpu.memory_space<vmem>> -> memref<1x40xi32, #tpu.memory_space<vmem>>
      %dma_wait3A_84 = tpu.memref_squeeze %dma_wait3A_83 : memref<1x40xi32, #tpu.memory_space<vmem>> -> memref<40xi32, #tpu.memory_space<vmem>>
      %dma_wait3A_85 = arith.constant 0 : i32
      %dma_wait3A_86 = tpu.memref_slice %arg7[%dma_wait3A_85] : memref<10240xf32, #tpu.memory_space<vmem_shared>> -> memref<10240xf32, #tpu.memory_space<vmem_shared>>
      %dma_wait3A_87 = tpu.memref_slice %arg8[%dma_wait3A] : memref<4x!tpu.dma_semaphore, #tpu.memory_space<semaphore_mem>> -> memref<1x!tpu.dma_semaphore, #tpu.memory_space<semaphore_mem>>
      %dma_wait3A_88 = tpu.memref_squeeze %dma_wait3A_87 : memref<1x!tpu.dma_semaphore, #tpu.memory_space<semaphore_mem>> -> memref<!tpu.dma_semaphore, #tpu.memory_space<semaphore_mem>>
      tpu.wait_indirect_dma semaphore(%dma_wait3A_88 : memref<!tpu.dma_semaphore, #tpu.memory_space<semaphore_mem>>) src(%arg5 : memref<40xf32, #tpu.memory_space<vmem>>) dst(%dma_wait3A_86 : memref<10240xf32, #tpu.memory_space<vmem_shared>>)
      %add3A_89 = arith.constant 1 : i32
      %add3A_90 = arith.addi %mul3A_40, %add3A_89 : i32
      %dma_wait3A_91 = arith.constant 1 : i32
      %dma_wait3A_92 = arith.constant 0 : i32
      %dma_wait3A_93 = tpu.memref_slice %arg6[%add3A_90, %dma_wait3A_92] : memref<256x40xi32, #tpu.memory_space<vmem>> -> memref<1x40xi32, #tpu.memory_space<vmem>>
      %dma_wait3A_94 = tpu.memref_squeeze %dma_wait3A_93 : memref<1x40xi32, #tpu.memory_space<vmem>> -> memref<40xi32, #tpu.memory_space<vmem>>
      %dma_wait3A_95 = arith.constant 0 : i32
      %dma_wait3A_96 = tpu.memref_slice %arg7[%dma_wait3A_95] : memref<10240xf32, #tpu.memory_space<vmem_shared>> -> memref<10240xf32, #tpu.memory_space<vmem_shared>>
      %dma_wait3A_97 = tpu.memref_slice %arg8[%dma_wait3A_91] : memref<4x!tpu.dma_semaphore, #tpu.memory_space<semaphore_mem>> -> memref<1x!tpu.dma_semaphore, #tpu.memory_space<semaphore_mem>>
      %dma_wait3A_98 = tpu.memref_squeeze %dma_wait3A_97 : memref<1x!tpu.dma_semaphore, #tpu.memory_space<semaphore_mem>> -> memref<!tpu.dma_semaphore, #tpu.memory_space<semaphore_mem>>
      tpu.wait_indirect_dma semaphore(%dma_wait3A_98 : memref<!tpu.dma_semaphore, #tpu.memory_space<semaphore_mem>>) src(%arg5 : memref<40xf32, #tpu.memory_space<vmem>>) dst(%dma_wait3A_96 : memref<10240xf32, #tpu.memory_space<vmem_shared>>)
      %add3A_99 = arith.constant 2 : i32
      %add3A_100 = arith.addi %mul3A_40, %add3A_99 : i32
      %dma_wait3A_101 = arith.constant 2 : i32
      %dma_wait3A_102 = arith.constant 0 : i32
      %dma_wait3A_103 = tpu.memref_slice %arg6[%add3A_100, %dma_wait3A_102] : memref<256x40xi32, #tpu.memory_space<vmem>> -> memref<1x40xi32, #tpu.memory_space<vmem>>
      %dma_wait3A_104 = tpu.memref_squeeze %dma_wait3A_103 : memref<1x40xi32, #tpu.memory_space<vmem>> -> memref<40xi32, #tpu.memory_space<vmem>>
      %dma_wait3A_105 = arith.constant 0 : i32
      %dma_wait3A_106 = tpu.memref_slice %arg7[%dma_wait3A_105] : memref<10240xf32, #tpu.memory_space<vmem_shared>> -> memref<10240xf32, #tpu.memory_space<vmem_shared>>
      %dma_wait3A_107 = tpu.memref_slice %arg8[%dma_wait3A_101] : memref<4x!tpu.dma_semaphore, #tpu.memory_space<semaphore_mem>> -> memref<1x!tpu.dma_semaphore, #tpu.memory_space<semaphore_mem>>
      %dma_wait3A_108 = tpu.memref_squeeze %dma_wait3A_107 : memref<1x!tpu.dma_semaphore, #tpu.memory_space<semaphore_mem>> -> memref<!tpu.dma_semaphore, #tpu.memory_space<semaphore_mem>>
      tpu.wait_indirect_dma semaphore(%dma_wait3A_108 : memref<!tpu.dma_semaphore, #tpu.memory_space<semaphore_mem>>) src(%arg5 : memref<40xf32, #tpu.memory_space<vmem>>) dst(%dma_wait3A_106 : memref<10240xf32, #tpu.memory_space<vmem_shared>>)
      %add3A_109 = arith.constant 3 : i32
      %add3A_110 = arith.addi %mul3A_40, %add3A_109 : i32
      %dma_wait3A_111 = arith.constant 3 : i32
      %dma_wait3A_112 = arith.constant 0 : i32
      %dma_wait3A_113 = tpu.memref_slice %arg6[%add3A_110, %dma_wait3A_112] : memref<256x40xi32, #tpu.memory_space<vmem>> -> memref<1x40xi32, #tpu.memory_space<vmem>>
      %dma_wait3A_114 = tpu.memref_squeeze %dma_wait3A_113 : memref<1x40xi32, #tpu.memory_space<vmem>> -> memref<40xi32, #tpu.memory_space<vmem>>
      %dma_wait3A_115 = arith.constant 0 : i32
      %dma_wait3A_116 = tpu.memref_slice %arg7[%dma_wait3A_115] : memref<10240xf32, #tpu.memory_space<vmem_shared>> -> memref<10240xf32, #tpu.memory_space<vmem_shared>>
      %dma_wait3A_117 = tpu.memref_slice %arg8[%dma_wait3A_111] : memref<4x!tpu.dma_semaphore, #tpu.memory_space<semaphore_mem>> -> memref<1x!tpu.dma_semaphore, #tpu.memory_space<semaphore_mem>>
      %dma_wait3A_118 = tpu.memref_squeeze %dma_wait3A_117 : memref<1x!tpu.dma_semaphore, #tpu.memory_space<semaphore_mem>> -> memref<!tpu.dma_semaphore, #tpu.memory_space<semaphore_mem>>
      tpu.wait_indirect_dma semaphore(%dma_wait3A_118 : memref<!tpu.dma_semaphore, #tpu.memory_space<semaphore_mem>>) src(%arg5 : memref<40xf32, #tpu.memory_space<vmem>>) dst(%dma_wait3A_116 : memref<10240xf32, #tpu.memory_space<vmem_shared>>)
      %scan3A_119 = arith.constant 0 : i32
      scf.yield %scan3A_119 : i32
    }
    %scan3A_31 = arith.constant 64 : i32
    %barrier3A_32 = arith.constant 0 : index
    tpu.barrier barrier_id(%barrier3A_32)
    %mul3A_33 = arith.constant 640 : i32
    %mul3A_34 = arith.muli %arg1, %mul3A_33 : i32
    %mul3A_35 = arith.constant 640 : i32
    %mul3A_36 = arith.muli %arg1, %mul3A_35 : i32
    "tpu.region"() ({
      %run_scoped3A = tpu.sem_alloc : memref<!tpu.dma_semaphore, #tpu.memory_space<semaphore_mem>>
      %dma_start3A = tpu.memref_slice %arg3[%arg0, %mul3A_36] : memref<2x10240xf32, #tpu.memory_space<hbm>> -> memref<1x640xf32, #tpu.memory_space<hbm>>
      %dma_start3A_37 = tpu.memref_squeeze %dma_start3A : memref<1x640xf32, #tpu.memory_space<hbm>> -> memref<640xf32, #tpu.memory_space<hbm>>
      %dma_start3A_38 = tpu.memref_slice %arg7[%mul3A_34] : memref<10240xf32, #tpu.memory_space<vmem_shared>> -> memref<640xf32, #tpu.memory_space<vmem_shared>>
      tpu.enqueue_dma source(%dma_start3A_38 : memref<640xf32, #tpu.memory_space<vmem_shared>>) target(%dma_start3A_37 : memref<640xf32, #tpu.memory_space<hbm>>) target_semaphore(%run_scoped3A : memref<!tpu.dma_semaphore, #tpu.memory_space<semaphore_mem>>)
      %dma_wait3A = tpu.memref_slice %arg3[%arg0, %mul3A_36] : memref<2x10240xf32, #tpu.memory_space<hbm>> -> memref<1x640xf32, #tpu.memory_space<hbm>>
      %dma_wait3A_39 = tpu.memref_squeeze %dma_wait3A : memref<1x640xf32, #tpu.memory_space<hbm>> -> memref<640xf32, #tpu.memory_space<hbm>>
      %dma_wait3A_40 = tpu.memref_slice %arg7[%mul3A_34] : memref<10240xf32, #tpu.memory_space<vmem_shared>> -> memref<640xf32, #tpu.memory_space<vmem_shared>>
      tpu.wait_dma2 semaphore(%run_scoped3A : memref<!tpu.dma_semaphore, #tpu.memory_space<semaphore_mem>>) src(%dma_wait3A_40 : memref<640xf32, #tpu.memory_space<vmem_shared>>) dst(%dma_wait3A_39 : memref<640xf32, #tpu.memory_space<hbm>>)
      tpu.yield
    }) : () -> ()
    return
  }
}

#map = affine_map<(d0, d1) -> (0, 0)>
#map1 = affine_map<(d0, d1) -> (0, 0, 0, 0)>
#map2 = affine_map<(d0, d1) -> (0, 0, 0)>
module attributes {stable_mosaic.version = 14 : i64} {
  func.func @agg_kernel(%arg0: i32, %arg1: i32, %arg2: memref<10000x128xf32, #tpu.memory_space<hbm>>, %arg3: memref<32x256x2x40xi32, #tpu.memory_space<hbm>>, %arg4: memref<208x128xf32, #tpu.memory_space<hbm>>, %arg5: memref<2x10000x128xf32, #tpu.memory_space<hbm>>, %arg6: memref<4x2x40xi32, #tpu.memory_space<vmem>>, %arg7: memref<4x40x128xf32, #tpu.memory_space<vmem>>, %arg8: memref<10008x128xf32, #tpu.memory_space<vmem_shared>>, %arg9: memref<4x!tpu.dma_semaphore, #tpu.memory_space<semaphore_mem>>, %arg10: memref<4x!tpu.dma_semaphore, #tpu.memory_space<semaphore_mem>>, %arg11: memref<4x!tpu.dma_semaphore, #tpu.memory_space<semaphore_mem>>) attributes {dimension_semantics = [#tpu.dimension_semantics<core_parallel>, #tpu.dimension_semantics<subcore_parallel>], iteration_bounds = array<i64: 2, 16>, scalar_prefetch = 0 : i64, scratch_operands = 6 : i64, tpu.core_type = #tpu.core_type<sc_vector_subcore>, window_params = [{transform_indices = #map}, {transform_indices = #map1}, {transform_indices = #map}, {transform_indices = #map2}]} {
    %mul3A = arith.constant 16 : i32
    %mul3A_0 = arith.muli %arg0, %mul3A : i32
    %add3A = arith.addi %mul3A_0, %arg1 : i32
    %mul3A_1 = arith.constant 624 : i32
    %mul3A_2 = arith.muli %arg1, %mul3A_1 : i32
    %add3A_3 = arith.constant 0 : i32
    %add3A_4 = arith.addi %mul3A_2, %add3A_3 : i32
    "tpu.region"() ({
      %run_scoped3A = tpu.sem_alloc : memref<!tpu.dma_semaphore, #tpu.memory_space<semaphore_mem>>
      %dma_start3A_453 = arith.constant 0 : i32
      %dma_start3A_454 = tpu.memref_slice %arg8[%add3A_4, %dma_start3A_453] : memref<10008x128xf32, #tpu.memory_space<vmem_shared>> -> memref<208x128xf32, #tpu.memory_space<vmem_shared>>
      tpu.enqueue_dma source(%arg4 : memref<208x128xf32, #tpu.memory_space<hbm>>) target(%dma_start3A_454 : memref<208x128xf32, #tpu.memory_space<vmem_shared>>) target_semaphore(%run_scoped3A : memref<!tpu.dma_semaphore, #tpu.memory_space<semaphore_mem>>)
      %dma_wait3A_455 = arith.constant 0 : i32
      %dma_wait3A_456 = tpu.memref_slice %arg8[%add3A_4, %dma_wait3A_455] : memref<10008x128xf32, #tpu.memory_space<vmem_shared>> -> memref<208x128xf32, #tpu.memory_space<vmem_shared>>
      tpu.wait_dma2 semaphore(%run_scoped3A : memref<!tpu.dma_semaphore, #tpu.memory_space<semaphore_mem>>) src(%arg4 : memref<208x128xf32, #tpu.memory_space<hbm>>) dst(%dma_wait3A_456 : memref<208x128xf32, #tpu.memory_space<vmem_shared>>)
      tpu.yield
    }) : () -> ()
    %mul3A_5 = arith.constant 624 : i32
    %mul3A_6 = arith.muli %arg1, %mul3A_5 : i32
    %add3A_7 = arith.constant 208 : i32
    %add3A_8 = arith.addi %mul3A_6, %add3A_7 : i32
    "tpu.region"() ({
      %run_scoped3A = tpu.sem_alloc : memref<!tpu.dma_semaphore, #tpu.memory_space<semaphore_mem>>
      %dma_start3A_453 = arith.constant 0 : i32
      %dma_start3A_454 = tpu.memref_slice %arg8[%add3A_8, %dma_start3A_453] : memref<10008x128xf32, #tpu.memory_space<vmem_shared>> -> memref<208x128xf32, #tpu.memory_space<vmem_shared>>
      tpu.enqueue_dma source(%arg4 : memref<208x128xf32, #tpu.memory_space<hbm>>) target(%dma_start3A_454 : memref<208x128xf32, #tpu.memory_space<vmem_shared>>) target_semaphore(%run_scoped3A : memref<!tpu.dma_semaphore, #tpu.memory_space<semaphore_mem>>)
      %dma_wait3A_455 = arith.constant 0 : i32
      %dma_wait3A_456 = tpu.memref_slice %arg8[%add3A_8, %dma_wait3A_455] : memref<10008x128xf32, #tpu.memory_space<vmem_shared>> -> memref<208x128xf32, #tpu.memory_space<vmem_shared>>
      tpu.wait_dma2 semaphore(%run_scoped3A : memref<!tpu.dma_semaphore, #tpu.memory_space<semaphore_mem>>) src(%arg4 : memref<208x128xf32, #tpu.memory_space<hbm>>) dst(%dma_wait3A_456 : memref<208x128xf32, #tpu.memory_space<vmem_shared>>)
      tpu.yield
    }) : () -> ()
    %mul3A_9 = arith.constant 624 : i32
    %mul3A_10 = arith.muli %arg1, %mul3A_9 : i32
    %add3A_11 = arith.constant 416 : i32
    %add3A_12 = arith.addi %mul3A_10, %add3A_11 : i32
    "tpu.region"() ({
      %run_scoped3A = tpu.sem_alloc : memref<!tpu.dma_semaphore, #tpu.memory_space<semaphore_mem>>
      %dma_start3A_453 = arith.constant 0 : i32
      %dma_start3A_454 = tpu.memref_slice %arg8[%add3A_12, %dma_start3A_453] : memref<10008x128xf32, #tpu.memory_space<vmem_shared>> -> memref<208x128xf32, #tpu.memory_space<vmem_shared>>
      tpu.enqueue_dma source(%arg4 : memref<208x128xf32, #tpu.memory_space<hbm>>) target(%dma_start3A_454 : memref<208x128xf32, #tpu.memory_space<vmem_shared>>) target_semaphore(%run_scoped3A : memref<!tpu.dma_semaphore, #tpu.memory_space<semaphore_mem>>)
      %dma_wait3A_455 = arith.constant 0 : i32
      %dma_wait3A_456 = tpu.memref_slice %arg8[%add3A_12, %dma_wait3A_455] : memref<10008x128xf32, #tpu.memory_space<vmem_shared>> -> memref<208x128xf32, #tpu.memory_space<vmem_shared>>
      tpu.wait_dma2 semaphore(%run_scoped3A : memref<!tpu.dma_semaphore, #tpu.memory_space<semaphore_mem>>) src(%arg4 : memref<208x128xf32, #tpu.memory_space<hbm>>) dst(%dma_wait3A_456 : memref<208x128xf32, #tpu.memory_space<vmem_shared>>)
      tpu.yield
    }) : () -> ()
    %eq3A = arith.constant 15 : i32
    %eq3A_13 = arith.cmpi eq, %arg1, %eq3A : i32
    %convert_element_type3A = arith.extui %eq3A_13 : i1 to i32
    %cond3A = arith.constant 0 : i32
    %cond3A_14 = arith.cmpi ne, %convert_element_type3A, %cond3A : i32
    scf.if %cond3A_14 {
      "tpu.region"() ({
        %run_scoped3A = tpu.sem_alloc : memref<!tpu.dma_semaphore, #tpu.memory_space<semaphore_mem>>
        %dma_start3A_453 = arith.constant 9984 : i32
        %dma_start3A_454 = arith.constant 0 : i32
        %dma_start3A_455 = tpu.memref_slice %arg8[%dma_start3A_453, %dma_start3A_454] : memref<10008x128xf32, #tpu.memory_space<vmem_shared>> -> memref<16x128xf32, #tpu.memory_space<vmem_shared>>
        %dma_start3A_456 = arith.constant 0 : i32
        %dma_start3A_457 = arith.constant 0 : i32
        %dma_start3A_458 = tpu.memref_slice %arg4[%dma_start3A_456, %dma_start3A_457] : memref<208x128xf32, #tpu.memory_space<hbm>> -> memref<16x128xf32, #tpu.memory_space<hbm>>
        tpu.enqueue_dma source(%dma_start3A_458 : memref<16x128xf32, #tpu.memory_space<hbm>>) target(%dma_start3A_455 : memref<16x128xf32, #tpu.memory_space<vmem_shared>>) target_semaphore(%run_scoped3A : memref<!tpu.dma_semaphore, #tpu.memory_space<semaphore_mem>>)
        %dma_wait3A_459 = arith.constant 9984 : i32
        %dma_wait3A_460 = arith.constant 0 : i32
        %dma_wait3A_461 = tpu.memref_slice %arg8[%dma_wait3A_459, %dma_wait3A_460] : memref<10008x128xf32, #tpu.memory_space<vmem_shared>> -> memref<16x128xf32, #tpu.memory_space<vmem_shared>>
        %dma_wait3A_462 = arith.constant 0 : i32
        %dma_wait3A_463 = arith.constant 0 : i32
        %dma_wait3A_464 = tpu.memref_slice %arg4[%dma_wait3A_462, %dma_wait3A_463] : memref<208x128xf32, #tpu.memory_space<hbm>> -> memref<16x128xf32, #tpu.memory_space<hbm>>
        tpu.wait_dma2 semaphore(%run_scoped3A : memref<!tpu.dma_semaphore, #tpu.memory_space<semaphore_mem>>) src(%dma_wait3A_464 : memref<16x128xf32, #tpu.memory_space<hbm>>) dst(%dma_wait3A_461 : memref<16x128xf32, #tpu.memory_space<vmem_shared>>)
        tpu.yield
      }) : () -> ()
    } else {
    }
    %barrier3A = arith.constant 0 : index
    tpu.barrier barrier_id(%barrier3A)
    %dma_start3A = arith.constant 0 : i32
    %dma_start3A_15 = arith.constant 0 : i32
    %dma_start3A_16 = arith.constant 0 : i32
    %dma_start3A_17 = arith.constant 0 : i32
    %dma_start3A_18 = arith.constant 0 : i32
    %dma_start3A_19 = tpu.memref_slice %arg6[%dma_start3A_15, %dma_start3A_17, %dma_start3A_18] : memref<4x2x40xi32, #tpu.memory_space<vmem>> -> memref<1x2x40xi32, #tpu.memory_space<vmem>>
    %dma_start3A_20 = tpu.memref_squeeze %dma_start3A_19 : memref<1x2x40xi32, #tpu.memory_space<vmem>> -> memref<2x40xi32, #tpu.memory_space<vmem>>
    %dma_start3A_21 = arith.constant 0 : i32
    %dma_start3A_22 = arith.constant 0 : i32
    %dma_start3A_23 = tpu.memref_slice %arg3[%add3A, %dma_start3A, %dma_start3A_21, %dma_start3A_22] : memref<32x256x2x40xi32, #tpu.memory_space<hbm>> -> memref<1x1x2x40xi32, #tpu.memory_space<hbm>>
    %dma_start3A_24 = tpu.memref_squeeze %dma_start3A_23 : memref<1x1x2x40xi32, #tpu.memory_space<hbm>> -> memref<2x40xi32, #tpu.memory_space<hbm>>
    %dma_start3A_25 = tpu.memref_slice %arg9[%dma_start3A_16] : memref<4x!tpu.dma_semaphore, #tpu.memory_space<semaphore_mem>> -> memref<1x!tpu.dma_semaphore, #tpu.memory_space<semaphore_mem>>
    %dma_start3A_26 = tpu.memref_squeeze %dma_start3A_25 : memref<1x!tpu.dma_semaphore, #tpu.memory_space<semaphore_mem>> -> memref<!tpu.dma_semaphore, #tpu.memory_space<semaphore_mem>>
    %dma_start3A_27 = arith.constant 0 : i32
    %dma_start3A_28 = arith.constant 0 : i32
    %dma_start3A_29 = tpu.memref_slice %arg6[%dma_start3A_15, %dma_start3A_27, %dma_start3A_28] : memref<4x2x40xi32, #tpu.memory_space<vmem>> -> memref<1x2x40xi32, #tpu.memory_space<vmem>>
    %dma_start3A_30 = tpu.memref_squeeze %dma_start3A_29 : memref<1x2x40xi32, #tpu.memory_space<vmem>> -> memref<2x40xi32, #tpu.memory_space<vmem>>
    %dma_start3A_31 = arith.constant 0 : i32
    %dma_start3A_32 = arith.constant 0 : i32
    %dma_start3A_33 = tpu.memref_slice %arg3[%add3A, %dma_start3A, %dma_start3A_31, %dma_start3A_32] : memref<32x256x2x40xi32, #tpu.memory_space<hbm>> -> memref<1x1x2x40xi32, #tpu.memory_space<hbm>>
    %dma_start3A_34 = tpu.memref_squeeze %dma_start3A_33 : memref<1x1x2x40xi32, #tpu.memory_space<hbm>> -> memref<2x40xi32, #tpu.memory_space<hbm>>
    tpu.enqueue_dma source(%dma_start3A_34 : memref<2x40xi32, #tpu.memory_space<hbm>>) target(%dma_start3A_30 : memref<2x40xi32, #tpu.memory_space<vmem>>) target_semaphore(%dma_start3A_26 : memref<!tpu.dma_semaphore, #tpu.memory_space<semaphore_mem>>)
    %dma_start3A_35 = arith.constant 1 : i32
    %dma_start3A_36 = arith.constant 1 : i32
    %dma_start3A_37 = arith.constant 1 : i32
    %dma_start3A_38 = arith.constant 0 : i32
    %dma_start3A_39 = arith.constant 0 : i32
    %dma_start3A_40 = tpu.memref_slice %arg6[%dma_start3A_36, %dma_start3A_38, %dma_start3A_39] : memref<4x2x40xi32, #tpu.memory_space<vmem>> -> memref<1x2x40xi32, #tpu.memory_space<vmem>>
    %dma_start3A_41 = tpu.memref_squeeze %dma_start3A_40 : memref<1x2x40xi32, #tpu.memory_space<vmem>> -> memref<2x40xi32, #tpu.memory_space<vmem>>
    %dma_start3A_42 = arith.constant 0 : i32
    %dma_start3A_43 = arith.constant 0 : i32
    %dma_start3A_44 = tpu.memref_slice %arg3[%add3A, %dma_start3A_35, %dma_start3A_42, %dma_start3A_43] : memref<32x256x2x40xi32, #tpu.memory_space<hbm>> -> memref<1x1x2x40xi32, #tpu.memory_space<hbm>>
    %dma_start3A_45 = tpu.memref_squeeze %dma_start3A_44 : memref<1x1x2x40xi32, #tpu.memory_space<hbm>> -> memref<2x40xi32, #tpu.memory_space<hbm>>
    %dma_start3A_46 = tpu.memref_slice %arg9[%dma_start3A_37] : memref<4x!tpu.dma_semaphore, #tpu.memory_space<semaphore_mem>> -> memref<1x!tpu.dma_semaphore, #tpu.memory_space<semaphore_mem>>
    %dma_start3A_47 = tpu.memref_squeeze %dma_start3A_46 : memref<1x!tpu.dma_semaphore, #tpu.memory_space<semaphore_mem>> -> memref<!tpu.dma_semaphore, #tpu.memory_space<semaphore_mem>>
    %dma_start3A_48 = arith.constant 0 : i32
    %dma_start3A_49 = arith.constant 0 : i32
    %dma_start3A_50 = tpu.memref_slice %arg6[%dma_start3A_36, %dma_start3A_48, %dma_start3A_49] : memref<4x2x40xi32, #tpu.memory_space<vmem>> -> memref<1x2x40xi32, #tpu.memory_space<vmem>>
    %dma_start3A_51 = tpu.memref_squeeze %dma_start3A_50 : memref<1x2x40xi32, #tpu.memory_space<vmem>> -> memref<2x40xi32, #tpu.memory_space<vmem>>
    %dma_start3A_52 = arith.constant 0 : i32
    %dma_start3A_53 = arith.constant 0 : i32
    %dma_start3A_54 = tpu.memref_slice %arg3[%add3A, %dma_start3A_35, %dma_start3A_52, %dma_start3A_53] : memref<32x256x2x40xi32, #tpu.memory_space<hbm>> -> memref<1x1x2x40xi32, #tpu.memory_space<hbm>>
    %dma_start3A_55 = tpu.memref_squeeze %dma_start3A_54 : memref<1x1x2x40xi32, #tpu.memory_space<hbm>> -> memref<2x40xi32, #tpu.memory_space<hbm>>
    tpu.enqueue_dma source(%dma_start3A_55 : memref<2x40xi32, #tpu.memory_space<hbm>>) target(%dma_start3A_51 : memref<2x40xi32, #tpu.memory_space<vmem>>) target_semaphore(%dma_start3A_47 : memref<!tpu.dma_semaphore, #tpu.memory_space<semaphore_mem>>)
    %dma_wait3A = arith.constant 0 : i32
    %dma_wait3A_56 = arith.constant 0 : i32
    %dma_wait3A_57 = arith.constant 0 : i32
    %dma_wait3A_58 = arith.constant 0 : i32
    %dma_wait3A_59 = arith.constant 0 : i32
    %dma_wait3A_60 = tpu.memref_slice %arg6[%dma_wait3A_56, %dma_wait3A_58, %dma_wait3A_59] : memref<4x2x40xi32, #tpu.memory_space<vmem>> -> memref<1x2x40xi32, #tpu.memory_space<vmem>>
    %dma_wait3A_61 = tpu.memref_squeeze %dma_wait3A_60 : memref<1x2x40xi32, #tpu.memory_space<vmem>> -> memref<2x40xi32, #tpu.memory_space<vmem>>
    %dma_wait3A_62 = arith.constant 0 : i32
    %dma_wait3A_63 = arith.constant 0 : i32
    %dma_wait3A_64 = tpu.memref_slice %arg3[%add3A, %dma_wait3A, %dma_wait3A_62, %dma_wait3A_63] : memref<32x256x2x40xi32, #tpu.memory_space<hbm>> -> memref<1x1x2x40xi32, #tpu.memory_space<hbm>>
    %dma_wait3A_65 = tpu.memref_squeeze %dma_wait3A_64 : memref<1x1x2x40xi32, #tpu.memory_space<hbm>> -> memref<2x40xi32, #tpu.memory_space<hbm>>
    %dma_wait3A_66 = tpu.memref_slice %arg9[%dma_wait3A_57] : memref<4x!tpu.dma_semaphore, #tpu.memory_space<semaphore_mem>> -> memref<1x!tpu.dma_semaphore, #tpu.memory_space<semaphore_mem>>
    %dma_wait3A_67 = tpu.memref_squeeze %dma_wait3A_66 : memref<1x!tpu.dma_semaphore, #tpu.memory_space<semaphore_mem>> -> memref<!tpu.dma_semaphore, #tpu.memory_space<semaphore_mem>>
    %dma_wait3A_68 = arith.constant 0 : i32
    %dma_wait3A_69 = arith.constant 0 : i32
    %dma_wait3A_70 = tpu.memref_slice %arg6[%dma_wait3A_56, %dma_wait3A_68, %dma_wait3A_69] : memref<4x2x40xi32, #tpu.memory_space<vmem>> -> memref<1x2x40xi32, #tpu.memory_space<vmem>>
    %dma_wait3A_71 = tpu.memref_squeeze %dma_wait3A_70 : memref<1x2x40xi32, #tpu.memory_space<vmem>> -> memref<2x40xi32, #tpu.memory_space<vmem>>
    %dma_wait3A_72 = arith.constant 0 : i32
    %dma_wait3A_73 = arith.constant 0 : i32
    %dma_wait3A_74 = tpu.memref_slice %arg3[%add3A, %dma_wait3A, %dma_wait3A_72, %dma_wait3A_73] : memref<32x256x2x40xi32, #tpu.memory_space<hbm>> -> memref<1x1x2x40xi32, #tpu.memory_space<hbm>>
    %dma_wait3A_75 = tpu.memref_squeeze %dma_wait3A_74 : memref<1x1x2x40xi32, #tpu.memory_space<hbm>> -> memref<2x40xi32, #tpu.memory_space<hbm>>
    tpu.wait_dma2 semaphore(%dma_wait3A_67 : memref<!tpu.dma_semaphore, #tpu.memory_space<semaphore_mem>>) src(%dma_wait3A_75 : memref<2x40xi32, #tpu.memory_space<hbm>>) dst(%dma_wait3A_71 : memref<2x40xi32, #tpu.memory_space<vmem>>)
    %dma_start3A_76 = arith.constant 0 : i32
    %dma_start3A_77 = arith.constant 0 : i32
    %dma_start3A_78 = arith.constant 0 : i32
    %dma_start3A_79 = arith.constant 0 : i32
    %dma_start3A_80 = arith.constant 0 : i32
    %dma_start3A_81 = arith.constant 0 : i32
    %dma_start3A_82 = tpu.memref_slice %arg7[%dma_start3A_78, %dma_start3A_80, %dma_start3A_81] : memref<4x40x128xf32, #tpu.memory_space<vmem>> -> memref<1x40x128xf32, #tpu.memory_space<vmem>>
    %dma_start3A_83 = tpu.memref_squeeze %dma_start3A_82 : memref<1x40x128xf32, #tpu.memory_space<vmem>> -> memref<40x128xf32, #tpu.memory_space<vmem>>
    %dma_start3A_84 = arith.constant 0 : i32
    %dma_start3A_85 = tpu.memref_slice %arg6[%dma_start3A_76, %dma_start3A_77, %dma_start3A_84] : memref<4x2x40xi32, #tpu.memory_space<vmem>> -> memref<1x1x40xi32, #tpu.memory_space<vmem>>
    %dma_start3A_86 = tpu.memref_squeeze %dma_start3A_85 : memref<1x1x40xi32, #tpu.memory_space<vmem>> -> memref<40xi32, #tpu.memory_space<vmem>>
    %dma_start3A_87 = arith.constant 0 : i32
    %dma_start3A_88 = arith.constant 0 : i32
    %dma_start3A_89 = tpu.memref_slice %arg2[%dma_start3A_87, %dma_start3A_88] : memref<10000x128xf32, #tpu.memory_space<hbm>> -> memref<10000x128xf32, #tpu.memory_space<hbm>>
    %dma_start3A_90 = tpu.memref_slice %arg10[%dma_start3A_79] : memref<4x!tpu.dma_semaphore, #tpu.memory_space<semaphore_mem>> -> memref<1x!tpu.dma_semaphore, #tpu.memory_space<semaphore_mem>>
    %dma_start3A_91 = tpu.memref_squeeze %dma_start3A_90 : memref<1x!tpu.dma_semaphore, #tpu.memory_space<semaphore_mem>> -> memref<!tpu.dma_semaphore, #tpu.memory_space<semaphore_mem>>
    tpu.enqueue_indirect_dma source(%dma_start3A_89 : memref<10000x128xf32, #tpu.memory_space<hbm>>) target(%dma_start3A_83 : memref<40x128xf32, #tpu.memory_space<vmem>>) offsets(%dma_start3A_86 : memref<40xi32, #tpu.memory_space<vmem>>) semaphore(%dma_start3A_91 : memref<!tpu.dma_semaphore, #tpu.memory_space<semaphore_mem>>)
    %dma_wait3A_92 = arith.constant 1 : i32
    %dma_wait3A_93 = arith.constant 1 : i32
    %dma_wait3A_94 = arith.constant 1 : i32
    %dma_wait3A_95 = arith.constant 0 : i32
    %dma_wait3A_96 = arith.constant 0 : i32
    %dma_wait3A_97 = tpu.memref_slice %arg6[%dma_wait3A_93, %dma_wait3A_95, %dma_wait3A_96] : memref<4x2x40xi32, #tpu.memory_space<vmem>> -> memref<1x2x40xi32, #tpu.memory_space<vmem>>
    %dma_wait3A_98 = tpu.memref_squeeze %dma_wait3A_97 : memref<1x2x40xi32, #tpu.memory_space<vmem>> -> memref<2x40xi32, #tpu.memory_space<vmem>>
    %dma_wait3A_99 = arith.constant 0 : i32
    %dma_wait3A_100 = arith.constant 0 : i32
    %dma_wait3A_101 = tpu.memref_slice %arg3[%add3A, %dma_wait3A_92, %dma_wait3A_99, %dma_wait3A_100] : memref<32x256x2x40xi32, #tpu.memory_space<hbm>> -> memref<1x1x2x40xi32, #tpu.memory_space<hbm>>
    %dma_wait3A_102 = tpu.memref_squeeze %dma_wait3A_101 : memref<1x1x2x40xi32, #tpu.memory_space<hbm>> -> memref<2x40xi32, #tpu.memory_space<hbm>>
    %dma_wait3A_103 = tpu.memref_slice %arg9[%dma_wait3A_94] : memref<4x!tpu.dma_semaphore, #tpu.memory_space<semaphore_mem>> -> memref<1x!tpu.dma_semaphore, #tpu.memory_space<semaphore_mem>>
    %dma_wait3A_104 = tpu.memref_squeeze %dma_wait3A_103 : memref<1x!tpu.dma_semaphore, #tpu.memory_space<semaphore_mem>> -> memref<!tpu.dma_semaphore, #tpu.memory_space<semaphore_mem>>
    %dma_wait3A_105 = arith.constant 0 : i32
    %dma_wait3A_106 = arith.constant 0 : i32
    %dma_wait3A_107 = tpu.memref_slice %arg6[%dma_wait3A_93, %dma_wait3A_105, %dma_wait3A_106] : memref<4x2x40xi32, #tpu.memory_space<vmem>> -> memref<1x2x40xi32, #tpu.memory_space<vmem>>
    %dma_wait3A_108 = tpu.memref_squeeze %dma_wait3A_107 : memref<1x2x40xi32, #tpu.memory_space<vmem>> -> memref<2x40xi32, #tpu.memory_space<vmem>>
    %dma_wait3A_109 = arith.constant 0 : i32
    %dma_wait3A_110 = arith.constant 0 : i32
    %dma_wait3A_111 = tpu.memref_slice %arg3[%add3A, %dma_wait3A_92, %dma_wait3A_109, %dma_wait3A_110] : memref<32x256x2x40xi32, #tpu.memory_space<hbm>> -> memref<1x1x2x40xi32, #tpu.memory_space<hbm>>
    %dma_wait3A_112 = tpu.memref_squeeze %dma_wait3A_111 : memref<1x1x2x40xi32, #tpu.memory_space<hbm>> -> memref<2x40xi32, #tpu.memory_space<hbm>>
    tpu.wait_dma2 semaphore(%dma_wait3A_104 : memref<!tpu.dma_semaphore, #tpu.memory_space<semaphore_mem>>) src(%dma_wait3A_112 : memref<2x40xi32, #tpu.memory_space<hbm>>) dst(%dma_wait3A_108 : memref<2x40xi32, #tpu.memory_space<vmem>>)
    %dma_start3A_113 = arith.constant 1 : i32
    %dma_start3A_114 = arith.constant 0 : i32
    %dma_start3A_115 = arith.constant 1 : i32
    %dma_start3A_116 = arith.constant 1 : i32
    %dma_start3A_117 = arith.constant 0 : i32
    %dma_start3A_118 = arith.constant 0 : i32
    %dma_start3A_119 = tpu.memref_slice %arg7[%dma_start3A_115, %dma_start3A_117, %dma_start3A_118] : memref<4x40x128xf32, #tpu.memory_space<vmem>> -> memref<1x40x128xf32, #tpu.memory_space<vmem>>
    %dma_start3A_120 = tpu.memref_squeeze %dma_start3A_119 : memref<1x40x128xf32, #tpu.memory_space<vmem>> -> memref<40x128xf32, #tpu.memory_space<vmem>>
    %dma_start3A_121 = arith.constant 0 : i32
    %dma_start3A_122 = tpu.memref_slice %arg6[%dma_start3A_113, %dma_start3A_114, %dma_start3A_121] : memref<4x2x40xi32, #tpu.memory_space<vmem>> -> memref<1x1x40xi32, #tpu.memory_space<vmem>>
    %dma_start3A_123 = tpu.memref_squeeze %dma_start3A_122 : memref<1x1x40xi32, #tpu.memory_space<vmem>> -> memref<40xi32, #tpu.memory_space<vmem>>
    %dma_start3A_124 = arith.constant 0 : i32
    %dma_start3A_125 = arith.constant 0 : i32
    %dma_start3A_126 = tpu.memref_slice %arg2[%dma_start3A_124, %dma_start3A_125] : memref<10000x128xf32, #tpu.memory_space<hbm>> -> memref<10000x128xf32, #tpu.memory_space<hbm>>
    %dma_start3A_127 = tpu.memref_slice %arg10[%dma_start3A_116] : memref<4x!tpu.dma_semaphore, #tpu.memory_space<semaphore_mem>> -> memref<1x!tpu.dma_semaphore, #tpu.memory_space<semaphore_mem>>
    %dma_start3A_128 = tpu.memref_squeeze %dma_start3A_127 : memref<1x!tpu.dma_semaphore, #tpu.memory_space<semaphore_mem>> -> memref<!tpu.dma_semaphore, #tpu.memory_space<semaphore_mem>>
    tpu.enqueue_indirect_dma source(%dma_start3A_126 : memref<10000x128xf32, #tpu.memory_space<hbm>>) target(%dma_start3A_120 : memref<40x128xf32, #tpu.memory_space<vmem>>) offsets(%dma_start3A_123 : memref<40xi32, #tpu.memory_space<vmem>>) semaphore(%dma_start3A_128 : memref<!tpu.dma_semaphore, #tpu.memory_space<semaphore_mem>>)
    %dma_start3A_129 = arith.constant 2 : i32
    %dma_start3A_130 = arith.constant 2 : i32
    %dma_start3A_131 = arith.constant 2 : i32
    %dma_start3A_132 = arith.constant 0 : i32
    %dma_start3A_133 = arith.constant 0 : i32
    %dma_start3A_134 = tpu.memref_slice %arg6[%dma_start3A_130, %dma_start3A_132, %dma_start3A_133] : memref<4x2x40xi32, #tpu.memory_space<vmem>> -> memref<1x2x40xi32, #tpu.memory_space<vmem>>
    %dma_start3A_135 = tpu.memref_squeeze %dma_start3A_134 : memref<1x2x40xi32, #tpu.memory_space<vmem>> -> memref<2x40xi32, #tpu.memory_space<vmem>>
    %dma_start3A_136 = arith.constant 0 : i32
    %dma_start3A_137 = arith.constant 0 : i32
    %dma_start3A_138 = tpu.memref_slice %arg3[%add3A, %dma_start3A_129, %dma_start3A_136, %dma_start3A_137] : memref<32x256x2x40xi32, #tpu.memory_space<hbm>> -> memref<1x1x2x40xi32, #tpu.memory_space<hbm>>
    %dma_start3A_139 = tpu.memref_squeeze %dma_start3A_138 : memref<1x1x2x40xi32, #tpu.memory_space<hbm>> -> memref<2x40xi32, #tpu.memory_space<hbm>>
    %dma_start3A_140 = tpu.memref_slice %arg9[%dma_start3A_131] : memref<4x!tpu.dma_semaphore, #tpu.memory_space<semaphore_mem>> -> memref<1x!tpu.dma_semaphore, #tpu.memory_space<semaphore_mem>>
    %dma_start3A_141 = tpu.memref_squeeze %dma_start3A_140 : memref<1x!tpu.dma_semaphore, #tpu.memory_space<semaphore_mem>> -> memref<!tpu.dma_semaphore, #tpu.memory_space<semaphore_mem>>
    %dma_start3A_142 = arith.constant 0 : i32
    %dma_start3A_143 = arith.constant 0 : i32
    %dma_start3A_144 = tpu.memref_slice %arg6[%dma_start3A_130, %dma_start3A_142, %dma_start3A_143] : memref<4x2x40xi32, #tpu.memory_space<vmem>> -> memref<1x2x40xi32, #tpu.memory_space<vmem>>
    %dma_start3A_145 = tpu.memref_squeeze %dma_start3A_144 : memref<1x2x40xi32, #tpu.memory_space<vmem>> -> memref<2x40xi32, #tpu.memory_space<vmem>>
    %dma_start3A_146 = arith.constant 0 : i32
    %dma_start3A_147 = arith.constant 0 : i32
    %dma_start3A_148 = tpu.memref_slice %arg3[%add3A, %dma_start3A_129, %dma_start3A_146, %dma_start3A_147] : memref<32x256x2x40xi32, #tpu.memory_space<hbm>> -> memref<1x1x2x40xi32, #tpu.memory_space<hbm>>
    %dma_start3A_149 = tpu.memref_squeeze %dma_start3A_148 : memref<1x1x2x40xi32, #tpu.memory_space<hbm>> -> memref<2x40xi32, #tpu.memory_space<hbm>>
    tpu.enqueue_dma source(%dma_start3A_149 : memref<2x40xi32, #tpu.memory_space<hbm>>) target(%dma_start3A_145 : memref<2x40xi32, #tpu.memory_space<vmem>>) target_semaphore(%dma_start3A_141 : memref<!tpu.dma_semaphore, #tpu.memory_space<semaphore_mem>>)
    %dma_start3A_150 = arith.constant 3 : i32
    %dma_start3A_151 = arith.constant 3 : i32
    %dma_start3A_152 = arith.constant 3 : i32
    %dma_start3A_153 = arith.constant 0 : i32
    %dma_start3A_154 = arith.constant 0 : i32
    %dma_start3A_155 = tpu.memref_slice %arg6[%dma_start3A_151, %dma_start3A_153, %dma_start3A_154] : memref<4x2x40xi32, #tpu.memory_space<vmem>> -> memref<1x2x40xi32, #tpu.memory_space<vmem>>
    %dma_start3A_156 = tpu.memref_squeeze %dma_start3A_155 : memref<1x2x40xi32, #tpu.memory_space<vmem>> -> memref<2x40xi32, #tpu.memory_space<vmem>>
    %dma_start3A_157 = arith.constant 0 : i32
    %dma_start3A_158 = arith.constant 0 : i32
    %dma_start3A_159 = tpu.memref_slice %arg3[%add3A, %dma_start3A_150, %dma_start3A_157, %dma_start3A_158] : memref<32x256x2x40xi32, #tpu.memory_space<hbm>> -> memref<1x1x2x40xi32, #tpu.memory_space<hbm>>
    %dma_start3A_160 = tpu.memref_squeeze %dma_start3A_159 : memref<1x1x2x40xi32, #tpu.memory_space<hbm>> -> memref<2x40xi32, #tpu.memory_space<hbm>>
    %dma_start3A_161 = tpu.memref_slice %arg9[%dma_start3A_152] : memref<4x!tpu.dma_semaphore, #tpu.memory_space<semaphore_mem>> -> memref<1x!tpu.dma_semaphore, #tpu.memory_space<semaphore_mem>>
    %dma_start3A_162 = tpu.memref_squeeze %dma_start3A_161 : memref<1x!tpu.dma_semaphore, #tpu.memory_space<semaphore_mem>> -> memref<!tpu.dma_semaphore, #tpu.memory_space<semaphore_mem>>
    %dma_start3A_163 = arith.constant 0 : i32
    %dma_start3A_164 = arith.constant 0 : i32
    %dma_start3A_165 = tpu.memref_slice %arg6[%dma_start3A_151, %dma_start3A_163, %dma_start3A_164] : memref<4x2x40xi32, #tpu.memory_space<vmem>> -> memref<1x2x40xi32, #tpu.memory_space<vmem>>
    %dma_start3A_166 = tpu.memref_squeeze %dma_start3A_165 : memref<1x2x40xi32, #tpu.memory_space<vmem>> -> memref<2x40xi32, #tpu.memory_space<vmem>>
    %dma_start3A_167 = arith.constant 0 : i32
    %dma_start3A_168 = arith.constant 0 : i32
    %dma_start3A_169 = tpu.memref_slice %arg3[%add3A, %dma_start3A_150, %dma_start3A_167, %dma_start3A_168] : memref<32x256x2x40xi32, #tpu.memory_space<hbm>> -> memref<1x1x2x40xi32, #tpu.memory_space<hbm>>
    %dma_start3A_170 = tpu.memref_squeeze %dma_start3A_169 : memref<1x1x2x40xi32, #tpu.memory_space<hbm>> -> memref<2x40xi32, #tpu.memory_space<hbm>>
    tpu.enqueue_dma source(%dma_start3A_170 : memref<2x40xi32, #tpu.memory_space<hbm>>) target(%dma_start3A_166 : memref<2x40xi32, #tpu.memory_space<vmem>>) target_semaphore(%dma_start3A_162 : memref<!tpu.dma_semaphore, #tpu.memory_space<semaphore_mem>>)
    %dma_wait3A_171 = arith.constant 0 : i32
    %dma_wait3A_172 = arith.constant 0 : i32
    %dma_wait3A_173 = arith.constant 0 : i32
    %dma_wait3A_174 = arith.constant 0 : i32
    %dma_wait3A_175 = arith.constant 0 : i32
    %dma_wait3A_176 = arith.constant 0 : i32
    %dma_wait3A_177 = tpu.memref_slice %arg7[%dma_wait3A_173, %dma_wait3A_175, %dma_wait3A_176] : memref<4x40x128xf32, #tpu.memory_space<vmem>> -> memref<1x40x128xf32, #tpu.memory_space<vmem>>
    %dma_wait3A_178 = tpu.memref_squeeze %dma_wait3A_177 : memref<1x40x128xf32, #tpu.memory_space<vmem>> -> memref<40x128xf32, #tpu.memory_space<vmem>>
    %dma_wait3A_179 = arith.constant 0 : i32
    %dma_wait3A_180 = tpu.memref_slice %arg6[%dma_wait3A_171, %dma_wait3A_172, %dma_wait3A_179] : memref<4x2x40xi32, #tpu.memory_space<vmem>> -> memref<1x1x40xi32, #tpu.memory_space<vmem>>
    %dma_wait3A_181 = tpu.memref_squeeze %dma_wait3A_180 : memref<1x1x40xi32, #tpu.memory_space<vmem>> -> memref<40xi32, #tpu.memory_space<vmem>>
    %dma_wait3A_182 = arith.constant 0 : i32
    %dma_wait3A_183 = arith.constant 0 : i32
    %dma_wait3A_184 = tpu.memref_slice %arg2[%dma_wait3A_182, %dma_wait3A_183] : memref<10000x128xf32, #tpu.memory_space<hbm>> -> memref<10000x128xf32, #tpu.memory_space<hbm>>
    %dma_wait3A_185 = tpu.memref_slice %arg10[%dma_wait3A_174] : memref<4x!tpu.dma_semaphore, #tpu.memory_space<semaphore_mem>> -> memref<1x!tpu.dma_semaphore, #tpu.memory_space<semaphore_mem>>
    %dma_wait3A_186 = tpu.memref_squeeze %dma_wait3A_185 : memref<1x!tpu.dma_semaphore, #tpu.memory_space<semaphore_mem>> -> memref<!tpu.dma_semaphore, #tpu.memory_space<semaphore_mem>>
    tpu.wait_indirect_dma semaphore(%dma_wait3A_186 : memref<!tpu.dma_semaphore, #tpu.memory_space<semaphore_mem>>) src(%dma_wait3A_184 : memref<10000x128xf32, #tpu.memory_space<hbm>>) dst(%dma_wait3A_178 : memref<40x128xf32, #tpu.memory_space<vmem>>)
    %dma_start3A_187 = arith.constant 0 : i32
    %dma_start3A_188 = arith.constant 0 : i32
    %dma_start3A_189 = arith.constant 1 : i32
    %dma_start3A_190 = arith.constant 0 : i32
    %dma_start3A_191 = arith.constant 0 : i32
    %dma_start3A_192 = arith.constant 0 : i32
    %dma_start3A_193 = tpu.memref_slice %arg7[%dma_start3A_187, %dma_start3A_191, %dma_start3A_192] : memref<4x40x128xf32, #tpu.memory_space<vmem>> -> memref<1x40x128xf32, #tpu.memory_space<vmem>>
    %dma_start3A_194 = tpu.memref_squeeze %dma_start3A_193 : memref<1x40x128xf32, #tpu.memory_space<vmem>> -> memref<40x128xf32, #tpu.memory_space<vmem>>
    %dma_start3A_195 = arith.constant 0 : i32
    %dma_start3A_196 = tpu.memref_slice %arg6[%dma_start3A_188, %dma_start3A_189, %dma_start3A_195] : memref<4x2x40xi32, #tpu.memory_space<vmem>> -> memref<1x1x40xi32, #tpu.memory_space<vmem>>
    %dma_start3A_197 = tpu.memref_squeeze %dma_start3A_196 : memref<1x1x40xi32, #tpu.memory_space<vmem>> -> memref<40xi32, #tpu.memory_space<vmem>>
    %dma_start3A_198 = arith.constant 0 : i32
    %dma_start3A_199 = arith.constant 0 : i32
    %dma_start3A_200 = tpu.memref_slice %arg8[%dma_start3A_198, %dma_start3A_199] : memref<10008x128xf32, #tpu.memory_space<vmem_shared>> -> memref<10008x128xf32, #tpu.memory_space<vmem_shared>>
    %dma_start3A_201 = tpu.memref_slice %arg11[%dma_start3A_190] : memref<4x!tpu.dma_semaphore, #tpu.memory_space<semaphore_mem>> -> memref<1x!tpu.dma_semaphore, #tpu.memory_space<semaphore_mem>>
    %dma_start3A_202 = tpu.memref_squeeze %dma_start3A_201 : memref<1x!tpu.dma_semaphore, #tpu.memory_space<semaphore_mem>> -> memref<!tpu.dma_semaphore, #tpu.memory_space<semaphore_mem>>
    tpu.enqueue_indirect_dma source(%dma_start3A_194 : memref<40x128xf32, #tpu.memory_space<vmem>>) target(%dma_start3A_200 : memref<10008x128xf32, #tpu.memory_space<vmem_shared>>) offsets(%dma_start3A_197 : memref<40xi32, #tpu.memory_space<vmem>>) semaphore(%dma_start3A_202 : memref<!tpu.dma_semaphore, #tpu.memory_space<semaphore_mem>>) {add = true}
    %dma_wait3A_203 = arith.constant 1 : i32
    %dma_wait3A_204 = arith.constant 0 : i32
    %dma_wait3A_205 = arith.constant 1 : i32
    %dma_wait3A_206 = arith.constant 1 : i32
    %dma_wait3A_207 = arith.constant 0 : i32
    %dma_wait3A_208 = arith.constant 0 : i32
    %dma_wait3A_209 = tpu.memref_slice %arg7[%dma_wait3A_205, %dma_wait3A_207, %dma_wait3A_208] : memref<4x40x128xf32, #tpu.memory_space<vmem>> -> memref<1x40x128xf32, #tpu.memory_space<vmem>>
    %dma_wait3A_210 = tpu.memref_squeeze %dma_wait3A_209 : memref<1x40x128xf32, #tpu.memory_space<vmem>> -> memref<40x128xf32, #tpu.memory_space<vmem>>
    %dma_wait3A_211 = arith.constant 0 : i32
    %dma_wait3A_212 = tpu.memref_slice %arg6[%dma_wait3A_203, %dma_wait3A_204, %dma_wait3A_211] : memref<4x2x40xi32, #tpu.memory_space<vmem>> -> memref<1x1x40xi32, #tpu.memory_space<vmem>>
    %dma_wait3A_213 = tpu.memref_squeeze %dma_wait3A_212 : memref<1x1x40xi32, #tpu.memory_space<vmem>> -> memref<40xi32, #tpu.memory_space<vmem>>
    %dma_wait3A_214 = arith.constant 0 : i32
    %dma_wait3A_215 = arith.constant 0 : i32
    %dma_wait3A_216 = tpu.memref_slice %arg2[%dma_wait3A_214, %dma_wait3A_215] : memref<10000x128xf32, #tpu.memory_space<hbm>> -> memref<10000x128xf32, #tpu.memory_space<hbm>>
    %dma_wait3A_217 = tpu.memref_slice %arg10[%dma_wait3A_206] : memref<4x!tpu.dma_semaphore, #tpu.memory_space<semaphore_mem>> -> memref<1x!tpu.dma_semaphore, #tpu.memory_space<semaphore_mem>>
    %dma_wait3A_218 = tpu.memref_squeeze %dma_wait3A_217 : memref<1x!tpu.dma_semaphore, #tpu.memory_space<semaphore_mem>> -> memref<!tpu.dma_semaphore, #tpu.memory_space<semaphore_mem>>
    tpu.wait_indirect_dma semaphore(%dma_wait3A_218 : memref<!tpu.dma_semaphore, #tpu.memory_space<semaphore_mem>>) src(%dma_wait3A_216 : memref<10000x128xf32, #tpu.memory_space<hbm>>) dst(%dma_wait3A_210 : memref<40x128xf32, #tpu.memory_space<vmem>>)
    %dma_start3A_219 = arith.constant 1 : i32
    %dma_start3A_220 = arith.constant 1 : i32
    %dma_start3A_221 = arith.constant 1 : i32
    %dma_start3A_222 = arith.constant 1 : i32
    %dma_start3A_223 = arith.constant 0 : i32
    %dma_start3A_224 = arith.constant 0 : i32
    %dma_start3A_225 = tpu.memref_slice %arg7[%dma_start3A_219, %dma_start3A_223, %dma_start3A_224] : memref<4x40x128xf32, #tpu.memory_space<vmem>> -> memref<1x40x128xf32, #tpu.memory_space<vmem>>
    %dma_start3A_226 = tpu.memref_squeeze %dma_start3A_225 : memref<1x40x128xf32, #tpu.memory_space<vmem>> -> memref<40x128xf32, #tpu.memory_space<vmem>>
    %dma_start3A_227 = arith.constant 0 : i32
    %dma_start3A_228 = tpu.memref_slice %arg6[%dma_start3A_220, %dma_start3A_221, %dma_start3A_227] : memref<4x2x40xi32, #tpu.memory_space<vmem>> -> memref<1x1x40xi32, #tpu.memory_space<vmem>>
    %dma_start3A_229 = tpu.memref_squeeze %dma_start3A_228 : memref<1x1x40xi32, #tpu.memory_space<vmem>> -> memref<40xi32, #tpu.memory_space<vmem>>
    %dma_start3A_230 = arith.constant 0 : i32
    %dma_start3A_231 = arith.constant 0 : i32
    %dma_start3A_232 = tpu.memref_slice %arg8[%dma_start3A_230, %dma_start3A_231] : memref<10008x128xf32, #tpu.memory_space<vmem_shared>> -> memref<10008x128xf32, #tpu.memory_space<vmem_shared>>
    %dma_start3A_233 = tpu.memref_slice %arg11[%dma_start3A_222] : memref<4x!tpu.dma_semaphore, #tpu.memory_space<semaphore_mem>> -> memref<1x!tpu.dma_semaphore, #tpu.memory_space<semaphore_mem>>
    %dma_start3A_234 = tpu.memref_squeeze %dma_start3A_233 : memref<1x!tpu.dma_semaphore, #tpu.memory_space<semaphore_mem>> -> memref<!tpu.dma_semaphore, #tpu.memory_space<semaphore_mem>>
    tpu.enqueue_indirect_dma source(%dma_start3A_226 : memref<40x128xf32, #tpu.memory_space<vmem>>) target(%dma_start3A_232 : memref<10008x128xf32, #tpu.memory_space<vmem_shared>>) offsets(%dma_start3A_229 : memref<40xi32, #tpu.memory_space<vmem>>) semaphore(%dma_start3A_234 : memref<!tpu.dma_semaphore, #tpu.memory_space<semaphore_mem>>) {add = true}
    %scan3A = arith.constant 0 : i32
    %scan3A_235 = arith.constant 0 : i32
    %scan3A_236 = arith.constant 63 : i32
    %scan3A_237 = arith.addi %scan3A_235, %scan3A_236 : i32
    %scan3A_238 = arith.constant 1 : i32
    %scan3A_239 = scf.for %scan3A_453 = %scan3A_235 to %scan3A_237 step %scan3A_238 iter_args(%scan3A_454 = %scan3A) -> (i32)  : i32 {
      %mul3A_455 = arith.constant 2 : i32
      %mul3A_456 = arith.muli %mul3A_455, %scan3A_453 : i32
      %add3A_457 = arith.constant 1 : i32
      %add3A_458 = arith.addi %mul3A_456, %add3A_457 : i32
      %mul3A_459 = arith.constant 2 : i32
      %mul3A_460 = arith.muli %add3A_458, %mul3A_459 : i32
      %add3A_461 = arith.constant 0 : i32
      %add3A_462 = arith.addi %mul3A_460, %add3A_461 : i32
      %dma_wait3A_463 = arith.constant 2 : i32
      %dma_wait3A_464 = arith.constant 2 : i32
      %dma_wait3A_465 = arith.constant 0 : i32
      %dma_wait3A_466 = arith.constant 0 : i32
      %dma_wait3A_467 = tpu.memref_slice %arg6[%dma_wait3A_463, %dma_wait3A_465, %dma_wait3A_466] : memref<4x2x40xi32, #tpu.memory_space<vmem>> -> memref<1x2x40xi32, #tpu.memory_space<vmem>>
      %dma_wait3A_468 = tpu.memref_squeeze %dma_wait3A_467 : memref<1x2x40xi32, #tpu.memory_space<vmem>> -> memref<2x40xi32, #tpu.memory_space<vmem>>
      %dma_wait3A_469 = arith.constant 0 : i32
      %dma_wait3A_470 = arith.constant 0 : i32
      %dma_wait3A_471 = tpu.memref_slice %arg3[%add3A, %add3A_462, %dma_wait3A_469, %dma_wait3A_470] : memref<32x256x2x40xi32, #tpu.memory_space<hbm>> -> memref<1x1x2x40xi32, #tpu.memory_space<hbm>>
      %dma_wait3A_472 = tpu.memref_squeeze %dma_wait3A_471 : memref<1x1x2x40xi32, #tpu.memory_space<hbm>> -> memref<2x40xi32, #tpu.memory_space<hbm>>
      %dma_wait3A_473 = tpu.memref_slice %arg9[%dma_wait3A_464] : memref<4x!tpu.dma_semaphore, #tpu.memory_space<semaphore_mem>> -> memref<1x!tpu.dma_semaphore, #tpu.memory_space<semaphore_mem>>
      %dma_wait3A_474 = tpu.memref_squeeze %dma_wait3A_473 : memref<1x!tpu.dma_semaphore, #tpu.memory_space<semaphore_mem>> -> memref<!tpu.dma_semaphore, #tpu.memory_space<semaphore_mem>>
      %dma_wait3A_475 = arith.constant 0 : i32
      %dma_wait3A_476 = arith.constant 0 : i32
      %dma_wait3A_477 = tpu.memref_slice %arg6[%dma_wait3A_463, %dma_wait3A_475, %dma_wait3A_476] : memref<4x2x40xi32, #tpu.memory_space<vmem>> -> memref<1x2x40xi32, #tpu.memory_space<vmem>>
      %dma_wait3A_478 = tpu.memref_squeeze %dma_wait3A_477 : memref<1x2x40xi32, #tpu.memory_space<vmem>> -> memref<2x40xi32, #tpu.memory_space<vmem>>
      %dma_wait3A_479 = arith.constant 0 : i32
      %dma_wait3A_480 = arith.constant 0 : i32
      %dma_wait3A_481 = tpu.memref_slice %arg3[%add3A, %add3A_462, %dma_wait3A_479, %dma_wait3A_480] : memref<32x256x2x40xi32, #tpu.memory_space<hbm>> -> memref<1x1x2x40xi32, #tpu.memory_space<hbm>>
      %dma_wait3A_482 = tpu.memref_squeeze %dma_wait3A_481 : memref<1x1x2x40xi32, #tpu.memory_space<hbm>> -> memref<2x40xi32, #tpu.memory_space<hbm>>
      tpu.wait_dma2 semaphore(%dma_wait3A_474 : memref<!tpu.dma_semaphore, #tpu.memory_space<semaphore_mem>>) src(%dma_wait3A_482 : memref<2x40xi32, #tpu.memory_space<hbm>>) dst(%dma_wait3A_478 : memref<2x40xi32, #tpu.memory_space<vmem>>)
      %dma_start3A_483 = arith.constant 2 : i32
      %dma_start3A_484 = arith.constant 0 : i32
      %dma_start3A_485 = arith.constant 2 : i32
      %dma_start3A_486 = arith.constant 2 : i32
      %dma_start3A_487 = arith.constant 0 : i32
      %dma_start3A_488 = arith.constant 0 : i32
      %dma_start3A_489 = tpu.memref_slice %arg7[%dma_start3A_485, %dma_start3A_487, %dma_start3A_488] : memref<4x40x128xf32, #tpu.memory_space<vmem>> -> memref<1x40x128xf32, #tpu.memory_space<vmem>>
      %dma_start3A_490 = tpu.memref_squeeze %dma_start3A_489 : memref<1x40x128xf32, #tpu.memory_space<vmem>> -> memref<40x128xf32, #tpu.memory_space<vmem>>
      %dma_start3A_491 = arith.constant 0 : i32
      %dma_start3A_492 = tpu.memref_slice %arg6[%dma_start3A_483, %dma_start3A_484, %dma_start3A_491] : memref<4x2x40xi32, #tpu.memory_space<vmem>> -> memref<1x1x40xi32, #tpu.memory_space<vmem>>
      %dma_start3A_493 = tpu.memref_squeeze %dma_start3A_492 : memref<1x1x40xi32, #tpu.memory_space<vmem>> -> memref<40xi32, #tpu.memory_space<vmem>>
      %dma_start3A_494 = arith.constant 0 : i32
      %dma_start3A_495 = arith.constant 0 : i32
      %dma_start3A_496 = tpu.memref_slice %arg2[%dma_start3A_494, %dma_start3A_495] : memref<10000x128xf32, #tpu.memory_space<hbm>> -> memref<10000x128xf32, #tpu.memory_space<hbm>>
      %dma_start3A_497 = tpu.memref_slice %arg10[%dma_start3A_486] : memref<4x!tpu.dma_semaphore, #tpu.memory_space<semaphore_mem>> -> memref<1x!tpu.dma_semaphore, #tpu.memory_space<semaphore_mem>>
      %dma_start3A_498 = tpu.memref_squeeze %dma_start3A_497 : memref<1x!tpu.dma_semaphore, #tpu.memory_space<semaphore_mem>> -> memref<!tpu.dma_semaphore, #tpu.memory_space<semaphore_mem>>
      tpu.enqueue_indirect_dma source(%dma_start3A_496 : memref<10000x128xf32, #tpu.memory_space<hbm>>) target(%dma_start3A_490 : memref<40x128xf32, #tpu.memory_space<vmem>>) offsets(%dma_start3A_493 : memref<40xi32, #tpu.memory_space<vmem>>) semaphore(%dma_start3A_498 : memref<!tpu.dma_semaphore, #tpu.memory_space<semaphore_mem>>)
      %mul3A_499 = arith.constant 2 : i32
      %mul3A_500 = arith.muli %add3A_458, %mul3A_499 : i32
      %add3A_501 = arith.constant 1 : i32
      %add3A_502 = arith.addi %mul3A_500, %add3A_501 : i32
      %dma_wait3A_503 = arith.constant 3 : i32
      %dma_wait3A_504 = arith.constant 3 : i32
      %dma_wait3A_505 = arith.constant 0 : i32
      %dma_wait3A_506 = arith.constant 0 : i32
      %dma_wait3A_507 = tpu.memref_slice %arg6[%dma_wait3A_503, %dma_wait3A_505, %dma_wait3A_506] : memref<4x2x40xi32, #tpu.memory_space<vmem>> -> memref<1x2x40xi32, #tpu.memory_space<vmem>>
      %dma_wait3A_508 = tpu.memref_squeeze %dma_wait3A_507 : memref<1x2x40xi32, #tpu.memory_space<vmem>> -> memref<2x40xi32, #tpu.memory_space<vmem>>
      %dma_wait3A_509 = arith.constant 0 : i32
      %dma_wait3A_510 = arith.constant 0 : i32
      %dma_wait3A_511 = tpu.memref_slice %arg3[%add3A, %add3A_502, %dma_wait3A_509, %dma_wait3A_510] : memref<32x256x2x40xi32, #tpu.memory_space<hbm>> -> memref<1x1x2x40xi32, #tpu.memory_space<hbm>>
      %dma_wait3A_512 = tpu.memref_squeeze %dma_wait3A_511 : memref<1x1x2x40xi32, #tpu.memory_space<hbm>> -> memref<2x40xi32, #tpu.memory_space<hbm>>
      %dma_wait3A_513 = tpu.memref_slice %arg9[%dma_wait3A_504] : memref<4x!tpu.dma_semaphore, #tpu.memory_space<semaphore_mem>> -> memref<1x!tpu.dma_semaphore, #tpu.memory_space<semaphore_mem>>
      %dma_wait3A_514 = tpu.memref_squeeze %dma_wait3A_513 : memref<1x!tpu.dma_semaphore, #tpu.memory_space<semaphore_mem>> -> memref<!tpu.dma_semaphore, #tpu.memory_space<semaphore_mem>>
      %dma_wait3A_515 = arith.constant 0 : i32
      %dma_wait3A_516 = arith.constant 0 : i32
      %dma_wait3A_517 = tpu.memref_slice %arg6[%dma_wait3A_503, %dma_wait3A_515, %dma_wait3A_516] : memref<4x2x40xi32, #tpu.memory_space<vmem>> -> memref<1x2x40xi32, #tpu.memory_space<vmem>>
      %dma_wait3A_518 = tpu.memref_squeeze %dma_wait3A_517 : memref<1x2x40xi32, #tpu.memory_space<vmem>> -> memref<2x40xi32, #tpu.memory_space<vmem>>
      %dma_wait3A_519 = arith.constant 0 : i32
      %dma_wait3A_520 = arith.constant 0 : i32
      %dma_wait3A_521 = tpu.memref_slice %arg3[%add3A, %add3A_502, %dma_wait3A_519, %dma_wait3A_520] : memref<32x256x2x40xi32, #tpu.memory_space<hbm>> -> memref<1x1x2x40xi32, #tpu.memory_space<hbm>>
      %dma_wait3A_522 = tpu.memref_squeeze %dma_wait3A_521 : memref<1x1x2x40xi32, #tpu.memory_space<hbm>> -> memref<2x40xi32, #tpu.memory_space<hbm>>
      tpu.wait_dma2 semaphore(%dma_wait3A_514 : memref<!tpu.dma_semaphore, #tpu.memory_space<semaphore_mem>>) src(%dma_wait3A_522 : memref<2x40xi32, #tpu.memory_space<hbm>>) dst(%dma_wait3A_518 : memref<2x40xi32, #tpu.memory_space<vmem>>)
      %dma_start3A_523 = arith.constant 3 : i32
      %dma_start3A_524 = arith.constant 0 : i32
      %dma_start3A_525 = arith.constant 3 : i32
      %dma_start3A_526 = arith.constant 3 : i32
      %dma_start3A_527 = arith.constant 0 : i32
      %dma_start3A_528 = arith.constant 0 : i32
      %dma_start3A_529 = tpu.memref_slice %arg7[%dma_start3A_525, %dma_start3A_527, %dma_start3A_528] : memref<4x40x128xf32, #tpu.memory_space<vmem>> -> memref<1x40x128xf32, #tpu.memory_space<vmem>>
      %dma_start3A_530 = tpu.memref_squeeze %dma_start3A_529 : memref<1x40x128xf32, #tpu.memory_space<vmem>> -> memref<40x128xf32, #tpu.memory_space<vmem>>
      %dma_start3A_531 = arith.constant 0 : i32
      %dma_start3A_532 = tpu.memref_slice %arg6[%dma_start3A_523, %dma_start3A_524, %dma_start3A_531] : memref<4x2x40xi32, #tpu.memory_space<vmem>> -> memref<1x1x40xi32, #tpu.memory_space<vmem>>
      %dma_start3A_533 = tpu.memref_squeeze %dma_start3A_532 : memref<1x1x40xi32, #tpu.memory_space<vmem>> -> memref<40xi32, #tpu.memory_space<vmem>>
      %dma_start3A_534 = arith.constant 0 : i32
      %dma_start3A_535 = arith.constant 0 : i32
      %dma_start3A_536 = tpu.memref_slice %arg2[%dma_start3A_534, %dma_start3A_535] : memref<10000x128xf32, #tpu.memory_space<hbm>> -> memref<10000x128xf32, #tpu.memory_space<hbm>>
      %dma_start3A_537 = tpu.memref_slice %arg10[%dma_start3A_526] : memref<4x!tpu.dma_semaphore, #tpu.memory_space<semaphore_mem>> -> memref<1x!tpu.dma_semaphore, #tpu.memory_space<semaphore_mem>>
      %dma_start3A_538 = tpu.memref_squeeze %dma_start3A_537 : memref<1x!tpu.dma_semaphore, #tpu.memory_space<semaphore_mem>> -> memref<!tpu.dma_semaphore, #tpu.memory_space<semaphore_mem>>
      tpu.enqueue_indirect_dma source(%dma_start3A_536 : memref<10000x128xf32, #tpu.memory_space<hbm>>) target(%dma_start3A_530 : memref<40x128xf32, #tpu.memory_space<vmem>>) offsets(%dma_start3A_533 : memref<40xi32, #tpu.memory_space<vmem>>) semaphore(%dma_start3A_538 : memref<!tpu.dma_semaphore, #tpu.memory_space<semaphore_mem>>)
      %dma_wait3A_539 = arith.constant 0 : i32
      %dma_wait3A_540 = arith.constant 0 : i32
      %dma_wait3A_541 = arith.constant 1 : i32
      %dma_wait3A_542 = arith.constant 0 : i32
      %dma_wait3A_543 = arith.constant 0 : i32
      %dma_wait3A_544 = arith.constant 0 : i32
      %dma_wait3A_545 = tpu.memref_slice %arg7[%dma_wait3A_539, %dma_wait3A_543, %dma_wait3A_544] : memref<4x40x128xf32, #tpu.memory_space<vmem>> -> memref<1x40x128xf32, #tpu.memory_space<vmem>>
      %dma_wait3A_546 = tpu.memref_squeeze %dma_wait3A_545 : memref<1x40x128xf32, #tpu.memory_space<vmem>> -> memref<40x128xf32, #tpu.memory_space<vmem>>
      %dma_wait3A_547 = arith.constant 0 : i32
      %dma_wait3A_548 = tpu.memref_slice %arg6[%dma_wait3A_540, %dma_wait3A_541, %dma_wait3A_547] : memref<4x2x40xi32, #tpu.memory_space<vmem>> -> memref<1x1x40xi32, #tpu.memory_space<vmem>>
      %dma_wait3A_549 = tpu.memref_squeeze %dma_wait3A_548 : memref<1x1x40xi32, #tpu.memory_space<vmem>> -> memref<40xi32, #tpu.memory_space<vmem>>
      %dma_wait3A_550 = arith.constant 0 : i32
      %dma_wait3A_551 = arith.constant 0 : i32
      %dma_wait3A_552 = tpu.memref_slice %arg8[%dma_wait3A_550, %dma_wait3A_551] : memref<10008x128xf32, #tpu.memory_space<vmem_shared>> -> memref<10008x128xf32, #tpu.memory_space<vmem_shared>>
      %dma_wait3A_553 = tpu.memref_slice %arg11[%dma_wait3A_542] : memref<4x!tpu.dma_semaphore, #tpu.memory_space<semaphore_mem>> -> memref<1x!tpu.dma_semaphore, #tpu.memory_space<semaphore_mem>>
      %dma_wait3A_554 = tpu.memref_squeeze %dma_wait3A_553 : memref<1x!tpu.dma_semaphore, #tpu.memory_space<semaphore_mem>> -> memref<!tpu.dma_semaphore, #tpu.memory_space<semaphore_mem>>
      tpu.wait_indirect_dma semaphore(%dma_wait3A_554 : memref<!tpu.dma_semaphore, #tpu.memory_space<semaphore_mem>>) src(%dma_wait3A_546 : memref<40x128xf32, #tpu.memory_space<vmem>>) dst(%dma_wait3A_552 : memref<10008x128xf32, #tpu.memory_space<vmem_shared>>)
      %dma_wait3A_555 = arith.constant 1 : i32
      %dma_wait3A_556 = arith.constant 1 : i32
      %dma_wait3A_557 = arith.constant 1 : i32
      %dma_wait3A_558 = arith.constant 1 : i32
      %dma_wait3A_559 = arith.constant 0 : i32
      %dma_wait3A_560 = arith.constant 0 : i32
      %dma_wait3A_561 = tpu.memref_slice %arg7[%dma_wait3A_555, %dma_wait3A_559, %dma_wait3A_560] : memref<4x40x128xf32, #tpu.memory_space<vmem>> -> memref<1x40x128xf32, #tpu.memory_space<vmem>>
      %dma_wait3A_562 = tpu.memref_squeeze %dma_wait3A_561 : memref<1x40x128xf32, #tpu.memory_space<vmem>> -> memref<40x128xf32, #tpu.memory_space<vmem>>
      %dma_wait3A_563 = arith.constant 0 : i32
      %dma_wait3A_564 = tpu.memref_slice %arg6[%dma_wait3A_556, %dma_wait3A_557, %dma_wait3A_563] : memref<4x2x40xi32, #tpu.memory_space<vmem>> -> memref<1x1x40xi32, #tpu.memory_space<vmem>>
      %dma_wait3A_565 = tpu.memref_squeeze %dma_wait3A_564 : memref<1x1x40xi32, #tpu.memory_space<vmem>> -> memref<40xi32, #tpu.memory_space<vmem>>
      %dma_wait3A_566 = arith.constant 0 : i32
      %dma_wait3A_567 = arith.constant 0 : i32
      %dma_wait3A_568 = tpu.memref_slice %arg8[%dma_wait3A_566, %dma_wait3A_567] : memref<10008x128xf32, #tpu.memory_space<vmem_shared>> -> memref<10008x128xf32, #tpu.memory_space<vmem_shared>>
      %dma_wait3A_569 = tpu.memref_slice %arg11[%dma_wait3A_558] : memref<4x!tpu.dma_semaphore, #tpu.memory_space<semaphore_mem>> -> memref<1x!tpu.dma_semaphore, #tpu.memory_space<semaphore_mem>>
      %dma_wait3A_570 = tpu.memref_squeeze %dma_wait3A_569 : memref<1x!tpu.dma_semaphore, #tpu.memory_space<semaphore_mem>> -> memref<!tpu.dma_semaphore, #tpu.memory_space<semaphore_mem>>
      tpu.wait_indirect_dma semaphore(%dma_wait3A_570 : memref<!tpu.dma_semaphore, #tpu.memory_space<semaphore_mem>>) src(%dma_wait3A_562 : memref<40x128xf32, #tpu.memory_space<vmem>>) dst(%dma_wait3A_568 : memref<10008x128xf32, #tpu.memory_space<vmem_shared>>)
      %add3A_571 = arith.constant 1 : i32
      %add3A_572 = arith.addi %add3A_458, %add3A_571 : i32
      %mul3A_573 = arith.constant 2 : i32
      %mul3A_574 = arith.muli %add3A_572, %mul3A_573 : i32
      %add3A_575 = arith.constant 0 : i32
      %add3A_576 = arith.addi %mul3A_574, %add3A_575 : i32
      %dma_start3A_577 = arith.constant 0 : i32
      %dma_start3A_578 = arith.constant 0 : i32
      %dma_start3A_579 = arith.constant 0 : i32
      %dma_start3A_580 = arith.constant 0 : i32
      %dma_start3A_581 = tpu.memref_slice %arg6[%dma_start3A_577, %dma_start3A_579, %dma_start3A_580] : memref<4x2x40xi32, #tpu.memory_space<vmem>> -> memref<1x2x40xi32, #tpu.memory_space<vmem>>
      %dma_start3A_582 = tpu.memref_squeeze %dma_start3A_581 : memref<1x2x40xi32, #tpu.memory_space<vmem>> -> memref<2x40xi32, #tpu.memory_space<vmem>>
      %dma_start3A_583 = arith.constant 0 : i32
      %dma_start3A_584 = arith.constant 0 : i32
      %dma_start3A_585 = tpu.memref_slice %arg3[%add3A, %add3A_576, %dma_start3A_583, %dma_start3A_584] : memref<32x256x2x40xi32, #tpu.memory_space<hbm>> -> memref<1x1x2x40xi32, #tpu.memory_space<hbm>>
      %dma_start3A_586 = tpu.memref_squeeze %dma_start3A_585 : memref<1x1x2x40xi32, #tpu.memory_space<hbm>> -> memref<2x40xi32, #tpu.memory_space<hbm>>
      %dma_start3A_587 = tpu.memref_slice %arg9[%dma_start3A_578] : memref<4x!tpu.dma_semaphore, #tpu.memory_space<semaphore_mem>> -> memref<1x!tpu.dma_semaphore, #tpu.memory_space<semaphore_mem>>
      %dma_start3A_588 = tpu.memref_squeeze %dma_start3A_587 : memref<1x!tpu.dma_semaphore, #tpu.memory_space<semaphore_mem>> -> memref<!tpu.dma_semaphore, #tpu.memory_space<semaphore_mem>>
      %dma_start3A_589 = arith.constant 0 : i32
      %dma_start3A_590 = arith.constant 0 : i32
      %dma_start3A_591 = tpu.memref_slice %arg6[%dma_start3A_577, %dma_start3A_589, %dma_start3A_590] : memref<4x2x40xi32, #tpu.memory_space<vmem>> -> memref<1x2x40xi32, #tpu.memory_space<vmem>>
      %dma_start3A_592 = tpu.memref_squeeze %dma_start3A_591 : memref<1x2x40xi32, #tpu.memory_space<vmem>> -> memref<2x40xi32, #tpu.memory_space<vmem>>
      %dma_start3A_593 = arith.constant 0 : i32
      %dma_start3A_594 = arith.constant 0 : i32
      %dma_start3A_595 = tpu.memref_slice %arg3[%add3A, %add3A_576, %dma_start3A_593, %dma_start3A_594] : memref<32x256x2x40xi32, #tpu.memory_space<hbm>> -> memref<1x1x2x40xi32, #tpu.memory_space<hbm>>
      %dma_start3A_596 = tpu.memref_squeeze %dma_start3A_595 : memref<1x1x2x40xi32, #tpu.memory_space<hbm>> -> memref<2x40xi32, #tpu.memory_space<hbm>>
      tpu.enqueue_dma source(%dma_start3A_596 : memref<2x40xi32, #tpu.memory_space<hbm>>) target(%dma_start3A_592 : memref<2x40xi32, #tpu.memory_space<vmem>>) target_semaphore(%dma_start3A_588 : memref<!tpu.dma_semaphore, #tpu.memory_space<semaphore_mem>>)
      %mul3A_597 = arith.constant 2 : i32
      %mul3A_598 = arith.muli %add3A_572, %mul3A_597 : i32
      %add3A_599 = arith.constant 1 : i32
      %add3A_600 = arith.addi %mul3A_598, %add3A_599 : i32
      %dma_start3A_601 = arith.constant 1 : i32
      %dma_start3A_602 = arith.constant 1 : i32
      %dma_start3A_603 = arith.constant 0 : i32
      %dma_start3A_604 = arith.constant 0 : i32
      %dma_start3A_605 = tpu.memref_slice %arg6[%dma_start3A_601, %dma_start3A_603, %dma_start3A_604] : memref<4x2x40xi32, #tpu.memory_space<vmem>> -> memref<1x2x40xi32, #tpu.memory_space<vmem>>
      %dma_start3A_606 = tpu.memref_squeeze %dma_start3A_605 : memref<1x2x40xi32, #tpu.memory_space<vmem>> -> memref<2x40xi32, #tpu.memory_space<vmem>>
      %dma_start3A_607 = arith.constant 0 : i32
      %dma_start3A_608 = arith.constant 0 : i32
      %dma_start3A_609 = tpu.memref_slice %arg3[%add3A, %add3A_600, %dma_start3A_607, %dma_start3A_608] : memref<32x256x2x40xi32, #tpu.memory_space<hbm>> -> memref<1x1x2x40xi32, #tpu.memory_space<hbm>>
      %dma_start3A_610 = tpu.memref_squeeze %dma_start3A_609 : memref<1x1x2x40xi32, #tpu.memory_space<hbm>> -> memref<2x40xi32, #tpu.memory_space<hbm>>
      %dma_start3A_611 = tpu.memref_slice %arg9[%dma_start3A_602] : memref<4x!tpu.dma_semaphore, #tpu.memory_space<semaphore_mem>> -> memref<1x!tpu.dma_semaphore, #tpu.memory_space<semaphore_mem>>
      %dma_start3A_612 = tpu.memref_squeeze %dma_start3A_611 : memref<1x!tpu.dma_semaphore, #tpu.memory_space<semaphore_mem>> -> memref<!tpu.dma_semaphore, #tpu.memory_space<semaphore_mem>>
      %dma_start3A_613 = arith.constant 0 : i32
      %dma_start3A_614 = arith.constant 0 : i32
      %dma_start3A_615 = tpu.memref_slice %arg6[%dma_start3A_601, %dma_start3A_613, %dma_start3A_614] : memref<4x2x40xi32, #tpu.memory_space<vmem>> -> memref<1x2x40xi32, #tpu.memory_space<vmem>>
      %dma_start3A_616 = tpu.memref_squeeze %dma_start3A_615 : memref<1x2x40xi32, #tpu.memory_space<vmem>> -> memref<2x40xi32, #tpu.memory_space<vmem>>
      %dma_start3A_617 = arith.constant 0 : i32
      %dma_start3A_618 = arith.constant 0 : i32
      %dma_start3A_619 = tpu.memref_slice %arg3[%add3A, %add3A_600, %dma_start3A_617, %dma_start3A_618] : memref<32x256x2x40xi32, #tpu.memory_space<hbm>> -> memref<1x1x2x40xi32, #tpu.memory_space<hbm>>
      %dma_start3A_620 = tpu.memref_squeeze %dma_start3A_619 : memref<1x1x2x40xi32, #tpu.memory_space<hbm>> -> memref<2x40xi32, #tpu.memory_space<hbm>>
      tpu.enqueue_dma source(%dma_start3A_620 : memref<2x40xi32, #tpu.memory_space<hbm>>) target(%dma_start3A_616 : memref<2x40xi32, #tpu.memory_space<vmem>>) target_semaphore(%dma_start3A_612 : memref<!tpu.dma_semaphore, #tpu.memory_space<semaphore_mem>>)
      %dma_wait3A_621 = arith.constant 2 : i32
      %dma_wait3A_622 = arith.constant 0 : i32
      %dma_wait3A_623 = arith.constant 2 : i32
      %dma_wait3A_624 = arith.constant 2 : i32
      %dma_wait3A_625 = arith.constant 0 : i32
      %dma_wait3A_626 = arith.constant 0 : i32
      %dma_wait3A_627 = tpu.memref_slice %arg7[%dma_wait3A_623, %dma_wait3A_625, %dma_wait3A_626] : memref<4x40x128xf32, #tpu.memory_space<vmem>> -> memref<1x40x128xf32, #tpu.memory_space<vmem>>
      %dma_wait3A_628 = tpu.memref_squeeze %dma_wait3A_627 : memref<1x40x128xf32, #tpu.memory_space<vmem>> -> memref<40x128xf32, #tpu.memory_space<vmem>>
      %dma_wait3A_629 = arith.constant 0 : i32
      %dma_wait3A_630 = tpu.memref_slice %arg6[%dma_wait3A_621, %dma_wait3A_622, %dma_wait3A_629] : memref<4x2x40xi32, #tpu.memory_space<vmem>> -> memref<1x1x40xi32, #tpu.memory_space<vmem>>
      %dma_wait3A_631 = tpu.memref_squeeze %dma_wait3A_630 : memref<1x1x40xi32, #tpu.memory_space<vmem>> -> memref<40xi32, #tpu.memory_space<vmem>>
      %dma_wait3A_632 = arith.constant 0 : i32
      %dma_wait3A_633 = arith.constant 0 : i32
      %dma_wait3A_634 = tpu.memref_slice %arg2[%dma_wait3A_632, %dma_wait3A_633] : memref<10000x128xf32, #tpu.memory_space<hbm>> -> memref<10000x128xf32, #tpu.memory_space<hbm>>
      %dma_wait3A_635 = tpu.memref_slice %arg10[%dma_wait3A_624] : memref<4x!tpu.dma_semaphore, #tpu.memory_space<semaphore_mem>> -> memref<1x!tpu.dma_semaphore, #tpu.memory_space<semaphore_mem>>
      %dma_wait3A_636 = tpu.memref_squeeze %dma_wait3A_635 : memref<1x!tpu.dma_semaphore, #tpu.memory_space<semaphore_mem>> -> memref<!tpu.dma_semaphore, #tpu.memory_space<semaphore_mem>>
      tpu.wait_indirect_dma semaphore(%dma_wait3A_636 : memref<!tpu.dma_semaphore, #tpu.memory_space<semaphore_mem>>) src(%dma_wait3A_634 : memref<10000x128xf32, #tpu.memory_space<hbm>>) dst(%dma_wait3A_628 : memref<40x128xf32, #tpu.memory_space<vmem>>)
      %dma_start3A_637 = arith.constant 2 : i32
      %dma_start3A_638 = arith.constant 2 : i32
      %dma_start3A_639 = arith.constant 1 : i32
      %dma_start3A_640 = arith.constant 2 : i32
      %dma_start3A_641 = arith.constant 0 : i32
      %dma_start3A_642 = arith.constant 0 : i32
      %dma_start3A_643 = tpu.memref_slice %arg7[%dma_start3A_637, %dma_start3A_641, %dma_start3A_642] : memref<4x40x128xf32, #tpu.memory_space<vmem>> -> memref<1x40x128xf32, #tpu.memory_space<vmem>>
      %dma_start3A_644 = tpu.memref_squeeze %dma_start3A_643 : memref<1x40x128xf32, #tpu.memory_space<vmem>> -> memref<40x128xf32, #tpu.memory_space<vmem>>
      %dma_start3A_645 = arith.constant 0 : i32
      %dma_start3A_646 = tpu.memref_slice %arg6[%dma_start3A_638, %dma_start3A_639, %dma_start3A_645] : memref<4x2x40xi32, #tpu.memory_space<vmem>> -> memref<1x1x40xi32, #tpu.memory_space<vmem>>
      %dma_start3A_647 = tpu.memref_squeeze %dma_start3A_646 : memref<1x1x40xi32, #tpu.memory_space<vmem>> -> memref<40xi32, #tpu.memory_space<vmem>>
      %dma_start3A_648 = arith.constant 0 : i32
      %dma_start3A_649 = arith.constant 0 : i32
      %dma_start3A_650 = tpu.memref_slice %arg8[%dma_start3A_648, %dma_start3A_649] : memref<10008x128xf32, #tpu.memory_space<vmem_shared>> -> memref<10008x128xf32, #tpu.memory_space<vmem_shared>>
      %dma_start3A_651 = tpu.memref_slice %arg11[%dma_start3A_640] : memref<4x!tpu.dma_semaphore, #tpu.memory_space<semaphore_mem>> -> memref<1x!tpu.dma_semaphore, #tpu.memory_space<semaphore_mem>>
      %dma_start3A_652 = tpu.memref_squeeze %dma_start3A_651 : memref<1x!tpu.dma_semaphore, #tpu.memory_space<semaphore_mem>> -> memref<!tpu.dma_semaphore, #tpu.memory_space<semaphore_mem>>
      tpu.enqueue_indirect_dma source(%dma_start3A_644 : memref<40x128xf32, #tpu.memory_space<vmem>>) target(%dma_start3A_650 : memref<10008x128xf32, #tpu.memory_space<vmem_shared>>) offsets(%dma_start3A_647 : memref<40xi32, #tpu.memory_space<vmem>>) semaphore(%dma_start3A_652 : memref<!tpu.dma_semaphore, #tpu.memory_space<semaphore_mem>>) {add = true}
      %dma_wait3A_653 = arith.constant 3 : i32
      %dma_wait3A_654 = arith.constant 0 : i32
      %dma_wait3A_655 = arith.constant 3 : i32
      %dma_wait3A_656 = arith.constant 3 : i32
      %dma_wait3A_657 = arith.constant 0 : i32
      %dma_wait3A_658 = arith.constant 0 : i32
      %dma_wait3A_659 = tpu.memref_slice %arg7[%dma_wait3A_655, %dma_wait3A_657, %dma_wait3A_658] : memref<4x40x128xf32, #tpu.memory_space<vmem>> -> memref<1x40x128xf32, #tpu.memory_space<vmem>>
      %dma_wait3A_660 = tpu.memref_squeeze %dma_wait3A_659 : memref<1x40x128xf32, #tpu.memory_space<vmem>> -> memref<40x128xf32, #tpu.memory_space<vmem>>
      %dma_wait3A_661 = arith.constant 0 : i32
      %dma_wait3A_662 = tpu.memref_slice %arg6[%dma_wait3A_653, %dma_wait3A_654, %dma_wait3A_661] : memref<4x2x40xi32, #tpu.memory_space<vmem>> -> memref<1x1x40xi32, #tpu.memory_space<vmem>>
      %dma_wait3A_663 = tpu.memref_squeeze %dma_wait3A_662 : memref<1x1x40xi32, #tpu.memory_space<vmem>> -> memref<40xi32, #tpu.memory_space<vmem>>
      %dma_wait3A_664 = arith.constant 0 : i32
      %dma_wait3A_665 = arith.constant 0 : i32
      %dma_wait3A_666 = tpu.memref_slice %arg2[%dma_wait3A_664, %dma_wait3A_665] : memref<10000x128xf32, #tpu.memory_space<hbm>> -> memref<10000x128xf32, #tpu.memory_space<hbm>>
      %dma_wait3A_667 = tpu.memref_slice %arg10[%dma_wait3A_656] : memref<4x!tpu.dma_semaphore, #tpu.memory_space<semaphore_mem>> -> memref<1x!tpu.dma_semaphore, #tpu.memory_space<semaphore_mem>>
      %dma_wait3A_668 = tpu.memref_squeeze %dma_wait3A_667 : memref<1x!tpu.dma_semaphore, #tpu.memory_space<semaphore_mem>> -> memref<!tpu.dma_semaphore, #tpu.memory_space<semaphore_mem>>
      tpu.wait_indirect_dma semaphore(%dma_wait3A_668 : memref<!tpu.dma_semaphore, #tpu.memory_space<semaphore_mem>>) src(%dma_wait3A_666 : memref<10000x128xf32, #tpu.memory_space<hbm>>) dst(%dma_wait3A_660 : memref<40x128xf32, #tpu.memory_space<vmem>>)
      %dma_start3A_669 = arith.constant 3 : i32
      %dma_start3A_670 = arith.constant 3 : i32
      %dma_start3A_671 = arith.constant 1 : i32
      %dma_start3A_672 = arith.constant 3 : i32
      %dma_start3A_673 = arith.constant 0 : i32
      %dma_start3A_674 = arith.constant 0 : i32
      %dma_start3A_675 = tpu.memref_slice %arg7[%dma_start3A_669, %dma_start3A_673, %dma_start3A_674] : memref<4x40x128xf32, #tpu.memory_space<vmem>> -> memref<1x40x128xf32, #tpu.memory_space<vmem>>
      %dma_start3A_676 = tpu.memref_squeeze %dma_start3A_675 : memref<1x40x128xf32, #tpu.memory_space<vmem>> -> memref<40x128xf32, #tpu.memory_space<vmem>>
      %dma_start3A_677 = arith.constant 0 : i32
      %dma_start3A_678 = tpu.memref_slice %arg6[%dma_start3A_670, %dma_start3A_671, %dma_start3A_677] : memref<4x2x40xi32, #tpu.memory_space<vmem>> -> memref<1x1x40xi32, #tpu.memory_space<vmem>>
      %dma_start3A_679 = tpu.memref_squeeze %dma_start3A_678 : memref<1x1x40xi32, #tpu.memory_space<vmem>> -> memref<40xi32, #tpu.memory_space<vmem>>
      %dma_start3A_680 = arith.constant 0 : i32
      %dma_start3A_681 = arith.constant 0 : i32
      %dma_start3A_682 = tpu.memref_slice %arg8[%dma_start3A_680, %dma_start3A_681] : memref<10008x128xf32, #tpu.memory_space<vmem_shared>> -> memref<10008x128xf32, #tpu.memory_space<vmem_shared>>
      %dma_start3A_683 = tpu.memref_slice %arg11[%dma_start3A_672] : memref<4x!tpu.dma_semaphore, #tpu.memory_space<semaphore_mem>> -> memref<1x!tpu.dma_semaphore, #tpu.memory_space<semaphore_mem>>
      %dma_start3A_684 = tpu.memref_squeeze %dma_start3A_683 : memref<1x!tpu.dma_semaphore, #tpu.memory_space<semaphore_mem>> -> memref<!tpu.dma_semaphore, #tpu.memory_space<semaphore_mem>>
      tpu.enqueue_indirect_dma source(%dma_start3A_676 : memref<40x128xf32, #tpu.memory_space<vmem>>) target(%dma_start3A_682 : memref<10008x128xf32, #tpu.memory_space<vmem_shared>>) offsets(%dma_start3A_679 : memref<40xi32, #tpu.memory_space<vmem>>) semaphore(%dma_start3A_684 : memref<!tpu.dma_semaphore, #tpu.memory_space<semaphore_mem>>) {add = true}
      %mul3A_685 = arith.constant 2 : i32
      %mul3A_686 = arith.muli %mul3A_685, %scan3A_453 : i32
      %add3A_687 = arith.constant 2 : i32
      %add3A_688 = arith.addi %mul3A_686, %add3A_687 : i32
      %mul3A_689 = arith.constant 2 : i32
      %mul3A_690 = arith.muli %add3A_688, %mul3A_689 : i32
      %add3A_691 = arith.constant 0 : i32
      %add3A_692 = arith.addi %mul3A_690, %add3A_691 : i32
      %dma_wait3A_693 = arith.constant 0 : i32
      %dma_wait3A_694 = arith.constant 0 : i32
      %dma_wait3A_695 = arith.constant 0 : i32
      %dma_wait3A_696 = arith.constant 0 : i32
      %dma_wait3A_697 = tpu.memref_slice %arg6[%dma_wait3A_693, %dma_wait3A_695, %dma_wait3A_696] : memref<4x2x40xi32, #tpu.memory_space<vmem>> -> memref<1x2x40xi32, #tpu.memory_space<vmem>>
      %dma_wait3A_698 = tpu.memref_squeeze %dma_wait3A_697 : memref<1x2x40xi32, #tpu.memory_space<vmem>> -> memref<2x40xi32, #tpu.memory_space<vmem>>
      %dma_wait3A_699 = arith.constant 0 : i32
      %dma_wait3A_700 = arith.constant 0 : i32
      %dma_wait3A_701 = tpu.memref_slice %arg3[%add3A, %add3A_692, %dma_wait3A_699, %dma_wait3A_700] : memref<32x256x2x40xi32, #tpu.memory_space<hbm>> -> memref<1x1x2x40xi32, #tpu.memory_space<hbm>>
      %dma_wait3A_702 = tpu.memref_squeeze %dma_wait3A_701 : memref<1x1x2x40xi32, #tpu.memory_space<hbm>> -> memref<2x40xi32, #tpu.memory_space<hbm>>
      %dma_wait3A_703 = tpu.memref_slice %arg9[%dma_wait3A_694] : memref<4x!tpu.dma_semaphore, #tpu.memory_space<semaphore_mem>> -> memref<1x!tpu.dma_semaphore, #tpu.memory_space<semaphore_mem>>
      %dma_wait3A_704 = tpu.memref_squeeze %dma_wait3A_703 : memref<1x!tpu.dma_semaphore, #tpu.memory_space<semaphore_mem>> -> memref<!tpu.dma_semaphore, #tpu.memory_space<semaphore_mem>>
      %dma_wait3A_705 = arith.constant 0 : i32
      %dma_wait3A_706 = arith.constant 0 : i32
      %dma_wait3A_707 = tpu.memref_slice %arg6[%dma_wait3A_693, %dma_wait3A_705, %dma_wait3A_706] : memref<4x2x40xi32, #tpu.memory_space<vmem>> -> memref<1x2x40xi32, #tpu.memory_space<vmem>>
      %dma_wait3A_708 = tpu.memref_squeeze %dma_wait3A_707 : memref<1x2x40xi32, #tpu.memory_space<vmem>> -> memref<2x40xi32, #tpu.memory_space<vmem>>
      %dma_wait3A_709 = arith.constant 0 : i32
      %dma_wait3A_710 = arith.constant 0 : i32
      %dma_wait3A_711 = tpu.memref_slice %arg3[%add3A, %add3A_692, %dma_wait3A_709, %dma_wait3A_710] : memref<32x256x2x40xi32, #tpu.memory_space<hbm>> -> memref<1x1x2x40xi32, #tpu.memory_space<hbm>>
      %dma_wait3A_712 = tpu.memref_squeeze %dma_wait3A_711 : memref<1x1x2x40xi32, #tpu.memory_space<hbm>> -> memref<2x40xi32, #tpu.memory_space<hbm>>
      tpu.wait_dma2 semaphore(%dma_wait3A_704 : memref<!tpu.dma_semaphore, #tpu.memory_space<semaphore_mem>>) src(%dma_wait3A_712 : memref<2x40xi32, #tpu.memory_space<hbm>>) dst(%dma_wait3A_708 : memref<2x40xi32, #tpu.memory_space<vmem>>)
      %dma_start3A_713 = arith.constant 0 : i32
      %dma_start3A_714 = arith.constant 0 : i32
      %dma_start3A_715 = arith.constant 0 : i32
      %dma_start3A_716 = arith.constant 0 : i32
      %dma_start3A_717 = arith.constant 0 : i32
      %dma_start3A_718 = arith.constant 0 : i32
      %dma_start3A_719 = tpu.memref_slice %arg7[%dma_start3A_715, %dma_start3A_717, %dma_start3A_718] : memref<4x40x128xf32, #tpu.memory_space<vmem>> -> memref<1x40x128xf32, #tpu.memory_space<vmem>>
      %dma_start3A_720 = tpu.memref_squeeze %dma_start3A_719 : memref<1x40x128xf32, #tpu.memory_space<vmem>> -> memref<40x128xf32, #tpu.memory_space<vmem>>
      %dma_start3A_721 = arith.constant 0 : i32
      %dma_start3A_722 = tpu.memref_slice %arg6[%dma_start3A_713, %dma_start3A_714, %dma_start3A_721] : memref<4x2x40xi32, #tpu.memory_space<vmem>> -> memref<1x1x40xi32, #tpu.memory_space<vmem>>
      %dma_start3A_723 = tpu.memref_squeeze %dma_start3A_722 : memref<1x1x40xi32, #tpu.memory_space<vmem>> -> memref<40xi32, #tpu.memory_space<vmem>>
      %dma_start3A_724 = arith.constant 0 : i32
      %dma_start3A_725 = arith.constant 0 : i32
      %dma_start3A_726 = tpu.memref_slice %arg2[%dma_start3A_724, %dma_start3A_725] : memref<10000x128xf32, #tpu.memory_space<hbm>> -> memref<10000x128xf32, #tpu.memory_space<hbm>>
      %dma_start3A_727 = tpu.memref_slice %arg10[%dma_start3A_716] : memref<4x!tpu.dma_semaphore, #tpu.memory_space<semaphore_mem>> -> memref<1x!tpu.dma_semaphore, #tpu.memory_space<semaphore_mem>>
      %dma_start3A_728 = tpu.memref_squeeze %dma_start3A_727 : memref<1x!tpu.dma_semaphore, #tpu.memory_space<semaphore_mem>> -> memref<!tpu.dma_semaphore, #tpu.memory_space<semaphore_mem>>
      tpu.enqueue_indirect_dma source(%dma_start3A_726 : memref<10000x128xf32, #tpu.memory_space<hbm>>) target(%dma_start3A_720 : memref<40x128xf32, #tpu.memory_space<vmem>>) offsets(%dma_start3A_723 : memref<40xi32, #tpu.memory_space<vmem>>) semaphore(%dma_start3A_728 : memref<!tpu.dma_semaphore, #tpu.memory_space<semaphore_mem>>)
      %mul3A_729 = arith.constant 2 : i32
      %mul3A_730 = arith.muli %add3A_688, %mul3A_729 : i32
      %add3A_731 = arith.constant 1 : i32
      %add3A_732 = arith.addi %mul3A_730, %add3A_731 : i32
      %dma_wait3A_733 = arith.constant 1 : i32
      %dma_wait3A_734 = arith.constant 1 : i32
      %dma_wait3A_735 = arith.constant 0 : i32
      %dma_wait3A_736 = arith.constant 0 : i32
      %dma_wait3A_737 = tpu.memref_slice %arg6[%dma_wait3A_733, %dma_wait3A_735, %dma_wait3A_736] : memref<4x2x40xi32, #tpu.memory_space<vmem>> -> memref<1x2x40xi32, #tpu.memory_space<vmem>>
      %dma_wait3A_738 = tpu.memref_squeeze %dma_wait3A_737 : memref<1x2x40xi32, #tpu.memory_space<vmem>> -> memref<2x40xi32, #tpu.memory_space<vmem>>
      %dma_wait3A_739 = arith.constant 0 : i32
      %dma_wait3A_740 = arith.constant 0 : i32
      %dma_wait3A_741 = tpu.memref_slice %arg3[%add3A, %add3A_732, %dma_wait3A_739, %dma_wait3A_740] : memref<32x256x2x40xi32, #tpu.memory_space<hbm>> -> memref<1x1x2x40xi32, #tpu.memory_space<hbm>>
      %dma_wait3A_742 = tpu.memref_squeeze %dma_wait3A_741 : memref<1x1x2x40xi32, #tpu.memory_space<hbm>> -> memref<2x40xi32, #tpu.memory_space<hbm>>
      %dma_wait3A_743 = tpu.memref_slice %arg9[%dma_wait3A_734] : memref<4x!tpu.dma_semaphore, #tpu.memory_space<semaphore_mem>> -> memref<1x!tpu.dma_semaphore, #tpu.memory_space<semaphore_mem>>
      %dma_wait3A_744 = tpu.memref_squeeze %dma_wait3A_743 : memref<1x!tpu.dma_semaphore, #tpu.memory_space<semaphore_mem>> -> memref<!tpu.dma_semaphore, #tpu.memory_space<semaphore_mem>>
      %dma_wait3A_745 = arith.constant 0 : i32
      %dma_wait3A_746 = arith.constant 0 : i32
      %dma_wait3A_747 = tpu.memref_slice %arg6[%dma_wait3A_733, %dma_wait3A_745, %dma_wait3A_746] : memref<4x2x40xi32, #tpu.memory_space<vmem>> -> memref<1x2x40xi32, #tpu.memory_space<vmem>>
      %dma_wait3A_748 = tpu.memref_squeeze %dma_wait3A_747 : memref<1x2x40xi32, #tpu.memory_space<vmem>> -> memref<2x40xi32, #tpu.memory_space<vmem>>
      %dma_wait3A_749 = arith.constant 0 : i32
      %dma_wait3A_750 = arith.constant 0 : i32
      %dma_wait3A_751 = tpu.memref_slice %arg3[%add3A, %add3A_732, %dma_wait3A_749, %dma_wait3A_750] : memref<32x256x2x40xi32, #tpu.memory_space<hbm>> -> memref<1x1x2x40xi32, #tpu.memory_space<hbm>>
      %dma_wait3A_752 = tpu.memref_squeeze %dma_wait3A_751 : memref<1x1x2x40xi32, #tpu.memory_space<hbm>> -> memref<2x40xi32, #tpu.memory_space<hbm>>
      tpu.wait_dma2 semaphore(%dma_wait3A_744 : memref<!tpu.dma_semaphore, #tpu.memory_space<semaphore_mem>>) src(%dma_wait3A_752 : memref<2x40xi32, #tpu.memory_space<hbm>>) dst(%dma_wait3A_748 : memref<2x40xi32, #tpu.memory_space<vmem>>)
      %dma_start3A_753 = arith.constant 1 : i32
      %dma_start3A_754 = arith.constant 0 : i32
      %dma_start3A_755 = arith.constant 1 : i32
      %dma_start3A_756 = arith.constant 1 : i32
      %dma_start3A_757 = arith.constant 0 : i32
      %dma_start3A_758 = arith.constant 0 : i32
      %dma_start3A_759 = tpu.memref_slice %arg7[%dma_start3A_755, %dma_start3A_757, %dma_start3A_758] : memref<4x40x128xf32, #tpu.memory_space<vmem>> -> memref<1x40x128xf32, #tpu.memory_space<vmem>>
      %dma_start3A_760 = tpu.memref_squeeze %dma_start3A_759 : memref<1x40x128xf32, #tpu.memory_space<vmem>> -> memref<40x128xf32, #tpu.memory_space<vmem>>
      %dma_start3A_761 = arith.constant 0 : i32
      %dma_start3A_762 = tpu.memref_slice %arg6[%dma_start3A_753, %dma_start3A_754, %dma_start3A_761] : memref<4x2x40xi32, #tpu.memory_space<vmem>> -> memref<1x1x40xi32, #tpu.memory_space<vmem>>
      %dma_start3A_763 = tpu.memref_squeeze %dma_start3A_762 : memref<1x1x40xi32, #tpu.memory_space<vmem>> -> memref<40xi32, #tpu.memory_space<vmem>>
      %dma_start3A_764 = arith.constant 0 : i32
      %dma_start3A_765 = arith.constant 0 : i32
      %dma_start3A_766 = tpu.memref_slice %arg2[%dma_start3A_764, %dma_start3A_765] : memref<10000x128xf32, #tpu.memory_space<hbm>> -> memref<10000x128xf32, #tpu.memory_space<hbm>>
      %dma_start3A_767 = tpu.memref_slice %arg10[%dma_start3A_756] : memref<4x!tpu.dma_semaphore, #tpu.memory_space<semaphore_mem>> -> memref<1x!tpu.dma_semaphore, #tpu.memory_space<semaphore_mem>>
      %dma_start3A_768 = tpu.memref_squeeze %dma_start3A_767 : memref<1x!tpu.dma_semaphore, #tpu.memory_space<semaphore_mem>> -> memref<!tpu.dma_semaphore, #tpu.memory_space<semaphore_mem>>
      tpu.enqueue_indirect_dma source(%dma_start3A_766 : memref<10000x128xf32, #tpu.memory_space<hbm>>) target(%dma_start3A_760 : memref<40x128xf32, #tpu.memory_space<vmem>>) offsets(%dma_start3A_763 : memref<40xi32, #tpu.memory_space<vmem>>) semaphore(%dma_start3A_768 : memref<!tpu.dma_semaphore, #tpu.memory_space<semaphore_mem>>)
      %dma_wait3A_769 = arith.constant 2 : i32
      %dma_wait3A_770 = arith.constant 2 : i32
      %dma_wait3A_771 = arith.constant 1 : i32
      %dma_wait3A_772 = arith.constant 2 : i32
      %dma_wait3A_773 = arith.constant 0 : i32
      %dma_wait3A_774 = arith.constant 0 : i32
      %dma_wait3A_775 = tpu.memref_slice %arg7[%dma_wait3A_769, %dma_wait3A_773, %dma_wait3A_774] : memref<4x40x128xf32, #tpu.memory_space<vmem>> -> memref<1x40x128xf32, #tpu.memory_space<vmem>>
      %dma_wait3A_776 = tpu.memref_squeeze %dma_wait3A_775 : memref<1x40x128xf32, #tpu.memory_space<vmem>> -> memref<40x128xf32, #tpu.memory_space<vmem>>
      %dma_wait3A_777 = arith.constant 0 : i32
      %dma_wait3A_778 = tpu.memref_slice %arg6[%dma_wait3A_770, %dma_wait3A_771, %dma_wait3A_777] : memref<4x2x40xi32, #tpu.memory_space<vmem>> -> memref<1x1x40xi32, #tpu.memory_space<vmem>>
      %dma_wait3A_779 = tpu.memref_squeeze %dma_wait3A_778 : memref<1x1x40xi32, #tpu.memory_space<vmem>> -> memref<40xi32, #tpu.memory_space<vmem>>
      %dma_wait3A_780 = arith.constant 0 : i32
      %dma_wait3A_781 = arith.constant 0 : i32
      %dma_wait3A_782 = tpu.memref_slice %arg8[%dma_wait3A_780, %dma_wait3A_781] : memref<10008x128xf32, #tpu.memory_space<vmem_shared>> -> memref<10008x128xf32, #tpu.memory_space<vmem_shared>>
      %dma_wait3A_783 = tpu.memref_slice %arg11[%dma_wait3A_772] : memref<4x!tpu.dma_semaphore, #tpu.memory_space<semaphore_mem>> -> memref<1x!tpu.dma_semaphore, #tpu.memory_space<semaphore_mem>>
      %dma_wait3A_784 = tpu.memref_squeeze %dma_wait3A_783 : memref<1x!tpu.dma_semaphore, #tpu.memory_space<semaphore_mem>> -> memref<!tpu.dma_semaphore, #tpu.memory_space<semaphore_mem>>
      tpu.wait_indirect_dma semaphore(%dma_wait3A_784 : memref<!tpu.dma_semaphore, #tpu.memory_space<semaphore_mem>>) src(%dma_wait3A_776 : memref<40x128xf32, #tpu.memory_space<vmem>>) dst(%dma_wait3A_782 : memref<10008x128xf32, #tpu.memory_space<vmem_shared>>)
      %dma_wait3A_785 = arith.constant 3 : i32
      %dma_wait3A_786 = arith.constant 3 : i32
      %dma_wait3A_787 = arith.constant 1 : i32
      %dma_wait3A_788 = arith.constant 3 : i32
      %dma_wait3A_789 = arith.constant 0 : i32
      %dma_wait3A_790 = arith.constant 0 : i32
      %dma_wait3A_791 = tpu.memref_slice %arg7[%dma_wait3A_785, %dma_wait3A_789, %dma_wait3A_790] : memref<4x40x128xf32, #tpu.memory_space<vmem>> -> memref<1x40x128xf32, #tpu.memory_space<vmem>>
      %dma_wait3A_792 = tpu.memref_squeeze %dma_wait3A_791 : memref<1x40x128xf32, #tpu.memory_space<vmem>> -> memref<40x128xf32, #tpu.memory_space<vmem>>
      %dma_wait3A_793 = arith.constant 0 : i32
      %dma_wait3A_794 = tpu.memref_slice %arg6[%dma_wait3A_786, %dma_wait3A_787, %dma_wait3A_793] : memref<4x2x40xi32, #tpu.memory_space<vmem>> -> memref<1x1x40xi32, #tpu.memory_space<vmem>>
      %dma_wait3A_795 = tpu.memref_squeeze %dma_wait3A_794 : memref<1x1x40xi32, #tpu.memory_space<vmem>> -> memref<40xi32, #tpu.memory_space<vmem>>
      %dma_wait3A_796 = arith.constant 0 : i32
      %dma_wait3A_797 = arith.constant 0 : i32
      %dma_wait3A_798 = tpu.memref_slice %arg8[%dma_wait3A_796, %dma_wait3A_797] : memref<10008x128xf32, #tpu.memory_space<vmem_shared>> -> memref<10008x128xf32, #tpu.memory_space<vmem_shared>>
      %dma_wait3A_799 = tpu.memref_slice %arg11[%dma_wait3A_788] : memref<4x!tpu.dma_semaphore, #tpu.memory_space<semaphore_mem>> -> memref<1x!tpu.dma_semaphore, #tpu.memory_space<semaphore_mem>>
      %dma_wait3A_800 = tpu.memref_squeeze %dma_wait3A_799 : memref<1x!tpu.dma_semaphore, #tpu.memory_space<semaphore_mem>> -> memref<!tpu.dma_semaphore, #tpu.memory_space<semaphore_mem>>
      tpu.wait_indirect_dma semaphore(%dma_wait3A_800 : memref<!tpu.dma_semaphore, #tpu.memory_space<semaphore_mem>>) src(%dma_wait3A_792 : memref<40x128xf32, #tpu.memory_space<vmem>>) dst(%dma_wait3A_798 : memref<10008x128xf32, #tpu.memory_space<vmem_shared>>)
      %add3A_801 = arith.constant 1 : i32
      %add3A_802 = arith.addi %add3A_688, %add3A_801 : i32
      %mul3A_803 = arith.constant 2 : i32
      %mul3A_804 = arith.muli %add3A_802, %mul3A_803 : i32
      %add3A_805 = arith.constant 0 : i32
      %add3A_806 = arith.addi %mul3A_804, %add3A_805 : i32
      %dma_start3A_807 = arith.constant 2 : i32
      %dma_start3A_808 = arith.constant 2 : i32
      %dma_start3A_809 = arith.constant 0 : i32
      %dma_start3A_810 = arith.constant 0 : i32
      %dma_start3A_811 = tpu.memref_slice %arg6[%dma_start3A_807, %dma_start3A_809, %dma_start3A_810] : memref<4x2x40xi32, #tpu.memory_space<vmem>> -> memref<1x2x40xi32, #tpu.memory_space<vmem>>
      %dma_start3A_812 = tpu.memref_squeeze %dma_start3A_811 : memref<1x2x40xi32, #tpu.memory_space<vmem>> -> memref<2x40xi32, #tpu.memory_space<vmem>>
      %dma_start3A_813 = arith.constant 0 : i32
      %dma_start3A_814 = arith.constant 0 : i32
      %dma_start3A_815 = tpu.memref_slice %arg3[%add3A, %add3A_806, %dma_start3A_813, %dma_start3A_814] : memref<32x256x2x40xi32, #tpu.memory_space<hbm>> -> memref<1x1x2x40xi32, #tpu.memory_space<hbm>>
      %dma_start3A_816 = tpu.memref_squeeze %dma_start3A_815 : memref<1x1x2x40xi32, #tpu.memory_space<hbm>> -> memref<2x40xi32, #tpu.memory_space<hbm>>
      %dma_start3A_817 = tpu.memref_slice %arg9[%dma_start3A_808] : memref<4x!tpu.dma_semaphore, #tpu.memory_space<semaphore_mem>> -> memref<1x!tpu.dma_semaphore, #tpu.memory_space<semaphore_mem>>
      %dma_start3A_818 = tpu.memref_squeeze %dma_start3A_817 : memref<1x!tpu.dma_semaphore, #tpu.memory_space<semaphore_mem>> -> memref<!tpu.dma_semaphore, #tpu.memory_space<semaphore_mem>>
      %dma_start3A_819 = arith.constant 0 : i32
      %dma_start3A_820 = arith.constant 0 : i32
      %dma_start3A_821 = tpu.memref_slice %arg6[%dma_start3A_807, %dma_start3A_819, %dma_start3A_820] : memref<4x2x40xi32, #tpu.memory_space<vmem>> -> memref<1x2x40xi32, #tpu.memory_space<vmem>>
      %dma_start3A_822 = tpu.memref_squeeze %dma_start3A_821 : memref<1x2x40xi32, #tpu.memory_space<vmem>> -> memref<2x40xi32, #tpu.memory_space<vmem>>
      %dma_start3A_823 = arith.constant 0 : i32
      %dma_start3A_824 = arith.constant 0 : i32
      %dma_start3A_825 = tpu.memref_slice %arg3[%add3A, %add3A_806, %dma_start3A_823, %dma_start3A_824] : memref<32x256x2x40xi32, #tpu.memory_space<hbm>> -> memref<1x1x2x40xi32, #tpu.memory_space<hbm>>
      %dma_start3A_826 = tpu.memref_squeeze %dma_start3A_825 : memref<1x1x2x40xi32, #tpu.memory_space<hbm>> -> memref<2x40xi32, #tpu.memory_space<hbm>>
      tpu.enqueue_dma source(%dma_start3A_826 : memref<2x40xi32, #tpu.memory_space<hbm>>) target(%dma_start3A_822 : memref<2x40xi32, #tpu.memory_space<vmem>>) target_semaphore(%dma_start3A_818 : memref<!tpu.dma_semaphore, #tpu.memory_space<semaphore_mem>>)
      %mul3A_827 = arith.constant 2 : i32
      %mul3A_828 = arith.muli %add3A_802, %mul3A_827 : i32
      %add3A_829 = arith.constant 1 : i32
      %add3A_830 = arith.addi %mul3A_828, %add3A_829 : i32
      %dma_start3A_831 = arith.constant 3 : i32
      %dma_start3A_832 = arith.constant 3 : i32
      %dma_start3A_833 = arith.constant 0 : i32
      %dma_start3A_834 = arith.constant 0 : i32
      %dma_start3A_835 = tpu.memref_slice %arg6[%dma_start3A_831, %dma_start3A_833, %dma_start3A_834] : memref<4x2x40xi32, #tpu.memory_space<vmem>> -> memref<1x2x40xi32, #tpu.memory_space<vmem>>
      %dma_start3A_836 = tpu.memref_squeeze %dma_start3A_835 : memref<1x2x40xi32, #tpu.memory_space<vmem>> -> memref<2x40xi32, #tpu.memory_space<vmem>>
      %dma_start3A_837 = arith.constant 0 : i32
      %dma_start3A_838 = arith.constant 0 : i32
      %dma_start3A_839 = tpu.memref_slice %arg3[%add3A, %add3A_830, %dma_start3A_837, %dma_start3A_838] : memref<32x256x2x40xi32, #tpu.memory_space<hbm>> -> memref<1x1x2x40xi32, #tpu.memory_space<hbm>>
      %dma_start3A_840 = tpu.memref_squeeze %dma_start3A_839 : memref<1x1x2x40xi32, #tpu.memory_space<hbm>> -> memref<2x40xi32, #tpu.memory_space<hbm>>
      %dma_start3A_841 = tpu.memref_slice %arg9[%dma_start3A_832] : memref<4x!tpu.dma_semaphore, #tpu.memory_space<semaphore_mem>> -> memref<1x!tpu.dma_semaphore, #tpu.memory_space<semaphore_mem>>
      %dma_start3A_842 = tpu.memref_squeeze %dma_start3A_841 : memref<1x!tpu.dma_semaphore, #tpu.memory_space<semaphore_mem>> -> memref<!tpu.dma_semaphore, #tpu.memory_space<semaphore_mem>>
      %dma_start3A_843 = arith.constant 0 : i32
      %dma_start3A_844 = arith.constant 0 : i32
      %dma_start3A_845 = tpu.memref_slice %arg6[%dma_start3A_831, %dma_start3A_843, %dma_start3A_844] : memref<4x2x40xi32, #tpu.memory_space<vmem>> -> memref<1x2x40xi32, #tpu.memory_space<vmem>>
      %dma_start3A_846 = tpu.memref_squeeze %dma_start3A_845 : memref<1x2x40xi32, #tpu.memory_space<vmem>> -> memref<2x40xi32, #tpu.memory_space<vmem>>
      %dma_start3A_847 = arith.constant 0 : i32
      %dma_start3A_848 = arith.constant 0 : i32
      %dma_start3A_849 = tpu.memref_slice %arg3[%add3A, %add3A_830, %dma_start3A_847, %dma_start3A_848] : memref<32x256x2x40xi32, #tpu.memory_space<hbm>> -> memref<1x1x2x40xi32, #tpu.memory_space<hbm>>
      %dma_start3A_850 = tpu.memref_squeeze %dma_start3A_849 : memref<1x1x2x40xi32, #tpu.memory_space<hbm>> -> memref<2x40xi32, #tpu.memory_space<hbm>>
      tpu.enqueue_dma source(%dma_start3A_850 : memref<2x40xi32, #tpu.memory_space<hbm>>) target(%dma_start3A_846 : memref<2x40xi32, #tpu.memory_space<vmem>>) target_semaphore(%dma_start3A_842 : memref<!tpu.dma_semaphore, #tpu.memory_space<semaphore_mem>>)
      %dma_wait3A_851 = arith.constant 0 : i32
      %dma_wait3A_852 = arith.constant 0 : i32
      %dma_wait3A_853 = arith.constant 0 : i32
      %dma_wait3A_854 = arith.constant 0 : i32
      %dma_wait3A_855 = arith.constant 0 : i32
      %dma_wait3A_856 = arith.constant 0 : i32
      %dma_wait3A_857 = tpu.memref_slice %arg7[%dma_wait3A_853, %dma_wait3A_855, %dma_wait3A_856] : memref<4x40x128xf32, #tpu.memory_space<vmem>> -> memref<1x40x128xf32, #tpu.memory_space<vmem>>
      %dma_wait3A_858 = tpu.memref_squeeze %dma_wait3A_857 : memref<1x40x128xf32, #tpu.memory_space<vmem>> -> memref<40x128xf32, #tpu.memory_space<vmem>>
      %dma_wait3A_859 = arith.constant 0 : i32
      %dma_wait3A_860 = tpu.memref_slice %arg6[%dma_wait3A_851, %dma_wait3A_852, %dma_wait3A_859] : memref<4x2x40xi32, #tpu.memory_space<vmem>> -> memref<1x1x40xi32, #tpu.memory_space<vmem>>
      %dma_wait3A_861 = tpu.memref_squeeze %dma_wait3A_860 : memref<1x1x40xi32, #tpu.memory_space<vmem>> -> memref<40xi32, #tpu.memory_space<vmem>>
      %dma_wait3A_862 = arith.constant 0 : i32
      %dma_wait3A_863 = arith.constant 0 : i32
      %dma_wait3A_864 = tpu.memref_slice %arg2[%dma_wait3A_862, %dma_wait3A_863] : memref<10000x128xf32, #tpu.memory_space<hbm>> -> memref<10000x128xf32, #tpu.memory_space<hbm>>
      %dma_wait3A_865 = tpu.memref_slice %arg10[%dma_wait3A_854] : memref<4x!tpu.dma_semaphore, #tpu.memory_space<semaphore_mem>> -> memref<1x!tpu.dma_semaphore, #tpu.memory_space<semaphore_mem>>
      %dma_wait3A_866 = tpu.memref_squeeze %dma_wait3A_865 : memref<1x!tpu.dma_semaphore, #tpu.memory_space<semaphore_mem>> -> memref<!tpu.dma_semaphore, #tpu.memory_space<semaphore_mem>>
      tpu.wait_indirect_dma semaphore(%dma_wait3A_866 : memref<!tpu.dma_semaphore, #tpu.memory_space<semaphore_mem>>) src(%dma_wait3A_864 : memref<10000x128xf32, #tpu.memory_space<hbm>>) dst(%dma_wait3A_858 : memref<40x128xf32, #tpu.memory_space<vmem>>)
      %dma_start3A_867 = arith.constant 0 : i32
      %dma_start3A_868 = arith.constant 0 : i32
      %dma_start3A_869 = arith.constant 1 : i32
      %dma_start3A_870 = arith.constant 0 : i32
      %dma_start3A_871 = arith.constant 0 : i32
      %dma_start3A_872 = arith.constant 0 : i32
      %dma_start3A_873 = tpu.memref_slice %arg7[%dma_start3A_867, %dma_start3A_871, %dma_start3A_872] : memref<4x40x128xf32, #tpu.memory_space<vmem>> -> memref<1x40x128xf32, #tpu.memory_space<vmem>>
      %dma_start3A_874 = tpu.memref_squeeze %dma_start3A_873 : memref<1x40x128xf32, #tpu.memory_space<vmem>> -> memref<40x128xf32, #tpu.memory_space<vmem>>
      %dma_start3A_875 = arith.constant 0 : i32
      %dma_start3A_876 = tpu.memref_slice %arg6[%dma_start3A_868, %dma_start3A_869, %dma_start3A_875] : memref<4x2x40xi32, #tpu.memory_space<vmem>> -> memref<1x1x40xi32, #tpu.memory_space<vmem>>
      %dma_start3A_877 = tpu.memref_squeeze %dma_start3A_876 : memref<1x1x40xi32, #tpu.memory_space<vmem>> -> memref<40xi32, #tpu.memory_space<vmem>>
      %dma_start3A_878 = arith.constant 0 : i32
      %dma_start3A_879 = arith.constant 0 : i32
      %dma_start3A_880 = tpu.memref_slice %arg8[%dma_start3A_878, %dma_start3A_879] : memref<10008x128xf32, #tpu.memory_space<vmem_shared>> -> memref<10008x128xf32, #tpu.memory_space<vmem_shared>>
      %dma_start3A_881 = tpu.memref_slice %arg11[%dma_start3A_870] : memref<4x!tpu.dma_semaphore, #tpu.memory_space<semaphore_mem>> -> memref<1x!tpu.dma_semaphore, #tpu.memory_space<semaphore_mem>>
      %dma_start3A_882 = tpu.memref_squeeze %dma_start3A_881 : memref<1x!tpu.dma_semaphore, #tpu.memory_space<semaphore_mem>> -> memref<!tpu.dma_semaphore, #tpu.memory_space<semaphore_mem>>
      tpu.enqueue_indirect_dma source(%dma_start3A_874 : memref<40x128xf32, #tpu.memory_space<vmem>>) target(%dma_start3A_880 : memref<10008x128xf32, #tpu.memory_space<vmem_shared>>) offsets(%dma_start3A_877 : memref<40xi32, #tpu.memory_space<vmem>>) semaphore(%dma_start3A_882 : memref<!tpu.dma_semaphore, #tpu.memory_space<semaphore_mem>>) {add = true}
      %dma_wait3A_883 = arith.constant 1 : i32
      %dma_wait3A_884 = arith.constant 0 : i32
      %dma_wait3A_885 = arith.constant 1 : i32
      %dma_wait3A_886 = arith.constant 1 : i32
      %dma_wait3A_887 = arith.constant 0 : i32
      %dma_wait3A_888 = arith.constant 0 : i32
      %dma_wait3A_889 = tpu.memref_slice %arg7[%dma_wait3A_885, %dma_wait3A_887, %dma_wait3A_888] : memref<4x40x128xf32, #tpu.memory_space<vmem>> -> memref<1x40x128xf32, #tpu.memory_space<vmem>>
      %dma_wait3A_890 = tpu.memref_squeeze %dma_wait3A_889 : memref<1x40x128xf32, #tpu.memory_space<vmem>> -> memref<40x128xf32, #tpu.memory_space<vmem>>
      %dma_wait3A_891 = arith.constant 0 : i32
      %dma_wait3A_892 = tpu.memref_slice %arg6[%dma_wait3A_883, %dma_wait3A_884, %dma_wait3A_891] : memref<4x2x40xi32, #tpu.memory_space<vmem>> -> memref<1x1x40xi32, #tpu.memory_space<vmem>>
      %dma_wait3A_893 = tpu.memref_squeeze %dma_wait3A_892 : memref<1x1x40xi32, #tpu.memory_space<vmem>> -> memref<40xi32, #tpu.memory_space<vmem>>
      %dma_wait3A_894 = arith.constant 0 : i32
      %dma_wait3A_895 = arith.constant 0 : i32
      %dma_wait3A_896 = tpu.memref_slice %arg2[%dma_wait3A_894, %dma_wait3A_895] : memref<10000x128xf32, #tpu.memory_space<hbm>> -> memref<10000x128xf32, #tpu.memory_space<hbm>>
      %dma_wait3A_897 = tpu.memref_slice %arg10[%dma_wait3A_886] : memref<4x!tpu.dma_semaphore, #tpu.memory_space<semaphore_mem>> -> memref<1x!tpu.dma_semaphore, #tpu.memory_space<semaphore_mem>>
      %dma_wait3A_898 = tpu.memref_squeeze %dma_wait3A_897 : memref<1x!tpu.dma_semaphore, #tpu.memory_space<semaphore_mem>> -> memref<!tpu.dma_semaphore, #tpu.memory_space<semaphore_mem>>
      tpu.wait_indirect_dma semaphore(%dma_wait3A_898 : memref<!tpu.dma_semaphore, #tpu.memory_space<semaphore_mem>>) src(%dma_wait3A_896 : memref<10000x128xf32, #tpu.memory_space<hbm>>) dst(%dma_wait3A_890 : memref<40x128xf32, #tpu.memory_space<vmem>>)
      %dma_start3A_899 = arith.constant 1 : i32
      %dma_start3A_900 = arith.constant 1 : i32
      %dma_start3A_901 = arith.constant 1 : i32
      %dma_start3A_902 = arith.constant 1 : i32
      %dma_start3A_903 = arith.constant 0 : i32
      %dma_start3A_904 = arith.constant 0 : i32
      %dma_start3A_905 = tpu.memref_slice %arg7[%dma_start3A_899, %dma_start3A_903, %dma_start3A_904] : memref<4x40x128xf32, #tpu.memory_space<vmem>> -> memref<1x40x128xf32, #tpu.memory_space<vmem>>
      %dma_start3A_906 = tpu.memref_squeeze %dma_start3A_905 : memref<1x40x128xf32, #tpu.memory_space<vmem>> -> memref<40x128xf32, #tpu.memory_space<vmem>>
      %dma_start3A_907 = arith.constant 0 : i32
      %dma_start3A_908 = tpu.memref_slice %arg6[%dma_start3A_900, %dma_start3A_901, %dma_start3A_907] : memref<4x2x40xi32, #tpu.memory_space<vmem>> -> memref<1x1x40xi32, #tpu.memory_space<vmem>>
      %dma_start3A_909 = tpu.memref_squeeze %dma_start3A_908 : memref<1x1x40xi32, #tpu.memory_space<vmem>> -> memref<40xi32, #tpu.memory_space<vmem>>
      %dma_start3A_910 = arith.constant 0 : i32
      %dma_start3A_911 = arith.constant 0 : i32
      %dma_start3A_912 = tpu.memref_slice %arg8[%dma_start3A_910, %dma_start3A_911] : memref<10008x128xf32, #tpu.memory_space<vmem_shared>> -> memref<10008x128xf32, #tpu.memory_space<vmem_shared>>
      %dma_start3A_913 = tpu.memref_slice %arg11[%dma_start3A_902] : memref<4x!tpu.dma_semaphore, #tpu.memory_space<semaphore_mem>> -> memref<1x!tpu.dma_semaphore, #tpu.memory_space<semaphore_mem>>
      %dma_start3A_914 = tpu.memref_squeeze %dma_start3A_913 : memref<1x!tpu.dma_semaphore, #tpu.memory_space<semaphore_mem>> -> memref<!tpu.dma_semaphore, #tpu.memory_space<semaphore_mem>>
      tpu.enqueue_indirect_dma source(%dma_start3A_906 : memref<40x128xf32, #tpu.memory_space<vmem>>) target(%dma_start3A_912 : memref<10008x128xf32, #tpu.memory_space<vmem_shared>>) offsets(%dma_start3A_909 : memref<40xi32, #tpu.memory_space<vmem>>) semaphore(%dma_start3A_914 : memref<!tpu.dma_semaphore, #tpu.memory_space<semaphore_mem>>) {add = true}
      %scan3A_915 = arith.constant 0 : i32
      scf.yield %scan3A_915 : i32
    }
    %scan3A_240 = arith.constant 63 : i32
    %dma_wait3A_241 = arith.constant 254 : i32
    %dma_wait3A_242 = arith.constant 2 : i32
    %dma_wait3A_243 = arith.constant 2 : i32
    %dma_wait3A_244 = arith.constant 0 : i32
    %dma_wait3A_245 = arith.constant 0 : i32
    %dma_wait3A_246 = tpu.memref_slice %arg6[%dma_wait3A_242, %dma_wait3A_244, %dma_wait3A_245] : memref<4x2x40xi32, #tpu.memory_space<vmem>> -> memref<1x2x40xi32, #tpu.memory_space<vmem>>
    %dma_wait3A_247 = tpu.memref_squeeze %dma_wait3A_246 : memref<1x2x40xi32, #tpu.memory_space<vmem>> -> memref<2x40xi32, #tpu.memory_space<vmem>>
    %dma_wait3A_248 = arith.constant 0 : i32
    %dma_wait3A_249 = arith.constant 0 : i32
    %dma_wait3A_250 = tpu.memref_slice %arg3[%add3A, %dma_wait3A_241, %dma_wait3A_248, %dma_wait3A_249] : memref<32x256x2x40xi32, #tpu.memory_space<hbm>> -> memref<1x1x2x40xi32, #tpu.memory_space<hbm>>
    %dma_wait3A_251 = tpu.memref_squeeze %dma_wait3A_250 : memref<1x1x2x40xi32, #tpu.memory_space<hbm>> -> memref<2x40xi32, #tpu.memory_space<hbm>>
    %dma_wait3A_252 = tpu.memref_slice %arg9[%dma_wait3A_243] : memref<4x!tpu.dma_semaphore, #tpu.memory_space<semaphore_mem>> -> memref<1x!tpu.dma_semaphore, #tpu.memory_space<semaphore_mem>>
    %dma_wait3A_253 = tpu.memref_squeeze %dma_wait3A_252 : memref<1x!tpu.dma_semaphore, #tpu.memory_space<semaphore_mem>> -> memref<!tpu.dma_semaphore, #tpu.memory_space<semaphore_mem>>
    %dma_wait3A_254 = arith.constant 0 : i32
    %dma_wait3A_255 = arith.constant 0 : i32
    %dma_wait3A_256 = tpu.memref_slice %arg6[%dma_wait3A_242, %dma_wait3A_254, %dma_wait3A_255] : memref<4x2x40xi32, #tpu.memory_space<vmem>> -> memref<1x2x40xi32, #tpu.memory_space<vmem>>
    %dma_wait3A_257 = tpu.memref_squeeze %dma_wait3A_256 : memref<1x2x40xi32, #tpu.memory_space<vmem>> -> memref<2x40xi32, #tpu.memory_space<vmem>>
    %dma_wait3A_258 = arith.constant 0 : i32
    %dma_wait3A_259 = arith.constant 0 : i32
    %dma_wait3A_260 = tpu.memref_slice %arg3[%add3A, %dma_wait3A_241, %dma_wait3A_258, %dma_wait3A_259] : memref<32x256x2x40xi32, #tpu.memory_space<hbm>> -> memref<1x1x2x40xi32, #tpu.memory_space<hbm>>
    %dma_wait3A_261 = tpu.memref_squeeze %dma_wait3A_260 : memref<1x1x2x40xi32, #tpu.memory_space<hbm>> -> memref<2x40xi32, #tpu.memory_space<hbm>>
    tpu.wait_dma2 semaphore(%dma_wait3A_253 : memref<!tpu.dma_semaphore, #tpu.memory_space<semaphore_mem>>) src(%dma_wait3A_261 : memref<2x40xi32, #tpu.memory_space<hbm>>) dst(%dma_wait3A_257 : memref<2x40xi32, #tpu.memory_space<vmem>>)
    %dma_start3A_262 = arith.constant 2 : i32
    %dma_start3A_263 = arith.constant 0 : i32
    %dma_start3A_264 = arith.constant 2 : i32
    %dma_start3A_265 = arith.constant 2 : i32
    %dma_start3A_266 = arith.constant 0 : i32
    %dma_start3A_267 = arith.constant 0 : i32
    %dma_start3A_268 = tpu.memref_slice %arg7[%dma_start3A_264, %dma_start3A_266, %dma_start3A_267] : memref<4x40x128xf32, #tpu.memory_space<vmem>> -> memref<1x40x128xf32, #tpu.memory_space<vmem>>
    %dma_start3A_269 = tpu.memref_squeeze %dma_start3A_268 : memref<1x40x128xf32, #tpu.memory_space<vmem>> -> memref<40x128xf32, #tpu.memory_space<vmem>>
    %dma_start3A_270 = arith.constant 0 : i32
    %dma_start3A_271 = tpu.memref_slice %arg6[%dma_start3A_262, %dma_start3A_263, %dma_start3A_270] : memref<4x2x40xi32, #tpu.memory_space<vmem>> -> memref<1x1x40xi32, #tpu.memory_space<vmem>>
    %dma_start3A_272 = tpu.memref_squeeze %dma_start3A_271 : memref<1x1x40xi32, #tpu.memory_space<vmem>> -> memref<40xi32, #tpu.memory_space<vmem>>
    %dma_start3A_273 = arith.constant 0 : i32
    %dma_start3A_274 = arith.constant 0 : i32
    %dma_start3A_275 = tpu.memref_slice %arg2[%dma_start3A_273, %dma_start3A_274] : memref<10000x128xf32, #tpu.memory_space<hbm>> -> memref<10000x128xf32, #tpu.memory_space<hbm>>
    %dma_start3A_276 = tpu.memref_slice %arg10[%dma_start3A_265] : memref<4x!tpu.dma_semaphore, #tpu.memory_space<semaphore_mem>> -> memref<1x!tpu.dma_semaphore, #tpu.memory_space<semaphore_mem>>
    %dma_start3A_277 = tpu.memref_squeeze %dma_start3A_276 : memref<1x!tpu.dma_semaphore, #tpu.memory_space<semaphore_mem>> -> memref<!tpu.dma_semaphore, #tpu.memory_space<semaphore_mem>>
    tpu.enqueue_indirect_dma source(%dma_start3A_275 : memref<10000x128xf32, #tpu.memory_space<hbm>>) target(%dma_start3A_269 : memref<40x128xf32, #tpu.memory_space<vmem>>) offsets(%dma_start3A_272 : memref<40xi32, #tpu.memory_space<vmem>>) semaphore(%dma_start3A_277 : memref<!tpu.dma_semaphore, #tpu.memory_space<semaphore_mem>>)
    %dma_wait3A_278 = arith.constant 255 : i32
    %dma_wait3A_279 = arith.constant 3 : i32
    %dma_wait3A_280 = arith.constant 3 : i32
    %dma_wait3A_281 = arith.constant 0 : i32
    %dma_wait3A_282 = arith.constant 0 : i32
    %dma_wait3A_283 = tpu.memref_slice %arg6[%dma_wait3A_279, %dma_wait3A_281, %dma_wait3A_282] : memref<4x2x40xi32, #tpu.memory_space<vmem>> -> memref<1x2x40xi32, #tpu.memory_space<vmem>>
    %dma_wait3A_284 = tpu.memref_squeeze %dma_wait3A_283 : memref<1x2x40xi32, #tpu.memory_space<vmem>> -> memref<2x40xi32, #tpu.memory_space<vmem>>
    %dma_wait3A_285 = arith.constant 0 : i32
    %dma_wait3A_286 = arith.constant 0 : i32
    %dma_wait3A_287 = tpu.memref_slice %arg3[%add3A, %dma_wait3A_278, %dma_wait3A_285, %dma_wait3A_286] : memref<32x256x2x40xi32, #tpu.memory_space<hbm>> -> memref<1x1x2x40xi32, #tpu.memory_space<hbm>>
    %dma_wait3A_288 = tpu.memref_squeeze %dma_wait3A_287 : memref<1x1x2x40xi32, #tpu.memory_space<hbm>> -> memref<2x40xi32, #tpu.memory_space<hbm>>
    %dma_wait3A_289 = tpu.memref_slice %arg9[%dma_wait3A_280] : memref<4x!tpu.dma_semaphore, #tpu.memory_space<semaphore_mem>> -> memref<1x!tpu.dma_semaphore, #tpu.memory_space<semaphore_mem>>
    %dma_wait3A_290 = tpu.memref_squeeze %dma_wait3A_289 : memref<1x!tpu.dma_semaphore, #tpu.memory_space<semaphore_mem>> -> memref<!tpu.dma_semaphore, #tpu.memory_space<semaphore_mem>>
    %dma_wait3A_291 = arith.constant 0 : i32
    %dma_wait3A_292 = arith.constant 0 : i32
    %dma_wait3A_293 = tpu.memref_slice %arg6[%dma_wait3A_279, %dma_wait3A_291, %dma_wait3A_292] : memref<4x2x40xi32, #tpu.memory_space<vmem>> -> memref<1x2x40xi32, #tpu.memory_space<vmem>>
    %dma_wait3A_294 = tpu.memref_squeeze %dma_wait3A_293 : memref<1x2x40xi32, #tpu.memory_space<vmem>> -> memref<2x40xi32, #tpu.memory_space<vmem>>
    %dma_wait3A_295 = arith.constant 0 : i32
    %dma_wait3A_296 = arith.constant 0 : i32
    %dma_wait3A_297 = tpu.memref_slice %arg3[%add3A, %dma_wait3A_278, %dma_wait3A_295, %dma_wait3A_296] : memref<32x256x2x40xi32, #tpu.memory_space<hbm>> -> memref<1x1x2x40xi32, #tpu.memory_space<hbm>>
    %dma_wait3A_298 = tpu.memref_squeeze %dma_wait3A_297 : memref<1x1x2x40xi32, #tpu.memory_space<hbm>> -> memref<2x40xi32, #tpu.memory_space<hbm>>
    tpu.wait_dma2 semaphore(%dma_wait3A_290 : memref<!tpu.dma_semaphore, #tpu.memory_space<semaphore_mem>>) src(%dma_wait3A_298 : memref<2x40xi32, #tpu.memory_space<hbm>>) dst(%dma_wait3A_294 : memref<2x40xi32, #tpu.memory_space<vmem>>)
    %dma_start3A_299 = arith.constant 3 : i32
    %dma_start3A_300 = arith.constant 0 : i32
    %dma_start3A_301 = arith.constant 3 : i32
    %dma_start3A_302 = arith.constant 3 : i32
    %dma_start3A_303 = arith.constant 0 : i32
    %dma_start3A_304 = arith.constant 0 : i32
    %dma_start3A_305 = tpu.memref_slice %arg7[%dma_start3A_301, %dma_start3A_303, %dma_start3A_304] : memref<4x40x128xf32, #tpu.memory_space<vmem>> -> memref<1x40x128xf32, #tpu.memory_space<vmem>>
    %dma_start3A_306 = tpu.memref_squeeze %dma_start3A_305 : memref<1x40x128xf32, #tpu.memory_space<vmem>> -> memref<40x128xf32, #tpu.memory_space<vmem>>
    %dma_start3A_307 = arith.constant 0 : i32
    %dma_start3A_308 = tpu.memref_slice %arg6[%dma_start3A_299, %dma_start3A_300, %dma_start3A_307] : memref<4x2x40xi32, #tpu.memory_space<vmem>> -> memref<1x1x40xi32, #tpu.memory_space<vmem>>
    %dma_start3A_309 = tpu.memref_squeeze %dma_start3A_308 : memref<1x1x40xi32, #tpu.memory_space<vmem>> -> memref<40xi32, #tpu.memory_space<vmem>>
    %dma_start3A_310 = arith.constant 0 : i32
    %dma_start3A_311 = arith.constant 0 : i32
    %dma_start3A_312 = tpu.memref_slice %arg2[%dma_start3A_310, %dma_start3A_311] : memref<10000x128xf32, #tpu.memory_space<hbm>> -> memref<10000x128xf32, #tpu.memory_space<hbm>>
    %dma_start3A_313 = tpu.memref_slice %arg10[%dma_start3A_302] : memref<4x!tpu.dma_semaphore, #tpu.memory_space<semaphore_mem>> -> memref<1x!tpu.dma_semaphore, #tpu.memory_space<semaphore_mem>>
    %dma_start3A_314 = tpu.memref_squeeze %dma_start3A_313 : memref<1x!tpu.dma_semaphore, #tpu.memory_space<semaphore_mem>> -> memref<!tpu.dma_semaphore, #tpu.memory_space<semaphore_mem>>
    tpu.enqueue_indirect_dma source(%dma_start3A_312 : memref<10000x128xf32, #tpu.memory_space<hbm>>) target(%dma_start3A_306 : memref<40x128xf32, #tpu.memory_space<vmem>>) offsets(%dma_start3A_309 : memref<40xi32, #tpu.memory_space<vmem>>) semaphore(%dma_start3A_314 : memref<!tpu.dma_semaphore, #tpu.memory_space<semaphore_mem>>)
    %dma_wait3A_315 = arith.constant 0 : i32
    %dma_wait3A_316 = arith.constant 0 : i32
    %dma_wait3A_317 = arith.constant 1 : i32
    %dma_wait3A_318 = arith.constant 0 : i32
    %dma_wait3A_319 = arith.constant 0 : i32
    %dma_wait3A_320 = arith.constant 0 : i32
    %dma_wait3A_321 = tpu.memref_slice %arg7[%dma_wait3A_315, %dma_wait3A_319, %dma_wait3A_320] : memref<4x40x128xf32, #tpu.memory_space<vmem>> -> memref<1x40x128xf32, #tpu.memory_space<vmem>>
    %dma_wait3A_322 = tpu.memref_squeeze %dma_wait3A_321 : memref<1x40x128xf32, #tpu.memory_space<vmem>> -> memref<40x128xf32, #tpu.memory_space<vmem>>
    %dma_wait3A_323 = arith.constant 0 : i32
    %dma_wait3A_324 = tpu.memref_slice %arg6[%dma_wait3A_316, %dma_wait3A_317, %dma_wait3A_323] : memref<4x2x40xi32, #tpu.memory_space<vmem>> -> memref<1x1x40xi32, #tpu.memory_space<vmem>>
    %dma_wait3A_325 = tpu.memref_squeeze %dma_wait3A_324 : memref<1x1x40xi32, #tpu.memory_space<vmem>> -> memref<40xi32, #tpu.memory_space<vmem>>
    %dma_wait3A_326 = arith.constant 0 : i32
    %dma_wait3A_327 = arith.constant 0 : i32
    %dma_wait3A_328 = tpu.memref_slice %arg8[%dma_wait3A_326, %dma_wait3A_327] : memref<10008x128xf32, #tpu.memory_space<vmem_shared>> -> memref<10008x128xf32, #tpu.memory_space<vmem_shared>>
    %dma_wait3A_329 = tpu.memref_slice %arg11[%dma_wait3A_318] : memref<4x!tpu.dma_semaphore, #tpu.memory_space<semaphore_mem>> -> memref<1x!tpu.dma_semaphore, #tpu.memory_space<semaphore_mem>>
    %dma_wait3A_330 = tpu.memref_squeeze %dma_wait3A_329 : memref<1x!tpu.dma_semaphore, #tpu.memory_space<semaphore_mem>> -> memref<!tpu.dma_semaphore, #tpu.memory_space<semaphore_mem>>
    tpu.wait_indirect_dma semaphore(%dma_wait3A_330 : memref<!tpu.dma_semaphore, #tpu.memory_space<semaphore_mem>>) src(%dma_wait3A_322 : memref<40x128xf32, #tpu.memory_space<vmem>>) dst(%dma_wait3A_328 : memref<10008x128xf32, #tpu.memory_space<vmem_shared>>)
    %dma_wait3A_331 = arith.constant 1 : i32
    %dma_wait3A_332 = arith.constant 1 : i32
    %dma_wait3A_333 = arith.constant 1 : i32
    %dma_wait3A_334 = arith.constant 1 : i32
    %dma_wait3A_335 = arith.constant 0 : i32
    %dma_wait3A_336 = arith.constant 0 : i32
    %dma_wait3A_337 = tpu.memref_slice %arg7[%dma_wait3A_331, %dma_wait3A_335, %dma_wait3A_336] : memref<4x40x128xf32, #tpu.memory_space<vmem>> -> memref<1x40x128xf32, #tpu.memory_space<vmem>>
    %dma_wait3A_338 = tpu.memref_squeeze %dma_wait3A_337 : memref<1x40x128xf32, #tpu.memory_space<vmem>> -> memref<40x128xf32, #tpu.memory_space<vmem>>
    %dma_wait3A_339 = arith.constant 0 : i32
    %dma_wait3A_340 = tpu.memref_slice %arg6[%dma_wait3A_332, %dma_wait3A_333, %dma_wait3A_339] : memref<4x2x40xi32, #tpu.memory_space<vmem>> -> memref<1x1x40xi32, #tpu.memory_space<vmem>>
    %dma_wait3A_341 = tpu.memref_squeeze %dma_wait3A_340 : memref<1x1x40xi32, #tpu.memory_space<vmem>> -> memref<40xi32, #tpu.memory_space<vmem>>
    %dma_wait3A_342 = arith.constant 0 : i32
    %dma_wait3A_343 = arith.constant 0 : i32
    %dma_wait3A_344 = tpu.memref_slice %arg8[%dma_wait3A_342, %dma_wait3A_343] : memref<10008x128xf32, #tpu.memory_space<vmem_shared>> -> memref<10008x128xf32, #tpu.memory_space<vmem_shared>>
    %dma_wait3A_345 = tpu.memref_slice %arg11[%dma_wait3A_334] : memref<4x!tpu.dma_semaphore, #tpu.memory_space<semaphore_mem>> -> memref<1x!tpu.dma_semaphore, #tpu.memory_space<semaphore_mem>>
    %dma_wait3A_346 = tpu.memref_squeeze %dma_wait3A_345 : memref<1x!tpu.dma_semaphore, #tpu.memory_space<semaphore_mem>> -> memref<!tpu.dma_semaphore, #tpu.memory_space<semaphore_mem>>
    tpu.wait_indirect_dma semaphore(%dma_wait3A_346 : memref<!tpu.dma_semaphore, #tpu.memory_space<semaphore_mem>>) src(%dma_wait3A_338 : memref<40x128xf32, #tpu.memory_space<vmem>>) dst(%dma_wait3A_344 : memref<10008x128xf32, #tpu.memory_space<vmem_shared>>)
    %dma_wait3A_347 = arith.constant 2 : i32
    %dma_wait3A_348 = arith.constant 0 : i32
    %dma_wait3A_349 = arith.constant 2 : i32
    %dma_wait3A_350 = arith.constant 2 : i32
    %dma_wait3A_351 = arith.constant 0 : i32
    %dma_wait3A_352 = arith.constant 0 : i32
    %dma_wait3A_353 = tpu.memref_slice %arg7[%dma_wait3A_349, %dma_wait3A_351, %dma_wait3A_352] : memref<4x40x128xf32, #tpu.memory_space<vmem>> -> memref<1x40x128xf32, #tpu.memory_space<vmem>>
    %dma_wait3A_354 = tpu.memref_squeeze %dma_wait3A_353 : memref<1x40x128xf32, #tpu.memory_space<vmem>> -> memref<40x128xf32, #tpu.memory_space<vmem>>
    %dma_wait3A_355 = arith.constant 0 : i32
    %dma_wait3A_356 = tpu.memref_slice %arg6[%dma_wait3A_347, %dma_wait3A_348, %dma_wait3A_355] : memref<4x2x40xi32, #tpu.memory_space<vmem>> -> memref<1x1x40xi32, #tpu.memory_space<vmem>>
    %dma_wait3A_357 = tpu.memref_squeeze %dma_wait3A_356 : memref<1x1x40xi32, #tpu.memory_space<vmem>> -> memref<40xi32, #tpu.memory_space<vmem>>
    %dma_wait3A_358 = arith.constant 0 : i32
    %dma_wait3A_359 = arith.constant 0 : i32
    %dma_wait3A_360 = tpu.memref_slice %arg2[%dma_wait3A_358, %dma_wait3A_359] : memref<10000x128xf32, #tpu.memory_space<hbm>> -> memref<10000x128xf32, #tpu.memory_space<hbm>>
    %dma_wait3A_361 = tpu.memref_slice %arg10[%dma_wait3A_350] : memref<4x!tpu.dma_semaphore, #tpu.memory_space<semaphore_mem>> -> memref<1x!tpu.dma_semaphore, #tpu.memory_space<semaphore_mem>>
    %dma_wait3A_362 = tpu.memref_squeeze %dma_wait3A_361 : memref<1x!tpu.dma_semaphore, #tpu.memory_space<semaphore_mem>> -> memref<!tpu.dma_semaphore, #tpu.memory_space<semaphore_mem>>
    tpu.wait_indirect_dma semaphore(%dma_wait3A_362 : memref<!tpu.dma_semaphore, #tpu.memory_space<semaphore_mem>>) src(%dma_wait3A_360 : memref<10000x128xf32, #tpu.memory_space<hbm>>) dst(%dma_wait3A_354 : memref<40x128xf32, #tpu.memory_space<vmem>>)
    %dma_start3A_363 = arith.constant 2 : i32
    %dma_start3A_364 = arith.constant 2 : i32
    %dma_start3A_365 = arith.constant 1 : i32
    %dma_start3A_366 = arith.constant 2 : i32
    %dma_start3A_367 = arith.constant 0 : i32
    %dma_start3A_368 = arith.constant 0 : i32
    %dma_start3A_369 = tpu.memref_slice %arg7[%dma_start3A_363, %dma_start3A_367, %dma_start3A_368] : memref<4x40x128xf32, #tpu.memory_space<vmem>> -> memref<1x40x128xf32, #tpu.memory_space<vmem>>
    %dma_start3A_370 = tpu.memref_squeeze %dma_start3A_369 : memref<1x40x128xf32, #tpu.memory_space<vmem>> -> memref<40x128xf32, #tpu.memory_space<vmem>>
    %dma_start3A_371 = arith.constant 0 : i32
    %dma_start3A_372 = tpu.memref_slice %arg6[%dma_start3A_364, %dma_start3A_365, %dma_start3A_371] : memref<4x2x40xi32, #tpu.memory_space<vmem>> -> memref<1x1x40xi32, #tpu.memory_space<vmem>>
    %dma_start3A_373 = tpu.memref_squeeze %dma_start3A_372 : memref<1x1x40xi32, #tpu.memory_space<vmem>> -> memref<40xi32, #tpu.memory_space<vmem>>
    %dma_start3A_374 = arith.constant 0 : i32
    %dma_start3A_375 = arith.constant 0 : i32
    %dma_start3A_376 = tpu.memref_slice %arg8[%dma_start3A_374, %dma_start3A_375] : memref<10008x128xf32, #tpu.memory_space<vmem_shared>> -> memref<10008x128xf32, #tpu.memory_space<vmem_shared>>
    %dma_start3A_377 = tpu.memref_slice %arg11[%dma_start3A_366] : memref<4x!tpu.dma_semaphore, #tpu.memory_space<semaphore_mem>> -> memref<1x!tpu.dma_semaphore, #tpu.memory_space<semaphore_mem>>
    %dma_start3A_378 = tpu.memref_squeeze %dma_start3A_377 : memref<1x!tpu.dma_semaphore, #tpu.memory_space<semaphore_mem>> -> memref<!tpu.dma_semaphore, #tpu.memory_space<semaphore_mem>>
    tpu.enqueue_indirect_dma source(%dma_start3A_370 : memref<40x128xf32, #tpu.memory_space<vmem>>) target(%dma_start3A_376 : memref<10008x128xf32, #tpu.memory_space<vmem_shared>>) offsets(%dma_start3A_373 : memref<40xi32, #tpu.memory_space<vmem>>) semaphore(%dma_start3A_378 : memref<!tpu.dma_semaphore, #tpu.memory_space<semaphore_mem>>) {add = true}
    %dma_wait3A_379 = arith.constant 3 : i32
    %dma_wait3A_380 = arith.constant 0 : i32
    %dma_wait3A_381 = arith.constant 3 : i32
    %dma_wait3A_382 = arith.constant 3 : i32
    %dma_wait3A_383 = arith.constant 0 : i32
    %dma_wait3A_384 = arith.constant 0 : i32
    %dma_wait3A_385 = tpu.memref_slice %arg7[%dma_wait3A_381, %dma_wait3A_383, %dma_wait3A_384] : memref<4x40x128xf32, #tpu.memory_space<vmem>> -> memref<1x40x128xf32, #tpu.memory_space<vmem>>
    %dma_wait3A_386 = tpu.memref_squeeze %dma_wait3A_385 : memref<1x40x128xf32, #tpu.memory_space<vmem>> -> memref<40x128xf32, #tpu.memory_space<vmem>>
    %dma_wait3A_387 = arith.constant 0 : i32
    %dma_wait3A_388 = tpu.memref_slice %arg6[%dma_wait3A_379, %dma_wait3A_380, %dma_wait3A_387] : memref<4x2x40xi32, #tpu.memory_space<vmem>> -> memref<1x1x40xi32, #tpu.memory_space<vmem>>
    %dma_wait3A_389 = tpu.memref_squeeze %dma_wait3A_388 : memref<1x1x40xi32, #tpu.memory_space<vmem>> -> memref<40xi32, #tpu.memory_space<vmem>>
    %dma_wait3A_390 = arith.constant 0 : i32
    %dma_wait3A_391 = arith.constant 0 : i32
    %dma_wait3A_392 = tpu.memref_slice %arg2[%dma_wait3A_390, %dma_wait3A_391] : memref<10000x128xf32, #tpu.memory_space<hbm>> -> memref<10000x128xf32, #tpu.memory_space<hbm>>
    %dma_wait3A_393 = tpu.memref_slice %arg10[%dma_wait3A_382] : memref<4x!tpu.dma_semaphore, #tpu.memory_space<semaphore_mem>> -> memref<1x!tpu.dma_semaphore, #tpu.memory_space<semaphore_mem>>
    %dma_wait3A_394 = tpu.memref_squeeze %dma_wait3A_393 : memref<1x!tpu.dma_semaphore, #tpu.memory_space<semaphore_mem>> -> memref<!tpu.dma_semaphore, #tpu.memory_space<semaphore_mem>>
    tpu.wait_indirect_dma semaphore(%dma_wait3A_394 : memref<!tpu.dma_semaphore, #tpu.memory_space<semaphore_mem>>) src(%dma_wait3A_392 : memref<10000x128xf32, #tpu.memory_space<hbm>>) dst(%dma_wait3A_386 : memref<40x128xf32, #tpu.memory_space<vmem>>)
    %dma_start3A_395 = arith.constant 3 : i32
    %dma_start3A_396 = arith.constant 3 : i32
    %dma_start3A_397 = arith.constant 1 : i32
    %dma_start3A_398 = arith.constant 3 : i32
    %dma_start3A_399 = arith.constant 0 : i32
    %dma_start3A_400 = arith.constant 0 : i32
    %dma_start3A_401 = tpu.memref_slice %arg7[%dma_start3A_395, %dma_start3A_399, %dma_start3A_400] : memref<4x40x128xf32, #tpu.memory_space<vmem>> -> memref<1x40x128xf32, #tpu.memory_space<vmem>>
    %dma_start3A_402 = tpu.memref_squeeze %dma_start3A_401 : memref<1x40x128xf32, #tpu.memory_space<vmem>> -> memref<40x128xf32, #tpu.memory_space<vmem>>
    %dma_start3A_403 = arith.constant 0 : i32
    %dma_start3A_404 = tpu.memref_slice %arg6[%dma_start3A_396, %dma_start3A_397, %dma_start3A_403] : memref<4x2x40xi32, #tpu.memory_space<vmem>> -> memref<1x1x40xi32, #tpu.memory_space<vmem>>
    %dma_start3A_405 = tpu.memref_squeeze %dma_start3A_404 : memref<1x1x40xi32, #tpu.memory_space<vmem>> -> memref<40xi32, #tpu.memory_space<vmem>>
    %dma_start3A_406 = arith.constant 0 : i32
    %dma_start3A_407 = arith.constant 0 : i32
    %dma_start3A_408 = tpu.memref_slice %arg8[%dma_start3A_406, %dma_start3A_407] : memref<10008x128xf32, #tpu.memory_space<vmem_shared>> -> memref<10008x128xf32, #tpu.memory_space<vmem_shared>>
    %dma_start3A_409 = tpu.memref_slice %arg11[%dma_start3A_398] : memref<4x!tpu.dma_semaphore, #tpu.memory_space<semaphore_mem>> -> memref<1x!tpu.dma_semaphore, #tpu.memory_space<semaphore_mem>>
    %dma_start3A_410 = tpu.memref_squeeze %dma_start3A_409 : memref<1x!tpu.dma_semaphore, #tpu.memory_space<semaphore_mem>> -> memref<!tpu.dma_semaphore, #tpu.memory_space<semaphore_mem>>
    tpu.enqueue_indirect_dma source(%dma_start3A_402 : memref<40x128xf32, #tpu.memory_space<vmem>>) target(%dma_start3A_408 : memref<10008x128xf32, #tpu.memory_space<vmem_shared>>) offsets(%dma_start3A_405 : memref<40xi32, #tpu.memory_space<vmem>>) semaphore(%dma_start3A_410 : memref<!tpu.dma_semaphore, #tpu.memory_space<semaphore_mem>>) {add = true}
    %dma_wait3A_411 = arith.constant 2 : i32
    %dma_wait3A_412 = arith.constant 2 : i32
    %dma_wait3A_413 = arith.constant 1 : i32
    %dma_wait3A_414 = arith.constant 2 : i32
    %dma_wait3A_415 = arith.constant 0 : i32
    %dma_wait3A_416 = arith.constant 0 : i32
    %dma_wait3A_417 = tpu.memref_slice %arg7[%dma_wait3A_411, %dma_wait3A_415, %dma_wait3A_416] : memref<4x40x128xf32, #tpu.memory_space<vmem>> -> memref<1x40x128xf32, #tpu.memory_space<vmem>>
    %dma_wait3A_418 = tpu.memref_squeeze %dma_wait3A_417 : memref<1x40x128xf32, #tpu.memory_space<vmem>> -> memref<40x128xf32, #tpu.memory_space<vmem>>
    %dma_wait3A_419 = arith.constant 0 : i32
    %dma_wait3A_420 = tpu.memref_slice %arg6[%dma_wait3A_412, %dma_wait3A_413, %dma_wait3A_419] : memref<4x2x40xi32, #tpu.memory_space<vmem>> -> memref<1x1x40xi32, #tpu.memory_space<vmem>>
    %dma_wait3A_421 = tpu.memref_squeeze %dma_wait3A_420 : memref<1x1x40xi32, #tpu.memory_space<vmem>> -> memref<40xi32, #tpu.memory_space<vmem>>
    %dma_wait3A_422 = arith.constant 0 : i32
    %dma_wait3A_423 = arith.constant 0 : i32
    %dma_wait3A_424 = tpu.memref_slice %arg8[%dma_wait3A_422, %dma_wait3A_423] : memref<10008x128xf32, #tpu.memory_space<vmem_shared>> -> memref<10008x128xf32, #tpu.memory_space<vmem_shared>>
    %dma_wait3A_425 = tpu.memref_slice %arg11[%dma_wait3A_414] : memref<4x!tpu.dma_semaphore, #tpu.memory_space<semaphore_mem>> -> memref<1x!tpu.dma_semaphore, #tpu.memory_space<semaphore_mem>>
    %dma_wait3A_426 = tpu.memref_squeeze %dma_wait3A_425 : memref<1x!tpu.dma_semaphore, #tpu.memory_space<semaphore_mem>> -> memref<!tpu.dma_semaphore, #tpu.memory_space<semaphore_mem>>
    tpu.wait_indirect_dma semaphore(%dma_wait3A_426 : memref<!tpu.dma_semaphore, #tpu.memory_space<semaphore_mem>>) src(%dma_wait3A_418 : memref<40x128xf32, #tpu.memory_space<vmem>>) dst(%dma_wait3A_424 : memref<10008x128xf32, #tpu.memory_space<vmem_shared>>)
    %dma_wait3A_427 = arith.constant 3 : i32
    %dma_wait3A_428 = arith.constant 3 : i32
    %dma_wait3A_429 = arith.constant 1 : i32
    %dma_wait3A_430 = arith.constant 3 : i32
    %dma_wait3A_431 = arith.constant 0 : i32
    %dma_wait3A_432 = arith.constant 0 : i32
    %dma_wait3A_433 = tpu.memref_slice %arg7[%dma_wait3A_427, %dma_wait3A_431, %dma_wait3A_432] : memref<4x40x128xf32, #tpu.memory_space<vmem>> -> memref<1x40x128xf32, #tpu.memory_space<vmem>>
    %dma_wait3A_434 = tpu.memref_squeeze %dma_wait3A_433 : memref<1x40x128xf32, #tpu.memory_space<vmem>> -> memref<40x128xf32, #tpu.memory_space<vmem>>
    %dma_wait3A_435 = arith.constant 0 : i32
    %dma_wait3A_436 = tpu.memref_slice %arg6[%dma_wait3A_428, %dma_wait3A_429, %dma_wait3A_435] : memref<4x2x40xi32, #tpu.memory_space<vmem>> -> memref<1x1x40xi32, #tpu.memory_space<vmem>>
    %dma_wait3A_437 = tpu.memref_squeeze %dma_wait3A_436 : memref<1x1x40xi32, #tpu.memory_space<vmem>> -> memref<40xi32, #tpu.memory_space<vmem>>
    %dma_wait3A_438 = arith.constant 0 : i32
    %dma_wait3A_439 = arith.constant 0 : i32
    %dma_wait3A_440 = tpu.memref_slice %arg8[%dma_wait3A_438, %dma_wait3A_439] : memref<10008x128xf32, #tpu.memory_space<vmem_shared>> -> memref<10008x128xf32, #tpu.memory_space<vmem_shared>>
    %dma_wait3A_441 = tpu.memref_slice %arg11[%dma_wait3A_430] : memref<4x!tpu.dma_semaphore, #tpu.memory_space<semaphore_mem>> -> memref<1x!tpu.dma_semaphore, #tpu.memory_space<semaphore_mem>>
    %dma_wait3A_442 = tpu.memref_squeeze %dma_wait3A_441 : memref<1x!tpu.dma_semaphore, #tpu.memory_space<semaphore_mem>> -> memref<!tpu.dma_semaphore, #tpu.memory_space<semaphore_mem>>
    tpu.wait_indirect_dma semaphore(%dma_wait3A_442 : memref<!tpu.dma_semaphore, #tpu.memory_space<semaphore_mem>>) src(%dma_wait3A_434 : memref<40x128xf32, #tpu.memory_space<vmem>>) dst(%dma_wait3A_440 : memref<10008x128xf32, #tpu.memory_space<vmem_shared>>)
    %barrier3A_443 = arith.constant 0 : index
    tpu.barrier barrier_id(%barrier3A_443)
    %mul3A_444 = arith.constant 624 : i32
    %mul3A_445 = arith.muli %arg1, %mul3A_444 : i32
    %mul3A_446 = arith.constant 624 : i32
    %mul3A_447 = arith.muli %arg1, %mul3A_446 : i32
    "tpu.region"() ({
      %run_scoped3A = tpu.sem_alloc : memref<!tpu.dma_semaphore, #tpu.memory_space<semaphore_mem>>
      %dma_start3A_453 = arith.constant 0 : i32
      %dma_start3A_454 = tpu.memref_slice %arg5[%arg0, %mul3A_447, %dma_start3A_453] : memref<2x10000x128xf32, #tpu.memory_space<hbm>> -> memref<1x624x128xf32, #tpu.memory_space<hbm>>
      %dma_start3A_455 = tpu.memref_squeeze %dma_start3A_454 : memref<1x624x128xf32, #tpu.memory_space<hbm>> -> memref<624x128xf32, #tpu.memory_space<hbm>>
      %dma_start3A_456 = arith.constant 0 : i32
      %dma_start3A_457 = tpu.memref_slice %arg8[%mul3A_445, %dma_start3A_456] : memref<10008x128xf32, #tpu.memory_space<vmem_shared>> -> memref<624x128xf32, #tpu.memory_space<vmem_shared>>
      tpu.enqueue_dma source(%dma_start3A_457 : memref<624x128xf32, #tpu.memory_space<vmem_shared>>) target(%dma_start3A_455 : memref<624x128xf32, #tpu.memory_space<hbm>>) target_semaphore(%run_scoped3A : memref<!tpu.dma_semaphore, #tpu.memory_space<semaphore_mem>>)
      %dma_wait3A_458 = arith.constant 0 : i32
      %dma_wait3A_459 = tpu.memref_slice %arg5[%arg0, %mul3A_447, %dma_wait3A_458] : memref<2x10000x128xf32, #tpu.memory_space<hbm>> -> memref<1x624x128xf32, #tpu.memory_space<hbm>>
      %dma_wait3A_460 = tpu.memref_squeeze %dma_wait3A_459 : memref<1x624x128xf32, #tpu.memory_space<hbm>> -> memref<624x128xf32, #tpu.memory_space<hbm>>
      %dma_wait3A_461 = arith.constant 0 : i32
      %dma_wait3A_462 = tpu.memref_slice %arg8[%mul3A_445, %dma_wait3A_461] : memref<10008x128xf32, #tpu.memory_space<vmem_shared>> -> memref<624x128xf32, #tpu.memory_space<vmem_shared>>
      tpu.wait_dma2 semaphore(%run_scoped3A : memref<!tpu.dma_semaphore, #tpu.memory_space<semaphore_mem>>) src(%dma_wait3A_462 : memref<624x128xf32, #tpu.memory_space<vmem_shared>>) dst(%dma_wait3A_460 : memref<624x128xf32, #tpu.memory_space<hbm>>)
      tpu.yield
    }) : () -> ()
    %eq3A_448 = arith.constant 15 : i32
    %eq3A_449 = arith.cmpi eq, %arg1, %eq3A_448 : i32
    %convert_element_type3A_450 = arith.extui %eq3A_449 : i1 to i32
    %cond3A_451 = arith.constant 0 : i32
    %cond3A_452 = arith.cmpi ne, %convert_element_type3A_450, %cond3A_451 : i32
    scf.if %cond3A_452 {
      "tpu.region"() ({
        %run_scoped3A = tpu.sem_alloc : memref<!tpu.dma_semaphore, #tpu.memory_space<semaphore_mem>>
        %dma_start3A_453 = arith.constant 9984 : i32
        %dma_start3A_454 = arith.constant 0 : i32
        %dma_start3A_455 = tpu.memref_slice %arg5[%arg0, %dma_start3A_453, %dma_start3A_454] : memref<2x10000x128xf32, #tpu.memory_space<hbm>> -> memref<1x16x128xf32, #tpu.memory_space<hbm>>
        %dma_start3A_456 = tpu.memref_squeeze %dma_start3A_455 : memref<1x16x128xf32, #tpu.memory_space<hbm>> -> memref<16x128xf32, #tpu.memory_space<hbm>>
        %dma_start3A_457 = arith.constant 9984 : i32
        %dma_start3A_458 = arith.constant 0 : i32
        %dma_start3A_459 = tpu.memref_slice %arg8[%dma_start3A_457, %dma_start3A_458] : memref<10008x128xf32, #tpu.memory_space<vmem_shared>> -> memref<16x128xf32, #tpu.memory_space<vmem_shared>>
        tpu.enqueue_dma source(%dma_start3A_459 : memref<16x128xf32, #tpu.memory_space<vmem_shared>>) target(%dma_start3A_456 : memref<16x128xf32, #tpu.memory_space<hbm>>) target_semaphore(%run_scoped3A : memref<!tpu.dma_semaphore, #tpu.memory_space<semaphore_mem>>)
        %dma_wait3A_460 = arith.constant 9984 : i32
        %dma_wait3A_461 = arith.constant 0 : i32
        %dma_wait3A_462 = tpu.memref_slice %arg5[%arg0, %dma_wait3A_460, %dma_wait3A_461] : memref<2x10000x128xf32, #tpu.memory_space<hbm>> -> memref<1x16x128xf32, #tpu.memory_space<hbm>>
        %dma_wait3A_463 = tpu.memref_squeeze %dma_wait3A_462 : memref<1x16x128xf32, #tpu.memory_space<hbm>> -> memref<16x128xf32, #tpu.memory_space<hbm>>
        %dma_wait3A_464 = arith.constant 9984 : i32
        %dma_wait3A_465 = arith.constant 0 : i32
        %dma_wait3A_466 = tpu.memref_slice %arg8[%dma_wait3A_464, %dma_wait3A_465] : memref<10008x128xf32, #tpu.memory_space<vmem_shared>> -> memref<16x128xf32, #tpu.memory_space<vmem_shared>>
        tpu.wait_dma2 semaphore(%run_scoped3A : memref<!tpu.dma_semaphore, #tpu.memory_space<semaphore_mem>>) src(%dma_wait3A_466 : memref<16x128xf32, #tpu.memory_space<vmem_shared>>) dst(%dma_wait3A_463 : memref<16x128xf32, #tpu.memory_space<hbm>>)
        tpu.yield
      }) : () -> ()
    } else {
    }
    return
  }
}

module attributes {stable_mosaic.version = 14 : i64} {
  func.func @_scale_mm_body(%arg0: i32, %arg1: memref<2000x128xf32, #tpu.memory_space<vmem>>, %arg2: memref<128x128xf32, #tpu.memory_space<vmem>>, %arg3: memref<2000x1xf32, #tpu.memory_space<vmem>>, %arg4: memref<2000x1xf32, #tpu.memory_space<vmem>>, %arg5: memref<2000x128xf32, #tpu.memory_space<vmem>>, %arg6: memref<2000x1xf32, #tpu.memory_space<vmem>>) attributes {dimension_semantics = [#tpu.dimension_semantics<arbitrary>], iteration_bounds = array<i64: 5>, scalar_prefetch = 0 : i64, scratch_operands = 0 : i64, tpu.core_type = #tpu.core_type<tc>, window_params = [{transform_indices = @transform_0, window_bounds = array<i64: 2000, 128>}, {pipeline_mode = #tpu.pipeline_mode<synchronous>, transform_indices = @transform_1, window_bounds = array<i64: 128, 128>}, {transform_indices = @transform_2, window_bounds = array<i64: 2000, 1>}, {transform_indices = @transform_3, window_bounds = array<i64: 2000, 1>}, {transform_indices = @transform_4, window_bounds = array<i64: 2000, 128>}, {transform_indices = @transform_5, window_bounds = array<i64: 2000, 1>}]} {
    %get3A = arith.constant 0 : index
    %get3A_0 = arith.constant 0 : index
    %get3A_1 = vector.load %arg3[%get3A, %get3A_0] : memref<2000x1xf32, #tpu.memory_space<vmem>>, vector<2000x1xf32>
    %get3A_2 = arith.constant 0 : index
    %get3A_3 = arith.constant 0 : index
    %get3A_4 = vector.load %arg4[%get3A_2, %get3A_3] : memref<2000x1xf32, #tpu.memory_space<vmem>>, vector<2000x1xf32>
    %add3A = arith.addf %get3A_1, %get3A_4 : vector<2000x1xf32>
    %add3A_5 = arith.constant 1.000000e+00 : f32
    %add3A_6 = vector.broadcast %add3A_5 : f32 to vector<2000x1xf32>
    %add3A_7 = arith.addf %add3A, %add3A_6 : vector<2000x1xf32>
    %rsqrt3A = math.rsqrt %add3A_7 : vector<2000x1xf32>
    %swap3A = arith.constant 0 : index
    %swap3A_8 = arith.constant 0 : index
    %swap3A_9 = vector.load %arg6[%swap3A, %swap3A_8] : memref<2000x1xf32, #tpu.memory_space<vmem>>, vector<2000x1xf32>
    tpu.vector_store %arg6[%swap3A, %swap3A_8], %rsqrt3A {strides = array<i32>} : memref<2000x1xf32, #tpu.memory_space<vmem>>, vector<2000x1xf32>,
    %get3A_10 = arith.constant 0 : index
    %get3A_11 = arith.constant 0 : index
    %get3A_12 = vector.load %arg1[%get3A_10, %get3A_11] : memref<2000x128xf32, #tpu.memory_space<vmem>>, vector<2000x128xf32>
    %get3A_13 = arith.constant 0 : index
    %get3A_14 = arith.constant 0 : index
    %get3A_15 = vector.load %arg2[%get3A_13, %get3A_14] : memref<128x128xf32, #tpu.memory_space<vmem>>, vector<128x128xf32>
    %dot_general3A = arith.constant dense<0.000000e+00> : vector<2000x128xf32>
    %dot_general3A_16 = tpu.matmul %get3A_12, %get3A_15, %dot_general3A {dimension_numbers = #tpu.dot_dimension_numbers<[1], [0], [0], [1], [0, 0, 1, 1], [], []>, transpose_lhs_hint = false} : vector<2000x128xf32>, vector<128x128xf32>, vector<2000x128xf32> -> vector<2000x128xf32>
    %mul3A = vector.broadcast %rsqrt3A : vector<2000x1xf32> to vector<2000x128xf32>
    %mul3A_17 = arith.mulf %dot_general3A_16, %mul3A : vector<2000x128xf32>
    %swap3A_18 = arith.constant 0 : index
    %swap3A_19 = arith.constant 0 : index
    %swap3A_20 = vector.load %arg5[%swap3A_18, %swap3A_19] : memref<2000x128xf32, #tpu.memory_space<vmem>>, vector<2000x128xf32>
    tpu.vector_store %arg5[%swap3A_18, %swap3A_19], %mul3A_17 {strides = array<i32>} : memref<2000x128xf32, #tpu.memory_space<vmem>>, vector<2000x128xf32>,
    return
  }
  func.func @transform_0(%arg0: i32) -> (i32, i32) {
    %c0_i32 = arith.constant 0 : i32
    %c0_i32_0 = arith.constant 0 : i32
    return %arg0, %c0_i32 : i32, i32
  }
  func.func @transform_1(%arg0: i32) -> (i32, i32) {
    %c0_i32 = arith.constant 0 : i32
    %c0_i32_0 = arith.constant 0 : i32
    %c0_i32_1 = arith.constant 0 : i32
    return %c0_i32, %c0_i32_0 : i32, i32
  }
  func.func @transform_2(%arg0: i32) -> (i32, i32) {
    %c0_i32 = arith.constant 0 : i32
    %c0_i32_0 = arith.constant 0 : i32
    return %arg0, %c0_i32 : i32, i32
  }
  func.func @transform_3(%arg0: i32) -> (i32, i32) {
    %c0_i32 = arith.constant 0 : i32
    %c0_i32_0 = arith.constant 0 : i32
    return %arg0, %c0_i32 : i32, i32
  }
  func.func @transform_4(%arg0: i32) -> (i32, i32) {
    %c0_i32 = arith.constant 0 : i32
    %c0_i32_0 = arith.constant 0 : i32
    return %arg0, %c0_i32 : i32, i32
  }
  func.func @transform_5(%arg0: i32) -> (i32, i32) {
    %c0_i32 = arith.constant 0 : i32
    %c0_i32_0 = arith.constant 0 : i32
    return %arg0, %c0_i32 : i32, i32
  }
}

module attributes {stable_mosaic.version = 14 : i64} {
  func.func @_mid_body(%arg0: i32, %arg1: memref<2x2000x128xf32, #tpu.memory_space<vmem>>, %arg2: memref<2000x128xf32, #tpu.memory_space<vmem>>, %arg3: memref<2000x1xf32, #tpu.memory_space<vmem>>, %arg4: memref<1x128xf32, #tpu.memory_space<vmem>>, %arg5: memref<128x128xf32, #tpu.memory_space<vmem>>, %arg6: memref<2000x128xf32, #tpu.memory_space<vmem>>) attributes {dimension_semantics = [#tpu.dimension_semantics<arbitrary>], iteration_bounds = array<i64: 5>, scalar_prefetch = 0 : i64, scratch_operands = 0 : i64, tpu.core_type = #tpu.core_type<tc>, window_params = [{transform_indices = @transform_0, window_bounds = array<i64: 2, 2000, 128>}, {transform_indices = @transform_1, window_bounds = array<i64: 2000, 128>}, {transform_indices = @transform_2, window_bounds = array<i64: 2000, 1>}, {pipeline_mode = #tpu.pipeline_mode<synchronous>, transform_indices = @transform_3, window_bounds = array<i64: 1, 128>}, {pipeline_mode = #tpu.pipeline_mode<synchronous>, transform_indices = @transform_4, window_bounds = array<i64: 128, 128>}, {transform_indices = @transform_5, window_bounds = array<i64: 2000, 128>}]} {
    %get3A = arith.constant 0 : index
    %get3A_0 = arith.constant 0 : index
    %get3A_1 = arith.constant 0 : index
    %get3A_2 = vector.load %arg1[%get3A, %get3A_0, %get3A_1] : memref<2x2000x128xf32, #tpu.memory_space<vmem>>, vector<1x2000x128xf32>
    %get3A_3 = vector.shape_cast %get3A_2 : vector<1x2000x128xf32> to vector<2000x128xf32>
    %get3A_4 = arith.constant 1 : index
    %get3A_5 = arith.constant 0 : index
    %get3A_6 = arith.constant 0 : index
    %get3A_7 = vector.load %arg1[%get3A_4, %get3A_5, %get3A_6] : memref<2x2000x128xf32, #tpu.memory_space<vmem>>, vector<1x2000x128xf32>
    %get3A_8 = vector.shape_cast %get3A_7 : vector<1x2000x128xf32> to vector<2000x128xf32>
    %add3A = arith.addf %get3A_3, %get3A_8 : vector<2000x128xf32>
    %get3A_9 = arith.constant 0 : index
    %get3A_10 = arith.constant 0 : index
    %get3A_11 = vector.load %arg2[%get3A_9, %get3A_10] : memref<2000x128xf32, #tpu.memory_space<vmem>>, vector<2000x128xf32>
    %add3A_12 = arith.addf %add3A, %get3A_11 : vector<2000x128xf32>
    %get3A_13 = arith.constant 0 : index
    %get3A_14 = arith.constant 0 : index
    %get3A_15 = vector.load %arg3[%get3A_13, %get3A_14] : memref<2000x1xf32, #tpu.memory_space<vmem>>, vector<2000x1xf32>
    %mul3A = vector.broadcast %get3A_15 : vector<2000x1xf32> to vector<2000x128xf32>
    %mul3A_16 = arith.mulf %add3A_12, %mul3A : vector<2000x128xf32>
    %get3A_17 = arith.constant 0 : index
    %get3A_18 = arith.constant 0 : index
    %get3A_19 = vector.load %arg4[%get3A_17, %get3A_18] : memref<1x128xf32, #tpu.memory_space<vmem>>, vector<1x128xf32>
    %add3A_20 = vector.broadcast %get3A_19 : vector<1x128xf32> to vector<2000x128xf32>
    %add3A_21 = arith.addf %mul3A_16, %add3A_20 : vector<2000x128xf32>
    %max3A = arith.constant 0.000000e+00 : f32
    %max3A_22 = vector.broadcast %max3A : f32 to vector<2000x128xf32>
    %max3A_23 = arith.maximumf %add3A_21, %max3A_22 : vector<2000x128xf32>
    %get3A_24 = arith.constant 0 : index
    %get3A_25 = arith.constant 0 : index
    %get3A_26 = vector.load %arg5[%get3A_24, %get3A_25] : memref<128x128xf32, #tpu.memory_space<vmem>>, vector<128x128xf32>
    %dot_general3A = arith.constant dense<0.000000e+00> : vector<2000x128xf32>
    %dot_general3A_27 = tpu.matmul %max3A_23, %get3A_26, %dot_general3A {dimension_numbers = #tpu.dot_dimension_numbers<[1], [0], [0], [1], [0, 0, 1, 1], [], []>, transpose_lhs_hint = false} : vector<2000x128xf32>, vector<128x128xf32>, vector<2000x128xf32> -> vector<2000x128xf32>
    %get3A_28 = arith.constant 0 : index
    %get3A_29 = arith.constant 0 : index
    %get3A_30 = vector.load %arg3[%get3A_28, %get3A_29] : memref<2000x1xf32, #tpu.memory_space<vmem>>, vector<2000x1xf32>
    %mul3A_31 = vector.broadcast %get3A_30 : vector<2000x1xf32> to vector<2000x128xf32>
    %mul3A_32 = arith.mulf %dot_general3A_27, %mul3A_31 : vector<2000x128xf32>
    %swap3A = arith.constant 0 : index
    %swap3A_33 = arith.constant 0 : index
    %swap3A_34 = vector.load %arg6[%swap3A, %swap3A_33] : memref<2000x128xf32, #tpu.memory_space<vmem>>, vector<2000x128xf32>
    tpu.vector_store %arg6[%swap3A, %swap3A_33], %mul3A_32 {strides = array<i32>} : memref<2000x128xf32, #tpu.memory_space<vmem>>, vector<2000x128xf32>,
    return
  }
  func.func @transform_0(%arg0: i32) -> (i32, i32, i32) {
    %c0_i32 = arith.constant 0 : i32
    %c0_i32_0 = arith.constant 0 : i32
    %c0_i32_1 = arith.constant 0 : i32
    return %c0_i32, %arg0, %c0_i32_0 : i32, i32, i32
  }
  func.func @transform_1(%arg0: i32) -> (i32, i32) {
    %c0_i32 = arith.constant 0 : i32
    %c0_i32_0 = arith.constant 0 : i32
    return %arg0, %c0_i32 : i32, i32
  }
  func.func @transform_2(%arg0: i32) -> (i32, i32) {
    %c0_i32 = arith.constant 0 : i32
    %c0_i32_0 = arith.constant 0 : i32
    return %arg0, %c0_i32 : i32, i32
  }
  func.func @transform_3(%arg0: i32) -> (i32, i32) {
    %c0_i32 = arith.constant 0 : i32
    %c0_i32_0 = arith.constant 0 : i32
    %c0_i32_1 = arith.constant 0 : i32
    return %c0_i32, %c0_i32_0 : i32, i32
  }
  func.func @transform_4(%arg0: i32) -> (i32, i32) {
    %c0_i32 = arith.constant 0 : i32
    %c0_i32_0 = arith.constant 0 : i32
    %c0_i32_1 = arith.constant 0 : i32
    return %c0_i32, %c0_i32_0 : i32, i32
  }
  func.func @transform_5(%arg0: i32) -> (i32, i32) {
    %c0_i32 = arith.constant 0 : i32
    %c0_i32_0 = arith.constant 0 : i32
    return %arg0, %c0_i32 : i32, i32
  }
}

module attributes {stable_mosaic.version = 14 : i64} {
  func.func @_final_body(%arg0: i32, %arg1: memref<2x2000x128xf32, #tpu.memory_space<vmem>>, %arg2: memref<2000x128xf32, #tpu.memory_space<vmem>>, %arg3: memref<2000x1xf32, #tpu.memory_space<vmem>>, %arg4: memref<1x128xf32, #tpu.memory_space<vmem>>, %arg5: memref<2000x128xf32, #tpu.memory_space<vmem>>) attributes {dimension_semantics = [#tpu.dimension_semantics<arbitrary>], iteration_bounds = array<i64: 5>, scalar_prefetch = 0 : i64, scratch_operands = 0 : i64, tpu.core_type = #tpu.core_type<tc>, window_params = [{transform_indices = @transform_0, window_bounds = array<i64: 2, 2000, 128>}, {transform_indices = @transform_1, window_bounds = array<i64: 2000, 128>}, {transform_indices = @transform_2, window_bounds = array<i64: 2000, 1>}, {pipeline_mode = #tpu.pipeline_mode<synchronous>, transform_indices = @transform_3, window_bounds = array<i64: 1, 128>}, {transform_indices = @transform_4, window_bounds = array<i64: 2000, 128>}]} {
    %get3A = arith.constant 0 : index
    %get3A_0 = arith.constant 0 : index
    %get3A_1 = arith.constant 0 : index
    %get3A_2 = vector.load %arg1[%get3A, %get3A_0, %get3A_1] : memref<2x2000x128xf32, #tpu.memory_space<vmem>>, vector<1x2000x128xf32>
    %get3A_3 = vector.shape_cast %get3A_2 : vector<1x2000x128xf32> to vector<2000x128xf32>
    %get3A_4 = arith.constant 1 : index
    %get3A_5 = arith.constant 0 : index
    %get3A_6 = arith.constant 0 : index
    %get3A_7 = vector.load %arg1[%get3A_4, %get3A_5, %get3A_6] : memref<2x2000x128xf32, #tpu.memory_space<vmem>>, vector<1x2000x128xf32>
    %get3A_8 = vector.shape_cast %get3A_7 : vector<1x2000x128xf32> to vector<2000x128xf32>
    %add3A = arith.addf %get3A_3, %get3A_8 : vector<2000x128xf32>
    %get3A_9 = arith.constant 0 : index
    %get3A_10 = arith.constant 0 : index
    %get3A_11 = vector.load %arg2[%get3A_9, %get3A_10] : memref<2000x128xf32, #tpu.memory_space<vmem>>, vector<2000x128xf32>
    %add3A_12 = arith.addf %add3A, %get3A_11 : vector<2000x128xf32>
    %get3A_13 = arith.constant 0 : index
    %get3A_14 = arith.constant 0 : index
    %get3A_15 = vector.load %arg3[%get3A_13, %get3A_14] : memref<2000x1xf32, #tpu.memory_space<vmem>>, vector<2000x1xf32>
    %mul3A = vector.broadcast %get3A_15 : vector<2000x1xf32> to vector<2000x128xf32>
    %mul3A_16 = arith.mulf %add3A_12, %mul3A : vector<2000x128xf32>
    %get3A_17 = arith.constant 0 : index
    %get3A_18 = arith.constant 0 : index
    %get3A_19 = vector.load %arg4[%get3A_17, %get3A_18] : memref<1x128xf32, #tpu.memory_space<vmem>>, vector<1x128xf32>
    %add3A_20 = vector.broadcast %get3A_19 : vector<1x128xf32> to vector<2000x128xf32>
    %add3A_21 = arith.addf %mul3A_16, %add3A_20 : vector<2000x128xf32>
    %swap3A = arith.constant 0 : index
    %swap3A_22 = arith.constant 0 : index
    %swap3A_23 = vector.load %arg5[%swap3A, %swap3A_22] : memref<2000x128xf32, #tpu.memory_space<vmem>>, vector<2000x128xf32>
    tpu.vector_store %arg5[%swap3A, %swap3A_22], %add3A_21 {strides = array<i32>} : memref<2000x128xf32, #tpu.memory_space<vmem>>, vector<2000x128xf32>,
    return
  }
  func.func @transform_0(%arg0: i32) -> (i32, i32, i32) {
    %c0_i32 = arith.constant 0 : i32
    %c0_i32_0 = arith.constant 0 : i32
    %c0_i32_1 = arith.constant 0 : i32
    return %c0_i32, %arg0, %c0_i32_0 : i32, i32, i32
  }
  func.func @transform_1(%arg0: i32) -> (i32, i32) {
    %c0_i32 = arith.constant 0 : i32
    %c0_i32_0 = arith.constant 0 : i32
    return %arg0, %c0_i32 : i32, i32
  }
  func.func @transform_2(%arg0: i32) -> (i32, i32) {
    %c0_i32 = arith.constant 0 : i32
    %c0_i32_0 = arith.constant 0 : i32
    return %arg0, %c0_i32 : i32, i32
  }
  func.func @transform_3(%arg0: i32) -> (i32, i32) {
    %c0_i32 = arith.constant 0 : i32
    %c0_i32_0 = arith.constant 0 : i32
    %c0_i32_1 = arith.constant 0 : i32
    return %c0_i32, %c0_i32_0 : i32, i32
  }
  func.func @transform_4(%arg0: i32) -> (i32, i32) {
    %c0_i32 = arith.constant 0 : i32
    %c0_i32_0 = arith.constant 0 : i32
    return %arg0, %c0_i32 : i32, i32
  }
}

</mosaic_0001>

<sc_bundles>
// kernel: kernel.11.cloned.1.call-start
scs
__scs_entry_jumppad:
0x0: {  	(pc) =	sbr.rel $0x88, $3  }
0x1: {  	(tag) =	ssettag $0x0;
	lr =	simm.s32 $0x1  }
0x2: {  	[smem:$0x3F9B] =	sst lr;
	_ =	strace $0xD0000000  }
0x3: {  	_ = 	snop  }
0x4: {  	_ = 	snop  }
0x5: {  	_ = 	snop  }
0x6: {  	_ = 	snop  }
0x7: {  	_ = 	snop  }
__scs_overlays_trampoline_lowered:
0x8: {  	[smem:$0x3FAA] =	sst s0  }
0x9: {  	[smem:$0x3FAB] =	sst s1  }
0xa: {  	[smem:$0x3FAC] =	sst s2  }
0xb: {  	[smem:$0x3FAD] =	sst s3  }
0xc: {  	[smem:$0x3FAE] =	sst s4  }
0xd: {  	[smem:$0x3FAF] =	sst s5  }
0xe: {  	[smem:$0x3FB0] =	sst s6  }
0xf: {  	[smem:$0x3FB1] =	sst s7  }
0x10: {  	[smem:$0x3FB2] =	sst s8  }
0x11: {  	[smem:$0x3FB3] =	sst s9;
	s0 =	simm.s32 @!p0 $0x0  }
0x12: {  	s1 =	sld [smem:$0x3F99];
	s0 =	simm.s32 @p0 $0x1  }
0x13: {  	[smem:$0x3FB4] =	sst s0;
	s0 =	simm.s32 @!p1 $0x0  }
0x14: {  	s2 =	sld [smem:$0x3F98];
	s0 =	simm.s32 @p1 $0x1  }
0x15: {  	[smem:$0x3FB5] =	sst s0;
	s0 =	simm.s32 @!p2 $0x0  }
0x16: {  	s3 =	sld [smem:$0x3FDB];
	s0 =	simm.s32 @p2 $0x1  }
0x17: {  	s4 =	simm.s32 $0x1BF5;
	[smem:$0x3FB7] =	sst s0  }
0x18: {  	s0 =	sld [smem:$0x3F9A];
	_ =	swait.ge [sflag:s4], $0x0  }
0x19: {  	s7 =	sld [smem:$0x3F9B]  }
0x1a: {  	s8 =	sadd.s32 $0xFFFFE003, lr  }
0x1b: {  	s9 =	sadd.s32 $0xFFFFFEF7, lr;
	s5 =	simm.s32 $0xFFFFFFFF;
	p2 =	slt.u32 s8, $0xFFFFF086  }
0x1c: {  	p1 =	slt.u32 s9, $0xF7A;
	s5 =	simm.s32 @!p2 $0x0  }
0x1d: {  	s5 =	simm.s32 @p1 $0x1;
	p0 =	seq.s32 s7, s2  }
0x1e: {  	s7 =	smul.u32 @!p0 $0xF7A, s2;
	p2 =	seq.s32 @!p0 s5, $0x0  }
0x1f: {  	s9 =	smul.u32 $0xF7A, s1;
	s8 =	simm.s32 @!p0 $0x1BF5;
	p2 =	por !p2, p0  }
0x20: {  	[sflag:s8] =	ssyncset.s32 @!p0 $0xFFFFF086;
	s6 =	sadd.s32 @!p0 s3, s7;
	s7 =	simm.s32 @!p0 $0x108  }
0x21: {  	s3 =	sadd.s32 s3, s9;
	s6 =	sadd.s32 @!p0 $0x88, s6;
	s7 =	simm.s32 @p2 $0x1082  }
0x22: {  	[simem:s7], [sflag:s8] =	dma.local @!p0 [hbm:s6], $0xF7A  }
0x23: {  	s9 =	sor.u32 $0xD0000000, s2;
	s6 =	simm.s32 $0x108;
	_ =	swait.ge @!p0 [sflag:s8], $0x0  }
0x24: {  	s3 =	sadd.s32 $0x88, s3;
	s6 =	simm.s32 @!p1 $0x1082;
	[sflag:s4] =	ssyncset.s32 $0xFFFFF086  }
0x25: {  	[simem:s6], [sflag:s4] =	dma.local [hbm:s3], $0xF7A  }
0x26: {  	[smem:$0x3F9B] =	sst s1;
	(tag) =	ssettag s2;
	_ =	strace s9  }
0x27: {  	s1 =	sld [smem:$0x3FAB]  }
0x28: {  	s2 =	sld [smem:$0x3FAC]  }
0x29: {  	s4 =	sld [smem:$0x3FAE]  }
0x2a: {  	p0 =	seq.s32 s5, $0x0;
	s5 =	sld [smem:$0x3FAF]  }
0x2b: {  	s6 =	sld [smem:$0x3FB0]  }
0x2c: {  	s7 =	sld [smem:$0x3FB1]  }
0x2d: {  	s3 =	simm.s32 $0x108;
	s8 =	sld [smem:$0x3FB2]  }
0x2e: {  	s3 =	simm.s32 @!p0 $0x1082;
	s9 =	sld [smem:$0x3FB3]  }
0x2f: {  	lr =	sadd.s32 s0, s3;
	s0 =	sld [smem:$0x3FAA]  }
0x30: {  	s3 =	sld [smem:$0x3FAD]  }
0x31: {  	[smem:$0x3FB6] =	sst s10  }
0x32: {  	s10 =	sld [smem:$0x3FB4];
	_ =	sdelay $0x3  }
0x33: {  	p0 =	seq.s32 s10, $0x1;
	s10 =	sld [smem:$0x3FB6];
	_ =	sdelay $0x3  }
0x34: {  	[smem:$0x3FB6] =	sst s10  }
0x35: {  	s10 =	sld [smem:$0x3FB5];
	_ =	sdelay $0x3  }
0x36: {  	p1 =	seq.s32 s10, $0x1;
	s10 =	sld [smem:$0x3FB6];
	_ =	sdelay $0x3  }
0x37: {  	[smem:$0x3FB6] =	sst s10  }
0x38: {  	s10 =	sld [smem:$0x3FB7]  }
0x39: {  	_ = 	snop;
	(pc) =	sbr.ind lr, $3  }
0x3a: {  	_ = 	snop  }
0x3b: {  	_ = 	snop  }
0x3c: {  	p2 =	seq.s32 s10, $0x1;
	s10 =	sld [smem:$0x3FB6]  }
0x3d: {  	_ =	shalt  }
0x3e: {  	_ =	shalt  }
0x3f: {  	_ =	shalt  }
0x40: {  	_ =	shalt  }
0x41: {  	_ =	shalt  }
0x42: {  	_ =	shalt  }
0x43: {  	_ =	shalt  }
0x44: {  	_ =	shalt  }
0x45: {  	_ =	shalt  }
0x46: {  	_ =	shalt  }
0x47: {  	_ =	shalt  }
0x48: {  	_ =	shalt  }
0x49: {  	_ =	shalt  }
0x4a: {  	_ =	shalt  }
0x4b: {  	_ =	shalt  }
0x4c: {  	_ =	shalt  }
0x4d: {  	_ =	shalt  }
0x4e: {  	_ =	shalt  }
0x4f: {  	_ =	shalt  }
0x50: {  	_ =	shalt  }
0x51: {  	_ =	shalt  }
0x52: {  	_ =	shalt  }
0x53: {  	_ =	shalt  }
0x54: {  	_ =	shalt  }
0x55: {  	_ =	shalt  }
0x56: {  	_ =	shalt  }
0x57: {  	_ =	shalt  }
0x58: {  	_ =	shalt  }
0x59: {  	_ =	shalt  }
0x5a: {  	_ =	shalt  }
0x5b: {  	_ =	shalt  }
0x5c: {  	_ =	shalt  }
0x5d: {  	_ =	shalt  }
0x5e: {  	_ =	shalt  }
0x5f: {  	_ =	shalt  }
0x60: {  	_ =	shalt  }
0x61: {  	_ =	shalt  }
0x62: {  	_ =	shalt  }
0x63: {  	_ =	shalt  }
0x64: {  	_ =	shalt  }
0x65: {  	_ =	shalt  }
0x66: {  	_ =	shalt  }
0x67: {  	_ =	shalt  }
0x68: {  	_ =	shalt  }
0x69: {  	_ =	shalt  }
0x6a: {  	_ =	shalt  }
0x6b: {  	_ =	shalt  }
0x6c: {  	_ =	shalt  }
0x6d: {  	_ =	shalt  }
0x6e: {  	_ =	shalt  }
0x6f: {  	_ =	shalt  }
0x70: {  	_ =	shalt  }
0x71: {  	_ =	shalt  }
0x72: {  	_ =	shalt  }
0x73: {  	_ =	shalt  }
0x74: {  	_ =	shalt  }
0x75: {  	_ =	shalt  }
0x76: {  	_ =	shalt  }
0x77: {  	_ =	shalt  }
0x78: {  	_ =	shalt  }
0x79: {  	_ =	shalt  }
0x7a: {  	_ =	shalt  }
0x7b: {  	_ =	shalt  }
0x7c: {  	_ =	shalt  }
0x7d: {  	_ =	shalt  }
0x7e: {  	_ =	shalt  }
0x7f: {  	_ =	shalt  }
0x80: {  	_ =	shalt  }
0x81: {  	_ =	shalt  }
0x82: {  	_ =	shalt  }
0x83: {  	_ =	shalt  }
0x84: {  	_ =	shalt  }
0x85: {  	_ =	shalt  }
0x86: {  	_ =	shalt  }
0x87: {  	_ =	shalt  }
.Lfunc_end0:
.L_simem_size_0:
called_computation.1_lowered:
.L_overlay_start_0:
0x88: {  	s2 =	sld [smem:$0x3FD9]  }
0x89: {  	s3 =	sld [smem:$0x3FFE];
	_ =	sdelay $0x1  }
0x8a: {  	s1 =	srdreg.scid  }
0x8b: {  	s0 =	sand.u32 $0x1, s1  }
0x8c: {  	s17 =	sshll.u32 s0, $0xA;
	s2 =	sadd.s32 s3, s2  }
0x8d: {  	s2 =	sadd.s32 s2, s17  }
0x8e: {  	[smem:$0x3FC2] =	sst s2  }
0x8f: {  	_ = 	snop  }
0x90: {  	s2 =	sld [smem:$0x3FD0];
	(tm) =	ssettm $0x1  }
0x91: {  	s18 =	sld [smem:$0x3FFB];
	_ =	sdelay $0x3  }
0x92: {  	_ =	strace s18  }
0x93: {  	s3 =	sld [smem:$0x3FFC];
	_ =	sdelay $0x3  }
0x94: {  	_ =	strace s3  }
0x95: {  	s3 =	sld [smem:$0x3FFD];
	_ =	sdelay $0x3  }
0x96: {  	_ =	strace s3  }
0x97: {  	_ =	strace $0x8FFFFFFF  }
0x98: {  	s19 =	sld [smem:$0x3FDB];
	_ =	sdelay $0x1  }
0x99: {  	s4 =	simm.s32 $_scs_section_size  }
0x9a: {  	s5 =	simm.s32 $_size__tile_overlayer_lowered;
	s6 =	simm.s32 $_tile_overlayer_lowered  }
0x9b: {  	s22 =	simm.s32 $0x1BFF;
	s21 =	sshll.u32 s6, $0x1;
	s3 =	sadd.s32 s4, s19  }
0x9c: {  	s7 =	simm.s32 $0x0;
	s20 =	sshll.u32 s5, $0x1;
	s5 =	sadd.s32 s21, s3  }
0x9d: {  	[timem:s7], [sflag:s22] =	dma.local [hbm:s5], s20  }
0x9e: {  	_ =	swait.ge [sflag:s22], s20  }
0x9f: {  	s4 =	ssub.s32 $0x0, s20;
	[sflag:s22] =	ssyncset.done $0x0  }
0xa0: {  	[sflag:s22] =	ssyncadd.s32 s4;
	_ =	sdelay $0x1  }
0xa1: {  	s23 =	simm.s32 $0x1B8B  }
0xa2: {  	_ =	swait.ge [sflag:s23], $0x1  }
0xa3: {  	[sflag:s23] =	ssyncset.done $0x0  }
0xa4: {  	s25 =	simm.s32 $0x1B8E;
	s24 =	sld [smem:$0x3FFE];
	[sflag:s23] =	ssyncadd.s32 $0xFFFFFFFF  }
0xa5: {  	s26 =	simm.s32 $execute0_lowered;
	[smem:$0x3FD2] =	sst s25  }
0xa6: {  	s5 =	sshll.u32 s26, $0x1;
	_ =	strace $0x80000049;
	[dreg:$0x1] =	wrdreg $0xFFFFFFFF  }
0xa7: {  	s28 =	simm.s32 $_size_execute0_lowered;
	s3 =	sadd.s32 s3, s5;
	[dreg:$0x0] =	wrdreg $0x0  }
0xa8: {  	s5 =	sshll.u32 s28, $0x1;
	[dreg:$0x2] =	wrdreg s3  }
0xa9: {  	[dreg:$0x3] =	wrdreg s5  }
0xaa: {  	[dreg:$0x4] =	wrdreg $0xC0  }
0xab: {  	_ =	task [dreg:s7], $0x5FFFF  }
0xac: {  	[dreg:$0x1] =	wrdreg $0xFFFFFFFF  }
0xad: {  	[dreg:$0x0] =	wrdreg $0x60  }
0xae: {  	[dreg:$0x2] =	wrdreg s2  }
0xaf: {  	[dreg:$0x3] =	wrdreg s24  }
0xb0: {  	[dreg:$0x4] =	wrdreg $0x54000  }
0xb1: {  	[dreg:$0x5] =	wrdreg $0x9  }
0xb2: {  	_ =	task.clear_ibuf [dreg:s7], $0x6FFFF;
	_ =	strace $0x90000049  }
0xb3: {  	s29 =	simm.s32 $0x9;
	_ =	strace $0x8000004B  }
0xb4: {  	_ =	swait.ge [sflag:s29], $0x1  }
0xb5: {  	[sflag:s29] =	ssyncadd.s32 $0xFFFFFFFF  }
0xb6: {  	_ =	strace $0x9000004B  }
0xb7: {  	_ =	sfence  }
0xb8: {  	s30 =	sld [smem:$0x0];
	_ =	sdelay $0x2  }
0xb9: {  	s31 =	sshll.u32 s1, $0xD;
	s1 =	sshrl.u32 s1, $0x2  }
0xba: {  	s3 =	sand.u32 $0x4000, s31;
	s1 =	sadd.s32 s1, s30  }
0xbb: {  	s0 =	sor.u32 s3, s0;
	s1 =	sshll.u32 s1, $0x11  }
0xbc: {  	s0 =	sor.u32 s1, s0  }
0xbd: {  	s0 =	sadd.s32 $0x8F2B, s0  }
0xbe: {  	[sflag:s0] =	ssyncadd.remote.s32 $0x1  }
0xbf: {  	_ =	sfence.sel $0xFFFF  }
0xc0: {  	[dreg:$0x0] =	wrdreg $0xFFFFFFFF;
	(pc) =	sbr.abs _section_cstart, $3  }
0xc1: {  	[dreg:$0x1] =	wrdreg $0xFFFFFFFF  }
0xc2: {  	_ =	task.clear_ibuf [dreg:s7], $0x2FFFF;
	_ =	strace $0x9FFFFFFF  }
0xc3: {  	(tm) =	ssettm $0x7FFFFFFF  }
tec
execute0_lowered:
.L_overlay_start_1:
0x0: {  	(tag) =	ssettag $0x1  }
0x1: {  	s1 =	rddreg [dreg:$0x0]  }
0x2: {  	s0 =	rddreg [dreg:$0x1]  }
0x3: {  	s2 =	rddreg [dreg:$0x2];
	s4 =	simm.s32 $0x0  }
0x4: {  	s3 =	srdreg.scid;
	s13 =	stileid.u32;
	s28 =	simm.s32 $0x5  }
0x5: {  	s29 =	simm.s32 $0x80;
	s30 =	simm.s32 $0x6;
	s31 =	simm.s32 $0x180  }
0x6: {  	[smem:$0x7FF] =	sst s4;
	s3 =	sand.u32 $0x1, s3;
	s6 =	smul.u32 $0x4E000, s13  }
0x7: {  	s7 =	sadd.s32 $0x2E00, s0;
	s8 =	sadd.s32 $0x42E00, s0;
	s0 =	sadd.s32 $0x43C00, s0  }
0x8: {  	s9 =	sshll.u32 s13, $0x10;
	s10 =	sshll.u32 s13, $0x6;
	s23 =	smul.u32 $0x13800, s13  }
0x9: {  	s24 =	sadd.s32 $0x138000, s2;
	p0 =	sne.s32 s13, $0xF;
	s13 =	simm.s32 $0x280  }
0xa: {  	_ =	strace $0x8000004A;
	s5 =	ssub.s32 $0x2, s3;
	[dreg:$0x8] =	wrdreg s8  }
0xb: {  	s22 =	sshll.u32 s3, $0x14;
	s3 =	smul.u32 $0x138800, s3;
	s15 =	sor.u32 $0x1C0D, s10  }
0xc: {  	[dreg:$0xb] =	wrdreg s24;
	s21 =	sshrl.u32 s5, $0x1;
	s6 =	sshrl.u32 s6, $0x2  }
0xd: {  	s8 =	sor.u32 s9, s22;
	[dreg:$0x9] =	wrdreg s15;
	s5 =	ssub.s32 s5, s21  }
0xe: {  	s6 =	sadd.s32 s6, s2;
	s9 =	sshrl.u32 s8, $0x3;
	s26 =	sadd.s32 s23, s3  }
0xf: {  	s17 =	sor.u32 $0x700, s8;
	s3 =	sshrl.u32 s3, $0x3;
	s19 =	sor.u32 $0x600, s8  }
0x10: {  	s21 =	sor.u32 $0x500, s8;
	s8 =	sor.u32 $0x400, s8;
	s11 =	sadd.s32 $0x6800, s6  }
0x11: {  	s12 =	sadd.s32 $0xD000, s6;
	s14 =	sadd.s32 s7, s9;
	s9 =	sshrl.u32 s26, $0x3  }
0x12: {  	s18 =	sshrl.u32 s17, $0x3;
	s20 =	sshrl.u32 s19, $0x3;
	s10 =	sshrl.u32 s21, $0x3  }
0x13: {  	s8 =	sshrl.u32 s8, $0x3;
	s24 =	smax.u32 s5, $0x1;
	s19 =	simm.s32 $0x100  }
0x14: {  	s21 =	simm.s32 $0x28;
	s17 =	simm.s32 $0xB;
	[dreg:$0xa] =	wrdreg s14  }
0x15: {  	s5 =	simm.s32 $0x0;
	s25 =	sadd.s32 $0x20, s14;
	[dreg:$0x11] =	wrdreg s24  }
0x16: {  	s16 =	sadd.s32 $0x40, s14;
	s14 =	sadd.s32 $0x60, s14;
	[dreg:$0x15] =	wrdreg s5  }
0x17: {  	s9 =	sadd.s32 s0, s9;
	s22 =	sadd.s32 s10, s7;
	[dreg:$0xc] =	wrdreg s25  }
0x18: {  	s0 =	sadd.s32 s0, s3;
	s23 =	sadd.s32 s8, s7;
	[dreg:$0xd] =	wrdreg s16  }
0x19: {  	s26 =	sshrl.u32 s12, $0x3;
	s24 =	simm.s32 $0x1800;
	[dreg:$0xe] =	wrdreg s14  }
0x1a: {  	s3 =	simm.s32 $0x2C00;
	s8 =	simm.s32 $0x4;
	[dreg:$0xf] =	wrdreg s9  }
0x1b: {  	s10 =	simm.s32 $0x9;
	s12 =	simm.s32 $0x7;
	[dreg:$0x6] =	wrdreg s22  }
0x1c: {  	s9 =	sadd.s32 s18, s7;
	s0 =	sadd.s32 $0x27000, s0;
	[dreg:$0x7] =	wrdreg s23  }
0x1d: {  	s16 =	sshrl.u32 s6, $0x3;
	s6 =	simm.s32 $0xD;
	s25 =	sshrl.u32 s11, $0x3  }
0x1e: {  	[dreg:$0x14] =	wrdreg s26;
	s22 =	simm.s32 $0x400;
	s23 =	simm.s32 $0x2  }
0x1f: {  	s26 =	simm.s32 $0x300;
	s11 =	simm.s32 $0xA;
	[dreg:$0x4] =	wrdreg s9  }
0x20: {  	s14 =	simm.s32 $0x8;
	s18 =	simm.s32 $0xC;
	[dreg:$0x10] =	wrdreg s0  }
0x21: {  	s9 =	sadd.s32 s20, s7;
	[dreg:$0x13] =	wrdreg s25;
	s20 =	simm.s32 $0x1  }
0x22: {  	s25 =	simm.s32 $0x200;
	s0 =	simm.s32 $0x3;
	[dreg:$0x12] =	wrdreg s16  }
0x23: {  	s7 =	simm.s32 $0x380;
	[dreg:$0x5] =	wrdreg s9;
	s9 =	simm.s32 $0x4000  }
.LBB2_1:
0x24: {  	s5 =	rddreg [dreg:$0x8]  }
0x25: {  	[spmem:s16], [sflag:s15] =	dma.local [hbm:s5], $0xD00  }
0x26: {  	_ =	swait.ge [sflag:s6], $0xD00  }
0x27: {  	[sflag:s6] =	ssyncset.done $0x0  }
0x28: {  	s16 =	rddreg [dreg:$0x13];
	[sflag:s6] =	ssyncadd.s32 $0xFFFFF300  }
0x29: {  	[spmem:s16], [sflag:s15] =	dma.local [hbm:s5], $0xD00  }
0x2a: {  	_ =	swait.ge [sflag:s6], $0xD00  }
0x2b: {  	[sflag:s6] =	ssyncset.done $0x0  }
0x2c: {  	s16 =	rddreg [dreg:$0x14];
	[sflag:s6] =	ssyncadd.s32 $0xFFFFF300  }
0x2d: {  	[spmem:s16], [sflag:s15] =	dma.local [hbm:s5], $0xD00  }
0x2e: {  	_ =	swait.ge [sflag:s6], $0xD00  }
0x2f: {  	[sflag:s6] =	ssyncset.done $0x0  }
0x30: {  	[sflag:s6] =	ssyncadd.s32 $0xFFFFF300;
	s6 =	rddreg [dreg:$0xb]  }
0x31: {  	s6 =	sshrl.u32 @!p0 s6, $0x3  }
0x32: {  	[dreg:$0x16] =	wrdreg s6  }
0x33: {  	[spmem:s6], [sflag:s15] =	dma.local @!p0 [hbm:s5], $0x100  }
0x34: {  	s5 =	simm.s32 @!p0 $0xD  }
0x35: {  	_ =	swait.ge @!p0 [sflag:s5], $0x100  }
0x36: {  	[sflag:s5] =	ssyncset.done @!p0 $0x0  }
0x37: {  	[sflag:s5] =	ssyncadd.s32 @!p0 $0xFFFFFF00  }
0x38: {  	[bflag:$0x0] =	sbarrier.arrive $0xFFFF  }
0x39: {  	s16 =	rddreg [dreg:$0xa]  }
0x3a: {  	[tilespmem:s4], [sflag:$0x1] =	stream.linear.gather [hbm4b:s16+s4], $0x100, $0x38;
	[tilespmem:$0x18CC0] =	vst v63  }
0x3b: {  	s6 =	rddreg [dreg:$0xc]  }
0x3c: {  	[tilespmem:s19], [sflag:$0x2] =	stream.linear.gather [hbm4b:s6+s4], $0x100, $0x38;
	[tilespmem:$0x18CC0] =	vst v63  }
0x3d: {  	_ =	swait.ge [sflag:s20], $0x100  }
0x3e: {  	[sflag:s20] =	ssyncset.done $0x0  }
0x3f: {  	[sflag:s20] =	ssyncadd.s32 $0xFFFFFF00  }
0x40: {  	[tilespmem:s22], [sflag:$0x5] =	stream.indirect.gather [hbm4b:s1+s21], $0x80, s4, s21, $0xb8;
	[tilespmem:$0x18CC0] =	vst v63  }
0x41: {  	_ =	swait.ge [sflag:s23], $0x100  }
0x42: {  	[sflag:s23] =	ssyncset.done $0x0  }
0x43: {  	[sflag:s23] =	ssyncadd.s32 $0xFFFFFF00  }
0x44: {  	[tilespmem:s24], [sflag:$0x6] =	stream.indirect.gather [hbm4b:s1+s21], $0x80, s19, s21, $0xb8;
	[tilespmem:$0x18CC0] =	vst v63  }
0x45: {  	s15 =	rddreg [dreg:$0xd]  }
0x46: {  	[tilespmem:s25], [sflag:$0x3] =	stream.linear.gather [hbm4b:s15+s4], $0x100, $0x38;
	[tilespmem:$0x18CC0] =	vst v63  }
0x47: {  	s16 =	rddreg [dreg:$0xe]  }
0x48: {  	[tilespmem:s26], [sflag:$0x4] =	stream.linear.gather [hbm4b:s16+s4], $0x100, $0x38;
	[tilespmem:$0x18CC0] =	vst v63  }
0x49: {  	_ =	swait.ge [sflag:s28], $0x1400  }
0x4a: {  	[sflag:s28] =	ssyncset.done $0x0  }
0x4b: {  	[sflag:s28] =	ssyncadd.s32 $0xFFFFEC00  }
0x4c: {  	[spmem:s2] =	stream.indirect.scatter.add.f32 [tilespmem:s22], [sflag:$0x9], $0x80, s29, s21, $0xb8;
	[tilespmem:$0x18CC0] =	vst v63  }
0x4d: {  	_ =	swait.ge [sflag:s30], $0x1400  }
0x4e: {  	[sflag:s30] =	ssyncset.done $0x0  }
0x4f: {  	[sflag:s30] =	ssyncadd.s32 $0xFFFFEC00  }
0x50: {  	[spmem:s2] =	stream.indirect.scatter.add.f32 [tilespmem:s24], [sflag:$0xA], $0x80, s31, s21, $0xb8;
	[tilespmem:$0x18CC0] =	vst v63  }
0x51: {  	_ =	swait.ge [sflag:s0], $0x100  }
0x52: {  	[sflag:s0] =	ssyncset.done $0x0  }
0x53: {  	[sflag:s0] =	ssyncadd.s32 $0xFFFFFF00  }
0x54: {  	[tilespmem:s3], [sflag:$0x7] =	stream.indirect.gather [hbm4b:s1+s21], $0x80, s25, s21, $0xb8;
	[tilespmem:$0x18CC0] =	vst v63  }
0x55: {  	_ =	swait.ge [sflag:s8], $0x100  }
0x56: {  	[sflag:s8] =	ssyncset.done $0x0  }
0x57: {  	[sflag:s8] =	ssyncadd.s32 $0xFFFFFF00  }
0x58: {  	[tilespmem:s9], [sflag:$0x8] =	stream.indirect.gather [hbm4b:s1+s21], $0x80, s26, s21, $0xb8;
	[tilespmem:$0x18CC0] =	vst v63  }
0x59: {  	_ =	swait.ge [sflag:s10], $0x1400  }
0x5a: {  	[sflag:s10] =	ssyncset.done $0x0  }
0x5b: {  	[sflag:s10] =	ssyncadd.s32 $0xFFFFEC00  }
0x5c: {  	_ =	swait.ge [sflag:s11], $0x1400  }
0x5d: {  	s6 =	rddreg [dreg:$0x7];
	[sflag:s11] =	ssyncset.done $0x0  }
0x5e: {  	s15 =	rddreg [dreg:$0x6];
	[sflag:s11] =	ssyncadd.s32 $0xFFFFEC00;
	s5 =	sadd.s32 $0x0, s6  }
0x5f: {  	[tilespmem:s4], [sflag:$0x1] =	stream.linear.gather [hbm4b:s5+s4], $0x100, $0x38;
	[tilespmem:$0x18CC0] =	vst v63  }
0x60: {  	s16 =	sadd.s32 $0x0, s15  }
0x61: {  	[tilespmem:s19], [sflag:$0x2] =	stream.linear.gather [hbm4b:s16+s4], $0x100, $0x38;
	[tilespmem:$0x18CC0] =	vst v63  }
0x62: {  	_ =	swait.ge [sflag:s12], $0x1400  }
0x63: {  	[sflag:s12] =	ssyncset.done $0x0  }
0x64: {  	[sflag:s12] =	ssyncadd.s32 $0xFFFFEC00  }
0x65: {  	[spmem:s2] =	stream.indirect.scatter.add.f32 [tilespmem:s3], [sflag:$0xB], $0x80, s13, s21, $0xb8;
	[tilespmem:$0x18CC0] =	vst v63  }
0x66: {  	_ =	swait.ge [sflag:s14], $0x1400  }
0x67: {  	[sflag:s14] =	ssyncset.done $0x0  }
0x68: {  	[sflag:s14] =	ssyncadd.s32 $0xFFFFEC00  }
0x69: {  	[spmem:s2] =	stream.indirect.scatter.add.f32 [tilespmem:s9], [sflag:$0xC], $0x80, s7, s21, $0xb8;
	[tilespmem:$0x18CC0] =	vst v63  }
0x6a: {  	_ =	swait.ge [sflag:s20], $0x100  }
0x6b: {  	[sflag:s20] =	ssyncset.done $0x0  }
0x6c: {  	[sflag:s20] =	ssyncadd.s32 $0xFFFFFF00  }
0x6d: {  	[tilespmem:s22], [sflag:$0x5] =	stream.indirect.gather [hbm4b:s1+s21], $0x80, s4, s21, $0xb8;
	[tilespmem:$0x18CC0] =	vst v63  }
0x6e: {  	_ =	swait.ge [sflag:s23], $0x100  }
0x6f: {  	[sflag:s23] =	ssyncset.done $0x0  }
0x70: {  	[sflag:s23] =	ssyncadd.s32 $0xFFFFFF00  }
0x71: {  	[tilespmem:s24], [sflag:$0x6] =	stream.indirect.gather [hbm4b:s1+s21], $0x80, s19, s21, $0xb8;
	[tilespmem:$0x18CC0] =	vst v63  }
0x72: {  	_ =	swait.ge [sflag:s17], $0x1400  }
0x73: {  	[sflag:s17] =	ssyncset.done $0x0  }
0x74: {  	[sflag:s17] =	ssyncadd.s32 $0xFFFFEC00  }
0x75: {  	_ =	swait.ge [sflag:s18], $0x1400  }
0x76: {  	s6 =	rddreg [dreg:$0x5];
	[sflag:s18] =	ssyncset.done $0x0  }
0x77: {  	s15 =	rddreg [dreg:$0x4];
	[sflag:s18] =	ssyncadd.s32 $0xFFFFEC00;
	s5 =	sadd.s32 $0x0, s6  }
0x78: {  	[tilespmem:s25], [sflag:$0x3] =	stream.linear.gather [hbm4b:s5+s4], $0x100, $0x38;
	[tilespmem:$0x18CC0] =	vst v63  }
0x79: {  	s16 =	sadd.s32 $0x0, s15  }
0x7a: {  	[tilespmem:s26], [sflag:$0x4] =	stream.linear.gather [hbm4b:s16+s4], $0x100, $0x38;
	[tilespmem:$0x18CC0] =	vst v63  }
0x7b: {  	_ =	swait.ge [sflag:s28], $0x1400  }
0x7c: {  	[sflag:s28] =	ssyncset.done $0x0  }
0x7d: {  	[sflag:s28] =	ssyncadd.s32 $0xFFFFEC00  }
0x7e: {  	[spmem:s2] =	stream.indirect.scatter.add.f32 [tilespmem:s22], [sflag:$0x9], $0x80, s29, s21, $0xb8;
	[tilespmem:$0x18CC0] =	vst v63  }
0x7f: {  	_ =	swait.ge [sflag:s30], $0x1400  }
0x80: {  	[sflag:s30] =	ssyncset.done $0x0  }
0x81: {  	s5 =	simm.s32 $0x80;
	[sflag:s30] =	ssyncadd.s32 $0xFFFFEC00  }
.LBB2_2:
0x82: {  	[spmem:s2] =	stream.indirect.scatter.add.f32 [tilespmem:s24], [sflag:$0xA], $0x80, s31, s21, $0xb8;
	[tilespmem:$0x18CC0] =	vst v63  }
0x83: {  	_ =	swait.ge [sflag:s0], $0x100  }
0x84: {  	[sflag:s0] =	ssyncset.done $0x0  }
0x85: {  	[sflag:s0] =	ssyncadd.s32 $0xFFFFFF00  }
0x86: {  	[tilespmem:s3], [sflag:$0x7] =	stream.indirect.gather [hbm4b:s1+s21], $0x80, s25, s21, $0xb8;
	[tilespmem:$0x18CC0] =	vst v63  }
0x87: {  	_ =	swait.ge [sflag:s8], $0x100  }
0x88: {  	[sflag:s8] =	ssyncset.done $0x0  }
0x89: {  	[sflag:s8] =	ssyncadd.s32 $0xFFFFFF00  }
0x8a: {  	[tilespmem:s9], [sflag:$0x8] =	stream.indirect.gather [hbm4b:s1+s21], $0x80, s26, s21, $0xb8;
	[tilespmem:$0x18CC0] =	vst v63  }
0x8b: {  	_ =	swait.ge [sflag:s10], $0x1400  }
0x8c: {  	[sflag:s10] =	ssyncset.done $0x0  }
0x8d: {  	[sflag:s10] =	ssyncadd.s32 $0xFFFFEC00  }
0x8e: {  	_ =	swait.ge [sflag:s11], $0x1400  }
0x8f: {  	s6 =	smov.u32 s5;
	s16 =	rddreg [dreg:$0x7];
	[sflag:s11] =	ssyncset.done $0x0  }
0x90: {  	s15 =	rddreg [dreg:$0x6];
	[sflag:s11] =	ssyncadd.s32 $0xFFFFEC00;
	s16 =	sadd.s32 s6, s16  }
0x91: {  	[tilespmem:s4], [sflag:$0x1] =	stream.linear.gather [hbm4b:s16+s4], $0x100, $0x38;
	[tilespmem:$0x18CC0] =	vst v63  }
0x92: {  	s15 =	sadd.s32 s6, s15  }
0x93: {  	[tilespmem:s19], [sflag:$0x2] =	stream.linear.gather [hbm4b:s15+s4], $0x100, $0x38;
	[tilespmem:$0x18CC0] =	vst v63  }
0x94: {  	_ =	swait.ge [sflag:s12], $0x1400  }
0x95: {  	[sflag:s12] =	ssyncset.done $0x0  }
0x96: {  	[sflag:s12] =	ssyncadd.s32 $0xFFFFEC00  }
0x97: {  	[spmem:s2] =	stream.indirect.scatter.add.f32 [tilespmem:s3], [sflag:$0xB], $0x80, s13, s21, $0xb8;
	[tilespmem:$0x18CC0] =	vst v63  }
0x98: {  	_ =	swait.ge [sflag:s14], $0x1400  }
0x99: {  	[sflag:s14] =	ssyncset.done $0x0  }
0x9a: {  	[sflag:s14] =	ssyncadd.s32 $0xFFFFEC00  }
0x9b: {  	[spmem:s2] =	stream.indirect.scatter.add.f32 [tilespmem:s9], [sflag:$0xC], $0x80, s7, s21, $0xb8;
	[tilespmem:$0x18CC0] =	vst v63  }
0x9c: {  	_ =	swait.ge [sflag:s20], $0x100  }
0x9d: {  	[sflag:s20] =	ssyncset.done $0x0  }
0x9e: {  	[sflag:s20] =	ssyncadd.s32 $0xFFFFFF00  }
0x9f: {  	[tilespmem:s22], [sflag:$0x5] =	stream.indirect.gather [hbm4b:s1+s21], $0x80, s4, s21, $0xb8;
	[tilespmem:$0x18CC0] =	vst v63  }
0xa0: {  	_ =	swait.ge [sflag:s23], $0x100  }
0xa1: {  	[sflag:s23] =	ssyncset.done $0x0  }
0xa2: {  	[sflag:s23] =	ssyncadd.s32 $0xFFFFFF00  }
0xa3: {  	[tilespmem:s24], [sflag:$0x6] =	stream.indirect.gather [hbm4b:s1+s21], $0x80, s19, s21, $0xb8;
	[tilespmem:$0x18CC0] =	vst v63  }
0xa4: {  	_ =	swait.ge [sflag:s17], $0x1400  }
0xa5: {  	[sflag:s17] =	ssyncset.done $0x0  }
0xa6: {  	[sflag:s17] =	ssyncadd.s32 $0xFFFFEC00  }
0xa7: {  	_ =	swait.ge [sflag:s18], $0x1400  }
0xa8: {  	s15 =	rddreg [dreg:$0x5];
	[sflag:s18] =	ssyncset.done $0x0  }
0xa9: {  	s16 =	rddreg [dreg:$0x4];
	[sflag:s18] =	ssyncadd.s32 $0xFFFFEC00;
	s15 =	sadd.s32 s6, s15  }
0xaa: {  	[tilespmem:s25], [sflag:$0x3] =	stream.linear.gather [hbm4b:s15+s4], $0x100, $0x38;
	[tilespmem:$0x18CC0] =	vst v63  }
0xab: {  	s6 =	sadd.s32 s6, s16  }
0xac: {  	[tilespmem:s26], [sflag:$0x4] =	stream.linear.gather [hbm4b:s6+s4], $0x100, $0x38;
	[tilespmem:$0x18CC0] =	vst v63  }
0xad: {  	_ =	swait.ge [sflag:s28], $0x1400  }
0xae: {  	p1 =	sne.s32 s5, $0x1F00;
	[sflag:s28] =	ssyncset.done $0x0  }
.Ltmp0:
0xaf: {  	[sflag:s28] =	ssyncadd.s32 $0xFFFFEC00;
	(pc) =	sbr.rel @p1 .LBB2_2-.Ltmp0, $4  }
0xb0: {  	[spmem:s2] =	stream.indirect.scatter.add.f32 [tilespmem:s22], [sflag:$0x9], $0x80, s29, s21, $0xb8;
	[tilespmem:$0x18CC0] =	vst v63  }
0xb1: {  	_ =	swait.ge [sflag:s30], $0x1400  }
0xb2: {  	[sflag:s30] =	ssyncset.done $0x0  }
0xb3: {  	s5 =	sadd.s32 $0x80, s5;
	[sflag:s30] =	ssyncadd.s32 $0xFFFFEC00  }
0xb4: {  	[spmem:s2] =	stream.indirect.scatter.add.f32 [tilespmem:s24], [sflag:$0xA], $0x80, s31, s21, $0xb8;
	[tilespmem:$0x18CC0] =	vst v63  }
0xb5: {  	_ =	swait.ge [sflag:s0], $0x100  }
0xb6: {  	[sflag:s0] =	ssyncset.done $0x0  }
0xb7: {  	[sflag:s0] =	ssyncadd.s32 $0xFFFFFF00  }
0xb8: {  	[tilespmem:s3], [sflag:$0x7] =	stream.indirect.gather [hbm4b:s1+s21], $0x80, s25, s21, $0xb8;
	[tilespmem:$0x18CC0] =	vst v63  }
0xb9: {  	_ =	swait.ge [sflag:s8], $0x100  }
0xba: {  	[sflag:s8] =	ssyncset.done $0x0  }
0xbb: {  	[sflag:s8] =	ssyncadd.s32 $0xFFFFFF00  }
0xbc: {  	[tilespmem:s9], [sflag:$0x8] =	stream.indirect.gather [hbm4b:s1+s21], $0x80, s26, s21, $0xb8;
	[tilespmem:$0x18CC0] =	vst v63  }
0xbd: {  	_ =	swait.ge [sflag:s10], $0x1400  }
0xbe: {  	[sflag:s10] =	ssyncset.done $0x0  }
0xbf: {  	[sflag:s10] =	ssyncadd.s32 $0xFFFFEC00  }
0xc0: {  	_ =	swait.ge [sflag:s11], $0x1400  }
0xc1: {  	[sflag:s11] =	ssyncset.done $0x0  }
0xc2: {  	[sflag:s11] =	ssyncadd.s32 $0xFFFFEC00  }
0xc3: {  	_ =	swait.ge [sflag:s12], $0x1400  }
0xc4: {  	[sflag:s12] =	ssyncset.done $0x0  }
0xc5: {  	[sflag:s12] =	ssyncadd.s32 $0xFFFFEC00  }
0xc6: {  	[spmem:s2] =	stream.indirect.scatter.add.f32 [tilespmem:s3], [sflag:$0xB], $0x80, s13, s21, $0xb8;
	[tilespmem:$0x18CC0] =	vst v63  }
0xc7: {  	_ =	swait.ge [sflag:s14], $0x1400  }
0xc8: {  	[sflag:s14] =	ssyncset.done $0x0  }
0xc9: {  	[sflag:s14] =	ssyncadd.s32 $0xFFFFEC00  }
0xca: {  	[spmem:s2] =	stream.indirect.scatter.add.f32 [tilespmem:s9], [sflag:$0xC], $0x80, s7, s21, $0xb8;
	[tilespmem:$0x18CC0] =	vst v63  }
0xcb: {  	_ =	swait.ge [sflag:s17], $0x1400  }
0xcc: {  	[sflag:s17] =	ssyncset.done $0x0  }
0xcd: {  	[sflag:s17] =	ssyncadd.s32 $0xFFFFEC00  }
0xce: {  	_ =	swait.ge [sflag:s18], $0x1400  }
0xcf: {  	[sflag:s18] =	ssyncset.done $0x0  }
0xd0: {  	[sflag:s18] =	ssyncadd.s32 $0xFFFFEC00  }
0xd1: {  	[bflag:$0x0] =	sbarrier.arrive $0xFFFF  }
0xd2: {  	s15 =	rddreg [dreg:$0x9]  }
0xd3: {  	s5 =	rddreg [dreg:$0xf]  }
0xd4: {  	s6 =	simm.s32 $0xD;
	s16 =	rddreg [dreg:$0x12]  }
0xd5: {  	[hbm:s5], [sflag:s15] =	dma.local [spmem:s16], $0x2700  }
0xd6: {  	_ =	swait.ge [sflag:s6], $0x2700  }
0xd7: {  	[sflag:s6] =	ssyncset.done $0x0;
	s5 =	rddreg [dreg:$0x10]  }
0xd8: {  	[sflag:s6] =	ssyncadd.s32 $0xFFFFD900;
	s6 =	rddreg [dreg:$0x16]  }
0xd9: {  	[hbm:s5], [sflag:s15] =	dma.local @!p0 [spmem:s6], $0x100  }
0xda: {  	s6 =	simm.s32 @!p0 $0xD  }
0xdb: {  	_ =	swait.ge @!p0 [sflag:s6], $0x100  }
0xdc: {  	s5 =	rddreg [dreg:$0x15]  }
0xdd: {  	[sflag:s6] =	ssyncset.done @!p0 $0x0;
	s6 =	rddreg [dreg:$0x11];
	s5 =	sadd.s32 $0x1, s5  }
0xde: {  	p1 =	sne.s32 s5, s6  }
.Ltmp1:
0xdf: {  	_ = 	snop;
	(pc) =	sbr.rel @p1 .LBB2_1-.Ltmp1, $3  }
0xe0: {  	_ =	sdelay $0x1  }
0xe1: {  	[dreg:$0x15] =	wrdreg s5;
	s5 =	simm.s32 @!p0 $0xD  }
0xe2: {  	s6 =	simm.s32 $0xD;
	[sflag:s5] =	ssyncadd.s32 @!p0 $0xFFFFFF00  }
0xe3: {  	_ =	sfence.sel $0x180000  }
0xe4: {  	[bflag:$0x0] =	sbarrier.arrive $0xFFFF  }
0xe5: {  	_ =	strace $0x9000004A  }
0xe6: {  	s0 =	stileid.u32;
	[bflag:$0x2] =	sbarrier.arrive $0xFFFF  }
0xe7: {  	p0 =	sne.s32 s0, $0x0;
	s0 =	rddreg [dreg:$0x3]  }
0xe8: {  	s0 =	sadd.s32 @!p0 $0x100000, s0  }
0xe9: {  	[sflag:s0] =	ssyncadd.tile.s32 @!p0 $0x1;
	_ =	shalt  }
.Lfunc_end2:
_tile_overlayer_lowered:
.L_overlay_start_2:
0xea: {  	(tag) =	ssettag $0x2  }
0xeb: {  	s0 =	rddreg [dreg:$0x0];
	s2 =	stileid.u32  }
0xec: {  	s1 =	rddreg [dreg:$0x1];
	p0 =	sne.s32 s2, $0x0  }
0xed: {  	s3 =	rddreg [dreg:$0x2];
	[bflag:$0x3] =	sbarrier.arrive $0xFFFF;
	s2 =	simm.s32 @!p0 $0x1C0D  }
0xee: {  	[timem:s3], [sflag:s2] =	dma.local @!p0 [hbm:s0], s1  }
0xef: {  	s0 =	simm.s32 @!p0 $0xD  }
0xf0: {  	_ =	swait.ge @!p0 [sflag:s0], s1  }
0xf1: {  	s1 =	ssub.s32 @!p0 $0x0, s1;
	[sflag:s0] =	ssyncset.done @!p0 $0x0  }
0xf2: {  	[sflag:s0] =	ssyncadd.s32 @!p0 s1  }
0xf3: {  	[bflag:$0x3] =	sbarrier.arrive $0xFFFF  }
0xf4: {  	_ =	shalt  }

// kernel: kernel.14.cloned.1.call-start
scs
__scs_entry_jumppad:
0x0: {  	(pc) =	sbr.rel $0x88, $3  }
0x1: {  	(tag) =	ssettag $0x0;
	lr =	simm.s32 $0x1  }
0x2: {  	[smem:$0x3F9B] =	sst lr;
	_ =	strace $0xD0000000  }
0x3: {  	_ = 	snop  }
0x4: {  	_ = 	snop  }
0x5: {  	_ = 	snop  }
0x6: {  	_ = 	snop  }
0x7: {  	_ = 	snop  }
__scs_overlays_trampoline_lowered:
0x8: {  	[smem:$0x3FAA] =	sst s0  }
0x9: {  	[smem:$0x3FAB] =	sst s1  }
0xa: {  	[smem:$0x3FAC] =	sst s2  }
0xb: {  	[smem:$0x3FAD] =	sst s3  }
0xc: {  	[smem:$0x3FAE] =	sst s4  }
0xd: {  	[smem:$0x3FAF] =	sst s5  }
0xe: {  	[smem:$0x3FB0] =	sst s6  }
0xf: {  	[smem:$0x3FB1] =	sst s7  }
0x10: {  	[smem:$0x3FB2] =	sst s8  }
0x11: {  	[smem:$0x3FB3] =	sst s9;
	s0 =	simm.s32 @!p0 $0x0  }
0x12: {  	s1 =	sld [smem:$0x3F99];
	s0 =	simm.s32 @p0 $0x1  }
0x13: {  	[smem:$0x3FB4] =	sst s0;
	s0 =	simm.s32 @!p1 $0x0  }
0x14: {  	s2 =	sld [smem:$0x3F98];
	s0 =	simm.s32 @p1 $0x1  }
0x15: {  	[smem:$0x3FB5] =	sst s0;
	s0 =	simm.s32 @!p2 $0x0  }
0x16: {  	s3 =	sld [smem:$0x3FDB];
	s0 =	simm.s32 @p2 $0x1  }
0x17: {  	s4 =	simm.s32 $0x1BF5;
	[smem:$0x3FB7] =	sst s0  }
0x18: {  	s0 =	sld [smem:$0x3F9A];
	_ =	swait.ge [sflag:s4], $0x0  }
0x19: {  	s7 =	sld [smem:$0x3F9B]  }
0x1a: {  	s8 =	sadd.s32 $0xFFFFE003, lr  }
0x1b: {  	s9 =	sadd.s32 $0xFFFFFEF7, lr;
	s5 =	simm.s32 $0xFFFFFFFF;
	p2 =	slt.u32 s8, $0xFFFFF086  }
0x1c: {  	p1 =	slt.u32 s9, $0xF7A;
	s5 =	simm.s32 @!p2 $0x0  }
0x1d: {  	s5 =	simm.s32 @p1 $0x1;
	p0 =	seq.s32 s7, s2  }
0x1e: {  	s7 =	smul.u32 @!p0 $0xF7A, s2;
	p2 =	seq.s32 @!p0 s5, $0x0  }
0x1f: {  	s9 =	smul.u32 $0xF7A, s1;
	s8 =	simm.s32 @!p0 $0x1BF5;
	p2 =	por !p2, p0  }
0x20: {  	[sflag:s8] =	ssyncset.s32 @!p0 $0xFFFFF086;
	s6 =	sadd.s32 @!p0 s3, s7;
	s7 =	simm.s32 @!p0 $0x108  }
0x21: {  	s3 =	sadd.s32 s3, s9;
	s6 =	sadd.s32 @!p0 $0x88, s6;
	s7 =	simm.s32 @p2 $0x1082  }
0x22: {  	[simem:s7], [sflag:s8] =	dma.local @!p0 [hbm:s6], $0xF7A  }
0x23: {  	s9 =	sor.u32 $0xD0000000, s2;
	s6 =	simm.s32 $0x108;
	_ =	swait.ge @!p0 [sflag:s8], $0x0  }
0x24: {  	s3 =	sadd.s32 $0x88, s3;
	s6 =	simm.s32 @!p1 $0x1082;
	[sflag:s4] =	ssyncset.s32 $0xFFFFF086  }
0x25: {  	[simem:s6], [sflag:s4] =	dma.local [hbm:s3], $0xF7A  }
0x26: {  	[smem:$0x3F9B] =	sst s1;
	(tag) =	ssettag s2;
	_ =	strace s9  }
0x27: {  	s1 =	sld [smem:$0x3FAB]  }
0x28: {  	s2 =	sld [smem:$0x3FAC]  }
0x29: {  	s4 =	sld [smem:$0x3FAE]  }
0x2a: {  	p0 =	seq.s32 s5, $0x0;
	s5 =	sld [smem:$0x3FAF]  }
0x2b: {  	s6 =	sld [smem:$0x3FB0]  }
0x2c: {  	s7 =	sld [smem:$0x3FB1]  }
0x2d: {  	s3 =	simm.s32 $0x108;
	s8 =	sld [smem:$0x3FB2]  }
0x2e: {  	s3 =	simm.s32 @!p0 $0x1082;
	s9 =	sld [smem:$0x3FB3]  }
0x2f: {  	lr =	sadd.s32 s0, s3;
	s0 =	sld [smem:$0x3FAA]  }
0x30: {  	s3 =	sld [smem:$0x3FAD]  }
0x31: {  	[smem:$0x3FB6] =	sst s10  }
0x32: {  	s10 =	sld [smem:$0x3FB4];
	_ =	sdelay $0x3  }
0x33: {  	p0 =	seq.s32 s10, $0x1;
	s10 =	sld [smem:$0x3FB6];
	_ =	sdelay $0x3  }
0x34: {  	[smem:$0x3FB6] =	sst s10  }
0x35: {  	s10 =	sld [smem:$0x3FB5];
	_ =	sdelay $0x3  }
0x36: {  	p1 =	seq.s32 s10, $0x1;
	s10 =	sld [smem:$0x3FB6];
	_ =	sdelay $0x3  }
0x37: {  	[smem:$0x3FB6] =	sst s10  }
0x38: {  	s10 =	sld [smem:$0x3FB7]  }
0x39: {  	_ = 	snop;
	(pc) =	sbr.ind lr, $3  }
0x3a: {  	_ = 	snop  }
0x3b: {  	_ = 	snop  }
0x3c: {  	p2 =	seq.s32 s10, $0x1;
	s10 =	sld [smem:$0x3FB6]  }
0x3d: {  	_ =	shalt  }
0x3e: {  	_ =	shalt  }
0x3f: {  	_ =	shalt  }
0x40: {  	_ =	shalt  }
0x41: {  	_ =	shalt  }
0x42: {  	_ =	shalt  }
0x43: {  	_ =	shalt  }
0x44: {  	_ =	shalt  }
0x45: {  	_ =	shalt  }
0x46: {  	_ =	shalt  }
0x47: {  	_ =	shalt  }
0x48: {  	_ =	shalt  }
0x49: {  	_ =	shalt  }
0x4a: {  	_ =	shalt  }
0x4b: {  	_ =	shalt  }
0x4c: {  	_ =	shalt  }
0x4d: {  	_ =	shalt  }
0x4e: {  	_ =	shalt  }
0x4f: {  	_ =	shalt  }
0x50: {  	_ =	shalt  }
0x51: {  	_ =	shalt  }
0x52: {  	_ =	shalt  }
0x53: {  	_ =	shalt  }
0x54: {  	_ =	shalt  }
0x55: {  	_ =	shalt  }
0x56: {  	_ =	shalt  }
0x57: {  	_ =	shalt  }
0x58: {  	_ =	shalt  }
0x59: {  	_ =	shalt  }
0x5a: {  	_ =	shalt  }
0x5b: {  	_ =	shalt  }
0x5c: {  	_ =	shalt  }
0x5d: {  	_ =	shalt  }
0x5e: {  	_ =	shalt  }
0x5f: {  	_ =	shalt  }
0x60: {  	_ =	shalt  }
0x61: {  	_ =	shalt  }
0x62: {  	_ =	shalt  }
0x63: {  	_ =	shalt  }
0x64: {  	_ =	shalt  }
0x65: {  	_ =	shalt  }
0x66: {  	_ =	shalt  }
0x67: {  	_ =	shalt  }
0x68: {  	_ =	shalt  }
0x69: {  	_ =	shalt  }
0x6a: {  	_ =	shalt  }
0x6b: {  	_ =	shalt  }
0x6c: {  	_ =	shalt  }
0x6d: {  	_ =	shalt  }
0x6e: {  	_ =	shalt  }
0x6f: {  	_ =	shalt  }
0x70: {  	_ =	shalt  }
0x71: {  	_ =	shalt  }
0x72: {  	_ =	shalt  }
0x73: {  	_ =	shalt  }
0x74: {  	_ =	shalt  }
0x75: {  	_ =	shalt  }
0x76: {  	_ =	shalt  }
0x77: {  	_ =	shalt  }
0x78: {  	_ =	shalt  }
0x79: {  	_ =	shalt  }
0x7a: {  	_ =	shalt  }
0x7b: {  	_ =	shalt  }
0x7c: {  	_ =	shalt  }
0x7d: {  	_ =	shalt  }
0x7e: {  	_ =	shalt  }
0x7f: {  	_ =	shalt  }
0x80: {  	_ =	shalt  }
0x81: {  	_ =	shalt  }
0x82: {  	_ =	shalt  }
0x83: {  	_ =	shalt  }
0x84: {  	_ =	shalt  }
0x85: {  	_ =	shalt  }
0x86: {  	_ =	shalt  }
0x87: {  	_ =	shalt  }
.Lfunc_end0:
.L_simem_size_0:
called_computation.2_lowered:
.L_overlay_start_0:
0x88: {  	s2 =	sld [smem:$0x3FD9]  }
0x89: {  	s3 =	sld [smem:$0x3FFE];
	_ =	sdelay $0x1  }
0x8a: {  	s1 =	srdreg.scid  }
0x8b: {  	s0 =	sand.u32 $0x1, s1  }
0x8c: {  	s17 =	sshll.u32 s0, $0xA;
	s2 =	sadd.s32 s3, s2  }
0x8d: {  	s2 =	sadd.s32 s2, s17  }
0x8e: {  	[smem:$0x3FC2] =	sst s2  }
0x8f: {  	_ = 	snop  }
0x90: {  	s2 =	sld [smem:$0x3FD0];
	(tm) =	ssettm $0x1  }
0x91: {  	s18 =	sld [smem:$0x3FFB];
	_ =	sdelay $0x3  }
0x92: {  	_ =	strace s18  }
0x93: {  	s3 =	sld [smem:$0x3FFC];
	_ =	sdelay $0x3  }
0x94: {  	_ =	strace s3  }
0x95: {  	s3 =	sld [smem:$0x3FFD];
	_ =	sdelay $0x3  }
0x96: {  	_ =	strace s3  }
0x97: {  	_ =	strace $0x8FFFFFFF  }
0x98: {  	s19 =	sld [smem:$0x3FDB];
	_ =	sdelay $0x1  }
0x99: {  	s4 =	simm.s32 $_scs_section_size  }
0x9a: {  	s5 =	simm.s32 $_size__tile_overlayer_lowered;
	s6 =	simm.s32 $_tile_overlayer_lowered  }
0x9b: {  	s22 =	simm.s32 $0x1BFF;
	s21 =	sshll.u32 s6, $0x1;
	s3 =	sadd.s32 s4, s19  }
0x9c: {  	s7 =	simm.s32 $0x0;
	s20 =	sshll.u32 s5, $0x1;
	s5 =	sadd.s32 s21, s3  }
0x9d: {  	[timem:s7], [sflag:s22] =	dma.local [hbm:s5], s20  }
0x9e: {  	_ =	swait.ge [sflag:s22], s20  }
0x9f: {  	s4 =	ssub.s32 $0x0, s20;
	[sflag:s22] =	ssyncset.done $0x0  }
0xa0: {  	[sflag:s22] =	ssyncadd.s32 s4;
	_ =	sdelay $0x1  }
0xa1: {  	s23 =	simm.s32 $0x1B8B  }
0xa2: {  	_ =	swait.ge [sflag:s23], $0x1  }
0xa3: {  	[sflag:s23] =	ssyncset.done $0x0  }
0xa4: {  	s25 =	simm.s32 $0x1B8E;
	s24 =	sld [smem:$0x3FFE];
	[sflag:s23] =	ssyncadd.s32 $0xFFFFFFFF  }
0xa5: {  	s26 =	simm.s32 $execute0_lowered;
	[smem:$0x3FD2] =	sst s25  }
0xa6: {  	s5 =	sshll.u32 s26, $0x1;
	_ =	strace $0x8000004C;
	[dreg:$0x1] =	wrdreg $0xFFFFFFFF  }
0xa7: {  	s28 =	simm.s32 $_size_execute0_lowered;
	s3 =	sadd.s32 s3, s5;
	[dreg:$0x0] =	wrdreg $0x0  }
0xa8: {  	s5 =	sshll.u32 s28, $0x1;
	[dreg:$0x2] =	wrdreg s3  }
0xa9: {  	[dreg:$0x3] =	wrdreg s5  }
0xaa: {  	[dreg:$0x4] =	wrdreg $0xC0  }
0xab: {  	_ =	task [dreg:s7], $0x5FFFF  }
0xac: {  	[dreg:$0x1] =	wrdreg $0xFFFFFFFF  }
0xad: {  	[dreg:$0x0] =	wrdreg $0x60  }
0xae: {  	[dreg:$0x2] =	wrdreg s2  }
0xaf: {  	[dreg:$0x3] =	wrdreg s24  }
0xb0: {  	[dreg:$0x4] =	wrdreg $0x54000  }
0xb1: {  	[dreg:$0x5] =	wrdreg $0x9  }
0xb2: {  	_ =	task.clear_ibuf [dreg:s7], $0x6FFFF;
	_ =	strace $0x9000004C  }
0xb3: {  	s29 =	simm.s32 $0x9;
	_ =	strace $0x8000004E  }
0xb4: {  	_ =	swait.ge [sflag:s29], $0x1  }
0xb5: {  	[sflag:s29] =	ssyncadd.s32 $0xFFFFFFFF  }
0xb6: {  	_ =	strace $0x9000004E  }
0xb7: {  	_ =	sfence  }
0xb8: {  	s30 =	sld [smem:$0x0];
	_ =	sdelay $0x2  }
0xb9: {  	s31 =	sshll.u32 s1, $0xD;
	s1 =	sshrl.u32 s1, $0x2  }
0xba: {  	s3 =	sand.u32 $0x4000, s31;
	s1 =	sadd.s32 s1, s30  }
0xbb: {  	s0 =	sor.u32 s3, s0;
	s1 =	sshll.u32 s1, $0x11  }
0xbc: {  	s0 =	sor.u32 s1, s0  }
0xbd: {  	s0 =	sadd.s32 $0x8F2B, s0  }
0xbe: {  	[sflag:s0] =	ssyncadd.remote.s32 $0x1  }
0xbf: {  	_ =	sfence.sel $0xFFFF  }
0xc0: {  	[dreg:$0x0] =	wrdreg $0xFFFFFFFF;
	(pc) =	sbr.abs _section_cstart, $3  }
0xc1: {  	[dreg:$0x1] =	wrdreg $0xFFFFFFFF  }
0xc2: {  	_ =	task.clear_ibuf [dreg:s7], $0x2FFFF;
	_ =	strace $0x9FFFFFFF  }
0xc3: {  	(tm) =	ssettm $0x7FFFFFFF  }
tec
execute0_lowered:
.L_overlay_start_1:
0x0: {  	(tag) =	ssettag $0x1  }
0x1: {  	s1 =	rddreg [dreg:$0x0]  }
0x2: {  	s0 =	rddreg [dreg:$0x1]  }
0x3: {  	s2 =	rddreg [dreg:$0x2];
	s4 =	simm.s32 $0x0  }
0x4: {  	s3 =	srdreg.scid;
	s13 =	stileid.u32;
	s28 =	simm.s32 $0x5  }
0x5: {  	s29 =	simm.s32 $0x80;
	s30 =	simm.s32 $0x6;
	s31 =	simm.s32 $0x180  }
0x6: {  	[smem:$0x7FF] =	sst s4;
	s3 =	sand.u32 $0x1, s3;
	s6 =	smul.u32 $0x4E000, s13  }
0x7: {  	s7 =	sadd.s32 $0x2E00, s0;
	s8 =	sadd.s32 $0x42E00, s0;
	s0 =	sadd.s32 $0x43C00, s0  }
0x8: {  	s9 =	sshll.u32 s13, $0x10;
	s10 =	sshll.u32 s13, $0x6;
	s23 =	smul.u32 $0x13800, s13  }
0x9: {  	s24 =	sadd.s32 $0x138000, s2;
	p0 =	sne.s32 s13, $0xF;
	s13 =	simm.s32 $0x280  }
0xa: {  	_ =	strace $0x8000004D;
	s5 =	ssub.s32 $0x2, s3;
	[dreg:$0x8] =	wrdreg s8  }
0xb: {  	s22 =	sshll.u32 s3, $0x14;
	s3 =	smul.u32 $0x138800, s3;
	s15 =	sor.u32 $0x1C0D, s10  }
0xc: {  	[dreg:$0xb] =	wrdreg s24;
	s21 =	sshrl.u32 s5, $0x1;
	s6 =	sshrl.u32 s6, $0x2  }
0xd: {  	s8 =	sor.u32 s9, s22;
	[dreg:$0x9] =	wrdreg s15;
	s5 =	ssub.s32 s5, s21  }
0xe: {  	s6 =	sadd.s32 s6, s2;
	s9 =	sshrl.u32 s8, $0x3;
	s26 =	sadd.s32 s23, s3  }
0xf: {  	s17 =	sor.u32 $0x700, s8;
	s3 =	sshrl.u32 s3, $0x3;
	s19 =	sor.u32 $0x600, s8  }
0x10: {  	s21 =	sor.u32 $0x500, s8;
	s8 =	sor.u32 $0x400, s8;
	s11 =	sadd.s32 $0x6800, s6  }
0x11: {  	s12 =	sadd.s32 $0xD000, s6;
	s14 =	sadd.s32 s7, s9;
	s9 =	sshrl.u32 s26, $0x3  }
0x12: {  	s18 =	sshrl.u32 s17, $0x3;
	s20 =	sshrl.u32 s19, $0x3;
	s10 =	sshrl.u32 s21, $0x3  }
0x13: {  	s8 =	sshrl.u32 s8, $0x3;
	s24 =	smax.u32 s5, $0x1;
	s19 =	simm.s32 $0x100  }
0x14: {  	s21 =	simm.s32 $0x28;
	s17 =	simm.s32 $0xB;
	[dreg:$0xa] =	wrdreg s14  }
0x15: {  	s5 =	simm.s32 $0x0;
	s25 =	sadd.s32 $0x20, s14;
	[dreg:$0x11] =	wrdreg s24  }
0x16: {  	s16 =	sadd.s32 $0x40, s14;
	s14 =	sadd.s32 $0x60, s14;
	[dreg:$0x15] =	wrdreg s5  }
0x17: {  	s9 =	sadd.s32 s0, s9;
	s22 =	sadd.s32 s10, s7;
	[dreg:$0xc] =	wrdreg s25  }
0x18: {  	s0 =	sadd.s32 s0, s3;
	s23 =	sadd.s32 s8, s7;
	[dreg:$0xd] =	wrdreg s16  }
0x19: {  	s26 =	sshrl.u32 s12, $0x3;
	s24 =	simm.s32 $0x1800;
	[dreg:$0xe] =	wrdreg s14  }
0x1a: {  	s3 =	simm.s32 $0x2C00;
	s8 =	simm.s32 $0x4;
	[dreg:$0xf] =	wrdreg s9  }
0x1b: {  	s10 =	simm.s32 $0x9;
	s12 =	simm.s32 $0x7;
	[dreg:$0x6] =	wrdreg s22  }
0x1c: {  	s9 =	sadd.s32 s18, s7;
	s0 =	sadd.s32 $0x27000, s0;
	[dreg:$0x7] =	wrdreg s23  }
0x1d: {  	s16 =	sshrl.u32 s6, $0x3;
	s6 =	simm.s32 $0xD;
	s25 =	sshrl.u32 s11, $0x3  }
0x1e: {  	[dreg:$0x14] =	wrdreg s26;
	s22 =	simm.s32 $0x400;
	s23 =	simm.s32 $0x2  }
0x1f: {  	s26 =	simm.s32 $0x300;
	s11 =	simm.s32 $0xA;
	[dreg:$0x4] =	wrdreg s9  }
0x20: {  	s14 =	simm.s32 $0x8;
	s18 =	simm.s32 $0xC;
	[dreg:$0x10] =	wrdreg s0  }
0x21: {  	s9 =	sadd.s32 s20, s7;
	[dreg:$0x13] =	wrdreg s25;
	s20 =	simm.s32 $0x1  }
0x22: {  	s25 =	simm.s32 $0x200;
	s0 =	simm.s32 $0x3;
	[dreg:$0x12] =	wrdreg s16  }
0x23: {  	s7 =	simm.s32 $0x380;
	[dreg:$0x5] =	wrdreg s9;
	s9 =	simm.s32 $0x4000  }
.LBB2_1:
0x24: {  	s5 =	rddreg [dreg:$0x8]  }
0x25: {  	[spmem:s16], [sflag:s15] =	dma.local [hbm:s5], $0xD00  }
0x26: {  	_ =	swait.ge [sflag:s6], $0xD00  }
0x27: {  	[sflag:s6] =	ssyncset.done $0x0  }
0x28: {  	s16 =	rddreg [dreg:$0x13];
	[sflag:s6] =	ssyncadd.s32 $0xFFFFF300  }
0x29: {  	[spmem:s16], [sflag:s15] =	dma.local [hbm:s5], $0xD00  }
0x2a: {  	_ =	swait.ge [sflag:s6], $0xD00  }
0x2b: {  	[sflag:s6] =	ssyncset.done $0x0  }
0x2c: {  	s16 =	rddreg [dreg:$0x14];
	[sflag:s6] =	ssyncadd.s32 $0xFFFFF300  }
0x2d: {  	[spmem:s16], [sflag:s15] =	dma.local [hbm:s5], $0xD00  }
0x2e: {  	_ =	swait.ge [sflag:s6], $0xD00  }
0x2f: {  	[sflag:s6] =	ssyncset.done $0x0  }
0x30: {  	[sflag:s6] =	ssyncadd.s32 $0xFFFFF300;
	s6 =	rddreg [dreg:$0xb]  }
0x31: {  	s6 =	sshrl.u32 @!p0 s6, $0x3  }
0x32: {  	[dreg:$0x16] =	wrdreg s6  }
0x33: {  	[spmem:s6], [sflag:s15] =	dma.local @!p0 [hbm:s5], $0x100  }
0x34: {  	s5 =	simm.s32 @!p0 $0xD  }
0x35: {  	_ =	swait.ge @!p0 [sflag:s5], $0x100  }
0x36: {  	[sflag:s5] =	ssyncset.done @!p0 $0x0  }
0x37: {  	[sflag:s5] =	ssyncadd.s32 @!p0 $0xFFFFFF00  }
0x38: {  	[bflag:$0x0] =	sbarrier.arrive $0xFFFF  }
0x39: {  	s16 =	rddreg [dreg:$0xa]  }
0x3a: {  	[tilespmem:s4], [sflag:$0x1] =	stream.linear.gather [hbm4b:s16+s4], $0x100, $0x38;
	[tilespmem:$0x18CC0] =	vst v63  }
0x3b: {  	s6 =	rddreg [dreg:$0xc]  }
0x3c: {  	[tilespmem:s19], [sflag:$0x2] =	stream.linear.gather [hbm4b:s6+s4], $0x100, $0x38;
	[tilespmem:$0x18CC0] =	vst v63  }
0x3d: {  	_ =	swait.ge [sflag:s20], $0x100  }
0x3e: {  	[sflag:s20] =	ssyncset.done $0x0  }
0x3f: {  	[sflag:s20] =	ssyncadd.s32 $0xFFFFFF00  }
0x40: {  	[tilespmem:s22], [sflag:$0x5] =	stream.indirect.gather [hbm4b:s1+s21], $0x80, s4, s21, $0xb8;
	[tilespmem:$0x18CC0] =	vst v63  }
0x41: {  	_ =	swait.ge [sflag:s23], $0x100  }
0x42: {  	[sflag:s23] =	ssyncset.done $0x0  }
0x43: {  	[sflag:s23] =	ssyncadd.s32 $0xFFFFFF00  }
0x44: {  	[tilespmem:s24], [sflag:$0x6] =	stream.indirect.gather [hbm4b:s1+s21], $0x80, s19, s21, $0xb8;
	[tilespmem:$0x18CC0] =	vst v63  }
0x45: {  	s15 =	rddreg [dreg:$0xd]  }
0x46: {  	[tilespmem:s25], [sflag:$0x3] =	stream.linear.gather [hbm4b:s15+s4], $0x100, $0x38;
	[tilespmem:$0x18CC0] =	vst v63  }
0x47: {  	s16 =	rddreg [dreg:$0xe]  }
0x48: {  	[tilespmem:s26], [sflag:$0x4] =	stream.linear.gather [hbm4b:s16+s4], $0x100, $0x38;
	[tilespmem:$0x18CC0] =	vst v63  }
0x49: {  	_ =	swait.ge [sflag:s28], $0x1400  }
0x4a: {  	[sflag:s28] =	ssyncset.done $0x0  }
0x4b: {  	[sflag:s28] =	ssyncadd.s32 $0xFFFFEC00  }
0x4c: {  	[spmem:s2] =	stream.indirect.scatter.add.f32 [tilespmem:s22], [sflag:$0x9], $0x80, s29, s21, $0xb8;
	[tilespmem:$0x18CC0] =	vst v63  }
0x4d: {  	_ =	swait.ge [sflag:s30], $0x1400  }
0x4e: {  	[sflag:s30] =	ssyncset.done $0x0  }
0x4f: {  	[sflag:s30] =	ssyncadd.s32 $0xFFFFEC00  }
0x50: {  	[spmem:s2] =	stream.indirect.scatter.add.f32 [tilespmem:s24], [sflag:$0xA], $0x80, s31, s21, $0xb8;
	[tilespmem:$0x18CC0] =	vst v63  }
0x51: {  	_ =	swait.ge [sflag:s0], $0x100  }
0x52: {  	[sflag:s0] =	ssyncset.done $0x0  }
0x53: {  	[sflag:s0] =	ssyncadd.s32 $0xFFFFFF00  }
0x54: {  	[tilespmem:s3], [sflag:$0x7] =	stream.indirect.gather [hbm4b:s1+s21], $0x80, s25, s21, $0xb8;
	[tilespmem:$0x18CC0] =	vst v63  }
0x55: {  	_ =	swait.ge [sflag:s8], $0x100  }
0x56: {  	[sflag:s8] =	ssyncset.done $0x0  }
0x57: {  	[sflag:s8] =	ssyncadd.s32 $0xFFFFFF00  }
0x58: {  	[tilespmem:s9], [sflag:$0x8] =	stream.indirect.gather [hbm4b:s1+s21], $0x80, s26, s21, $0xb8;
	[tilespmem:$0x18CC0] =	vst v63  }
0x59: {  	_ =	swait.ge [sflag:s10], $0x1400  }
0x5a: {  	[sflag:s10] =	ssyncset.done $0x0  }
0x5b: {  	[sflag:s10] =	ssyncadd.s32 $0xFFFFEC00  }
0x5c: {  	_ =	swait.ge [sflag:s11], $0x1400  }
0x5d: {  	s6 =	rddreg [dreg:$0x7];
	[sflag:s11] =	ssyncset.done $0x0  }
0x5e: {  	s15 =	rddreg [dreg:$0x6];
	[sflag:s11] =	ssyncadd.s32 $0xFFFFEC00;
	s5 =	sadd.s32 $0x0, s6  }
0x5f: {  	[tilespmem:s4], [sflag:$0x1] =	stream.linear.gather [hbm4b:s5+s4], $0x100, $0x38;
	[tilespmem:$0x18CC0] =	vst v63  }
0x60: {  	s16 =	sadd.s32 $0x0, s15  }
0x61: {  	[tilespmem:s19], [sflag:$0x2] =	stream.linear.gather [hbm4b:s16+s4], $0x100, $0x38;
	[tilespmem:$0x18CC0] =	vst v63  }
0x62: {  	_ =	swait.ge [sflag:s12], $0x1400  }
0x63: {  	[sflag:s12] =	ssyncset.done $0x0  }
0x64: {  	[sflag:s12] =	ssyncadd.s32 $0xFFFFEC00  }
0x65: {  	[spmem:s2] =	stream.indirect.scatter.add.f32 [tilespmem:s3], [sflag:$0xB], $0x80, s13, s21, $0xb8;
	[tilespmem:$0x18CC0] =	vst v63  }
0x66: {  	_ =	swait.ge [sflag:s14], $0x1400  }
0x67: {  	[sflag:s14] =	ssyncset.done $0x0  }
0x68: {  	[sflag:s14] =	ssyncadd.s32 $0xFFFFEC00  }
0x69: {  	[spmem:s2] =	stream.indirect.scatter.add.f32 [tilespmem:s9], [sflag:$0xC], $0x80, s7, s21, $0xb8;
	[tilespmem:$0x18CC0] =	vst v63  }
0x6a: {  	_ =	swait.ge [sflag:s20], $0x100  }
0x6b: {  	[sflag:s20] =	ssyncset.done $0x0  }
0x6c: {  	[sflag:s20] =	ssyncadd.s32 $0xFFFFFF00  }
0x6d: {  	[tilespmem:s22], [sflag:$0x5] =	stream.indirect.gather [hbm4b:s1+s21], $0x80, s4, s21, $0xb8;
	[tilespmem:$0x18CC0] =	vst v63  }
0x6e: {  	_ =	swait.ge [sflag:s23], $0x100  }
0x6f: {  	[sflag:s23] =	ssyncset.done $0x0  }
0x70: {  	[sflag:s23] =	ssyncadd.s32 $0xFFFFFF00  }
0x71: {  	[tilespmem:s24], [sflag:$0x6] =	stream.indirect.gather [hbm4b:s1+s21], $0x80, s19, s21, $0xb8;
	[tilespmem:$0x18CC0] =	vst v63  }
0x72: {  	_ =	swait.ge [sflag:s17], $0x1400  }
0x73: {  	[sflag:s17] =	ssyncset.done $0x0  }
0x74: {  	[sflag:s17] =	ssyncadd.s32 $0xFFFFEC00  }
0x75: {  	_ =	swait.ge [sflag:s18], $0x1400  }
0x76: {  	s6 =	rddreg [dreg:$0x5];
	[sflag:s18] =	ssyncset.done $0x0  }
0x77: {  	s15 =	rddreg [dreg:$0x4];
	[sflag:s18] =	ssyncadd.s32 $0xFFFFEC00;
	s5 =	sadd.s32 $0x0, s6  }
0x78: {  	[tilespmem:s25], [sflag:$0x3] =	stream.linear.gather [hbm4b:s5+s4], $0x100, $0x38;
	[tilespmem:$0x18CC0] =	vst v63  }
0x79: {  	s16 =	sadd.s32 $0x0, s15  }
0x7a: {  	[tilespmem:s26], [sflag:$0x4] =	stream.linear.gather [hbm4b:s16+s4], $0x100, $0x38;
	[tilespmem:$0x18CC0] =	vst v63  }
0x7b: {  	_ =	swait.ge [sflag:s28], $0x1400  }
0x7c: {  	[sflag:s28] =	ssyncset.done $0x0  }
0x7d: {  	[sflag:s28] =	ssyncadd.s32 $0xFFFFEC00  }
0x7e: {  	[spmem:s2] =	stream.indirect.scatter.add.f32 [tilespmem:s22], [sflag:$0x9], $0x80, s29, s21, $0xb8;
	[tilespmem:$0x18CC0] =	vst v63  }
0x7f: {  	_ =	swait.ge [sflag:s30], $0x1400  }
0x80: {  	[sflag:s30] =	ssyncset.done $0x0  }
0x81: {  	s5 =	simm.s32 $0x80;
	[sflag:s30] =	ssyncadd.s32 $0xFFFFEC00  }
.LBB2_2:
0x82: {  	[spmem:s2] =	stream.indirect.scatter.add.f32 [tilespmem:s24], [sflag:$0xA], $0x80, s31, s21, $0xb8;
	[tilespmem:$0x18CC0] =	vst v63  }
0x83: {  	_ =	swait.ge [sflag:s0], $0x100  }
0x84: {  	[sflag:s0] =	ssyncset.done $0x0  }
0x85: {  	[sflag:s0] =	ssyncadd.s32 $0xFFFFFF00  }
0x86: {  	[tilespmem:s3], [sflag:$0x7] =	stream.indirect.gather [hbm4b:s1+s21], $0x80, s25, s21, $0xb8;
	[tilespmem:$0x18CC0] =	vst v63  }
0x87: {  	_ =	swait.ge [sflag:s8], $0x100  }
0x88: {  	[sflag:s8] =	ssyncset.done $0x0  }
0x89: {  	[sflag:s8] =	ssyncadd.s32 $0xFFFFFF00  }
0x8a: {  	[tilespmem:s9], [sflag:$0x8] =	stream.indirect.gather [hbm4b:s1+s21], $0x80, s26, s21, $0xb8;
	[tilespmem:$0x18CC0] =	vst v63  }
0x8b: {  	_ =	swait.ge [sflag:s10], $0x1400  }
0x8c: {  	[sflag:s10] =	ssyncset.done $0x0  }
0x8d: {  	[sflag:s10] =	ssyncadd.s32 $0xFFFFEC00  }
0x8e: {  	_ =	swait.ge [sflag:s11], $0x1400  }
0x8f: {  	s6 =	smov.u32 s5;
	s16 =	rddreg [dreg:$0x7];
	[sflag:s11] =	ssyncset.done $0x0  }
0x90: {  	s15 =	rddreg [dreg:$0x6];
	[sflag:s11] =	ssyncadd.s32 $0xFFFFEC00;
	s16 =	sadd.s32 s6, s16  }
0x91: {  	[tilespmem:s4], [sflag:$0x1] =	stream.linear.gather [hbm4b:s16+s4], $0x100, $0x38;
	[tilespmem:$0x18CC0] =	vst v63  }
0x92: {  	s15 =	sadd.s32 s6, s15  }
0x93: {  	[tilespmem:s19], [sflag:$0x2] =	stream.linear.gather [hbm4b:s15+s4], $0x100, $0x38;
	[tilespmem:$0x18CC0] =	vst v63  }
0x94: {  	_ =	swait.ge [sflag:s12], $0x1400  }
0x95: {  	[sflag:s12] =	ssyncset.done $0x0  }
0x96: {  	[sflag:s12] =	ssyncadd.s32 $0xFFFFEC00  }
0x97: {  	[spmem:s2] =	stream.indirect.scatter.add.f32 [tilespmem:s3], [sflag:$0xB], $0x80, s13, s21, $0xb8;
	[tilespmem:$0x18CC0] =	vst v63  }
0x98: {  	_ =	swait.ge [sflag:s14], $0x1400  }
0x99: {  	[sflag:s14] =	ssyncset.done $0x0  }
0x9a: {  	[sflag:s14] =	ssyncadd.s32 $0xFFFFEC00  }
0x9b: {  	[spmem:s2] =	stream.indirect.scatter.add.f32 [tilespmem:s9], [sflag:$0xC], $0x80, s7, s21, $0xb8;
	[tilespmem:$0x18CC0] =	vst v63  }
0x9c: {  	_ =	swait.ge [sflag:s20], $0x100  }
0x9d: {  	[sflag:s20] =	ssyncset.done $0x0  }
0x9e: {  	[sflag:s20] =	ssyncadd.s32 $0xFFFFFF00  }
0x9f: {  	[tilespmem:s22], [sflag:$0x5] =	stream.indirect.gather [hbm4b:s1+s21], $0x80, s4, s21, $0xb8;
	[tilespmem:$0x18CC0] =	vst v63  }
0xa0: {  	_ =	swait.ge [sflag:s23], $0x100  }
0xa1: {  	[sflag:s23] =	ssyncset.done $0x0  }
0xa2: {  	[sflag:s23] =	ssyncadd.s32 $0xFFFFFF00  }
0xa3: {  	[tilespmem:s24], [sflag:$0x6] =	stream.indirect.gather [hbm4b:s1+s21], $0x80, s19, s21, $0xb8;
	[tilespmem:$0x18CC0] =	vst v63  }
0xa4: {  	_ =	swait.ge [sflag:s17], $0x1400  }
0xa5: {  	[sflag:s17] =	ssyncset.done $0x0  }
0xa6: {  	[sflag:s17] =	ssyncadd.s32 $0xFFFFEC00  }
0xa7: {  	_ =	swait.ge [sflag:s18], $0x1400  }
0xa8: {  	s15 =	rddreg [dreg:$0x5];
	[sflag:s18] =	ssyncset.done $0x0  }
0xa9: {  	s16 =	rddreg [dreg:$0x4];
	[sflag:s18] =	ssyncadd.s32 $0xFFFFEC00;
	s15 =	sadd.s32 s6, s15  }
0xaa: {  	[tilespmem:s25], [sflag:$0x3] =	stream.linear.gather [hbm4b:s15+s4], $0x100, $0x38;
	[tilespmem:$0x18CC0] =	vst v63  }
0xab: {  	s6 =	sadd.s32 s6, s16  }
0xac: {  	[tilespmem:s26], [sflag:$0x4] =	stream.linear.gather [hbm4b:s6+s4], $0x100, $0x38;
	[tilespmem:$0x18CC0] =	vst v63  }
0xad: {  	_ =	swait.ge [sflag:s28], $0x1400  }
0xae: {  	p1 =	sne.s32 s5, $0x1F00;
	[sflag:s28] =	ssyncset.done $0x0  }
.Ltmp0:
0xaf: {  	[sflag:s28] =	ssyncadd.s32 $0xFFFFEC00;
	(pc) =	sbr.rel @p1 .LBB2_2-.Ltmp0, $4  }
0xb0: {  	[spmem:s2] =	stream.indirect.scatter.add.f32 [tilespmem:s22], [sflag:$0x9], $0x80, s29, s21, $0xb8;
	[tilespmem:$0x18CC0] =	vst v63  }
0xb1: {  	_ =	swait.ge [sflag:s30], $0x1400  }
0xb2: {  	[sflag:s30] =	ssyncset.done $0x0  }
0xb3: {  	s5 =	sadd.s32 $0x80, s5;
	[sflag:s30] =	ssyncadd.s32 $0xFFFFEC00  }
0xb4: {  	[spmem:s2] =	stream.indirect.scatter.add.f32 [tilespmem:s24], [sflag:$0xA], $0x80, s31, s21, $0xb8;
	[tilespmem:$0x18CC0] =	vst v63  }
0xb5: {  	_ =	swait.ge [sflag:s0], $0x100  }
0xb6: {  	[sflag:s0] =	ssyncset.done $0x0  }
0xb7: {  	[sflag:s0] =	ssyncadd.s32 $0xFFFFFF00  }
0xb8: {  	[tilespmem:s3], [sflag:$0x7] =	stream.indirect.gather [hbm4b:s1+s21], $0x80, s25, s21, $0xb8;
	[tilespmem:$0x18CC0] =	vst v63  }
0xb9: {  	_ =	swait.ge [sflag:s8], $0x100  }
0xba: {  	[sflag:s8] =	ssyncset.done $0x0  }
0xbb: {  	[sflag:s8] =	ssyncadd.s32 $0xFFFFFF00  }
0xbc: {  	[tilespmem:s9], [sflag:$0x8] =	stream.indirect.gather [hbm4b:s1+s21], $0x80, s26, s21, $0xb8;
	[tilespmem:$0x18CC0] =	vst v63  }
0xbd: {  	_ =	swait.ge [sflag:s10], $0x1400  }
0xbe: {  	[sflag:s10] =	ssyncset.done $0x0  }
0xbf: {  	[sflag:s10] =	ssyncadd.s32 $0xFFFFEC00  }
0xc0: {  	_ =	swait.ge [sflag:s11], $0x1400  }
0xc1: {  	[sflag:s11] =	ssyncset.done $0x0  }
0xc2: {  	[sflag:s11] =	ssyncadd.s32 $0xFFFFEC00  }
0xc3: {  	_ =	swait.ge [sflag:s12], $0x1400  }
0xc4: {  	[sflag:s12] =	ssyncset.done $0x0  }
0xc5: {  	[sflag:s12] =	ssyncadd.s32 $0xFFFFEC00  }
0xc6: {  	[spmem:s2] =	stream.indirect.scatter.add.f32 [tilespmem:s3], [sflag:$0xB], $0x80, s13, s21, $0xb8;
	[tilespmem:$0x18CC0] =	vst v63  }
0xc7: {  	_ =	swait.ge [sflag:s14], $0x1400  }
0xc8: {  	[sflag:s14] =	ssyncset.done $0x0  }
0xc9: {  	[sflag:s14] =	ssyncadd.s32 $0xFFFFEC00  }
0xca: {  	[spmem:s2] =	stream.indirect.scatter.add.f32 [tilespmem:s9], [sflag:$0xC], $0x80, s7, s21, $0xb8;
	[tilespmem:$0x18CC0] =	vst v63  }
0xcb: {  	_ =	swait.ge [sflag:s17], $0x1400  }
0xcc: {  	[sflag:s17] =	ssyncset.done $0x0  }
0xcd: {  	[sflag:s17] =	ssyncadd.s32 $0xFFFFEC00  }
0xce: {  	_ =	swait.ge [sflag:s18], $0x1400  }
0xcf: {  	[sflag:s18] =	ssyncset.done $0x0  }
0xd0: {  	[sflag:s18] =	ssyncadd.s32 $0xFFFFEC00  }
0xd1: {  	[bflag:$0x0] =	sbarrier.arrive $0xFFFF  }
0xd2: {  	s15 =	rddreg [dreg:$0x9]  }
0xd3: {  	s5 =	rddreg [dreg:$0xf]  }
0xd4: {  	s6 =	simm.s32 $0xD;
	s16 =	rddreg [dreg:$0x12]  }
0xd5: {  	[hbm:s5], [sflag:s15] =	dma.local [spmem:s16], $0x2700  }
0xd6: {  	_ =	swait.ge [sflag:s6], $0x2700  }
0xd7: {  	[sflag:s6] =	ssyncset.done $0x0;
	s5 =	rddreg [dreg:$0x10]  }
0xd8: {  	[sflag:s6] =	ssyncadd.s32 $0xFFFFD900;
	s6 =	rddreg [dreg:$0x16]  }
0xd9: {  	[hbm:s5], [sflag:s15] =	dma.local @!p0 [spmem:s6], $0x100  }
0xda: {  	s6 =	simm.s32 @!p0 $0xD  }
0xdb: {  	_ =	swait.ge @!p0 [sflag:s6], $0x100  }
0xdc: {  	s5 =	rddreg [dreg:$0x15]  }
0xdd: {  	[sflag:s6] =	ssyncset.done @!p0 $0x0;
	s6 =	rddreg [dreg:$0x11];
	s5 =	sadd.s32 $0x1, s5  }
0xde: {  	p1 =	sne.s32 s5, s6  }
.Ltmp1:
0xdf: {  	_ = 	snop;
	(pc) =	sbr.rel @p1 .LBB2_1-.Ltmp1, $3  }
0xe0: {  	_ =	sdelay $0x1  }
0xe1: {  	[dreg:$0x15] =	wrdreg s5;
	s5 =	simm.s32 @!p0 $0xD  }
0xe2: {  	s6 =	simm.s32 $0xD;
	[sflag:s5] =	ssyncadd.s32 @!p0 $0xFFFFFF00  }
0xe3: {  	_ =	sfence.sel $0x180000  }
0xe4: {  	[bflag:$0x0] =	sbarrier.arrive $0xFFFF  }
0xe5: {  	_ =	strace $0x9000004D  }
0xe6: {  	s0 =	stileid.u32;
	[bflag:$0x2] =	sbarrier.arrive $0xFFFF  }
0xe7: {  	p0 =	sne.s32 s0, $0x0;
	s0 =	rddreg [dreg:$0x3]  }
0xe8: {  	s0 =	sadd.s32 @!p0 $0x100000, s0  }
0xe9: {  	[sflag:s0] =	ssyncadd.tile.s32 @!p0 $0x1;
	_ =	shalt  }
.Lfunc_end2:
_tile_overlayer_lowered:
.L_overlay_start_2:
0xea: {  	(tag) =	ssettag $0x2  }
0xeb: {  	s0 =	rddreg [dreg:$0x0];
	s2 =	stileid.u32  }
0xec: {  	s1 =	rddreg [dreg:$0x1];
	p0 =	sne.s32 s2, $0x0  }
0xed: {  	s3 =	rddreg [dreg:$0x2];
	[bflag:$0x3] =	sbarrier.arrive $0xFFFF;
	s2 =	simm.s32 @!p0 $0x1C0D  }
0xee: {  	[timem:s3], [sflag:s2] =	dma.local @!p0 [hbm:s0], s1  }
0xef: {  	s0 =	simm.s32 @!p0 $0xD  }
0xf0: {  	_ =	swait.ge @!p0 [sflag:s0], s1  }
0xf1: {  	s1 =	ssub.s32 @!p0 $0x0, s1;
	[sflag:s0] =	ssyncset.done @!p0 $0x0  }
0xf2: {  	[sflag:s0] =	ssyncadd.s32 @!p0 s1  }
0xf3: {  	[bflag:$0x3] =	sbarrier.arrive $0xFFFF  }
0xf4: {  	_ =	shalt  }

// kernel: kernel.8.cloned.1.call-start
scs
__scs_entry_jumppad:
0x0: {  	(pc) =	sbr.rel $0x88, $3  }
0x1: {  	(tag) =	ssettag $0x0;
	lr =	simm.s32 $0x1  }
0x2: {  	[smem:$0x3F9B] =	sst lr;
	_ =	strace $0xD0000000  }
0x3: {  	_ = 	snop  }
0x4: {  	_ = 	snop  }
0x5: {  	_ = 	snop  }
0x6: {  	_ = 	snop  }
0x7: {  	_ = 	snop  }
__scs_overlays_trampoline_lowered:
0x8: {  	[smem:$0x3FAA] =	sst s0  }
0x9: {  	[smem:$0x3FAB] =	sst s1  }
0xa: {  	[smem:$0x3FAC] =	sst s2  }
0xb: {  	[smem:$0x3FAD] =	sst s3  }
0xc: {  	[smem:$0x3FAE] =	sst s4  }
0xd: {  	[smem:$0x3FAF] =	sst s5  }
0xe: {  	[smem:$0x3FB0] =	sst s6  }
0xf: {  	[smem:$0x3FB1] =	sst s7  }
0x10: {  	[smem:$0x3FB2] =	sst s8  }
0x11: {  	[smem:$0x3FB3] =	sst s9;
	s0 =	simm.s32 @!p0 $0x0  }
0x12: {  	s1 =	sld [smem:$0x3F99];
	s0 =	simm.s32 @p0 $0x1  }
0x13: {  	[smem:$0x3FB4] =	sst s0;
	s0 =	simm.s32 @!p1 $0x0  }
0x14: {  	s2 =	sld [smem:$0x3F98];
	s0 =	simm.s32 @p1 $0x1  }
0x15: {  	[smem:$0x3FB5] =	sst s0;
	s0 =	simm.s32 @!p2 $0x0  }
0x16: {  	s3 =	sld [smem:$0x3FDB];
	s0 =	simm.s32 @p2 $0x1  }
0x17: {  	s4 =	simm.s32 $0x1BF5;
	[smem:$0x3FB7] =	sst s0  }
0x18: {  	s0 =	sld [smem:$0x3F9A];
	_ =	swait.ge [sflag:s4], $0x0  }
0x19: {  	s7 =	sld [smem:$0x3F9B]  }
0x1a: {  	s8 =	sadd.s32 $0xFFFFE003, lr  }
0x1b: {  	s9 =	sadd.s32 $0xFFFFFEF7, lr;
	s5 =	simm.s32 $0xFFFFFFFF;
	p2 =	slt.u32 s8, $0xFFFFF086  }
0x1c: {  	p1 =	slt.u32 s9, $0xF7A;
	s5 =	simm.s32 @!p2 $0x0  }
0x1d: {  	s5 =	simm.s32 @p1 $0x1;
	p0 =	seq.s32 s7, s2  }
0x1e: {  	s7 =	smul.u32 @!p0 $0xF7A, s2;
	p2 =	seq.s32 @!p0 s5, $0x0  }
0x1f: {  	s9 =	smul.u32 $0xF7A, s1;
	s8 =	simm.s32 @!p0 $0x1BF5;
	p2 =	por !p2, p0  }
0x20: {  	[sflag:s8] =	ssyncset.s32 @!p0 $0xFFFFF086;
	s6 =	sadd.s32 @!p0 s3, s7;
	s7 =	simm.s32 @!p0 $0x108  }
0x21: {  	s3 =	sadd.s32 s3, s9;
	s6 =	sadd.s32 @!p0 $0x88, s6;
	s7 =	simm.s32 @p2 $0x1082  }
0x22: {  	[simem:s7], [sflag:s8] =	dma.local @!p0 [hbm:s6], $0xF7A  }
0x23: {  	s9 =	sor.u32 $0xD0000000, s2;
	s6 =	simm.s32 $0x108;
	_ =	swait.ge @!p0 [sflag:s8], $0x0  }
0x24: {  	s3 =	sadd.s32 $0x88, s3;
	s6 =	simm.s32 @!p1 $0x1082;
	[sflag:s4] =	ssyncset.s32 $0xFFFFF086  }
0x25: {  	[simem:s6], [sflag:s4] =	dma.local [hbm:s3], $0xF7A  }
0x26: {  	[smem:$0x3F9B] =	sst s1;
	(tag) =	ssettag s2;
	_ =	strace s9  }
0x27: {  	s1 =	sld [smem:$0x3FAB]  }
0x28: {  	s2 =	sld [smem:$0x3FAC]  }
0x29: {  	s4 =	sld [smem:$0x3FAE]  }
0x2a: {  	p0 =	seq.s32 s5, $0x0;
	s5 =	sld [smem:$0x3FAF]  }
0x2b: {  	s6 =	sld [smem:$0x3FB0]  }
0x2c: {  	s7 =	sld [smem:$0x3FB1]  }
0x2d: {  	s3 =	simm.s32 $0x108;
	s8 =	sld [smem:$0x3FB2]  }
0x2e: {  	s3 =	simm.s32 @!p0 $0x1082;
	s9 =	sld [smem:$0x3FB3]  }
0x2f: {  	lr =	sadd.s32 s0, s3;
	s0 =	sld [smem:$0x3FAA]  }
0x30: {  	s3 =	sld [smem:$0x3FAD]  }
0x31: {  	[smem:$0x3FB6] =	sst s10  }
0x32: {  	s10 =	sld [smem:$0x3FB4];
	_ =	sdelay $0x3  }
0x33: {  	p0 =	seq.s32 s10, $0x1;
	s10 =	sld [smem:$0x3FB6];
	_ =	sdelay $0x3  }
0x34: {  	[smem:$0x3FB6] =	sst s10  }
0x35: {  	s10 =	sld [smem:$0x3FB5];
	_ =	sdelay $0x3  }
0x36: {  	p1 =	seq.s32 s10, $0x1;
	s10 =	sld [smem:$0x3FB6];
	_ =	sdelay $0x3  }
0x37: {  	[smem:$0x3FB6] =	sst s10  }
0x38: {  	s10 =	sld [smem:$0x3FB7]  }
0x39: {  	_ = 	snop;
	(pc) =	sbr.ind lr, $3  }
0x3a: {  	_ = 	snop  }
0x3b: {  	_ = 	snop  }
0x3c: {  	p2 =	seq.s32 s10, $0x1;
	s10 =	sld [smem:$0x3FB6]  }
0x3d: {  	_ =	shalt  }
0x3e: {  	_ =	shalt  }
0x3f: {  	_ =	shalt  }
0x40: {  	_ =	shalt  }
0x41: {  	_ =	shalt  }
0x42: {  	_ =	shalt  }
0x43: {  	_ =	shalt  }
0x44: {  	_ =	shalt  }
0x45: {  	_ =	shalt  }
0x46: {  	_ =	shalt  }
0x47: {  	_ =	shalt  }
0x48: {  	_ =	shalt  }
0x49: {  	_ =	shalt  }
0x4a: {  	_ =	shalt  }
0x4b: {  	_ =	shalt  }
0x4c: {  	_ =	shalt  }
0x4d: {  	_ =	shalt  }
0x4e: {  	_ =	shalt  }
0x4f: {  	_ =	shalt  }
0x50: {  	_ =	shalt  }
0x51: {  	_ =	shalt  }
0x52: {  	_ =	shalt  }
0x53: {  	_ =	shalt  }
0x54: {  	_ =	shalt  }
0x55: {  	_ =	shalt  }
0x56: {  	_ =	shalt  }
0x57: {  	_ =	shalt  }
0x58: {  	_ =	shalt  }
0x59: {  	_ =	shalt  }
0x5a: {  	_ =	shalt  }
0x5b: {  	_ =	shalt  }
0x5c: {  	_ =	shalt  }
0x5d: {  	_ =	shalt  }
0x5e: {  	_ =	shalt  }
0x5f: {  	_ =	shalt  }
0x60: {  	_ =	shalt  }
0x61: {  	_ =	shalt  }
0x62: {  	_ =	shalt  }
0x63: {  	_ =	shalt  }
0x64: {  	_ =	shalt  }
0x65: {  	_ =	shalt  }
0x66: {  	_ =	shalt  }
0x67: {  	_ =	shalt  }
0x68: {  	_ =	shalt  }
0x69: {  	_ =	shalt  }
0x6a: {  	_ =	shalt  }
0x6b: {  	_ =	shalt  }
0x6c: {  	_ =	shalt  }
0x6d: {  	_ =	shalt  }
0x6e: {  	_ =	shalt  }
0x6f: {  	_ =	shalt  }
0x70: {  	_ =	shalt  }
0x71: {  	_ =	shalt  }
0x72: {  	_ =	shalt  }
0x73: {  	_ =	shalt  }
0x74: {  	_ =	shalt  }
0x75: {  	_ =	shalt  }
0x76: {  	_ =	shalt  }
0x77: {  	_ =	shalt  }
0x78: {  	_ =	shalt  }
0x79: {  	_ =	shalt  }
0x7a: {  	_ =	shalt  }
0x7b: {  	_ =	shalt  }
0x7c: {  	_ =	shalt  }
0x7d: {  	_ =	shalt  }
0x7e: {  	_ =	shalt  }
0x7f: {  	_ =	shalt  }
0x80: {  	_ =	shalt  }
0x81: {  	_ =	shalt  }
0x82: {  	_ =	shalt  }
0x83: {  	_ =	shalt  }
0x84: {  	_ =	shalt  }
0x85: {  	_ =	shalt  }
0x86: {  	_ =	shalt  }
0x87: {  	_ =	shalt  }
.Lfunc_end0:
.L_simem_size_0:
called_computation_lowered:
.L_overlay_start_0:
0x88: {  	s2 =	sld [smem:$0x3FD9]  }
0x89: {  	s3 =	sld [smem:$0x3FFE];
	_ =	sdelay $0x1  }
0x8a: {  	s1 =	srdreg.scid  }
0x8b: {  	s0 =	sand.u32 $0x1, s1  }
0x8c: {  	s17 =	sshll.u32 s0, $0xA;
	s2 =	sadd.s32 s3, s2  }
0x8d: {  	s2 =	sadd.s32 s2, s17  }
0x8e: {  	[smem:$0x3FC2] =	sst s2  }
0x8f: {  	_ = 	snop  }
0x90: {  	s2 =	sld [smem:$0x3FD0];
	(tm) =	ssettm $0x1  }
0x91: {  	s18 =	sld [smem:$0x3FFB];
	_ =	sdelay $0x3  }
0x92: {  	_ =	strace s18  }
0x93: {  	s3 =	sld [smem:$0x3FFC];
	_ =	sdelay $0x3  }
0x94: {  	_ =	strace s3  }
0x95: {  	s3 =	sld [smem:$0x3FFD];
	_ =	sdelay $0x3  }
0x96: {  	_ =	strace s3  }
0x97: {  	_ =	strace $0x8FFFFFFF  }
0x98: {  	s19 =	sld [smem:$0x3FDB];
	_ =	sdelay $0x1  }
0x99: {  	s4 =	simm.s32 $_scs_section_size  }
0x9a: {  	s5 =	simm.s32 $_size__tile_overlayer_lowered;
	s6 =	simm.s32 $_tile_overlayer_lowered  }
0x9b: {  	s22 =	simm.s32 $0x1BFF;
	s21 =	sshll.u32 s6, $0x1;
	s3 =	sadd.s32 s4, s19  }
0x9c: {  	s7 =	simm.s32 $0x0;
	s20 =	sshll.u32 s5, $0x1;
	s5 =	sadd.s32 s21, s3  }
0x9d: {  	[timem:s7], [sflag:s22] =	dma.local [hbm:s5], s20  }
0x9e: {  	_ =	swait.ge [sflag:s22], s20  }
0x9f: {  	s4 =	ssub.s32 $0x0, s20;
	[sflag:s22] =	ssyncset.done $0x0  }
0xa0: {  	[sflag:s22] =	ssyncadd.s32 s4;
	_ =	sdelay $0x1  }
0xa1: {  	s23 =	simm.s32 $0x1B8B  }
0xa2: {  	_ =	swait.ge [sflag:s23], $0x1  }
0xa3: {  	[sflag:s23] =	ssyncset.done $0x0  }
0xa4: {  	s25 =	simm.s32 $0x1B8E;
	s24 =	sld [smem:$0x3FFE];
	[sflag:s23] =	ssyncadd.s32 $0xFFFFFFFF  }
0xa5: {  	s26 =	simm.s32 $execute0_lowered;
	[smem:$0x3FD2] =	sst s25  }
0xa6: {  	s5 =	sshll.u32 s26, $0x1;
	_ =	strace $0x80000046;
	[dreg:$0x1] =	wrdreg $0xFFFFFFFF  }
0xa7: {  	s28 =	simm.s32 $_size_execute0_lowered;
	s3 =	sadd.s32 s3, s5;
	[dreg:$0x0] =	wrdreg $0x0  }
0xa8: {  	s5 =	sshll.u32 s28, $0x1;
	[dreg:$0x2] =	wrdreg s3  }
0xa9: {  	[dreg:$0x3] =	wrdreg s5  }
0xaa: {  	[dreg:$0x4] =	wrdreg $0xC0  }
0xab: {  	_ =	task [dreg:s7], $0x5FFFF  }
0xac: {  	[dreg:$0x1] =	wrdreg $0xFFFFFFFF  }
0xad: {  	[dreg:$0x0] =	wrdreg $0x60  }
0xae: {  	[dreg:$0x2] =	wrdreg s2  }
0xaf: {  	[dreg:$0x3] =	wrdreg s24  }
0xb0: {  	[dreg:$0x4] =	wrdreg $0x83000  }
0xb1: {  	[dreg:$0x5] =	wrdreg $0x9  }
0xb2: {  	_ =	task.clear_ibuf [dreg:s7], $0x6FFFF;
	_ =	strace $0x90000046  }
0xb3: {  	s29 =	simm.s32 $0x9;
	_ =	strace $0x80000048  }
0xb4: {  	_ =	swait.ge [sflag:s29], $0x1  }
0xb5: {  	[sflag:s29] =	ssyncadd.s32 $0xFFFFFFFF  }
0xb6: {  	_ =	strace $0x90000048  }
0xb7: {  	_ =	sfence  }
0xb8: {  	s30 =	sld [smem:$0x0];
	_ =	sdelay $0x2  }
0xb9: {  	s31 =	sshll.u32 s1, $0xD;
	s1 =	sshrl.u32 s1, $0x2  }
0xba: {  	s3 =	sand.u32 $0x4000, s31;
	s1 =	sadd.s32 s1, s30  }
0xbb: {  	s0 =	sor.u32 s3, s0;
	s1 =	sshll.u32 s1, $0x11  }
0xbc: {  	s0 =	sor.u32 s1, s0  }
0xbd: {  	s0 =	sadd.s32 $0x8F2B, s0  }
0xbe: {  	[sflag:s0] =	ssyncadd.remote.s32 $0x1  }
0xbf: {  	_ =	sfence.sel $0xFFFF  }
0xc0: {  	[dreg:$0x0] =	wrdreg $0xFFFFFFFF;
	(pc) =	sbr.abs _section_cstart, $3  }
0xc1: {  	[dreg:$0x1] =	wrdreg $0xFFFFFFFF  }
0xc2: {  	_ =	task.clear_ibuf [dreg:s7], $0x2FFFF;
	_ =	strace $0x9FFFFFFF  }
0xc3: {  	(tm) =	ssettm $0x7FFFFFFF  }
tec
execute0_lowered:
.L_overlay_start_1:
0x0: {  	(tag) =	ssettag $0x1  }
0x1: {  	s4 =	rddreg [dreg:$0x0]  }
0x2: {  	s5 =	rddreg [dreg:$0x1]  }
0x3: {  	s2 =	rddreg [dreg:$0x2]  }
0x4: {  	s0 =	rddreg [dreg:$0x3];
	s6 =	srdreg.scid  }
0x5: {  	s1 =	stileid.u32;
	s3 =	simm.s32 $0x0;
	s11 =	simm.s32 $0x280  }
0x6: {  	s12 =	simm.s32 $0x1;
	s13 =	simm.s32 $0x2;
	s14 =	simm.s32 $0x3  }
0x7: {  	s15 =	simm.s32 $0x4;
	s18 =	simm.s32 $0x20;
	s19 =	simm.s32 $0x10  }
0x8: {  	s20 =	simm.s32 $0x0;
	s6 =	sand.u32 $0x1, s6;
	s7 =	smul.u32 $0x500, s1  }
0x9: {  	[smem:$0x7FF] =	sst s3;
	s10 =	smul.u32 $0xA00, s1;
	s30 =	sshll.u32 s1, $0xC  }
0xa: {  	s16 =	sshll.u32 s1, $0x6;
	s8 =	sshll.u32 s6, $0x7;
	_ =	strace $0x80000047  }
0xb: {  	s29 =	ssub.s32 $0x2, s6;
	s6 =	sshll.u32 s6, $0x10;
	s4 =	sadd.s32 s4, s30  }
0xc: {  	s16 =	sor.u32 $0x1C05, s16;
	s7 =	sor.u32 s8, s7;
	s9 =	sshrl.u32 s29, $0x1  }
0xd: {  	s31 =	sshrl.u32 s10, $0x2;
	s4 =	sadd.s32 s6, s4;
	s7 =	sshrl.u32 s7, $0x3  }
0xe: {  	s10 =	simm.s32 $0x28;
	s8 =	ssub.s32 s29, s9;
	s7 =	sadd.s32 s7, s5  }
0xf: {  	s9 =	simm.s32 $0x5;
	s5 =	sadd.s32 s31, s2;
	s6 =	sadd.s32 $0x2400, s7  }
0x10: {  	v0 =	vimm.f32 $0.0e+00;
	v1 =	vimm.f32 $1.000000000e+00;
	s7 =	smax.u32 s8, $0x1;
	s8 =	simm.s32 $0x300;
	s17 =	sshrl.u32 s5, $0x3  }
.LBB2_1:
0x11: {  	[tilespmem:s8], [sflag:$0x5] =	stream.linear.gather [hbm4b:s4+s3], $0x8000, $0x38;
	[tilespmem:$0x8580] =	vst v63  }
0x12: {  	_ =	swait.ge [sflag:s9], $0x8000  }
0x13: {  	[sflag:s9] =	ssyncset.done $0x0  }
0x14: {  	[sflag:s9] =	ssyncadd.s32 $0xFFFF8000  }
0x15: {  	[tilespmem:$0x0] =	vst v0  }
0x16: {  	[tilespmem:$0x10] =	vst v0  }
0x17: {  	[tilespmem:$0x20] =	vst v0  }
0x18: {  	[tilespmem:$0x30] =	vst v0  }
0x19: {  	[tilespmem:$0x40] =	vst v0  }
0x1a: {  	[tilespmem:$0x50] =	vst v0  }
0x1b: {  	[tilespmem:$0x60] =	vst v0  }
0x1c: {  	[tilespmem:$0x70] =	vst v0  }
0x1d: {  	[tilespmem:$0x80] =	vst v0  }
0x1e: {  	[tilespmem:$0x90] =	vst v0  }
0x1f: {  	[tilespmem:$0xA0] =	vst v0  }
0x20: {  	[tilespmem:$0xB0] =	vst v0  }
0x21: {  	[tilespmem:$0xC0] =	vst v0  }
0x22: {  	[tilespmem:$0xD0] =	vst v0  }
0x23: {  	[tilespmem:$0xE0] =	vst v0  }
0x24: {  	[tilespmem:$0xF0] =	vst v0  }
0x25: {  	[tilespmem:$0x100] =	vst v0  }
0x26: {  	[tilespmem:$0x110] =	vst v0  }
0x27: {  	[tilespmem:$0x120] =	vst v0  }
0x28: {  	[tilespmem:$0x130] =	vst v0  }
0x29: {  	[tilespmem:$0x140] =	vst v0  }
0x2a: {  	[tilespmem:$0x150] =	vst v0  }
0x2b: {  	[tilespmem:$0x160] =	vst v0  }
0x2c: {  	[tilespmem:$0x170] =	vst v0  }
0x2d: {  	[tilespmem:$0x180] =	vst v0  }
0x2e: {  	[tilespmem:$0x190] =	vst v0  }
0x2f: {  	[tilespmem:$0x1A0] =	vst v0  }
0x30: {  	[tilespmem:$0x1B0] =	vst v0  }
0x31: {  	[tilespmem:$0x1C0] =	vst v0  }
0x32: {  	[tilespmem:$0x1D0] =	vst v0  }
0x33: {  	[tilespmem:$0x1E0] =	vst v0  }
0x34: {  	[tilespmem:$0x1F0] =	vst v0  }
0x35: {  	[tilespmem:$0x200] =	vst v0  }
0x36: {  	[tilespmem:$0x210] =	vst v0  }
0x37: {  	[tilespmem:$0x220] =	vst v0  }
0x38: {  	[tilespmem:$0x230] =	vst v0  }
0x39: {  	[tilespmem:$0x240] =	vst v0  }
0x3a: {  	[tilespmem:$0x250] =	vst v0  }
0x3b: {  	[tilespmem:$0x260] =	vst v0  }
0x3c: {  	[tilespmem:$0x270] =	vst v0  }
0x3d: {  	[tilespmem:$0x280] =	vst v1  }
0x3e: {  	[tilespmem:$0x290] =	vst v1  }
0x3f: {  	[tilespmem:$0x298] =	vst v1  }
0x40: {  	[spmem:s5] =	stream.linear.scatter [tilespmem:s3], [sflag:$0x5], $0x280, $0x38;
	[tilespmem:$0x8580] =	vst v63  }
0x41: {  	_ =	swait.ge [sflag:s9], $0x280  }
0x42: {  	[sflag:s9] =	ssyncset.done $0x0  }
0x43: {  	[sflag:s9] =	ssyncadd.s32 $0xFFFFFD80  }
0x44: {  	s21 =	simm.s32 $0x300;
	[bflag:$0x0] =	sbarrier.arrive $0xFFFF  }
0x45: {  	[spmem:s2] =	stream.indirect.scatter.add.f32 [tilespmem:s11], [sflag:$0x1], $0x1, s21, s10, $0xb8;
	[tilespmem:$0x8580] =	vst v63  }
0x46: {  	s29 =	simm.s32 $0x380  }
0x47: {  	[spmem:s2] =	stream.indirect.scatter.add.f32 [tilespmem:s11], [sflag:$0x2], $0x1, s29, s10, $0xb8;
	[tilespmem:$0x8580] =	vst v63  }
0x48: {  	s30 =	simm.s32 $0x400  }
0x49: {  	[spmem:s2] =	stream.indirect.scatter.add.f32 [tilespmem:s11], [sflag:$0x3], $0x1, s30, s10, $0xb8;
	[tilespmem:$0x8580] =	vst v63  }
0x4a: {  	s31 =	simm.s32 $0x480  }
0x4b: {  	[spmem:s2] =	stream.indirect.scatter.add.f32 [tilespmem:s11], [sflag:$0x4], $0x1, s31, s10, $0xb8;
	[tilespmem:$0x8580] =	vst v63  }
0x4c: {  	_ =	swait.ge [sflag:s12], $0x28  }
0x4d: {  	[sflag:s12] =	ssyncset.done $0x0  }
0x4e: {  	[sflag:s12] =	ssyncadd.s32 $0xFFFFFFD8  }
0x4f: {  	_ =	swait.ge [sflag:s13], $0x28  }
0x50: {  	[sflag:s13] =	ssyncset.done $0x0  }
0x51: {  	[sflag:s13] =	ssyncadd.s32 $0xFFFFFFD8  }
0x52: {  	_ =	swait.ge [sflag:s14], $0x28  }
0x53: {  	[sflag:s14] =	ssyncset.done $0x0  }
0x54: {  	[sflag:s14] =	ssyncadd.s32 $0xFFFFFFD8  }
0x55: {  	_ =	swait.ge [sflag:s15], $0x28  }
0x56: {  	s22 =	simm.s32 $0x1000;
	s21 =	simm.s32 $0x200;
	[sflag:s15] =	ssyncset.done $0x0  }
.LBB2_2:
0x57: {  	s23 =	sadd.s32 $0x300, s21  }
0x58: {  	[sflag:s15] =	ssyncadd.s32 $0xFFFFFFD8;
	s24 =	smov.u32 s22;
	s25 =	sadd.s32 $0x800, s22  }
0x59: {  	[spmem:s2] =	stream.indirect.scatter.add.f32 [tilespmem:s11], [sflag:$0x1], $0x1, s23, s10, $0xb8;
	[tilespmem:$0x8580] =	vst v63  }
0x5a: {  	p0 =	sne.s32 s22, $0x1F800;
	s22 =	sadd.s32 $0x380, s21  }
0x5b: {  	[spmem:s2] =	stream.indirect.scatter.add.f32 [tilespmem:s11], [sflag:$0x2], $0x1, s22, s10, $0xb8;
	[tilespmem:$0x8580] =	vst v63  }
0x5c: {  	s22 =	sadd.s32 $0x400, s21  }
0x5d: {  	[spmem:s2] =	stream.indirect.scatter.add.f32 [tilespmem:s11], [sflag:$0x3], $0x1, s22, s10, $0xb8;
	[tilespmem:$0x8580] =	vst v63  }
0x5e: {  	s21 =	sadd.s32 $0x480, s21  }
0x5f: {  	[spmem:s2] =	stream.indirect.scatter.add.f32 [tilespmem:s11], [sflag:$0x4], $0x1, s21, s10, $0xb8;
	[tilespmem:$0x8580] =	vst v63  }
0x60: {  	_ =	swait.ge [sflag:s12], $0x28  }
0x61: {  	[sflag:s12] =	ssyncset.done $0x0  }
0x62: {  	[sflag:s12] =	ssyncadd.s32 $0xFFFFFFD8  }
0x63: {  	_ =	swait.ge [sflag:s13], $0x28  }
0x64: {  	[sflag:s13] =	ssyncset.done $0x0  }
0x65: {  	[sflag:s13] =	ssyncadd.s32 $0xFFFFFFD8  }
.Ltmp0:
0x66: {  	_ =	swait.ge [sflag:s14], $0x28;
	(pc) =	sbr.rel @p0 .LBB2_2-.Ltmp0, $4  }
0x67: {  	[sflag:s14] =	ssyncset.done $0x0  }
0x68: {  	[sflag:s14] =	ssyncadd.s32 $0xFFFFFFD8  }
0x69: {  	_ =	swait.ge [sflag:s15], $0x28  }
0x6a: {  	s22 =	smov.u32 s25;
	s21 =	sshra.s32 s24, $0x2;
	[sflag:s15] =	ssyncset.done $0x0  }
0x6b: {  	s22 =	sadd.s32 $0x300, s21;
	[sflag:s15] =	ssyncadd.s32 $0xFFFFFFD8  }
0x6c: {  	[spmem:s2] =	stream.indirect.scatter.add.f32 [tilespmem:s11], [sflag:$0x1], $0x1, s22, s10, $0xb8;
	[tilespmem:$0x8580] =	vst v63  }
0x6d: {  	s29 =	sadd.s32 $0x380, s21  }
0x6e: {  	[spmem:s2] =	stream.indirect.scatter.add.f32 [tilespmem:s11], [sflag:$0x2], $0x1, s29, s10, $0xb8;
	[tilespmem:$0x8580] =	vst v63  }
0x6f: {  	s30 =	sadd.s32 $0x400, s21  }
0x70: {  	[spmem:s2] =	stream.indirect.scatter.add.f32 [tilespmem:s11], [sflag:$0x3], $0x1, s30, s10, $0xb8;
	[tilespmem:$0x8580] =	vst v63  }
0x71: {  	s31 =	sadd.s32 $0x480, s21  }
0x72: {  	[spmem:s2] =	stream.indirect.scatter.add.f32 [tilespmem:s11], [sflag:$0x4], $0x1, s31, s10, $0xb8;
	[tilespmem:$0x8580] =	vst v63  }
0x73: {  	_ =	swait.ge [sflag:s12], $0x28  }
0x74: {  	[sflag:s12] =	ssyncset.done $0x0  }
0x75: {  	[sflag:s12] =	ssyncadd.s32 $0xFFFFFFD8  }
0x76: {  	_ =	swait.ge [sflag:s13], $0x28  }
0x77: {  	[sflag:s13] =	ssyncset.done $0x0  }
0x78: {  	[sflag:s13] =	ssyncadd.s32 $0xFFFFFFD8  }
0x79: {  	_ =	swait.ge [sflag:s14], $0x28  }
0x7a: {  	[sflag:s14] =	ssyncset.done $0x0  }
0x7b: {  	[sflag:s14] =	ssyncadd.s32 $0xFFFFFFD8  }
0x7c: {  	_ =	swait.ge [sflag:s15], $0x28  }
0x7d: {  	s20 =	sadd.s32 $0x1, s20;
	[sflag:s15] =	ssyncset.done $0x0  }
0x7e: {  	p0 =	sne.s32 s20, s7;
	[sflag:s15] =	ssyncadd.s32 $0xFFFFFFD8  }
.Ltmp1:
0x7f: {  	[bflag:$0x0] =	sbarrier.arrive $0xFFFF;
	(pc) =	sbr.rel @p0 .LBB2_1-.Ltmp1, $4  }
0x80: {  	[hbm:s6@s18], [sflag:s16] =	dma.strided [spmem:s17@s19], $0x50, s12, $0x10   }
0x81: {  	_ =	swait.ge [sflag:s9], $0x50  }
0x82: {  	[sflag:s9] =	ssyncset.done $0x0  }
0x83: {  	[sflag:s9] =	ssyncadd.s32 $0xFFFFFFB0  }
0x84: {  	_ =	sfence.sel $0x180000  }
0x85: {  	[bflag:$0x0] =	sbarrier.arrive $0xFFFF  }
0x86: {  	p0 =	sne.s32 s1, $0x0;
	_ =	strace $0x90000047  }
0x87: {  	s0 =	sadd.s32 @!p0 $0x100000, s0;
	[bflag:$0x2] =	sbarrier.arrive $0xFFFF  }
0x88: {  	[sflag:s0] =	ssyncadd.tile.s32 @!p0 $0x1;
	_ =	shalt  }
.Lfunc_end2:
_tile_overlayer_lowered:
.L_overlay_start_2:
0x89: {  	(tag) =	ssettag $0x2  }
0x8a: {  	s0 =	rddreg [dreg:$0x0];
	s2 =	stileid.u32  }
0x8b: {  	s1 =	rddreg [dreg:$0x1];
	p0 =	sne.s32 s2, $0x0  }
0x8c: {  	s3 =	rddreg [dreg:$0x2];
	[bflag:$0x3] =	sbarrier.arrive $0xFFFF;
	s2 =	simm.s32 @!p0 $0x1C05  }
0x8d: {  	[timem:s3], [sflag:s2] =	dma.local @!p0 [hbm:s0], s1  }
0x8e: {  	s0 =	simm.s32 @!p0 $0x5  }
0x8f: {  	_ =	swait.ge @!p0 [sflag:s0], s1  }
0x90: {  	s1 =	ssub.s32 @!p0 $0x0, s1;
	[sflag:s0] =	ssyncset.done @!p0 $0x0  }
0x91: {  	[sflag:s0] =	ssyncadd.s32 @!p0 s1  }
0x92: {  	[bflag:$0x3] =	sbarrier.arrive $0xFFFF  }
0x93: {  	_ =	shalt  }

</sc_bundles>
